<compile_context>
chip_gen: v7x
topology: tpu7x:2x2x1
jax: 0.10.2.dev20260603
libtpu: 0.0.44.dev20260713+nightly
codegen_flags: <defaults>
</compile_context>

<pallas_src>
import functools

import jax
import jax.numpy as jnp
from jax import lax
from jax.experimental import pallas as pl
from jax.experimental.pallas import tpu as pltpu
from jax.experimental.pallas import tpu_sc as plsc

NN = 10000
NPK = 1250
NP = 10112
NPP = NP // 8
EE = 320000
CH = 128
NROW = EE // CH
NW = 32
BASE = 78
GR = 13
NGR = BASE // GR
GB = GR * CH
RS = NP // 16
OPc = 304
OO = 300


def _seg_body(with_deg, vals, edges, zeros_h, ones_h, *rest):
    if with_deg:
        (out_acc, out_deg, src_v, dst_v, rows_v, ones_v, acc, accd, vals_s,
         sem_g, sem_sv, sem_sd) = rest
    else:
        out_acc, src_v, dst_v, rows_v, acc, vals_s, sem_g, sem_sv = rest
    cid = lax.axis_index("c")
    sid = lax.axis_index("s")
    wid = sid * 2 + cid
    pltpu.sync_copy(zeros_h.at[pl.ds(sid * RS, RS)], acc.at[pl.ds(sid * RS, RS)])
    if with_deg:
        pltpu.sync_copy(zeros_h.at[pl.ds(sid * RS, RS)], accd.at[pl.ds(sid * RS, RS)])
        pltpu.sync_copy(ones_h, ones_v)
    pltpu.sync_copy(vals.at[pl.ds(sid * (NN // 16), NN // 16)],
                    vals_s.at[pl.ds(sid * (NN // 16), NN // 16)])
    pltpu.sync_copy(edges.at[0, pl.ds(wid * BASE * CH, BASE * CH)],
                    src_v.at[pl.ds(0, BASE * CH)])
    pltpu.sync_copy(edges.at[1, pl.ds(wid * BASE * CH, BASE * CH)],
                    dst_v.at[pl.ds(0, BASE * CH)])

    @pl.when(wid < NROW - NW * BASE)
    def _():
        pltpu.sync_copy(edges.at[0, pl.ds(NW * BASE * CH + wid * CH, CH)],
                        src_v.at[pl.ds(BASE * CH, CH)])
        pltpu.sync_copy(edges.at[1, pl.ds(NW * BASE * CH + wid * CH, CH)],
                        dst_v.at[pl.ds(BASE * CH, CH)])

    plsc.subcore_barrier()

    table = vals_s

    def gather(g, buf):
        pltpu.async_copy(table.at[src_v.at[pl.ds(g * GB, GB)]],
                         rows_v.at[pl.ds(buf * GB, GB)], sem_g)

    def drain_gather():
        pltpu.make_async_copy(
            table.at[src_v.at[pl.ds(0, GB)]], rows_v.at[pl.ds(0, GB)], sem_g).wait()

    def scatter(g, buf):
        pltpu.async_copy(rows_v.at[pl.ds(buf * GB, GB)],
                         acc.at[dst_v.at[pl.ds(g * GB, GB)]], sem_sv, add=True)
        if with_deg:
            pltpu.async_copy(ones_v, accd.at[dst_v.at[pl.ds(g * GB, GB)]],
                             sem_sd, add=True)

    def drain_scatter():
        pltpu.make_async_copy(
            rows_v.at[pl.ds(0, GB)], acc.at[dst_v.at[pl.ds(0, GB)]], sem_sv).wait()
        if with_deg:
            pltpu.make_async_copy(
                ones_v, accd.at[dst_v.at[pl.ds(0, GB)]], sem_sd).wait()

    gather(0, 0)
    for g in range(NGR):
        buf = g % 2
        drain_gather()
        if g + 1 < NGR:
            if g >= 1:
                drain_scatter()
            gather(g + 1, 1 - buf)
        scatter(g, buf)
    drain_scatter()
    drain_scatter()

    @pl.when(wid < NROW - NW * BASE)
    def _():
        pltpu.async_copy(table.at[src_v.at[pl.ds(BASE * CH, CH)]],
                         rows_v.at[pl.ds(0, CH)], sem_g).wait()
        pltpu.sync_copy(rows_v.at[pl.ds(0, CH)],
                        acc.at[dst_v.at[pl.ds(BASE * CH, CH)]], add=True)
        if with_deg:
            pltpu.sync_copy(ones_v.at[pl.ds(0, CH)],
                            accd.at[dst_v.at[pl.ds(BASE * CH, CH)]], add=True)

    plsc.subcore_barrier()
    pltpu.sync_copy(acc.at[pl.ds(sid * RS, RS)], out_acc.at[cid, pl.ds(sid * RS, RS)])
    if with_deg:
        pltpu.sync_copy(accd.at[pl.ds(sid * RS, RS)],
                        out_deg.at[cid, pl.ds(sid * RS, RS)])


@functools.cache
def _make_seg(with_deg):
    mesh = plsc.VectorSubcoreMesh(
        core_axis_name="c", subcore_axis_name="s", num_cores=2, num_subcores=16
    )
    outs = [jax.ShapeDtypeStruct((2, NP, 16), jnp.float32)]
    scratch = [
        pltpu.VMEM(((BASE + 1) * CH,), jnp.int32),
        pltpu.VMEM(((BASE + 1) * CH,), jnp.int32),
        pltpu.VMEM((2 * GB, 16), jnp.float32),
    ]
    if with_deg:
        outs.append(jax.ShapeDtypeStruct((2, NP, 16), jnp.float32))
        scratch.append(pltpu.VMEM((GB, 16), jnp.float32))
    scratch.append(pltpu.VMEM_SHARED((NP, 16), jnp.float32))
    if with_deg:
        scratch.append(pltpu.VMEM_SHARED((NP, 16), jnp.float32))
    scratch.append(pltpu.VMEM_SHARED((NN, 16), jnp.float32))
    scratch.append(pltpu.SemaphoreType.DMA)
    scratch.append(pltpu.SemaphoreType.DMA)
    if with_deg:
        scratch.append(pltpu.SemaphoreType.DMA)
    return pl.kernel(
        functools.partial(_seg_body, with_deg),
        out_type=tuple(outs) if with_deg else outs[0],
        mesh=mesh,
        scratch_types=scratch,
        compiler_params=pltpu.CompilerParams(use_tc_tiling_on_sc=False),
    )


def _permsc_body(edges3, out, buf):
    cid = lax.axis_index("c")
    sid = lax.axis_index("s")
    wid = sid * 2 + cid
    extra = wid < NROW - NW * BASE

    def row(r, carry):
        for k in range(8):
            v = buf[r, pl.ds(16 * k, 16)]
            q = (v.astype(jnp.float32) * (1.0 / NPK)).astype(jnp.int32)
            buf[r, pl.ds(16 * k, 16)] = (v - q * NPK) * 8 + q
        return carry

    for j in range(2):
        pltpu.sync_copy(edges3.at[pl.ds(wid * BASE, BASE), j], buf.at[pl.ds(0, BASE)])

        @pl.when(extra)
        def _():
            pltpu.sync_copy(edges3.at[pl.ds(NW * BASE + wid, 1), j],
                            buf.at[pl.ds(BASE, 1)])

        lax.fori_loop(0, BASE, row, 0)

        @pl.when(extra)
        def _():
            lax.fori_loop(BASE, BASE + 1, row, 0)

        pltpu.sync_copy(buf.at[pl.ds(0, BASE)], out.at[j, pl.ds(wid * BASE, BASE)])

        @pl.when(extra)
        def _():
            pltpu.sync_copy(buf.at[pl.ds(BASE, 1)],
                            out.at[j, pl.ds(NW * BASE + wid, 1)])


@functools.cache
def _make_perm():
    mesh = plsc.VectorSubcoreMesh(
        core_axis_name="c", subcore_axis_name="s", num_cores=2, num_subcores=16
    )
    return pl.kernel(
        _permsc_body,
        out_type=jax.ShapeDtypeStruct((2, NROW, CH), jnp.int32),
        mesh=mesh,
        scratch_types=[pltpu.VMEM((BASE + 1, CH), jnp.int32)],
        compiler_params=pltpu.CompilerParams(use_tc_tiling_on_sc=False),
    )


def _proj_body(x_ref, wl_ref, wr_ref, xl_ref, xr_ref):
    xv = x_ref[...]
    dn = (((1,), (1,)), ((), ()))
    xls, xrs = [], []
    for a in range(8):
        xa = xv[a]
        xls.append(lax.dot_general(xa, wl_ref[...], dn, preferred_element_type=jnp.float32))
        xrs.append(lax.dot_general(xa, wr_ref[...], dn, preferred_element_type=jnp.float32))
    xl_ref[...] = jnp.concatenate(xls, axis=1)
    xr_ref[...] = jnp.concatenate(xrs, axis=1)


_proj = pl.pallas_call(
    _proj_body,
    out_shape=(
        jax.ShapeDtypeStruct((NPK, 128), jnp.float32),
        jax.ShapeDtypeStruct((NPK, 128), jnp.float32),
    ),
)


def _h_body(a_ref, d_ref, xr_ref, b1_ref, hp_ref, dinv_ref):
    deg = d_ref[0, :NPK] + d_ref[1, :NPK]
    dinv = 1.0 / jnp.maximum(deg, 1.0)
    agg = a_ref[0, :NPK] + a_ref[1, :NPK]
    hp_ref[...] = jnp.maximum(agg * dinv + b1_ref[...] + xr_ref[...], 0.0)
    dinv_ref[...] = dinv


_hcomb = pl.pallas_call(
    _h_body,
    out_shape=(
        jax.ShapeDtypeStruct((NPK, 128), jnp.float32),
        jax.ShapeDtypeStruct((NPK, 128), jnp.float32),
    ),
)


def _out_body(a_ref, dinv_ref, h_ref, w2l_ref, w2r_ref, b2_ref, o_ref):
    m2p = (a_ref[0, :NPK] + a_ref[1, :NPK]) * dinv_ref[...]
    hpv = h_ref[...]
    dn = (((1,), (1,)), ((), ()))
    cols = []
    for a in range(8):
        m2a = m2p[:, 16 * a:16 * (a + 1)]
        ha = hpv[:, 16 * a:16 * (a + 1)]
        z = (lax.dot_general(w2l_ref[...], m2a, dn, preferred_element_type=jnp.float32)
             + lax.dot_general(w2r_ref[...], ha, dn, preferred_element_type=jnp.float32)
             + b2_ref[...])
        m = jnp.max(z, axis=0, keepdims=True)
        lse = jnp.log(jnp.sum(jnp.exp(z - m), axis=0, keepdims=True)) + m
        cols.append(z - lse)
    o_ref[...] = jnp.concatenate(cols, axis=1)


_outk = pl.pallas_call(
    _out_body,
    out_shape=jax.ShapeDtypeStruct((OPc, NN), jnp.float32),
)


def kernel(x, edge_index, W1l, b1, W1r, W2l, b2, W2r):
    edges3 = edge_index.astype(jnp.int32).reshape(2, NROW, CH).swapaxes(0, 1)
    zeros_h = jnp.zeros((NP, 16), jnp.float32)
    ones_h = jnp.ones((GB, 16), jnp.float32)
    edges = _make_perm()(edges3).reshape(2, EE)

    xlp, xrp = _proj(x.reshape(8, NPK, 128), W1l, W1r)
    agg1p, degp = _make_seg(True)(xlp.reshape(NN, 16), edges, zeros_h, ones_h)
    hp, dinvp = _hcomb(
        agg1p.reshape(2, NPP, 128), degp.reshape(2, NPP, 128), xrp,
        jnp.tile(b1, 8).reshape(1, 128))
    agg2p = _make_seg(False)(hp.reshape(NN, 16), edges, zeros_h, ones_h)

    w2l_p = jnp.zeros((OPc, 16), jnp.float32).at[:OO].set(W2l)
    w2r_p = jnp.zeros((OPc, 16), jnp.float32).at[:OO].set(W2r)
    b2c = jnp.full((OPc, 1), -1e30, jnp.float32).at[:OO, 0].set(b2)
    outT = _outk(agg2p.reshape(2, NPP, 128), dinvp, hp, w2l_p, w2r_p, b2c)
    return outT.T[:, :OO]

# --- scband reference (transcript-rebuilt; emitter-appended) ---
"""Pipeline reference for scband-hetero-gnn-55559696941685 (READ-ONLY COPY).

The authoritative reference and input builder live on the scoring server;
editing this copy changes nothing except your own understanding.
"""

import jax, jax.numpy as jnp
import numpy as np

N = 10000
E = 320000
D = 128
H = 16
O = 300


def setup_inputs(seed: int = 0) -> dict:
    key = jax.random.key(seed)
    ks = jax.random.split(key, 8)
    x = jax.random.normal(ks[0], (N, D), dtype=jnp.float32)
    edge_index = jax.random.randint(ks[1], (2, E), 0, N)
    # SAGEConv layer 1: lazy (-1,-1) -> hidden_channels=16
    W1l = jax.random.normal(ks[2], (H, D), dtype=jnp.float32) * 0.05  # neighbor lin (with bias)
    b1 = jnp.zeros((H,), dtype=jnp.float32)
    W1r = jax.random.normal(ks[3], (H, D), dtype=jnp.float32) * 0.05  # root lin (no bias)
    # SAGEConv output layer: hidden=16 -> out_channels=300
    W2l = jax.random.normal(ks[4], (O, H), dtype=jnp.float32) * 0.05
    b2 = jnp.zeros((O,), dtype=jnp.float32)
    W2r = jax.random.normal(ks[5], (O, H), dtype=jnp.float32) * 0.05
    return {"x": x, "edge_index": edge_index, "W1l": W1l, "b1": b1, "W1r": W1r, "W2l": W2l, "b2": b2, "W2r": W2r}


def _sage(x, src, dst, Wl, bl, Wr):
    # PyG SAGEConv, aggr='mean': out = lin_l(mean_{j in N(i)} x_j) + lin_r(x_i)
    msgs = jnp.take(x, src, axis=0)                                   # gather at source nodes
    agg = jax.ops.segment_sum(msgs, dst, num_segments=N)              # scatter-add at dst
    deg = jax.ops.segment_sum(jnp.ones((src.shape[0],), x.dtype), dst, num_segments=N)
    mean = agg / jnp.maximum(deg, 1.0)[:, None]
    return mean @ Wl.T + bl + x @ Wr.T


def reference(x, edge_index, W1l, b1, W1r, W2l, b2, W2r):
    src = edge_index[0]
    dst = edge_index[1]
    # layer 1 (num_layers=1), skip=False, dropout p=0.0 -> identity
    h = jax.nn.relu(_sage(x, src, dst, W1l, b1, W1r))
    # output conv
    out = _sage(h, src, dst, W2l, b2, W2r)
    return jax.nn.log_softmax(out, axis=1)

if __name__ == "__main__":
    import jax
    _d = setup_inputs()
    print(jax.jit(kernel)(*tuple(_d.values())))

</pallas_src>

<mosaic_0001>
#map = affine_map<(d0, d1) -> (0, 0)>
#map1 = affine_map<(d0, d1) -> (0, 0, 0)>
module attributes {stable_mosaic.version = 14 : i64} {
  func.func @_seg_body(%arg0: i32, %arg1: i32, %arg2: memref<10000x16xf32, #tpu.memory_space<hbm>>, %arg3: memref<2x320000xi32, #tpu.memory_space<hbm>>, %arg4: memref<10112x16xf32, #tpu.memory_space<hbm>>, %arg5: memref<1664x16xf32, #tpu.memory_space<hbm>>, %arg6: memref<2x10112x16xf32, #tpu.memory_space<hbm>>, %arg7: memref<10112xi32, #tpu.memory_space<vmem>>, %arg8: memref<10112xi32, #tpu.memory_space<vmem>>, %arg9: memref<3328x16xf32, #tpu.memory_space<vmem>>, %arg10: memref<10112x16xf32, #tpu.memory_space<vmem_shared>>, %arg11: memref<10000x16xf32, #tpu.memory_space<vmem_shared>>, %arg12: memref<!tpu.dma_semaphore, #tpu.memory_space<semaphore_mem>>, %arg13: memref<!tpu.dma_semaphore, #tpu.memory_space<semaphore_mem>>) attributes {dimension_semantics = [#tpu.dimension_semantics<core_parallel>, #tpu.dimension_semantics<subcore_parallel>], iteration_bounds = array<i64: 2, 16>, scalar_prefetch = 0 : i64, scratch_operands = 7 : i64, tpu.core_type = #tpu.core_type<sc_vector_subcore>, window_params = [{transform_indices = #map}, {transform_indices = #map}, {transform_indices = #map}, {transform_indices = #map}, {transform_indices = #map1}]} {
    %mul3A = arith.constant 2 : i32
    %mul3A_0 = arith.muli %arg1, %mul3A : i32
    %add3A = arith.addi %mul3A_0, %arg0 : i32
    %mul3A_1 = arith.constant 632 : i32
    %mul3A_2 = arith.muli %arg1, %mul3A_1 : i32
    %mul3A_3 = arith.constant 632 : i32
    %mul3A_4 = arith.muli %arg1, %mul3A_3 : i32
    "tpu.region"() ({
      %run_scoped3A_220 = tpu.sem_alloc : memref<!tpu.dma_semaphore, #tpu.memory_space<semaphore_mem>>
      %dma_start3A_221 = arith.constant 0 : i32
      %dma_start3A_222 = tpu.memref_slice %arg10[%mul3A_4, %dma_start3A_221] : memref<10112x16xf32, #tpu.memory_space<vmem_shared>> -> memref<632x16xf32, #tpu.memory_space<vmem_shared>>
      %dma_start3A_223 = arith.constant 0 : i32
      %dma_start3A_224 = tpu.memref_slice %arg4[%mul3A_2, %dma_start3A_223] : memref<10112x16xf32, #tpu.memory_space<hbm>> -> memref<632x16xf32, #tpu.memory_space<hbm>>
      tpu.enqueue_dma source(%dma_start3A_224 : memref<632x16xf32, #tpu.memory_space<hbm>>) target(%dma_start3A_222 : memref<632x16xf32, #tpu.memory_space<vmem_shared>>) target_semaphore(%run_scoped3A_220 : memref<!tpu.dma_semaphore, #tpu.memory_space<semaphore_mem>>)
      %dma_wait3A_225 = arith.constant 0 : i32
      %dma_wait3A_226 = tpu.memref_slice %arg10[%mul3A_4, %dma_wait3A_225] : memref<10112x16xf32, #tpu.memory_space<vmem_shared>> -> memref<632x16xf32, #tpu.memory_space<vmem_shared>>
      %dma_wait3A_227 = arith.constant 0 : i32
      %dma_wait3A_228 = tpu.memref_slice %arg4[%mul3A_2, %dma_wait3A_227] : memref<10112x16xf32, #tpu.memory_space<hbm>> -> memref<632x16xf32, #tpu.memory_space<hbm>>
      tpu.wait_dma2 semaphore(%run_scoped3A_220 : memref<!tpu.dma_semaphore, #tpu.memory_space<semaphore_mem>>) src(%dma_wait3A_228 : memref<632x16xf32, #tpu.memory_space<hbm>>) dst(%dma_wait3A_226 : memref<632x16xf32, #tpu.memory_space<vmem_shared>>)
      tpu.yield
    }) : () -> ()
    %mul3A_5 = arith.constant 625 : i32
    %mul3A_6 = arith.muli %arg1, %mul3A_5 : i32
    %mul3A_7 = arith.constant 625 : i32
    %mul3A_8 = arith.muli %arg1, %mul3A_7 : i32
    "tpu.region"() ({
      %run_scoped3A_220 = tpu.sem_alloc : memref<!tpu.dma_semaphore, #tpu.memory_space<semaphore_mem>>
      %dma_start3A_221 = arith.constant 0 : i32
      %dma_start3A_222 = tpu.memref_slice %arg11[%mul3A_8, %dma_start3A_221] : memref<10000x16xf32, #tpu.memory_space<vmem_shared>> -> memref<625x16xf32, #tpu.memory_space<vmem_shared>>
      %dma_start3A_223 = arith.constant 0 : i32
      %dma_start3A_224 = tpu.memref_slice %arg2[%mul3A_6, %dma_start3A_223] : memref<10000x16xf32, #tpu.memory_space<hbm>> -> memref<625x16xf32, #tpu.memory_space<hbm>>
      tpu.enqueue_dma source(%dma_start3A_224 : memref<625x16xf32, #tpu.memory_space<hbm>>) target(%dma_start3A_222 : memref<625x16xf32, #tpu.memory_space<vmem_shared>>) target_semaphore(%run_scoped3A_220 : memref<!tpu.dma_semaphore, #tpu.memory_space<semaphore_mem>>)
      %dma_wait3A_225 = arith.constant 0 : i32
      %dma_wait3A_226 = tpu.memref_slice %arg11[%mul3A_8, %dma_wait3A_225] : memref<10000x16xf32, #tpu.memory_space<vmem_shared>> -> memref<625x16xf32, #tpu.memory_space<vmem_shared>>
      %dma_wait3A_227 = arith.constant 0 : i32
      %dma_wait3A_228 = tpu.memref_slice %arg2[%mul3A_6, %dma_wait3A_227] : memref<10000x16xf32, #tpu.memory_space<hbm>> -> memref<625x16xf32, #tpu.memory_space<hbm>>
      tpu.wait_dma2 semaphore(%run_scoped3A_220 : memref<!tpu.dma_semaphore, #tpu.memory_space<semaphore_mem>>) src(%dma_wait3A_228 : memref<625x16xf32, #tpu.memory_space<hbm>>) dst(%dma_wait3A_226 : memref<625x16xf32, #tpu.memory_space<vmem_shared>>)
      tpu.yield
    }) : () -> ()
    %mul3A_9 = arith.constant 78 : i32
    %mul3A_10 = arith.muli %add3A, %mul3A_9 : i32
    %mul3A_11 = arith.constant 128 : i32
    %mul3A_12 = arith.muli %mul3A_10, %mul3A_11 : i32
    %run_scoped3A = arith.constant 0 : i32
    "tpu.region"() ({
      %run_scoped3A_220 = tpu.sem_alloc : memref<!tpu.dma_semaphore, #tpu.memory_space<semaphore_mem>>
      %dma_start3A_221 = arith.constant 0 : i32
      %dma_start3A_222 = tpu.memref_slice %arg7[%dma_start3A_221] : memref<10112xi32, #tpu.memory_space<vmem>> -> memref<9984xi32, #tpu.memory_space<vmem>>
      %dma_start3A_223 = tpu.memref_slice %arg3[%run_scoped3A, %mul3A_12] : memref<2x320000xi32, #tpu.memory_space<hbm>> -> memref<1x9984xi32, #tpu.memory_space<hbm>>
      %dma_start3A_224 = tpu.memref_squeeze %dma_start3A_223 : memref<1x9984xi32, #tpu.memory_space<hbm>> -> memref<9984xi32, #tpu.memory_space<hbm>>
      %dma_start3A_225 = arith.constant 0 : i32
      %dma_start3A_226 = tpu.memref_slice %arg7[%dma_start3A_225] : memref<10112xi32, #tpu.memory_space<vmem>> -> memref<9984xi32, #tpu.memory_space<vmem>>
      %dma_start3A_227 = tpu.memref_slice %arg3[%run_scoped3A, %mul3A_12] : memref<2x320000xi32, #tpu.memory_space<hbm>> -> memref<1x9984xi32, #tpu.memory_space<hbm>>
      %dma_start3A_228 = tpu.memref_squeeze %dma_start3A_227 : memref<1x9984xi32, #tpu.memory_space<hbm>> -> memref<9984xi32, #tpu.memory_space<hbm>>
      tpu.enqueue_dma source(%dma_start3A_228 : memref<9984xi32, #tpu.memory_space<hbm>>) target(%dma_start3A_226 : memref<9984xi32, #tpu.memory_space<vmem>>) target_semaphore(%run_scoped3A_220 : memref<!tpu.dma_semaphore, #tpu.memory_space<semaphore_mem>>)
      %dma_wait3A_229 = arith.constant 0 : i32
      %dma_wait3A_230 = tpu.memref_slice %arg7[%dma_wait3A_229] : memref<10112xi32, #tpu.memory_space<vmem>> -> memref<9984xi32, #tpu.memory_space<vmem>>
      %dma_wait3A_231 = tpu.memref_slice %arg3[%run_scoped3A, %mul3A_12] : memref<2x320000xi32, #tpu.memory_space<hbm>> -> memref<1x9984xi32, #tpu.memory_space<hbm>>
      %dma_wait3A_232 = tpu.memref_squeeze %dma_wait3A_231 : memref<1x9984xi32, #tpu.memory_space<hbm>> -> memref<9984xi32, #tpu.memory_space<hbm>>
      %dma_wait3A_233 = arith.constant 0 : i32
      %dma_wait3A_234 = tpu.memref_slice %arg7[%dma_wait3A_233] : memref<10112xi32, #tpu.memory_space<vmem>> -> memref<9984xi32, #tpu.memory_space<vmem>>
      %dma_wait3A_235 = tpu.memref_slice %arg3[%run_scoped3A, %mul3A_12] : memref<2x320000xi32, #tpu.memory_space<hbm>> -> memref<1x9984xi32, #tpu.memory_space<hbm>>
      %dma_wait3A_236 = tpu.memref_squeeze %dma_wait3A_235 : memref<1x9984xi32, #tpu.memory_space<hbm>> -> memref<9984xi32, #tpu.memory_space<hbm>>
      tpu.wait_dma2 semaphore(%run_scoped3A_220 : memref<!tpu.dma_semaphore, #tpu.memory_space<semaphore_mem>>) src(%dma_wait3A_236 : memref<9984xi32, #tpu.memory_space<hbm>>) dst(%dma_wait3A_234 : memref<9984xi32, #tpu.memory_space<vmem>>)
      tpu.yield
    }) : () -> ()
    %mul3A_13 = arith.constant 78 : i32
    %mul3A_14 = arith.muli %add3A, %mul3A_13 : i32
    %mul3A_15 = arith.constant 128 : i32
    %mul3A_16 = arith.muli %mul3A_14, %mul3A_15 : i32
    %run_scoped3A_17 = arith.constant 1 : i32
    "tpu.region"() ({
      %run_scoped3A_220 = tpu.sem_alloc : memref<!tpu.dma_semaphore, #tpu.memory_space<semaphore_mem>>
      %dma_start3A_221 = arith.constant 0 : i32
      %dma_start3A_222 = tpu.memref_slice %arg8[%dma_start3A_221] : memref<10112xi32, #tpu.memory_space<vmem>> -> memref<9984xi32, #tpu.memory_space<vmem>>
      %dma_start3A_223 = tpu.memref_slice %arg3[%run_scoped3A_17, %mul3A_16] : memref<2x320000xi32, #tpu.memory_space<hbm>> -> memref<1x9984xi32, #tpu.memory_space<hbm>>
      %dma_start3A_224 = tpu.memref_squeeze %dma_start3A_223 : memref<1x9984xi32, #tpu.memory_space<hbm>> -> memref<9984xi32, #tpu.memory_space<hbm>>
      %dma_start3A_225 = arith.constant 0 : i32
      %dma_start3A_226 = tpu.memref_slice %arg8[%dma_start3A_225] : memref<10112xi32, #tpu.memory_space<vmem>> -> memref<9984xi32, #tpu.memory_space<vmem>>
      %dma_start3A_227 = tpu.memref_slice %arg3[%run_scoped3A_17, %mul3A_16] : memref<2x320000xi32, #tpu.memory_space<hbm>> -> memref<1x9984xi32, #tpu.memory_space<hbm>>
      %dma_start3A_228 = tpu.memref_squeeze %dma_start3A_227 : memref<1x9984xi32, #tpu.memory_space<hbm>> -> memref<9984xi32, #tpu.memory_space<hbm>>
      tpu.enqueue_dma source(%dma_start3A_228 : memref<9984xi32, #tpu.memory_space<hbm>>) target(%dma_start3A_226 : memref<9984xi32, #tpu.memory_space<vmem>>) target_semaphore(%run_scoped3A_220 : memref<!tpu.dma_semaphore, #tpu.memory_space<semaphore_mem>>)
      %dma_wait3A_229 = arith.constant 0 : i32
      %dma_wait3A_230 = tpu.memref_slice %arg8[%dma_wait3A_229] : memref<10112xi32, #tpu.memory_space<vmem>> -> memref<9984xi32, #tpu.memory_space<vmem>>
      %dma_wait3A_231 = tpu.memref_slice %arg3[%run_scoped3A_17, %mul3A_16] : memref<2x320000xi32, #tpu.memory_space<hbm>> -> memref<1x9984xi32, #tpu.memory_space<hbm>>
      %dma_wait3A_232 = tpu.memref_squeeze %dma_wait3A_231 : memref<1x9984xi32, #tpu.memory_space<hbm>> -> memref<9984xi32, #tpu.memory_space<hbm>>
      %dma_wait3A_233 = arith.constant 0 : i32
      %dma_wait3A_234 = tpu.memref_slice %arg8[%dma_wait3A_233] : memref<10112xi32, #tpu.memory_space<vmem>> -> memref<9984xi32, #tpu.memory_space<vmem>>
      %dma_wait3A_235 = tpu.memref_slice %arg3[%run_scoped3A_17, %mul3A_16] : memref<2x320000xi32, #tpu.memory_space<hbm>> -> memref<1x9984xi32, #tpu.memory_space<hbm>>
      %dma_wait3A_236 = tpu.memref_squeeze %dma_wait3A_235 : memref<1x9984xi32, #tpu.memory_space<hbm>> -> memref<9984xi32, #tpu.memory_space<hbm>>
      tpu.wait_dma2 semaphore(%run_scoped3A_220 : memref<!tpu.dma_semaphore, #tpu.memory_space<semaphore_mem>>) src(%dma_wait3A_236 : memref<9984xi32, #tpu.memory_space<hbm>>) dst(%dma_wait3A_234 : memref<9984xi32, #tpu.memory_space<vmem>>)
      tpu.yield
    }) : () -> ()
    %lt3A = arith.constant 4 : i32
    %lt3A_18 = arith.cmpi slt, %add3A, %lt3A : i32
    %convert_element_type3A = arith.extui %lt3A_18 : i1 to i32
    %cond3A = arith.constant 0 : i32
    %cond3A_19 = arith.cmpi ne, %convert_element_type3A, %cond3A : i32
    scf.if %cond3A_19 {
      %mul3A_220 = arith.constant 128 : i32
      %mul3A_221 = arith.muli %add3A, %mul3A_220 : i32
      %add3A_222 = arith.constant 319488 : i32
      %add3A_223 = arith.addi %add3A_222, %mul3A_221 : i32
      %run_scoped3A_224 = arith.constant 0 : i32
      "tpu.region"() ({
        %run_scoped3A_230 = tpu.sem_alloc : memref<!tpu.dma_semaphore, #tpu.memory_space<semaphore_mem>>
        %dma_start3A_231 = arith.constant 9984 : i32
        %dma_start3A_232 = tpu.memref_slice %arg7[%dma_start3A_231] : memref<10112xi32, #tpu.memory_space<vmem>> -> memref<128xi32, #tpu.memory_space<vmem>>
        %dma_start3A_233 = tpu.memref_slice %arg3[%run_scoped3A_224, %add3A_223] : memref<2x320000xi32, #tpu.memory_space<hbm>> -> memref<1x128xi32, #tpu.memory_space<hbm>>
        %dma_start3A_234 = tpu.memref_squeeze %dma_start3A_233 : memref<1x128xi32, #tpu.memory_space<hbm>> -> memref<128xi32, #tpu.memory_space<hbm>>
        %dma_start3A_235 = arith.constant 9984 : i32
        %dma_start3A_236 = tpu.memref_slice %arg7[%dma_start3A_235] : memref<10112xi32, #tpu.memory_space<vmem>> -> memref<128xi32, #tpu.memory_space<vmem>>
        %dma_start3A_237 = tpu.memref_slice %arg3[%run_scoped3A_224, %add3A_223] : memref<2x320000xi32, #tpu.memory_space<hbm>> -> memref<1x128xi32, #tpu.memory_space<hbm>>
        %dma_start3A_238 = tpu.memref_squeeze %dma_start3A_237 : memref<1x128xi32, #tpu.memory_space<hbm>> -> memref<128xi32, #tpu.memory_space<hbm>>
        tpu.enqueue_dma source(%dma_start3A_238 : memref<128xi32, #tpu.memory_space<hbm>>) target(%dma_start3A_236 : memref<128xi32, #tpu.memory_space<vmem>>) target_semaphore(%run_scoped3A_230 : memref<!tpu.dma_semaphore, #tpu.memory_space<semaphore_mem>>)
        %dma_wait3A_239 = arith.constant 9984 : i32
        %dma_wait3A_240 = tpu.memref_slice %arg7[%dma_wait3A_239] : memref<10112xi32, #tpu.memory_space<vmem>> -> memref<128xi32, #tpu.memory_space<vmem>>
        %dma_wait3A_241 = tpu.memref_slice %arg3[%run_scoped3A_224, %add3A_223] : memref<2x320000xi32, #tpu.memory_space<hbm>> -> memref<1x128xi32, #tpu.memory_space<hbm>>
        %dma_wait3A_242 = tpu.memref_squeeze %dma_wait3A_241 : memref<1x128xi32, #tpu.memory_space<hbm>> -> memref<128xi32, #tpu.memory_space<hbm>>
        %dma_wait3A_243 = arith.constant 9984 : i32
        %dma_wait3A_244 = tpu.memref_slice %arg7[%dma_wait3A_243] : memref<10112xi32, #tpu.memory_space<vmem>> -> memref<128xi32, #tpu.memory_space<vmem>>
        %dma_wait3A_245 = tpu.memref_slice %arg3[%run_scoped3A_224, %add3A_223] : memref<2x320000xi32, #tpu.memory_space<hbm>> -> memref<1x128xi32, #tpu.memory_space<hbm>>
        %dma_wait3A_246 = tpu.memref_squeeze %dma_wait3A_245 : memref<1x128xi32, #tpu.memory_space<hbm>> -> memref<128xi32, #tpu.memory_space<hbm>>
        tpu.wait_dma2 semaphore(%run_scoped3A_230 : memref<!tpu.dma_semaphore, #tpu.memory_space<semaphore_mem>>) src(%dma_wait3A_246 : memref<128xi32, #tpu.memory_space<hbm>>) dst(%dma_wait3A_244 : memref<128xi32, #tpu.memory_space<vmem>>)
        tpu.yield
      }) : () -> ()
      %mul3A_225 = arith.constant 128 : i32
      %mul3A_226 = arith.muli %add3A, %mul3A_225 : i32
      %add3A_227 = arith.constant 319488 : i32
      %add3A_228 = arith.addi %add3A_227, %mul3A_226 : i32
      %run_scoped3A_229 = arith.constant 1 : i32
      "tpu.region"() ({
        %run_scoped3A_230 = tpu.sem_alloc : memref<!tpu.dma_semaphore, #tpu.memory_space<semaphore_mem>>
        %dma_start3A_231 = arith.constant 9984 : i32
        %dma_start3A_232 = tpu.memref_slice %arg8[%dma_start3A_231] : memref<10112xi32, #tpu.memory_space<vmem>> -> memref<128xi32, #tpu.memory_space<vmem>>
        %dma_start3A_233 = tpu.memref_slice %arg3[%run_scoped3A_229, %add3A_228] : memref<2x320000xi32, #tpu.memory_space<hbm>> -> memref<1x128xi32, #tpu.memory_space<hbm>>
        %dma_start3A_234 = tpu.memref_squeeze %dma_start3A_233 : memref<1x128xi32, #tpu.memory_space<hbm>> -> memref<128xi32, #tpu.memory_space<hbm>>
        %dma_start3A_235 = arith.constant 9984 : i32
        %dma_start3A_236 = tpu.memref_slice %arg8[%dma_start3A_235] : memref<10112xi32, #tpu.memory_space<vmem>> -> memref<128xi32, #tpu.memory_space<vmem>>
        %dma_start3A_237 = tpu.memref_slice %arg3[%run_scoped3A_229, %add3A_228] : memref<2x320000xi32, #tpu.memory_space<hbm>> -> memref<1x128xi32, #tpu.memory_space<hbm>>
        %dma_start3A_238 = tpu.memref_squeeze %dma_start3A_237 : memref<1x128xi32, #tpu.memory_space<hbm>> -> memref<128xi32, #tpu.memory_space<hbm>>
        tpu.enqueue_dma source(%dma_start3A_238 : memref<128xi32, #tpu.memory_space<hbm>>) target(%dma_start3A_236 : memref<128xi32, #tpu.memory_space<vmem>>) target_semaphore(%run_scoped3A_230 : memref<!tpu.dma_semaphore, #tpu.memory_space<semaphore_mem>>)
        %dma_wait3A_239 = arith.constant 9984 : i32
        %dma_wait3A_240 = tpu.memref_slice %arg8[%dma_wait3A_239] : memref<10112xi32, #tpu.memory_space<vmem>> -> memref<128xi32, #tpu.memory_space<vmem>>
        %dma_wait3A_241 = tpu.memref_slice %arg3[%run_scoped3A_229, %add3A_228] : memref<2x320000xi32, #tpu.memory_space<hbm>> -> memref<1x128xi32, #tpu.memory_space<hbm>>
        %dma_wait3A_242 = tpu.memref_squeeze %dma_wait3A_241 : memref<1x128xi32, #tpu.memory_space<hbm>> -> memref<128xi32, #tpu.memory_space<hbm>>
        %dma_wait3A_243 = arith.constant 9984 : i32
        %dma_wait3A_244 = tpu.memref_slice %arg8[%dma_wait3A_243] : memref<10112xi32, #tpu.memory_space<vmem>> -> memref<128xi32, #tpu.memory_space<vmem>>
        %dma_wait3A_245 = tpu.memref_slice %arg3[%run_scoped3A_229, %add3A_228] : memref<2x320000xi32, #tpu.memory_space<hbm>> -> memref<1x128xi32, #tpu.memory_space<hbm>>
        %dma_wait3A_246 = tpu.memref_squeeze %dma_wait3A_245 : memref<1x128xi32, #tpu.memory_space<hbm>> -> memref<128xi32, #tpu.memory_space<hbm>>
        tpu.wait_dma2 semaphore(%run_scoped3A_230 : memref<!tpu.dma_semaphore, #tpu.memory_space<semaphore_mem>>) src(%dma_wait3A_246 : memref<128xi32, #tpu.memory_space<hbm>>) dst(%dma_wait3A_244 : memref<128xi32, #tpu.memory_space<vmem>>)
        tpu.yield
      }) : () -> ()
    } else {
    }
    %barrier3A = arith.constant 0 : index
    tpu.barrier barrier_id(%barrier3A)
    %dma_start3A = arith.constant 0 : i32
    %dma_start3A_20 = arith.constant 0 : i32
    %dma_start3A_21 = tpu.memref_slice %arg9[%dma_start3A, %dma_start3A_20] : memref<3328x16xf32, #tpu.memory_space<vmem>> -> memref<1664x16xf32, #tpu.memory_space<vmem>>
    %dma_start3A_22 = arith.constant 0 : i32
    %dma_start3A_23 = tpu.memref_slice %arg7[%dma_start3A_22] : memref<10112xi32, #tpu.memory_space<vmem>> -> memref<1664xi32, #tpu.memory_space<vmem>>
    %dma_start3A_24 = arith.constant 0 : i32
    %dma_start3A_25 = arith.constant 0 : i32
    %dma_start3A_26 = tpu.memref_slice %arg11[%dma_start3A_24, %dma_start3A_25] : memref<10000x16xf32, #tpu.memory_space<vmem_shared>> -> memref<10000x16xf32, #tpu.memory_space<vmem_shared>>
    tpu.enqueue_indirect_dma source(%dma_start3A_26 : memref<10000x16xf32, #tpu.memory_space<vmem_shared>>) target(%dma_start3A_21 : memref<1664x16xf32, #tpu.memory_space<vmem>>) offsets(%dma_start3A_23 : memref<1664xi32, #tpu.memory_space<vmem>>) semaphore(%arg12 : memref<!tpu.dma_semaphore, #tpu.memory_space<semaphore_mem>>)
    %dma_wait3A = arith.constant 0 : i32
    %dma_wait3A_27 = arith.constant 0 : i32
    %dma_wait3A_28 = tpu.memref_slice %arg9[%dma_wait3A, %dma_wait3A_27] : memref<3328x16xf32, #tpu.memory_space<vmem>> -> memref<1664x16xf32, #tpu.memory_space<vmem>>
    %dma_wait3A_29 = arith.constant 0 : i32
    %dma_wait3A_30 = tpu.memref_slice %arg7[%dma_wait3A_29] : memref<10112xi32, #tpu.memory_space<vmem>> -> memref<1664xi32, #tpu.memory_space<vmem>>
    %dma_wait3A_31 = arith.constant 0 : i32
    %dma_wait3A_32 = arith.constant 0 : i32
    %dma_wait3A_33 = tpu.memref_slice %arg11[%dma_wait3A_31, %dma_wait3A_32] : memref<10000x16xf32, #tpu.memory_space<vmem_shared>> -> memref<10000x16xf32, #tpu.memory_space<vmem_shared>>
    tpu.wait_indirect_dma semaphore(%arg12 : memref<!tpu.dma_semaphore, #tpu.memory_space<semaphore_mem>>) src(%dma_wait3A_33 : memref<10000x16xf32, #tpu.memory_space<vmem_shared>>) dst(%dma_wait3A_28 : memref<1664x16xf32, #tpu.memory_space<vmem>>)
    %dma_start3A_34 = arith.constant 1664 : i32
    %dma_start3A_35 = arith.constant 0 : i32
    %dma_start3A_36 = tpu.memref_slice %arg9[%dma_start3A_34, %dma_start3A_35] : memref<3328x16xf32, #tpu.memory_space<vmem>> -> memref<1664x16xf32, #tpu.memory_space<vmem>>
    %dma_start3A_37 = arith.constant 1664 : i32
    %dma_start3A_38 = tpu.memref_slice %arg7[%dma_start3A_37] : memref<10112xi32, #tpu.memory_space<vmem>> -> memref<1664xi32, #tpu.memory_space<vmem>>
    %dma_start3A_39 = arith.constant 0 : i32
    %dma_start3A_40 = arith.constant 0 : i32
    %dma_start3A_41 = tpu.memref_slice %arg11[%dma_start3A_39, %dma_start3A_40] : memref<10000x16xf32, #tpu.memory_space<vmem_shared>> -> memref<10000x16xf32, #tpu.memory_space<vmem_shared>>
    tpu.enqueue_indirect_dma source(%dma_start3A_41 : memref<10000x16xf32, #tpu.memory_space<vmem_shared>>) target(%dma_start3A_36 : memref<1664x16xf32, #tpu.memory_space<vmem>>) offsets(%dma_start3A_38 : memref<1664xi32, #tpu.memory_space<vmem>>) semaphore(%arg12 : memref<!tpu.dma_semaphore, #tpu.memory_space<semaphore_mem>>)
    %dma_start3A_42 = arith.constant 0 : i32
    %dma_start3A_43 = arith.constant 0 : i32
    %dma_start3A_44 = tpu.memref_slice %arg9[%dma_start3A_42, %dma_start3A_43] : memref<3328x16xf32, #tpu.memory_space<vmem>> -> memref<1664x16xf32, #tpu.memory_space<vmem>>
    %dma_start3A_45 = arith.constant 0 : i32
    %dma_start3A_46 = tpu.memref_slice %arg8[%dma_start3A_45] : memref<10112xi32, #tpu.memory_space<vmem>> -> memref<1664xi32, #tpu.memory_space<vmem>>
    %dma_start3A_47 = arith.constant 0 : i32
    %dma_start3A_48 = arith.constant 0 : i32
    %dma_start3A_49 = tpu.memref_slice %arg10[%dma_start3A_47, %dma_start3A_48] : memref<10112x16xf32, #tpu.memory_space<vmem_shared>> -> memref<10112x16xf32, #tpu.memory_space<vmem_shared>>
    tpu.enqueue_indirect_dma source(%dma_start3A_44 : memref<1664x16xf32, #tpu.memory_space<vmem>>) target(%dma_start3A_49 : memref<10112x16xf32, #tpu.memory_space<vmem_shared>>) offsets(%dma_start3A_46 : memref<1664xi32, #tpu.memory_space<vmem>>) semaphore(%arg13 : memref<!tpu.dma_semaphore, #tpu.memory_space<semaphore_mem>>) {add = true}
    %dma_wait3A_50 = arith.constant 0 : i32
    %dma_wait3A_51 = arith.constant 0 : i32
    %dma_wait3A_52 = tpu.memref_slice %arg9[%dma_wait3A_50, %dma_wait3A_51] : memref<3328x16xf32, #tpu.memory_space<vmem>> -> memref<1664x16xf32, #tpu.memory_space<vmem>>
    %dma_wait3A_53 = arith.constant 0 : i32
    %dma_wait3A_54 = tpu.memref_slice %arg7[%dma_wait3A_53] : memref<10112xi32, #tpu.memory_space<vmem>> -> memref<1664xi32, #tpu.memory_space<vmem>>
    %dma_wait3A_55 = arith.constant 0 : i32
    %dma_wait3A_56 = arith.constant 0 : i32
    %dma_wait3A_57 = tpu.memref_slice %arg11[%dma_wait3A_55, %dma_wait3A_56] : memref<10000x16xf32, #tpu.memory_space<vmem_shared>> -> memref<10000x16xf32, #tpu.memory_space<vmem_shared>>
    tpu.wait_indirect_dma semaphore(%arg12 : memref<!tpu.dma_semaphore, #tpu.memory_space<semaphore_mem>>) src(%dma_wait3A_57 : memref<10000x16xf32, #tpu.memory_space<vmem_shared>>) dst(%dma_wait3A_52 : memref<1664x16xf32, #tpu.memory_space<vmem>>)
    %dma_wait3A_58 = arith.constant 0 : i32
    %dma_wait3A_59 = arith.constant 0 : i32
    %dma_wait3A_60 = tpu.memref_slice %arg9[%dma_wait3A_58, %dma_wait3A_59] : memref<3328x16xf32, #tpu.memory_space<vmem>> -> memref<1664x16xf32, #tpu.memory_space<vmem>>
    %dma_wait3A_61 = arith.constant 0 : i32
    %dma_wait3A_62 = tpu.memref_slice %arg8[%dma_wait3A_61] : memref<10112xi32, #tpu.memory_space<vmem>> -> memref<1664xi32, #tpu.memory_space<vmem>>
    %dma_wait3A_63 = arith.constant 0 : i32
    %dma_wait3A_64 = arith.constant 0 : i32
    %dma_wait3A_65 = tpu.memref_slice %arg10[%dma_wait3A_63, %dma_wait3A_64] : memref<10112x16xf32, #tpu.memory_space<vmem_shared>> -> memref<10112x16xf32, #tpu.memory_space<vmem_shared>>
    tpu.wait_indirect_dma semaphore(%arg13 : memref<!tpu.dma_semaphore, #tpu.memory_space<semaphore_mem>>) src(%dma_wait3A_60 : memref<1664x16xf32, #tpu.memory_space<vmem>>) dst(%dma_wait3A_65 : memref<10112x16xf32, #tpu.memory_space<vmem_shared>>)
    %dma_start3A_66 = arith.constant 0 : i32
    %dma_start3A_67 = arith.constant 0 : i32
    %dma_start3A_68 = tpu.memref_slice %arg9[%dma_start3A_66, %dma_start3A_67] : memref<3328x16xf32, #tpu.memory_space<vmem>> -> memref<1664x16xf32, #tpu.memory_space<vmem>>
    %dma_start3A_69 = arith.constant 3328 : i32
    %dma_start3A_70 = tpu.memref_slice %arg7[%dma_start3A_69] : memref<10112xi32, #tpu.memory_space<vmem>> -> memref<1664xi32, #tpu.memory_space<vmem>>
    %dma_start3A_71 = arith.constant 0 : i32
    %dma_start3A_72 = arith.constant 0 : i32
    %dma_start3A_73 = tpu.memref_slice %arg11[%dma_start3A_71, %dma_start3A_72] : memref<10000x16xf32, #tpu.memory_space<vmem_shared>> -> memref<10000x16xf32, #tpu.memory_space<vmem_shared>>
    tpu.enqueue_indirect_dma source(%dma_start3A_73 : memref<10000x16xf32, #tpu.memory_space<vmem_shared>>) target(%dma_start3A_68 : memref<1664x16xf32, #tpu.memory_space<vmem>>) offsets(%dma_start3A_70 : memref<1664xi32, #tpu.memory_space<vmem>>) semaphore(%arg12 : memref<!tpu.dma_semaphore, #tpu.memory_space<semaphore_mem>>)
    %dma_start3A_74 = arith.constant 1664 : i32
    %dma_start3A_75 = arith.constant 0 : i32
    %dma_start3A_76 = tpu.memref_slice %arg9[%dma_start3A_74, %dma_start3A_75] : memref<3328x16xf32, #tpu.memory_space<vmem>> -> memref<1664x16xf32, #tpu.memory_space<vmem>>
    %dma_start3A_77 = arith.constant 1664 : i32
    %dma_start3A_78 = tpu.memref_slice %arg8[%dma_start3A_77] : memref<10112xi32, #tpu.memory_space<vmem>> -> memref<1664xi32, #tpu.memory_space<vmem>>
    %dma_start3A_79 = arith.constant 0 : i32
    %dma_start3A_80 = arith.constant 0 : i32
    %dma_start3A_81 = tpu.memref_slice %arg10[%dma_start3A_79, %dma_start3A_80] : memref<10112x16xf32, #tpu.memory_space<vmem_shared>> -> memref<10112x16xf32, #tpu.memory_space<vmem_shared>>
    tpu.enqueue_indirect_dma source(%dma_start3A_76 : memref<1664x16xf32, #tpu.memory_space<vmem>>) target(%dma_start3A_81 : memref<10112x16xf32, #tpu.memory_space<vmem_shared>>) offsets(%dma_start3A_78 : memref<1664xi32, #tpu.memory_space<vmem>>) semaphore(%arg13 : memref<!tpu.dma_semaphore, #tpu.memory_space<semaphore_mem>>) {add = true}
    %dma_wait3A_82 = arith.constant 0 : i32
    %dma_wait3A_83 = arith.constant 0 : i32
    %dma_wait3A_84 = tpu.memref_slice %arg9[%dma_wait3A_82, %dma_wait3A_83] : memref<3328x16xf32, #tpu.memory_space<vmem>> -> memref<1664x16xf32, #tpu.memory_space<vmem>>
    %dma_wait3A_85 = arith.constant 0 : i32
    %dma_wait3A_86 = tpu.memref_slice %arg7[%dma_wait3A_85] : memref<10112xi32, #tpu.memory_space<vmem>> -> memref<1664xi32, #tpu.memory_space<vmem>>
    %dma_wait3A_87 = arith.constant 0 : i32
    %dma_wait3A_88 = arith.constant 0 : i32
    %dma_wait3A_89 = tpu.memref_slice %arg11[%dma_wait3A_87, %dma_wait3A_88] : memref<10000x16xf32, #tpu.memory_space<vmem_shared>> -> memref<10000x16xf32, #tpu.memory_space<vmem_shared>>
    tpu.wait_indirect_dma semaphore(%arg12 : memref<!tpu.dma_semaphore, #tpu.memory_space<semaphore_mem>>) src(%dma_wait3A_89 : memref<10000x16xf32, #tpu.memory_space<vmem_shared>>) dst(%dma_wait3A_84 : memref<1664x16xf32, #tpu.memory_space<vmem>>)
    %dma_wait3A_90 = arith.constant 0 : i32
    %dma_wait3A_91 = arith.constant 0 : i32
    %dma_wait3A_92 = tpu.memref_slice %arg9[%dma_wait3A_90, %dma_wait3A_91] : memref<3328x16xf32, #tpu.memory_space<vmem>> -> memref<1664x16xf32, #tpu.memory_space<vmem>>
    %dma_wait3A_93 = arith.constant 0 : i32
    %dma_wait3A_94 = tpu.memref_slice %arg8[%dma_wait3A_93] : memref<10112xi32, #tpu.memory_space<vmem>> -> memref<1664xi32, #tpu.memory_space<vmem>>
    %dma_wait3A_95 = arith.constant 0 : i32
    %dma_wait3A_96 = arith.constant 0 : i32
    %dma_wait3A_97 = tpu.memref_slice %arg10[%dma_wait3A_95, %dma_wait3A_96] : memref<10112x16xf32, #tpu.memory_space<vmem_shared>> -> memref<10112x16xf32, #tpu.memory_space<vmem_shared>>
    tpu.wait_indirect_dma semaphore(%arg13 : memref<!tpu.dma_semaphore, #tpu.memory_space<semaphore_mem>>) src(%dma_wait3A_92 : memref<1664x16xf32, #tpu.memory_space<vmem>>) dst(%dma_wait3A_97 : memref<10112x16xf32, #tpu.memory_space<vmem_shared>>)
    %dma_start3A_98 = arith.constant 1664 : i32
    %dma_start3A_99 = arith.constant 0 : i32
    %dma_start3A_100 = tpu.memref_slice %arg9[%dma_start3A_98, %dma_start3A_99] : memref<3328x16xf32, #tpu.memory_space<vmem>> -> memref<1664x16xf32, #tpu.memory_space<vmem>>
    %dma_start3A_101 = arith.constant 4992 : i32
    %dma_start3A_102 = tpu.memref_slice %arg7[%dma_start3A_101] : memref<10112xi32, #tpu.memory_space<vmem>> -> memref<1664xi32, #tpu.memory_space<vmem>>
    %dma_start3A_103 = arith.constant 0 : i32
    %dma_start3A_104 = arith.constant 0 : i32
    %dma_start3A_105 = tpu.memref_slice %arg11[%dma_start3A_103, %dma_start3A_104] : memref<10000x16xf32, #tpu.memory_space<vmem_shared>> -> memref<10000x16xf32, #tpu.memory_space<vmem_shared>>
    tpu.enqueue_indirect_dma source(%dma_start3A_105 : memref<10000x16xf32, #tpu.memory_space<vmem_shared>>) target(%dma_start3A_100 : memref<1664x16xf32, #tpu.memory_space<vmem>>) offsets(%dma_start3A_102 : memref<1664xi32, #tpu.memory_space<vmem>>) semaphore(%arg12 : memref<!tpu.dma_semaphore, #tpu.memory_space<semaphore_mem>>)
    %dma_start3A_106 = arith.constant 0 : i32
    %dma_start3A_107 = arith.constant 0 : i32
    %dma_start3A_108 = tpu.memref_slice %arg9[%dma_start3A_106, %dma_start3A_107] : memref<3328x16xf32, #tpu.memory_space<vmem>> -> memref<1664x16xf32, #tpu.memory_space<vmem>>
    %dma_start3A_109 = arith.constant 3328 : i32
    %dma_start3A_110 = tpu.memref_slice %arg8[%dma_start3A_109] : memref<10112xi32, #tpu.memory_space<vmem>> -> memref<1664xi32, #tpu.memory_space<vmem>>
    %dma_start3A_111 = arith.constant 0 : i32
    %dma_start3A_112 = arith.constant 0 : i32
    %dma_start3A_113 = tpu.memref_slice %arg10[%dma_start3A_111, %dma_start3A_112] : memref<10112x16xf32, #tpu.memory_space<vmem_shared>> -> memref<10112x16xf32, #tpu.memory_space<vmem_shared>>
    tpu.enqueue_indirect_dma source(%dma_start3A_108 : memref<1664x16xf32, #tpu.memory_space<vmem>>) target(%dma_start3A_113 : memref<10112x16xf32, #tpu.memory_space<vmem_shared>>) offsets(%dma_start3A_110 : memref<1664xi32, #tpu.memory_space<vmem>>) semaphore(%arg13 : memref<!tpu.dma_semaphore, #tpu.memory_space<semaphore_mem>>) {add = true}
    %dma_wait3A_114 = arith.constant 0 : i32
    %dma_wait3A_115 = arith.constant 0 : i32
    %dma_wait3A_116 = tpu.memref_slice %arg9[%dma_wait3A_114, %dma_wait3A_115] : memref<3328x16xf32, #tpu.memory_space<vmem>> -> memref<1664x16xf32, #tpu.memory_space<vmem>>
    %dma_wait3A_117 = arith.constant 0 : i32
    %dma_wait3A_118 = tpu.memref_slice %arg7[%dma_wait3A_117] : memref<10112xi32, #tpu.memory_space<vmem>> -> memref<1664xi32, #tpu.memory_space<vmem>>
    %dma_wait3A_119 = arith.constant 0 : i32
    %dma_wait3A_120 = arith.constant 0 : i32
    %dma_wait3A_121 = tpu.memref_slice %arg11[%dma_wait3A_119, %dma_wait3A_120] : memref<10000x16xf32, #tpu.memory_space<vmem_shared>> -> memref<10000x16xf32, #tpu.memory_space<vmem_shared>>
    tpu.wait_indirect_dma semaphore(%arg12 : memref<!tpu.dma_semaphore, #tpu.memory_space<semaphore_mem>>) src(%dma_wait3A_121 : memref<10000x16xf32, #tpu.memory_space<vmem_shared>>) dst(%dma_wait3A_116 : memref<1664x16xf32, #tpu.memory_space<vmem>>)
    %dma_wait3A_122 = arith.constant 0 : i32
    %dma_wait3A_123 = arith.constant 0 : i32
    %dma_wait3A_124 = tpu.memref_slice %arg9[%dma_wait3A_122, %dma_wait3A_123] : memref<3328x16xf32, #tpu.memory_space<vmem>> -> memref<1664x16xf32, #tpu.memory_space<vmem>>
    %dma_wait3A_125 = arith.constant 0 : i32
    %dma_wait3A_126 = tpu.memref_slice %arg8[%dma_wait3A_125] : memref<10112xi32, #tpu.memory_space<vmem>> -> memref<1664xi32, #tpu.memory_space<vmem>>
    %dma_wait3A_127 = arith.constant 0 : i32
    %dma_wait3A_128 = arith.constant 0 : i32
    %dma_wait3A_129 = tpu.memref_slice %arg10[%dma_wait3A_127, %dma_wait3A_128] : memref<10112x16xf32, #tpu.memory_space<vmem_shared>> -> memref<10112x16xf32, #tpu.memory_space<vmem_shared>>
    tpu.wait_indirect_dma semaphore(%arg13 : memref<!tpu.dma_semaphore, #tpu.memory_space<semaphore_mem>>) src(%dma_wait3A_124 : memref<1664x16xf32, #tpu.memory_space<vmem>>) dst(%dma_wait3A_129 : memref<10112x16xf32, #tpu.memory_space<vmem_shared>>)
    %dma_start3A_130 = arith.constant 0 : i32
    %dma_start3A_131 = arith.constant 0 : i32
    %dma_start3A_132 = tpu.memref_slice %arg9[%dma_start3A_130, %dma_start3A_131] : memref<3328x16xf32, #tpu.memory_space<vmem>> -> memref<1664x16xf32, #tpu.memory_space<vmem>>
    %dma_start3A_133 = arith.constant 6656 : i32
    %dma_start3A_134 = tpu.memref_slice %arg7[%dma_start3A_133] : memref<10112xi32, #tpu.memory_space<vmem>> -> memref<1664xi32, #tpu.memory_space<vmem>>
    %dma_start3A_135 = arith.constant 0 : i32
    %dma_start3A_136 = arith.constant 0 : i32
    %dma_start3A_137 = tpu.memref_slice %arg11[%dma_start3A_135, %dma_start3A_136] : memref<10000x16xf32, #tpu.memory_space<vmem_shared>> -> memref<10000x16xf32, #tpu.memory_space<vmem_shared>>
    tpu.enqueue_indirect_dma source(%dma_start3A_137 : memref<10000x16xf32, #tpu.memory_space<vmem_shared>>) target(%dma_start3A_132 : memref<1664x16xf32, #tpu.memory_space<vmem>>) offsets(%dma_start3A_134 : memref<1664xi32, #tpu.memory_space<vmem>>) semaphore(%arg12 : memref<!tpu.dma_semaphore, #tpu.memory_space<semaphore_mem>>)
    %dma_start3A_138 = arith.constant 1664 : i32
    %dma_start3A_139 = arith.constant 0 : i32
    %dma_start3A_140 = tpu.memref_slice %arg9[%dma_start3A_138, %dma_start3A_139] : memref<3328x16xf32, #tpu.memory_space<vmem>> -> memref<1664x16xf32, #tpu.memory_space<vmem>>
    %dma_start3A_141 = arith.constant 4992 : i32
    %dma_start3A_142 = tpu.memref_slice %arg8[%dma_start3A_141] : memref<10112xi32, #tpu.memory_space<vmem>> -> memref<1664xi32, #tpu.memory_space<vmem>>
    %dma_start3A_143 = arith.constant 0 : i32
    %dma_start3A_144 = arith.constant 0 : i32
    %dma_start3A_145 = tpu.memref_slice %arg10[%dma_start3A_143, %dma_start3A_144] : memref<10112x16xf32, #tpu.memory_space<vmem_shared>> -> memref<10112x16xf32, #tpu.memory_space<vmem_shared>>
    tpu.enqueue_indirect_dma source(%dma_start3A_140 : memref<1664x16xf32, #tpu.memory_space<vmem>>) target(%dma_start3A_145 : memref<10112x16xf32, #tpu.memory_space<vmem_shared>>) offsets(%dma_start3A_142 : memref<1664xi32, #tpu.memory_space<vmem>>) semaphore(%arg13 : memref<!tpu.dma_semaphore, #tpu.memory_space<semaphore_mem>>) {add = true}
    %dma_wait3A_146 = arith.constant 0 : i32
    %dma_wait3A_147 = arith.constant 0 : i32
    %dma_wait3A_148 = tpu.memref_slice %arg9[%dma_wait3A_146, %dma_wait3A_147] : memref<3328x16xf32, #tpu.memory_space<vmem>> -> memref<1664x16xf32, #tpu.memory_space<vmem>>
    %dma_wait3A_149 = arith.constant 0 : i32
    %dma_wait3A_150 = tpu.memref_slice %arg7[%dma_wait3A_149] : memref<10112xi32, #tpu.memory_space<vmem>> -> memref<1664xi32, #tpu.memory_space<vmem>>
    %dma_wait3A_151 = arith.constant 0 : i32
    %dma_wait3A_152 = arith.constant 0 : i32
    %dma_wait3A_153 = tpu.memref_slice %arg11[%dma_wait3A_151, %dma_wait3A_152] : memref<10000x16xf32, #tpu.memory_space<vmem_shared>> -> memref<10000x16xf32, #tpu.memory_space<vmem_shared>>
    tpu.wait_indirect_dma semaphore(%arg12 : memref<!tpu.dma_semaphore, #tpu.memory_space<semaphore_mem>>) src(%dma_wait3A_153 : memref<10000x16xf32, #tpu.memory_space<vmem_shared>>) dst(%dma_wait3A_148 : memref<1664x16xf32, #tpu.memory_space<vmem>>)
    %dma_wait3A_154 = arith.constant 0 : i32
    %dma_wait3A_155 = arith.constant 0 : i32
    %dma_wait3A_156 = tpu.memref_slice %arg9[%dma_wait3A_154, %dma_wait3A_155] : memref<3328x16xf32, #tpu.memory_space<vmem>> -> memref<1664x16xf32, #tpu.memory_space<vmem>>
    %dma_wait3A_157 = arith.constant 0 : i32
    %dma_wait3A_158 = tpu.memref_slice %arg8[%dma_wait3A_157] : memref<10112xi32, #tpu.memory_space<vmem>> -> memref<1664xi32, #tpu.memory_space<vmem>>
    %dma_wait3A_159 = arith.constant 0 : i32
    %dma_wait3A_160 = arith.constant 0 : i32
    %dma_wait3A_161 = tpu.memref_slice %arg10[%dma_wait3A_159, %dma_wait3A_160] : memref<10112x16xf32, #tpu.memory_space<vmem_shared>> -> memref<10112x16xf32, #tpu.memory_space<vmem_shared>>
    tpu.wait_indirect_dma semaphore(%arg13 : memref<!tpu.dma_semaphore, #tpu.memory_space<semaphore_mem>>) src(%dma_wait3A_156 : memref<1664x16xf32, #tpu.memory_space<vmem>>) dst(%dma_wait3A_161 : memref<10112x16xf32, #tpu.memory_space<vmem_shared>>)
    %dma_start3A_162 = arith.constant 1664 : i32
    %dma_start3A_163 = arith.constant 0 : i32
    %dma_start3A_164 = tpu.memref_slice %arg9[%dma_start3A_162, %dma_start3A_163] : memref<3328x16xf32, #tpu.memory_space<vmem>> -> memref<1664x16xf32, #tpu.memory_space<vmem>>
    %dma_start3A_165 = arith.constant 8320 : i32
    %dma_start3A_166 = tpu.memref_slice %arg7[%dma_start3A_165] : memref<10112xi32, #tpu.memory_space<vmem>> -> memref<1664xi32, #tpu.memory_space<vmem>>
    %dma_start3A_167 = arith.constant 0 : i32
    %dma_start3A_168 = arith.constant 0 : i32
    %dma_start3A_169 = tpu.memref_slice %arg11[%dma_start3A_167, %dma_start3A_168] : memref<10000x16xf32, #tpu.memory_space<vmem_shared>> -> memref<10000x16xf32, #tpu.memory_space<vmem_shared>>
    tpu.enqueue_indirect_dma source(%dma_start3A_169 : memref<10000x16xf32, #tpu.memory_space<vmem_shared>>) target(%dma_start3A_164 : memref<1664x16xf32, #tpu.memory_space<vmem>>) offsets(%dma_start3A_166 : memref<1664xi32, #tpu.memory_space<vmem>>) semaphore(%arg12 : memref<!tpu.dma_semaphore, #tpu.memory_space<semaphore_mem>>)
    %dma_start3A_170 = arith.constant 0 : i32
    %dma_start3A_171 = arith.constant 0 : i32
    %dma_start3A_172 = tpu.memref_slice %arg9[%dma_start3A_170, %dma_start3A_171] : memref<3328x16xf32, #tpu.memory_space<vmem>> -> memref<1664x16xf32, #tpu.memory_space<vmem>>
    %dma_start3A_173 = arith.constant 6656 : i32
    %dma_start3A_174 = tpu.memref_slice %arg8[%dma_start3A_173] : memref<10112xi32, #tpu.memory_space<vmem>> -> memref<1664xi32, #tpu.memory_space<vmem>>
    %dma_start3A_175 = arith.constant 0 : i32
    %dma_start3A_176 = arith.constant 0 : i32
    %dma_start3A_177 = tpu.memref_slice %arg10[%dma_start3A_175, %dma_start3A_176] : memref<10112x16xf32, #tpu.memory_space<vmem_shared>> -> memref<10112x16xf32, #tpu.memory_space<vmem_shared>>
    tpu.enqueue_indirect_dma source(%dma_start3A_172 : memref<1664x16xf32, #tpu.memory_space<vmem>>) target(%dma_start3A_177 : memref<10112x16xf32, #tpu.memory_space<vmem_shared>>) offsets(%dma_start3A_174 : memref<1664xi32, #tpu.memory_space<vmem>>) semaphore(%arg13 : memref<!tpu.dma_semaphore, #tpu.memory_space<semaphore_mem>>) {add = true}
    %dma_wait3A_178 = arith.constant 0 : i32
    %dma_wait3A_179 = arith.constant 0 : i32
    %dma_wait3A_180 = tpu.memref_slice %arg9[%dma_wait3A_178, %dma_wait3A_179] : memref<3328x16xf32, #tpu.memory_space<vmem>> -> memref<1664x16xf32, #tpu.memory_space<vmem>>
    %dma_wait3A_181 = arith.constant 0 : i32
    %dma_wait3A_182 = tpu.memref_slice %arg7[%dma_wait3A_181] : memref<10112xi32, #tpu.memory_space<vmem>> -> memref<1664xi32, #tpu.memory_space<vmem>>
    %dma_wait3A_183 = arith.constant 0 : i32
    %dma_wait3A_184 = arith.constant 0 : i32
    %dma_wait3A_185 = tpu.memref_slice %arg11[%dma_wait3A_183, %dma_wait3A_184] : memref<10000x16xf32, #tpu.memory_space<vmem_shared>> -> memref<10000x16xf32, #tpu.memory_space<vmem_shared>>
    tpu.wait_indirect_dma semaphore(%arg12 : memref<!tpu.dma_semaphore, #tpu.memory_space<semaphore_mem>>) src(%dma_wait3A_185 : memref<10000x16xf32, #tpu.memory_space<vmem_shared>>) dst(%dma_wait3A_180 : memref<1664x16xf32, #tpu.memory_space<vmem>>)
    %dma_start3A_186 = arith.constant 1664 : i32
    %dma_start3A_187 = arith.constant 0 : i32
    %dma_start3A_188 = tpu.memref_slice %arg9[%dma_start3A_186, %dma_start3A_187] : memref<3328x16xf32, #tpu.memory_space<vmem>> -> memref<1664x16xf32, #tpu.memory_space<vmem>>
    %dma_start3A_189 = arith.constant 8320 : i32
    %dma_start3A_190 = tpu.memref_slice %arg8[%dma_start3A_189] : memref<10112xi32, #tpu.memory_space<vmem>> -> memref<1664xi32, #tpu.memory_space<vmem>>
    %dma_start3A_191 = arith.constant 0 : i32
    %dma_start3A_192 = arith.constant 0 : i32
    %dma_start3A_193 = tpu.memref_slice %arg10[%dma_start3A_191, %dma_start3A_192] : memref<10112x16xf32, #tpu.memory_space<vmem_shared>> -> memref<10112x16xf32, #tpu.memory_space<vmem_shared>>
    tpu.enqueue_indirect_dma source(%dma_start3A_188 : memref<1664x16xf32, #tpu.memory_space<vmem>>) target(%dma_start3A_193 : memref<10112x16xf32, #tpu.memory_space<vmem_shared>>) offsets(%dma_start3A_190 : memref<1664xi32, #tpu.memory_space<vmem>>) semaphore(%arg13 : memref<!tpu.dma_semaphore, #tpu.memory_space<semaphore_mem>>) {add = true}
    %dma_wait3A_194 = arith.constant 0 : i32
    %dma_wait3A_195 = arith.constant 0 : i32
    %dma_wait3A_196 = tpu.memref_slice %arg9[%dma_wait3A_194, %dma_wait3A_195] : memref<3328x16xf32, #tpu.memory_space<vmem>> -> memref<1664x16xf32, #tpu.memory_space<vmem>>
    %dma_wait3A_197 = arith.constant 0 : i32
    %dma_wait3A_198 = tpu.memref_slice %arg8[%dma_wait3A_197] : memref<10112xi32, #tpu.memory_space<vmem>> -> memref<1664xi32, #tpu.memory_space<vmem>>
    %dma_wait3A_199 = arith.constant 0 : i32
    %dma_wait3A_200 = arith.constant 0 : i32
    %dma_wait3A_201 = tpu.memref_slice %arg10[%dma_wait3A_199, %dma_wait3A_200] : memref<10112x16xf32, #tpu.memory_space<vmem_shared>> -> memref<10112x16xf32, #tpu.memory_space<vmem_shared>>
    tpu.wait_indirect_dma semaphore(%arg13 : memref<!tpu.dma_semaphore, #tpu.memory_space<semaphore_mem>>) src(%dma_wait3A_196 : memref<1664x16xf32, #tpu.memory_space<vmem>>) dst(%dma_wait3A_201 : memref<10112x16xf32, #tpu.memory_space<vmem_shared>>)
    %dma_wait3A_202 = arith.constant 0 : i32
    %dma_wait3A_203 = arith.constant 0 : i32
    %dma_wait3A_204 = tpu.memref_slice %arg9[%dma_wait3A_202, %dma_wait3A_203] : memref<3328x16xf32, #tpu.memory_space<vmem>> -> memref<1664x16xf32, #tpu.memory_space<vmem>>
    %dma_wait3A_205 = arith.constant 0 : i32
    %dma_wait3A_206 = tpu.memref_slice %arg8[%dma_wait3A_205] : memref<10112xi32, #tpu.memory_space<vmem>> -> memref<1664xi32, #tpu.memory_space<vmem>>
    %dma_wait3A_207 = arith.constant 0 : i32
    %dma_wait3A_208 = arith.constant 0 : i32
    %dma_wait3A_209 = tpu.memref_slice %arg10[%dma_wait3A_207, %dma_wait3A_208] : memref<10112x16xf32, #tpu.memory_space<vmem_shared>> -> memref<10112x16xf32, #tpu.memory_space<vmem_shared>>
    tpu.wait_indirect_dma semaphore(%arg13 : memref<!tpu.dma_semaphore, #tpu.memory_space<semaphore_mem>>) src(%dma_wait3A_204 : memref<1664x16xf32, #tpu.memory_space<vmem>>) dst(%dma_wait3A_209 : memref<10112x16xf32, #tpu.memory_space<vmem_shared>>)
    %lt3A_210 = arith.constant 4 : i32
    %lt3A_211 = arith.cmpi slt, %add3A, %lt3A_210 : i32
    %convert_element_type3A_212 = arith.extui %lt3A_211 : i1 to i32
    %cond3A_213 = arith.constant 0 : i32
    %cond3A_214 = arith.cmpi ne, %convert_element_type3A_212, %cond3A_213 : i32
    scf.if %cond3A_214 {
      %dma_start3A_220 = arith.constant 0 : i32
      %dma_start3A_221 = arith.constant 0 : i32
      %dma_start3A_222 = tpu.memref_slice %arg9[%dma_start3A_220, %dma_start3A_221] : memref<3328x16xf32, #tpu.memory_space<vmem>> -> memref<128x16xf32, #tpu.memory_space<vmem>>
      %dma_start3A_223 = arith.constant 9984 : i32
      %dma_start3A_224 = tpu.memref_slice %arg7[%dma_start3A_223] : memref<10112xi32, #tpu.memory_space<vmem>> -> memref<128xi32, #tpu.memory_space<vmem>>
      %dma_start3A_225 = arith.constant 0 : i32
      %dma_start3A_226 = arith.constant 0 : i32
      %dma_start3A_227 = tpu.memref_slice %arg11[%dma_start3A_225, %dma_start3A_226] : memref<10000x16xf32, #tpu.memory_space<vmem_shared>> -> memref<10000x16xf32, #tpu.memory_space<vmem_shared>>
      tpu.enqueue_indirect_dma source(%dma_start3A_227 : memref<10000x16xf32, #tpu.memory_space<vmem_shared>>) target(%dma_start3A_222 : memref<128x16xf32, #tpu.memory_space<vmem>>) offsets(%dma_start3A_224 : memref<128xi32, #tpu.memory_space<vmem>>) semaphore(%arg12 : memref<!tpu.dma_semaphore, #tpu.memory_space<semaphore_mem>>)
      %dma_wait3A_228 = arith.constant 0 : i32
      %dma_wait3A_229 = arith.constant 0 : i32
      %dma_wait3A_230 = tpu.memref_slice %arg9[%dma_wait3A_228, %dma_wait3A_229] : memref<3328x16xf32, #tpu.memory_space<vmem>> -> memref<128x16xf32, #tpu.memory_space<vmem>>
      %dma_wait3A_231 = arith.constant 9984 : i32
      %dma_wait3A_232 = tpu.memref_slice %arg7[%dma_wait3A_231] : memref<10112xi32, #tpu.memory_space<vmem>> -> memref<128xi32, #tpu.memory_space<vmem>>
      %dma_wait3A_233 = arith.constant 0 : i32
      %dma_wait3A_234 = arith.constant 0 : i32
      %dma_wait3A_235 = tpu.memref_slice %arg11[%dma_wait3A_233, %dma_wait3A_234] : memref<10000x16xf32, #tpu.memory_space<vmem_shared>> -> memref<10000x16xf32, #tpu.memory_space<vmem_shared>>
      tpu.wait_indirect_dma semaphore(%arg12 : memref<!tpu.dma_semaphore, #tpu.memory_space<semaphore_mem>>) src(%dma_wait3A_235 : memref<10000x16xf32, #tpu.memory_space<vmem_shared>>) dst(%dma_wait3A_230 : memref<128x16xf32, #tpu.memory_space<vmem>>)
      "tpu.region"() ({
        %run_scoped3A_236 = tpu.sem_alloc : memref<!tpu.dma_semaphore, #tpu.memory_space<semaphore_mem>>
        %dma_start3A_237 = arith.constant 0 : i32
        %dma_start3A_238 = arith.constant 0 : i32
        %dma_start3A_239 = tpu.memref_slice %arg9[%dma_start3A_237, %dma_start3A_238] : memref<3328x16xf32, #tpu.memory_space<vmem>> -> memref<128x16xf32, #tpu.memory_space<vmem>>
        %dma_start3A_240 = arith.constant 9984 : i32
        %dma_start3A_241 = tpu.memref_slice %arg8[%dma_start3A_240] : memref<10112xi32, #tpu.memory_space<vmem>> -> memref<128xi32, #tpu.memory_space<vmem>>
        %dma_start3A_242 = arith.constant 0 : i32
        %dma_start3A_243 = arith.constant 0 : i32
        %dma_start3A_244 = tpu.memref_slice %arg10[%dma_start3A_242, %dma_start3A_243] : memref<10112x16xf32, #tpu.memory_space<vmem_shared>> -> memref<10112x16xf32, #tpu.memory_space<vmem_shared>>
        tpu.enqueue_indirect_dma source(%dma_start3A_239 : memref<128x16xf32, #tpu.memory_space<vmem>>) target(%dma_start3A_244 : memref<10112x16xf32, #tpu.memory_space<vmem_shared>>) offsets(%dma_start3A_241 : memref<128xi32, #tpu.memory_space<vmem>>) semaphore(%run_scoped3A_236 : memref<!tpu.dma_semaphore, #tpu.memory_space<semaphore_mem>>) {add = true}
        %dma_wait3A_245 = arith.constant 0 : i32
        %dma_wait3A_246 = arith.constant 0 : i32
        %dma_wait3A_247 = tpu.memref_slice %arg9[%dma_wait3A_245, %dma_wait3A_246] : memref<3328x16xf32, #tpu.memory_space<vmem>> -> memref<128x16xf32, #tpu.memory_space<vmem>>
        %dma_wait3A_248 = arith.constant 9984 : i32
        %dma_wait3A_249 = tpu.memref_slice %arg8[%dma_wait3A_248] : memref<10112xi32, #tpu.memory_space<vmem>> -> memref<128xi32, #tpu.memory_space<vmem>>
        %dma_wait3A_250 = arith.constant 0 : i32
        %dma_wait3A_251 = arith.constant 0 : i32
        %dma_wait3A_252 = tpu.memref_slice %arg10[%dma_wait3A_250, %dma_wait3A_251] : memref<10112x16xf32, #tpu.memory_space<vmem_shared>> -> memref<10112x16xf32, #tpu.memory_space<vmem_shared>>
        tpu.wait_indirect_dma semaphore(%run_scoped3A_236 : memref<!tpu.dma_semaphore, #tpu.memory_space<semaphore_mem>>) src(%dma_wait3A_247 : memref<128x16xf32, #tpu.memory_space<vmem>>) dst(%dma_wait3A_252 : memref<10112x16xf32, #tpu.memory_space<vmem_shared>>)
        tpu.yield
      }) : () -> ()
    } else {
    }
    %barrier3A_215 = arith.constant 0 : index
    tpu.barrier barrier_id(%barrier3A_215)
    %mul3A_216 = arith.constant 632 : i32
    %mul3A_217 = arith.muli %arg1, %mul3A_216 : i32
    %mul3A_218 = arith.constant 632 : i32
    %mul3A_219 = arith.muli %arg1, %mul3A_218 : i32
    "tpu.region"() ({
      %run_scoped3A_220 = tpu.sem_alloc : memref<!tpu.dma_semaphore, #tpu.memory_space<semaphore_mem>>
      %dma_start3A_221 = arith.constant 0 : i32
      %dma_start3A_222 = tpu.memref_slice %arg6[%arg0, %mul3A_219, %dma_start3A_221] : memref<2x10112x16xf32, #tpu.memory_space<hbm>> -> memref<1x632x16xf32, #tpu.memory_space<hbm>>
      %dma_start3A_223 = tpu.memref_squeeze %dma_start3A_222 : memref<1x632x16xf32, #tpu.memory_space<hbm>> -> memref<632x16xf32, #tpu.memory_space<hbm>>
      %dma_start3A_224 = arith.constant 0 : i32
      %dma_start3A_225 = tpu.memref_slice %arg10[%mul3A_217, %dma_start3A_224] : memref<10112x16xf32, #tpu.memory_space<vmem_shared>> -> memref<632x16xf32, #tpu.memory_space<vmem_shared>>
      tpu.enqueue_dma source(%dma_start3A_225 : memref<632x16xf32, #tpu.memory_space<vmem_shared>>) target(%dma_start3A_223 : memref<632x16xf32, #tpu.memory_space<hbm>>) target_semaphore(%run_scoped3A_220 : memref<!tpu.dma_semaphore, #tpu.memory_space<semaphore_mem>>)
      %dma_wait3A_226 = arith.constant 0 : i32
      %dma_wait3A_227 = tpu.memref_slice %arg6[%arg0, %mul3A_219, %dma_wait3A_226] : memref<2x10112x16xf32, #tpu.memory_space<hbm>> -> memref<1x632x16xf32, #tpu.memory_space<hbm>>
      %dma_wait3A_228 = tpu.memref_squeeze %dma_wait3A_227 : memref<1x632x16xf32, #tpu.memory_space<hbm>> -> memref<632x16xf32, #tpu.memory_space<hbm>>
      %dma_wait3A_229 = arith.constant 0 : i32
      %dma_wait3A_230 = tpu.memref_slice %arg10[%mul3A_217, %dma_wait3A_229] : memref<10112x16xf32, #tpu.memory_space<vmem_shared>> -> memref<632x16xf32, #tpu.memory_space<vmem_shared>>
      tpu.wait_dma2 semaphore(%run_scoped3A_220 : memref<!tpu.dma_semaphore, #tpu.memory_space<semaphore_mem>>) src(%dma_wait3A_230 : memref<632x16xf32, #tpu.memory_space<vmem_shared>>) dst(%dma_wait3A_228 : memref<632x16xf32, #tpu.memory_space<hbm>>)
      tpu.yield
    }) : () -> ()
    return
  }
}

#map = affine_map<(d0, d1) -> (0, 0, 0)>
module attributes {stable_mosaic.version = 14 : i64} {
  func.func @_permsc_body(%arg0: i32, %arg1: i32, %arg2: memref<2500x2x128xi32, #tpu.memory_space<hbm>>, %arg3: memref<2x2500x128xi32, #tpu.memory_space<hbm>>, %arg4: memref<79x128xi32, #tpu.memory_space<vmem>>) attributes {dimension_semantics = [#tpu.dimension_semantics<core_parallel>, #tpu.dimension_semantics<subcore_parallel>], iteration_bounds = array<i64: 2, 16>, scalar_prefetch = 0 : i64, scratch_operands = 1 : i64, tpu.core_type = #tpu.core_type<sc_vector_subcore>, window_params = [{transform_indices = #map}, {transform_indices = #map}]} {
    %mul3A = arith.constant 2 : i32
    %mul3A_0 = arith.muli %arg1, %mul3A : i32
    %add3A = arith.addi %mul3A_0, %arg0 : i32
    %lt3A = arith.constant 4 : i32
    %lt3A_1 = arith.cmpi slt, %add3A, %lt3A : i32
    %mul3A_2 = arith.constant 78 : i32
    %mul3A_3 = arith.muli %add3A, %mul3A_2 : i32
    %run_scoped3A = arith.constant 0 : i32
    "tpu.region"() ({
      %run_scoped3A_40 = tpu.sem_alloc : memref<!tpu.dma_semaphore, #tpu.memory_space<semaphore_mem>>
      %dma_start3A = arith.constant 0 : i32
      %dma_start3A_41 = arith.constant 0 : i32
      %dma_start3A_42 = tpu.memref_slice %arg4[%dma_start3A, %dma_start3A_41] : memref<79x128xi32, #tpu.memory_space<vmem>> -> memref<78x128xi32, #tpu.memory_space<vmem>>
      %dma_start3A_43 = arith.constant 0 : i32
      %dma_start3A_44 = tpu.memref_slice %arg2[%mul3A_3, %run_scoped3A, %dma_start3A_43] : memref<2500x2x128xi32, #tpu.memory_space<hbm>> -> memref<78x1x128xi32, #tpu.memory_space<hbm>>
      %dma_start3A_45 = tpu.memref_squeeze %dma_start3A_44 : memref<78x1x128xi32, #tpu.memory_space<hbm>> -> memref<78x128xi32, #tpu.memory_space<hbm>>
      %dma_start3A_46 = arith.constant 0 : i32
      %dma_start3A_47 = arith.constant 0 : i32
      %dma_start3A_48 = tpu.memref_slice %arg4[%dma_start3A_46, %dma_start3A_47] : memref<79x128xi32, #tpu.memory_space<vmem>> -> memref<78x128xi32, #tpu.memory_space<vmem>>
      %dma_start3A_49 = arith.constant 0 : i32
      %dma_start3A_50 = tpu.memref_slice %arg2[%mul3A_3, %run_scoped3A, %dma_start3A_49] : memref<2500x2x128xi32, #tpu.memory_space<hbm>> -> memref<78x1x128xi32, #tpu.memory_space<hbm>>
      %dma_start3A_51 = tpu.memref_squeeze %dma_start3A_50 : memref<78x1x128xi32, #tpu.memory_space<hbm>> -> memref<78x128xi32, #tpu.memory_space<hbm>>
      tpu.enqueue_dma source(%dma_start3A_51 : memref<78x128xi32, #tpu.memory_space<hbm>>) target(%dma_start3A_48 : memref<78x128xi32, #tpu.memory_space<vmem>>) target_semaphore(%run_scoped3A_40 : memref<!tpu.dma_semaphore, #tpu.memory_space<semaphore_mem>>)
      %dma_wait3A = arith.constant 0 : i32
      %dma_wait3A_52 = arith.constant 0 : i32
      %dma_wait3A_53 = tpu.memref_slice %arg4[%dma_wait3A, %dma_wait3A_52] : memref<79x128xi32, #tpu.memory_space<vmem>> -> memref<78x128xi32, #tpu.memory_space<vmem>>
      %dma_wait3A_54 = arith.constant 0 : i32
      %dma_wait3A_55 = tpu.memref_slice %arg2[%mul3A_3, %run_scoped3A, %dma_wait3A_54] : memref<2500x2x128xi32, #tpu.memory_space<hbm>> -> memref<78x1x128xi32, #tpu.memory_space<hbm>>
      %dma_wait3A_56 = tpu.memref_squeeze %dma_wait3A_55 : memref<78x1x128xi32, #tpu.memory_space<hbm>> -> memref<78x128xi32, #tpu.memory_space<hbm>>
      %dma_wait3A_57 = arith.constant 0 : i32
      %dma_wait3A_58 = arith.constant 0 : i32
      %dma_wait3A_59 = tpu.memref_slice %arg4[%dma_wait3A_57, %dma_wait3A_58] : memref<79x128xi32, #tpu.memory_space<vmem>> -> memref<78x128xi32, #tpu.memory_space<vmem>>
      %dma_wait3A_60 = arith.constant 0 : i32
      %dma_wait3A_61 = tpu.memref_slice %arg2[%mul3A_3, %run_scoped3A, %dma_wait3A_60] : memref<2500x2x128xi32, #tpu.memory_space<hbm>> -> memref<78x1x128xi32, #tpu.memory_space<hbm>>
      %dma_wait3A_62 = tpu.memref_squeeze %dma_wait3A_61 : memref<78x1x128xi32, #tpu.memory_space<hbm>> -> memref<78x128xi32, #tpu.memory_space<hbm>>
      tpu.wait_dma2 semaphore(%run_scoped3A_40 : memref<!tpu.dma_semaphore, #tpu.memory_space<semaphore_mem>>) src(%dma_wait3A_62 : memref<78x128xi32, #tpu.memory_space<hbm>>) dst(%dma_wait3A_59 : memref<78x128xi32, #tpu.memory_space<vmem>>)
      tpu.yield
    }) : () -> ()
    %convert_element_type3A = arith.extui %lt3A_1 : i1 to i32
    %cond3A = arith.constant 0 : i32
    %cond3A_4 = arith.cmpi ne, %convert_element_type3A, %cond3A : i32
    scf.if %cond3A_4 {
      %add3A_40 = arith.constant 2496 : i32
      %add3A_41 = arith.addi %add3A_40, %add3A : i32
      %run_scoped3A_42 = arith.constant 0 : i32
      "tpu.region"() ({
        %run_scoped3A_43 = tpu.sem_alloc : memref<!tpu.dma_semaphore, #tpu.memory_space<semaphore_mem>>
        %dma_start3A = arith.constant 78 : i32
        %dma_start3A_44 = arith.constant 0 : i32
        %dma_start3A_45 = tpu.memref_slice %arg4[%dma_start3A, %dma_start3A_44] : memref<79x128xi32, #tpu.memory_space<vmem>> -> memref<1x128xi32, #tpu.memory_space<vmem>>
        %dma_start3A_46 = arith.constant 0 : i32
        %dma_start3A_47 = tpu.memref_slice %arg2[%add3A_41, %run_scoped3A_42, %dma_start3A_46] : memref<2500x2x128xi32, #tpu.memory_space<hbm>> -> memref<1x1x128xi32, #tpu.memory_space<hbm>>
        %dma_start3A_48 = tpu.memref_squeeze %dma_start3A_47 : memref<1x1x128xi32, #tpu.memory_space<hbm>> -> memref<1x128xi32, #tpu.memory_space<hbm>>
        %dma_start3A_49 = arith.constant 78 : i32
        %dma_start3A_50 = arith.constant 0 : i32
        %dma_start3A_51 = tpu.memref_slice %arg4[%dma_start3A_49, %dma_start3A_50] : memref<79x128xi32, #tpu.memory_space<vmem>> -> memref<1x128xi32, #tpu.memory_space<vmem>>
        %dma_start3A_52 = arith.constant 0 : i32
        %dma_start3A_53 = tpu.memref_slice %arg2[%add3A_41, %run_scoped3A_42, %dma_start3A_52] : memref<2500x2x128xi32, #tpu.memory_space<hbm>> -> memref<1x1x128xi32, #tpu.memory_space<hbm>>
        %dma_start3A_54 = tpu.memref_squeeze %dma_start3A_53 : memref<1x1x128xi32, #tpu.memory_space<hbm>> -> memref<1x128xi32, #tpu.memory_space<hbm>>
        tpu.enqueue_dma source(%dma_start3A_54 : memref<1x128xi32, #tpu.memory_space<hbm>>) target(%dma_start3A_51 : memref<1x128xi32, #tpu.memory_space<vmem>>) target_semaphore(%run_scoped3A_43 : memref<!tpu.dma_semaphore, #tpu.memory_space<semaphore_mem>>)
        %dma_wait3A = arith.constant 78 : i32
        %dma_wait3A_55 = arith.constant 0 : i32
        %dma_wait3A_56 = tpu.memref_slice %arg4[%dma_wait3A, %dma_wait3A_55] : memref<79x128xi32, #tpu.memory_space<vmem>> -> memref<1x128xi32, #tpu.memory_space<vmem>>
        %dma_wait3A_57 = arith.constant 0 : i32
        %dma_wait3A_58 = tpu.memref_slice %arg2[%add3A_41, %run_scoped3A_42, %dma_wait3A_57] : memref<2500x2x128xi32, #tpu.memory_space<hbm>> -> memref<1x1x128xi32, #tpu.memory_space<hbm>>
        %dma_wait3A_59 = tpu.memref_squeeze %dma_wait3A_58 : memref<1x1x128xi32, #tpu.memory_space<hbm>> -> memref<1x128xi32, #tpu.memory_space<hbm>>
        %dma_wait3A_60 = arith.constant 78 : i32
        %dma_wait3A_61 = arith.constant 0 : i32
        %dma_wait3A_62 = tpu.memref_slice %arg4[%dma_wait3A_60, %dma_wait3A_61] : memref<79x128xi32, #tpu.memory_space<vmem>> -> memref<1x128xi32, #tpu.memory_space<vmem>>
        %dma_wait3A_63 = arith.constant 0 : i32
        %dma_wait3A_64 = tpu.memref_slice %arg2[%add3A_41, %run_scoped3A_42, %dma_wait3A_63] : memref<2500x2x128xi32, #tpu.memory_space<hbm>> -> memref<1x1x128xi32, #tpu.memory_space<hbm>>
        %dma_wait3A_65 = tpu.memref_squeeze %dma_wait3A_64 : memref<1x1x128xi32, #tpu.memory_space<hbm>> -> memref<1x128xi32, #tpu.memory_space<hbm>>
        tpu.wait_dma2 semaphore(%run_scoped3A_43 : memref<!tpu.dma_semaphore, #tpu.memory_space<semaphore_mem>>) src(%dma_wait3A_65 : memref<1x128xi32, #tpu.memory_space<hbm>>) dst(%dma_wait3A_62 : memref<1x128xi32, #tpu.memory_space<vmem>>)
        tpu.yield
      }) : () -> ()
    } else {
    }
    %scan3A = arith.constant 0 : i32
    %scan3A_5 = arith.constant 0 : i32
    %scan3A_6 = arith.constant 78 : i32
    %scan3A_7 = arith.addi %scan3A_5, %scan3A_6 : i32
    %scan3A_8 = arith.constant 1 : i32
    scf.for %scan3A_40 = %scan3A_5 to %scan3A_7 step %scan3A_8  : i32 {
      %get3A = arith.index_cast %scan3A_40 : i32 to index
      %get3A_41 = arith.constant 0 : index
      %get3A_42 = tpu.vector_load %arg4[%get3A, %get3A_41] {strides = array<i32>} : memref<79x128xi32, #tpu.memory_space<vmem>>, vector<1x16xi32>,
      %get3A_43 = vector.shape_cast %get3A_42 : vector<1x16xi32> to vector<16xi32>
      %convert_element_type3A_44 = arith.sitofp %get3A_43 : vector<16xi32> to vector<16xf32>
      %mul3A_45 = arith.constant 8.000000e-04 : f32
      %mul3A_46 = vector.broadcast %mul3A_45 : f32 to vector<16xf32>
      %mul3A_47 = arith.mulf %convert_element_type3A_44, %mul3A_46 : vector<16xf32>
      %convert_element_type3A_48 = arith.fptosi %mul3A_47 : vector<16xf32> to vector<16xi32>
      %mul3A_49 = arith.constant 1250 : i32
      %mul3A_50 = vector.broadcast %mul3A_49 : i32 to vector<16xi32>
      %mul3A_51 = arith.muli %convert_element_type3A_48, %mul3A_50 : vector<16xi32>
      %sub3A = arith.subi %get3A_43, %mul3A_51 : vector<16xi32>
      %mul3A_52 = arith.constant 8 : i32
      %mul3A_53 = vector.broadcast %mul3A_52 : i32 to vector<16xi32>
      %mul3A_54 = arith.muli %sub3A, %mul3A_53 : vector<16xi32>
      %add3A_55 = arith.addi %mul3A_54, %convert_element_type3A_48 : vector<16xi32>
      %swap3A = arith.index_cast %scan3A_40 : i32 to index
      %swap3A_56 = arith.constant 0 : index
      %swap3A_57 = tpu.vector_load %arg4[%swap3A, %swap3A_56] {strides = array<i32>} : memref<79x128xi32, #tpu.memory_space<vmem>>, vector<1x16xi32>,
      %swap3A_58 = vector.shape_cast %swap3A_57 : vector<1x16xi32> to vector<16xi32>
      %swap3A_59 = vector.shape_cast %add3A_55 : vector<16xi32> to vector<1x16xi32>
      tpu.vector_store %arg4[%swap3A, %swap3A_56], %swap3A_59 {strides = array<i32>} : memref<79x128xi32, #tpu.memory_space<vmem>>, vector<1x16xi32>,
      %get3A_60 = arith.index_cast %scan3A_40 : i32 to index
      %get3A_61 = arith.constant 16 : index
      %get3A_62 = tpu.vector_load %arg4[%get3A_60, %get3A_61] {strides = array<i32>} : memref<79x128xi32, #tpu.memory_space<vmem>>, vector<1x16xi32>,
      %get3A_63 = vector.shape_cast %get3A_62 : vector<1x16xi32> to vector<16xi32>
      %convert_element_type3A_64 = arith.sitofp %get3A_63 : vector<16xi32> to vector<16xf32>
      %mul3A_65 = arith.constant 8.000000e-04 : f32
      %mul3A_66 = vector.broadcast %mul3A_65 : f32 to vector<16xf32>
      %mul3A_67 = arith.mulf %convert_element_type3A_64, %mul3A_66 : vector<16xf32>
      %convert_element_type3A_68 = arith.fptosi %mul3A_67 : vector<16xf32> to vector<16xi32>
      %mul3A_69 = arith.constant 1250 : i32
      %mul3A_70 = vector.broadcast %mul3A_69 : i32 to vector<16xi32>
      %mul3A_71 = arith.muli %convert_element_type3A_68, %mul3A_70 : vector<16xi32>
      %sub3A_72 = arith.subi %get3A_63, %mul3A_71 : vector<16xi32>
      %mul3A_73 = arith.constant 8 : i32
      %mul3A_74 = vector.broadcast %mul3A_73 : i32 to vector<16xi32>
      %mul3A_75 = arith.muli %sub3A_72, %mul3A_74 : vector<16xi32>
      %add3A_76 = arith.addi %mul3A_75, %convert_element_type3A_68 : vector<16xi32>
      %swap3A_77 = arith.index_cast %scan3A_40 : i32 to index
      %swap3A_78 = arith.constant 16 : index
      %swap3A_79 = tpu.vector_load %arg4[%swap3A_77, %swap3A_78] {strides = array<i32>} : memref<79x128xi32, #tpu.memory_space<vmem>>, vector<1x16xi32>,
      %swap3A_80 = vector.shape_cast %swap3A_79 : vector<1x16xi32> to vector<16xi32>
      %swap3A_81 = vector.shape_cast %add3A_76 : vector<16xi32> to vector<1x16xi32>
      tpu.vector_store %arg4[%swap3A_77, %swap3A_78], %swap3A_81 {strides = array<i32>} : memref<79x128xi32, #tpu.memory_space<vmem>>, vector<1x16xi32>,
      %get3A_82 = arith.index_cast %scan3A_40 : i32 to index
      %get3A_83 = arith.constant 32 : index
      %get3A_84 = tpu.vector_load %arg4[%get3A_82, %get3A_83] {strides = array<i32>} : memref<79x128xi32, #tpu.memory_space<vmem>>, vector<1x16xi32>,
      %get3A_85 = vector.shape_cast %get3A_84 : vector<1x16xi32> to vector<16xi32>
      %convert_element_type3A_86 = arith.sitofp %get3A_85 : vector<16xi32> to vector<16xf32>
      %mul3A_87 = arith.constant 8.000000e-04 : f32
      %mul3A_88 = vector.broadcast %mul3A_87 : f32 to vector<16xf32>
      %mul3A_89 = arith.mulf %convert_element_type3A_86, %mul3A_88 : vector<16xf32>
      %convert_element_type3A_90 = arith.fptosi %mul3A_89 : vector<16xf32> to vector<16xi32>
      %mul3A_91 = arith.constant 1250 : i32
      %mul3A_92 = vector.broadcast %mul3A_91 : i32 to vector<16xi32>
      %mul3A_93 = arith.muli %convert_element_type3A_90, %mul3A_92 : vector<16xi32>
      %sub3A_94 = arith.subi %get3A_85, %mul3A_93 : vector<16xi32>
      %mul3A_95 = arith.constant 8 : i32
      %mul3A_96 = vector.broadcast %mul3A_95 : i32 to vector<16xi32>
      %mul3A_97 = arith.muli %sub3A_94, %mul3A_96 : vector<16xi32>
      %add3A_98 = arith.addi %mul3A_97, %convert_element_type3A_90 : vector<16xi32>
      %swap3A_99 = arith.index_cast %scan3A_40 : i32 to index
      %swap3A_100 = arith.constant 32 : index
      %swap3A_101 = tpu.vector_load %arg4[%swap3A_99, %swap3A_100] {strides = array<i32>} : memref<79x128xi32, #tpu.memory_space<vmem>>, vector<1x16xi32>,
      %swap3A_102 = vector.shape_cast %swap3A_101 : vector<1x16xi32> to vector<16xi32>
      %swap3A_103 = vector.shape_cast %add3A_98 : vector<16xi32> to vector<1x16xi32>
      tpu.vector_store %arg4[%swap3A_99, %swap3A_100], %swap3A_103 {strides = array<i32>} : memref<79x128xi32, #tpu.memory_space<vmem>>, vector<1x16xi32>,
      %get3A_104 = arith.index_cast %scan3A_40 : i32 to index
      %get3A_105 = arith.constant 48 : index
      %get3A_106 = tpu.vector_load %arg4[%get3A_104, %get3A_105] {strides = array<i32>} : memref<79x128xi32, #tpu.memory_space<vmem>>, vector<1x16xi32>,
      %get3A_107 = vector.shape_cast %get3A_106 : vector<1x16xi32> to vector<16xi32>
      %convert_element_type3A_108 = arith.sitofp %get3A_107 : vector<16xi32> to vector<16xf32>
      %mul3A_109 = arith.constant 8.000000e-04 : f32
      %mul3A_110 = vector.broadcast %mul3A_109 : f32 to vector<16xf32>
      %mul3A_111 = arith.mulf %convert_element_type3A_108, %mul3A_110 : vector<16xf32>
      %convert_element_type3A_112 = arith.fptosi %mul3A_111 : vector<16xf32> to vector<16xi32>
      %mul3A_113 = arith.constant 1250 : i32
      %mul3A_114 = vector.broadcast %mul3A_113 : i32 to vector<16xi32>
      %mul3A_115 = arith.muli %convert_element_type3A_112, %mul3A_114 : vector<16xi32>
      %sub3A_116 = arith.subi %get3A_107, %mul3A_115 : vector<16xi32>
      %mul3A_117 = arith.constant 8 : i32
      %mul3A_118 = vector.broadcast %mul3A_117 : i32 to vector<16xi32>
      %mul3A_119 = arith.muli %sub3A_116, %mul3A_118 : vector<16xi32>
      %add3A_120 = arith.addi %mul3A_119, %convert_element_type3A_112 : vector<16xi32>
      %swap3A_121 = arith.index_cast %scan3A_40 : i32 to index
      %swap3A_122 = arith.constant 48 : index
      %swap3A_123 = tpu.vector_load %arg4[%swap3A_121, %swap3A_122] {strides = array<i32>} : memref<79x128xi32, #tpu.memory_space<vmem>>, vector<1x16xi32>,
      %swap3A_124 = vector.shape_cast %swap3A_123 : vector<1x16xi32> to vector<16xi32>
      %swap3A_125 = vector.shape_cast %add3A_120 : vector<16xi32> to vector<1x16xi32>
      tpu.vector_store %arg4[%swap3A_121, %swap3A_122], %swap3A_125 {strides = array<i32>} : memref<79x128xi32, #tpu.memory_space<vmem>>, vector<1x16xi32>,
      %get3A_126 = arith.index_cast %scan3A_40 : i32 to index
      %get3A_127 = arith.constant 64 : index
      %get3A_128 = tpu.vector_load %arg4[%get3A_126, %get3A_127] {strides = array<i32>} : memref<79x128xi32, #tpu.memory_space<vmem>>, vector<1x16xi32>,
      %get3A_129 = vector.shape_cast %get3A_128 : vector<1x16xi32> to vector<16xi32>
      %convert_element_type3A_130 = arith.sitofp %get3A_129 : vector<16xi32> to vector<16xf32>
      %mul3A_131 = arith.constant 8.000000e-04 : f32
      %mul3A_132 = vector.broadcast %mul3A_131 : f32 to vector<16xf32>
      %mul3A_133 = arith.mulf %convert_element_type3A_130, %mul3A_132 : vector<16xf32>
      %convert_element_type3A_134 = arith.fptosi %mul3A_133 : vector<16xf32> to vector<16xi32>
      %mul3A_135 = arith.constant 1250 : i32
      %mul3A_136 = vector.broadcast %mul3A_135 : i32 to vector<16xi32>
      %mul3A_137 = arith.muli %convert_element_type3A_134, %mul3A_136 : vector<16xi32>
      %sub3A_138 = arith.subi %get3A_129, %mul3A_137 : vector<16xi32>
      %mul3A_139 = arith.constant 8 : i32
      %mul3A_140 = vector.broadcast %mul3A_139 : i32 to vector<16xi32>
      %mul3A_141 = arith.muli %sub3A_138, %mul3A_140 : vector<16xi32>
      %add3A_142 = arith.addi %mul3A_141, %convert_element_type3A_134 : vector<16xi32>
      %swap3A_143 = arith.index_cast %scan3A_40 : i32 to index
      %swap3A_144 = arith.constant 64 : index
      %swap3A_145 = tpu.vector_load %arg4[%swap3A_143, %swap3A_144] {strides = array<i32>} : memref<79x128xi32, #tpu.memory_space<vmem>>, vector<1x16xi32>,
      %swap3A_146 = vector.shape_cast %swap3A_145 : vector<1x16xi32> to vector<16xi32>
      %swap3A_147 = vector.shape_cast %add3A_142 : vector<16xi32> to vector<1x16xi32>
      tpu.vector_store %arg4[%swap3A_143, %swap3A_144], %swap3A_147 {strides = array<i32>} : memref<79x128xi32, #tpu.memory_space<vmem>>, vector<1x16xi32>,
      %get3A_148 = arith.index_cast %scan3A_40 : i32 to index
      %get3A_149 = arith.constant 80 : index
      %get3A_150 = tpu.vector_load %arg4[%get3A_148, %get3A_149] {strides = array<i32>} : memref<79x128xi32, #tpu.memory_space<vmem>>, vector<1x16xi32>,
      %get3A_151 = vector.shape_cast %get3A_150 : vector<1x16xi32> to vector<16xi32>
      %convert_element_type3A_152 = arith.sitofp %get3A_151 : vector<16xi32> to vector<16xf32>
      %mul3A_153 = arith.constant 8.000000e-04 : f32
      %mul3A_154 = vector.broadcast %mul3A_153 : f32 to vector<16xf32>
      %mul3A_155 = arith.mulf %convert_element_type3A_152, %mul3A_154 : vector<16xf32>
      %convert_element_type3A_156 = arith.fptosi %mul3A_155 : vector<16xf32> to vector<16xi32>
      %mul3A_157 = arith.constant 1250 : i32
      %mul3A_158 = vector.broadcast %mul3A_157 : i32 to vector<16xi32>
      %mul3A_159 = arith.muli %convert_element_type3A_156, %mul3A_158 : vector<16xi32>
      %sub3A_160 = arith.subi %get3A_151, %mul3A_159 : vector<16xi32>
      %mul3A_161 = arith.constant 8 : i32
      %mul3A_162 = vector.broadcast %mul3A_161 : i32 to vector<16xi32>
      %mul3A_163 = arith.muli %sub3A_160, %mul3A_162 : vector<16xi32>
      %add3A_164 = arith.addi %mul3A_163, %convert_element_type3A_156 : vector<16xi32>
      %swap3A_165 = arith.index_cast %scan3A_40 : i32 to index
      %swap3A_166 = arith.constant 80 : index
      %swap3A_167 = tpu.vector_load %arg4[%swap3A_165, %swap3A_166] {strides = array<i32>} : memref<79x128xi32, #tpu.memory_space<vmem>>, vector<1x16xi32>,
      %swap3A_168 = vector.shape_cast %swap3A_167 : vector<1x16xi32> to vector<16xi32>
      %swap3A_169 = vector.shape_cast %add3A_164 : vector<16xi32> to vector<1x16xi32>
      tpu.vector_store %arg4[%swap3A_165, %swap3A_166], %swap3A_169 {strides = array<i32>} : memref<79x128xi32, #tpu.memory_space<vmem>>, vector<1x16xi32>,
      %get3A_170 = arith.index_cast %scan3A_40 : i32 to index
      %get3A_171 = arith.constant 96 : index
      %get3A_172 = tpu.vector_load %arg4[%get3A_170, %get3A_171] {strides = array<i32>} : memref<79x128xi32, #tpu.memory_space<vmem>>, vector<1x16xi32>,
      %get3A_173 = vector.shape_cast %get3A_172 : vector<1x16xi32> to vector<16xi32>
      %convert_element_type3A_174 = arith.sitofp %get3A_173 : vector<16xi32> to vector<16xf32>
      %mul3A_175 = arith.constant 8.000000e-04 : f32
      %mul3A_176 = vector.broadcast %mul3A_175 : f32 to vector<16xf32>
      %mul3A_177 = arith.mulf %convert_element_type3A_174, %mul3A_176 : vector<16xf32>
      %convert_element_type3A_178 = arith.fptosi %mul3A_177 : vector<16xf32> to vector<16xi32>
      %mul3A_179 = arith.constant 1250 : i32
      %mul3A_180 = vector.broadcast %mul3A_179 : i32 to vector<16xi32>
      %mul3A_181 = arith.muli %convert_element_type3A_178, %mul3A_180 : vector<16xi32>
      %sub3A_182 = arith.subi %get3A_173, %mul3A_181 : vector<16xi32>
      %mul3A_183 = arith.constant 8 : i32
      %mul3A_184 = vector.broadcast %mul3A_183 : i32 to vector<16xi32>
      %mul3A_185 = arith.muli %sub3A_182, %mul3A_184 : vector<16xi32>
      %add3A_186 = arith.addi %mul3A_185, %convert_element_type3A_178 : vector<16xi32>
      %swap3A_187 = arith.index_cast %scan3A_40 : i32 to index
      %swap3A_188 = arith.constant 96 : index
      %swap3A_189 = tpu.vector_load %arg4[%swap3A_187, %swap3A_188] {strides = array<i32>} : memref<79x128xi32, #tpu.memory_space<vmem>>, vector<1x16xi32>,
      %swap3A_190 = vector.shape_cast %swap3A_189 : vector<1x16xi32> to vector<16xi32>
      %swap3A_191 = vector.shape_cast %add3A_186 : vector<16xi32> to vector<1x16xi32>
      tpu.vector_store %arg4[%swap3A_187, %swap3A_188], %swap3A_191 {strides = array<i32>} : memref<79x128xi32, #tpu.memory_space<vmem>>, vector<1x16xi32>,
      %get3A_192 = arith.index_cast %scan3A_40 : i32 to index
      %get3A_193 = arith.constant 112 : index
      %get3A_194 = tpu.vector_load %arg4[%get3A_192, %get3A_193] {strides = array<i32>} : memref<79x128xi32, #tpu.memory_space<vmem>>, vector<1x16xi32>,
      %get3A_195 = vector.shape_cast %get3A_194 : vector<1x16xi32> to vector<16xi32>
      %convert_element_type3A_196 = arith.sitofp %get3A_195 : vector<16xi32> to vector<16xf32>
      %mul3A_197 = arith.constant 8.000000e-04 : f32
      %mul3A_198 = vector.broadcast %mul3A_197 : f32 to vector<16xf32>
      %mul3A_199 = arith.mulf %convert_element_type3A_196, %mul3A_198 : vector<16xf32>
      %convert_element_type3A_200 = arith.fptosi %mul3A_199 : vector<16xf32> to vector<16xi32>
      %mul3A_201 = arith.constant 1250 : i32
      %mul3A_202 = vector.broadcast %mul3A_201 : i32 to vector<16xi32>
      %mul3A_203 = arith.muli %convert_element_type3A_200, %mul3A_202 : vector<16xi32>
      %sub3A_204 = arith.subi %get3A_195, %mul3A_203 : vector<16xi32>
      %mul3A_205 = arith.constant 8 : i32
      %mul3A_206 = vector.broadcast %mul3A_205 : i32 to vector<16xi32>
      %mul3A_207 = arith.muli %sub3A_204, %mul3A_206 : vector<16xi32>
      %add3A_208 = arith.addi %mul3A_207, %convert_element_type3A_200 : vector<16xi32>
      %swap3A_209 = arith.index_cast %scan3A_40 : i32 to index
      %swap3A_210 = arith.constant 112 : index
      %swap3A_211 = tpu.vector_load %arg4[%swap3A_209, %swap3A_210] {strides = array<i32>} : memref<79x128xi32, #tpu.memory_space<vmem>>, vector<1x16xi32>,
      %swap3A_212 = vector.shape_cast %swap3A_211 : vector<1x16xi32> to vector<16xi32>
      %swap3A_213 = vector.shape_cast %add3A_208 : vector<16xi32> to vector<1x16xi32>
      tpu.vector_store %arg4[%swap3A_209, %swap3A_210], %swap3A_213 {strides = array<i32>} : memref<79x128xi32, #tpu.memory_space<vmem>>, vector<1x16xi32>,
    }
    %scan3A_9 = arith.constant 78 : i32
    %convert_element_type3A_10 = arith.extui %lt3A_1 : i1 to i32
    %cond3A_11 = arith.constant 0 : i32
    %cond3A_12 = arith.cmpi ne, %convert_element_type3A_10, %cond3A_11 : i32
    scf.if %cond3A_12 {
      %scan3A_40 = arith.constant 0 : i32
      %scan3A_41 = arith.constant 78 : i32
      %get3A = arith.index_cast %scan3A_41 : i32 to index
      %get3A_42 = arith.constant 0 : index
      %get3A_43 = tpu.vector_load %arg4[%get3A, %get3A_42] {strides = array<i32>} : memref<79x128xi32, #tpu.memory_space<vmem>>, vector<1x16xi32>,
      %get3A_44 = vector.shape_cast %get3A_43 : vector<1x16xi32> to vector<16xi32>
      %convert_element_type3A_45 = arith.sitofp %get3A_44 : vector<16xi32> to vector<16xf32>
      %mul3A_46 = arith.constant 8.000000e-04 : f32
      %mul3A_47 = vector.broadcast %mul3A_46 : f32 to vector<16xf32>
      %mul3A_48 = arith.mulf %convert_element_type3A_45, %mul3A_47 : vector<16xf32>
      %convert_element_type3A_49 = arith.fptosi %mul3A_48 : vector<16xf32> to vector<16xi32>
      %mul3A_50 = arith.constant 1250 : i32
      %mul3A_51 = vector.broadcast %mul3A_50 : i32 to vector<16xi32>
      %mul3A_52 = arith.muli %convert_element_type3A_49, %mul3A_51 : vector<16xi32>
      %sub3A = arith.subi %get3A_44, %mul3A_52 : vector<16xi32>
      %mul3A_53 = arith.constant 8 : i32
      %mul3A_54 = vector.broadcast %mul3A_53 : i32 to vector<16xi32>
      %mul3A_55 = arith.muli %sub3A, %mul3A_54 : vector<16xi32>
      %add3A_56 = arith.addi %mul3A_55, %convert_element_type3A_49 : vector<16xi32>
      %swap3A = arith.index_cast %scan3A_41 : i32 to index
      %swap3A_57 = arith.constant 0 : index
      %swap3A_58 = tpu.vector_load %arg4[%swap3A, %swap3A_57] {strides = array<i32>} : memref<79x128xi32, #tpu.memory_space<vmem>>, vector<1x16xi32>,
      %swap3A_59 = vector.shape_cast %swap3A_58 : vector<1x16xi32> to vector<16xi32>
      %swap3A_60 = vector.shape_cast %add3A_56 : vector<16xi32> to vector<1x16xi32>
      tpu.vector_store %arg4[%swap3A, %swap3A_57], %swap3A_60 {strides = array<i32>} : memref<79x128xi32, #tpu.memory_space<vmem>>, vector<1x16xi32>,
      %get3A_61 = arith.index_cast %scan3A_41 : i32 to index
      %get3A_62 = arith.constant 16 : index
      %get3A_63 = tpu.vector_load %arg4[%get3A_61, %get3A_62] {strides = array<i32>} : memref<79x128xi32, #tpu.memory_space<vmem>>, vector<1x16xi32>,
      %get3A_64 = vector.shape_cast %get3A_63 : vector<1x16xi32> to vector<16xi32>
      %convert_element_type3A_65 = arith.sitofp %get3A_64 : vector<16xi32> to vector<16xf32>
      %mul3A_66 = arith.constant 8.000000e-04 : f32
      %mul3A_67 = vector.broadcast %mul3A_66 : f32 to vector<16xf32>
      %mul3A_68 = arith.mulf %convert_element_type3A_65, %mul3A_67 : vector<16xf32>
      %convert_element_type3A_69 = arith.fptosi %mul3A_68 : vector<16xf32> to vector<16xi32>
      %mul3A_70 = arith.constant 1250 : i32
      %mul3A_71 = vector.broadcast %mul3A_70 : i32 to vector<16xi32>
      %mul3A_72 = arith.muli %convert_element_type3A_69, %mul3A_71 : vector<16xi32>
      %sub3A_73 = arith.subi %get3A_64, %mul3A_72 : vector<16xi32>
      %mul3A_74 = arith.constant 8 : i32
      %mul3A_75 = vector.broadcast %mul3A_74 : i32 to vector<16xi32>
      %mul3A_76 = arith.muli %sub3A_73, %mul3A_75 : vector<16xi32>
      %add3A_77 = arith.addi %mul3A_76, %convert_element_type3A_69 : vector<16xi32>
      %swap3A_78 = arith.index_cast %scan3A_41 : i32 to index
      %swap3A_79 = arith.constant 16 : index
      %swap3A_80 = tpu.vector_load %arg4[%swap3A_78, %swap3A_79] {strides = array<i32>} : memref<79x128xi32, #tpu.memory_space<vmem>>, vector<1x16xi32>,
      %swap3A_81 = vector.shape_cast %swap3A_80 : vector<1x16xi32> to vector<16xi32>
      %swap3A_82 = vector.shape_cast %add3A_77 : vector<16xi32> to vector<1x16xi32>
      tpu.vector_store %arg4[%swap3A_78, %swap3A_79], %swap3A_82 {strides = array<i32>} : memref<79x128xi32, #tpu.memory_space<vmem>>, vector<1x16xi32>,
      %get3A_83 = arith.index_cast %scan3A_41 : i32 to index
      %get3A_84 = arith.constant 32 : index
      %get3A_85 = tpu.vector_load %arg4[%get3A_83, %get3A_84] {strides = array<i32>} : memref<79x128xi32, #tpu.memory_space<vmem>>, vector<1x16xi32>,
      %get3A_86 = vector.shape_cast %get3A_85 : vector<1x16xi32> to vector<16xi32>
      %convert_element_type3A_87 = arith.sitofp %get3A_86 : vector<16xi32> to vector<16xf32>
      %mul3A_88 = arith.constant 8.000000e-04 : f32
      %mul3A_89 = vector.broadcast %mul3A_88 : f32 to vector<16xf32>
      %mul3A_90 = arith.mulf %convert_element_type3A_87, %mul3A_89 : vector<16xf32>
      %convert_element_type3A_91 = arith.fptosi %mul3A_90 : vector<16xf32> to vector<16xi32>
      %mul3A_92 = arith.constant 1250 : i32
      %mul3A_93 = vector.broadcast %mul3A_92 : i32 to vector<16xi32>
      %mul3A_94 = arith.muli %convert_element_type3A_91, %mul3A_93 : vector<16xi32>
      %sub3A_95 = arith.subi %get3A_86, %mul3A_94 : vector<16xi32>
      %mul3A_96 = arith.constant 8 : i32
      %mul3A_97 = vector.broadcast %mul3A_96 : i32 to vector<16xi32>
      %mul3A_98 = arith.muli %sub3A_95, %mul3A_97 : vector<16xi32>
      %add3A_99 = arith.addi %mul3A_98, %convert_element_type3A_91 : vector<16xi32>
      %swap3A_100 = arith.index_cast %scan3A_41 : i32 to index
      %swap3A_101 = arith.constant 32 : index
      %swap3A_102 = tpu.vector_load %arg4[%swap3A_100, %swap3A_101] {strides = array<i32>} : memref<79x128xi32, #tpu.memory_space<vmem>>, vector<1x16xi32>,
      %swap3A_103 = vector.shape_cast %swap3A_102 : vector<1x16xi32> to vector<16xi32>
      %swap3A_104 = vector.shape_cast %add3A_99 : vector<16xi32> to vector<1x16xi32>
      tpu.vector_store %arg4[%swap3A_100, %swap3A_101], %swap3A_104 {strides = array<i32>} : memref<79x128xi32, #tpu.memory_space<vmem>>, vector<1x16xi32>,
      %get3A_105 = arith.index_cast %scan3A_41 : i32 to index
      %get3A_106 = arith.constant 48 : index
      %get3A_107 = tpu.vector_load %arg4[%get3A_105, %get3A_106] {strides = array<i32>} : memref<79x128xi32, #tpu.memory_space<vmem>>, vector<1x16xi32>,
      %get3A_108 = vector.shape_cast %get3A_107 : vector<1x16xi32> to vector<16xi32>
      %convert_element_type3A_109 = arith.sitofp %get3A_108 : vector<16xi32> to vector<16xf32>
      %mul3A_110 = arith.constant 8.000000e-04 : f32
      %mul3A_111 = vector.broadcast %mul3A_110 : f32 to vector<16xf32>
      %mul3A_112 = arith.mulf %convert_element_type3A_109, %mul3A_111 : vector<16xf32>
      %convert_element_type3A_113 = arith.fptosi %mul3A_112 : vector<16xf32> to vector<16xi32>
      %mul3A_114 = arith.constant 1250 : i32
      %mul3A_115 = vector.broadcast %mul3A_114 : i32 to vector<16xi32>
      %mul3A_116 = arith.muli %convert_element_type3A_113, %mul3A_115 : vector<16xi32>
      %sub3A_117 = arith.subi %get3A_108, %mul3A_116 : vector<16xi32>
      %mul3A_118 = arith.constant 8 : i32
      %mul3A_119 = vector.broadcast %mul3A_118 : i32 to vector<16xi32>
      %mul3A_120 = arith.muli %sub3A_117, %mul3A_119 : vector<16xi32>
      %add3A_121 = arith.addi %mul3A_120, %convert_element_type3A_113 : vector<16xi32>
      %swap3A_122 = arith.index_cast %scan3A_41 : i32 to index
      %swap3A_123 = arith.constant 48 : index
      %swap3A_124 = tpu.vector_load %arg4[%swap3A_122, %swap3A_123] {strides = array<i32>} : memref<79x128xi32, #tpu.memory_space<vmem>>, vector<1x16xi32>,
      %swap3A_125 = vector.shape_cast %swap3A_124 : vector<1x16xi32> to vector<16xi32>
      %swap3A_126 = vector.shape_cast %add3A_121 : vector<16xi32> to vector<1x16xi32>
      tpu.vector_store %arg4[%swap3A_122, %swap3A_123], %swap3A_126 {strides = array<i32>} : memref<79x128xi32, #tpu.memory_space<vmem>>, vector<1x16xi32>,
      %get3A_127 = arith.index_cast %scan3A_41 : i32 to index
      %get3A_128 = arith.constant 64 : index
      %get3A_129 = tpu.vector_load %arg4[%get3A_127, %get3A_128] {strides = array<i32>} : memref<79x128xi32, #tpu.memory_space<vmem>>, vector<1x16xi32>,
      %get3A_130 = vector.shape_cast %get3A_129 : vector<1x16xi32> to vector<16xi32>
      %convert_element_type3A_131 = arith.sitofp %get3A_130 : vector<16xi32> to vector<16xf32>
      %mul3A_132 = arith.constant 8.000000e-04 : f32
      %mul3A_133 = vector.broadcast %mul3A_132 : f32 to vector<16xf32>
      %mul3A_134 = arith.mulf %convert_element_type3A_131, %mul3A_133 : vector<16xf32>
      %convert_element_type3A_135 = arith.fptosi %mul3A_134 : vector<16xf32> to vector<16xi32>
      %mul3A_136 = arith.constant 1250 : i32
      %mul3A_137 = vector.broadcast %mul3A_136 : i32 to vector<16xi32>
      %mul3A_138 = arith.muli %convert_element_type3A_135, %mul3A_137 : vector<16xi32>
      %sub3A_139 = arith.subi %get3A_130, %mul3A_138 : vector<16xi32>
      %mul3A_140 = arith.constant 8 : i32
      %mul3A_141 = vector.broadcast %mul3A_140 : i32 to vector<16xi32>
      %mul3A_142 = arith.muli %sub3A_139, %mul3A_141 : vector<16xi32>
      %add3A_143 = arith.addi %mul3A_142, %convert_element_type3A_135 : vector<16xi32>
      %swap3A_144 = arith.index_cast %scan3A_41 : i32 to index
      %swap3A_145 = arith.constant 64 : index
      %swap3A_146 = tpu.vector_load %arg4[%swap3A_144, %swap3A_145] {strides = array<i32>} : memref<79x128xi32, #tpu.memory_space<vmem>>, vector<1x16xi32>,
      %swap3A_147 = vector.shape_cast %swap3A_146 : vector<1x16xi32> to vector<16xi32>
      %swap3A_148 = vector.shape_cast %add3A_143 : vector<16xi32> to vector<1x16xi32>
      tpu.vector_store %arg4[%swap3A_144, %swap3A_145], %swap3A_148 {strides = array<i32>} : memref<79x128xi32, #tpu.memory_space<vmem>>, vector<1x16xi32>,
      %get3A_149 = arith.index_cast %scan3A_41 : i32 to index
      %get3A_150 = arith.constant 80 : index
      %get3A_151 = tpu.vector_load %arg4[%get3A_149, %get3A_150] {strides = array<i32>} : memref<79x128xi32, #tpu.memory_space<vmem>>, vector<1x16xi32>,
      %get3A_152 = vector.shape_cast %get3A_151 : vector<1x16xi32> to vector<16xi32>
      %convert_element_type3A_153 = arith.sitofp %get3A_152 : vector<16xi32> to vector<16xf32>
      %mul3A_154 = arith.constant 8.000000e-04 : f32
      %mul3A_155 = vector.broadcast %mul3A_154 : f32 to vector<16xf32>
      %mul3A_156 = arith.mulf %convert_element_type3A_153, %mul3A_155 : vector<16xf32>
      %convert_element_type3A_157 = arith.fptosi %mul3A_156 : vector<16xf32> to vector<16xi32>
      %mul3A_158 = arith.constant 1250 : i32
      %mul3A_159 = vector.broadcast %mul3A_158 : i32 to vector<16xi32>
      %mul3A_160 = arith.muli %convert_element_type3A_157, %mul3A_159 : vector<16xi32>
      %sub3A_161 = arith.subi %get3A_152, %mul3A_160 : vector<16xi32>
      %mul3A_162 = arith.constant 8 : i32
      %mul3A_163 = vector.broadcast %mul3A_162 : i32 to vector<16xi32>
      %mul3A_164 = arith.muli %sub3A_161, %mul3A_163 : vector<16xi32>
      %add3A_165 = arith.addi %mul3A_164, %convert_element_type3A_157 : vector<16xi32>
      %swap3A_166 = arith.index_cast %scan3A_41 : i32 to index
      %swap3A_167 = arith.constant 80 : index
      %swap3A_168 = tpu.vector_load %arg4[%swap3A_166, %swap3A_167] {strides = array<i32>} : memref<79x128xi32, #tpu.memory_space<vmem>>, vector<1x16xi32>,
      %swap3A_169 = vector.shape_cast %swap3A_168 : vector<1x16xi32> to vector<16xi32>
      %swap3A_170 = vector.shape_cast %add3A_165 : vector<16xi32> to vector<1x16xi32>
      tpu.vector_store %arg4[%swap3A_166, %swap3A_167], %swap3A_170 {strides = array<i32>} : memref<79x128xi32, #tpu.memory_space<vmem>>, vector<1x16xi32>,
      %get3A_171 = arith.index_cast %scan3A_41 : i32 to index
      %get3A_172 = arith.constant 96 : index
      %get3A_173 = tpu.vector_load %arg4[%get3A_171, %get3A_172] {strides = array<i32>} : memref<79x128xi32, #tpu.memory_space<vmem>>, vector<1x16xi32>,
      %get3A_174 = vector.shape_cast %get3A_173 : vector<1x16xi32> to vector<16xi32>
      %convert_element_type3A_175 = arith.sitofp %get3A_174 : vector<16xi32> to vector<16xf32>
      %mul3A_176 = arith.constant 8.000000e-04 : f32
      %mul3A_177 = vector.broadcast %mul3A_176 : f32 to vector<16xf32>
      %mul3A_178 = arith.mulf %convert_element_type3A_175, %mul3A_177 : vector<16xf32>
      %convert_element_type3A_179 = arith.fptosi %mul3A_178 : vector<16xf32> to vector<16xi32>
      %mul3A_180 = arith.constant 1250 : i32
      %mul3A_181 = vector.broadcast %mul3A_180 : i32 to vector<16xi32>
      %mul3A_182 = arith.muli %convert_element_type3A_179, %mul3A_181 : vector<16xi32>
      %sub3A_183 = arith.subi %get3A_174, %mul3A_182 : vector<16xi32>
      %mul3A_184 = arith.constant 8 : i32
      %mul3A_185 = vector.broadcast %mul3A_184 : i32 to vector<16xi32>
      %mul3A_186 = arith.muli %sub3A_183, %mul3A_185 : vector<16xi32>
      %add3A_187 = arith.addi %mul3A_186, %convert_element_type3A_179 : vector<16xi32>
      %swap3A_188 = arith.index_cast %scan3A_41 : i32 to index
      %swap3A_189 = arith.constant 96 : index
      %swap3A_190 = tpu.vector_load %arg4[%swap3A_188, %swap3A_189] {strides = array<i32>} : memref<79x128xi32, #tpu.memory_space<vmem>>, vector<1x16xi32>,
      %swap3A_191 = vector.shape_cast %swap3A_190 : vector<1x16xi32> to vector<16xi32>
      %swap3A_192 = vector.shape_cast %add3A_187 : vector<16xi32> to vector<1x16xi32>
      tpu.vector_store %arg4[%swap3A_188, %swap3A_189], %swap3A_192 {strides = array<i32>} : memref<79x128xi32, #tpu.memory_space<vmem>>, vector<1x16xi32>,
      %get3A_193 = arith.index_cast %scan3A_41 : i32 to index
      %get3A_194 = arith.constant 112 : index
      %get3A_195 = tpu.vector_load %arg4[%get3A_193, %get3A_194] {strides = array<i32>} : memref<79x128xi32, #tpu.memory_space<vmem>>, vector<1x16xi32>,
      %get3A_196 = vector.shape_cast %get3A_195 : vector<1x16xi32> to vector<16xi32>
      %convert_element_type3A_197 = arith.sitofp %get3A_196 : vector<16xi32> to vector<16xf32>
      %mul3A_198 = arith.constant 8.000000e-04 : f32
      %mul3A_199 = vector.broadcast %mul3A_198 : f32 to vector<16xf32>
      %mul3A_200 = arith.mulf %convert_element_type3A_197, %mul3A_199 : vector<16xf32>
      %convert_element_type3A_201 = arith.fptosi %mul3A_200 : vector<16xf32> to vector<16xi32>
      %mul3A_202 = arith.constant 1250 : i32
      %mul3A_203 = vector.broadcast %mul3A_202 : i32 to vector<16xi32>
      %mul3A_204 = arith.muli %convert_element_type3A_201, %mul3A_203 : vector<16xi32>
      %sub3A_205 = arith.subi %get3A_196, %mul3A_204 : vector<16xi32>
      %mul3A_206 = arith.constant 8 : i32
      %mul3A_207 = vector.broadcast %mul3A_206 : i32 to vector<16xi32>
      %mul3A_208 = arith.muli %sub3A_205, %mul3A_207 : vector<16xi32>
      %add3A_209 = arith.addi %mul3A_208, %convert_element_type3A_201 : vector<16xi32>
      %swap3A_210 = arith.index_cast %scan3A_41 : i32 to index
      %swap3A_211 = arith.constant 112 : index
      %swap3A_212 = tpu.vector_load %arg4[%swap3A_210, %swap3A_211] {strides = array<i32>} : memref<79x128xi32, #tpu.memory_space<vmem>>, vector<1x16xi32>,
      %swap3A_213 = vector.shape_cast %swap3A_212 : vector<1x16xi32> to vector<16xi32>
      %swap3A_214 = vector.shape_cast %add3A_209 : vector<16xi32> to vector<1x16xi32>
      tpu.vector_store %arg4[%swap3A_210, %swap3A_211], %swap3A_214 {strides = array<i32>} : memref<79x128xi32, #tpu.memory_space<vmem>>, vector<1x16xi32>,
      %scan3A_215 = arith.constant 1 : i32
    } else {
    }
    %mul3A_13 = arith.constant 78 : i32
    %mul3A_14 = arith.muli %add3A, %mul3A_13 : i32
    %run_scoped3A_15 = arith.constant 0 : i32
    "tpu.region"() ({
      %run_scoped3A_40 = tpu.sem_alloc : memref<!tpu.dma_semaphore, #tpu.memory_space<semaphore_mem>>
      %dma_start3A = arith.constant 0 : i32
      %dma_start3A_41 = arith.constant 0 : i32
      %dma_start3A_42 = tpu.memref_slice %arg4[%dma_start3A, %dma_start3A_41] : memref<79x128xi32, #tpu.memory_space<vmem>> -> memref<78x128xi32, #tpu.memory_space<vmem>>
      %dma_start3A_43 = arith.constant 0 : i32
      %dma_start3A_44 = tpu.memref_slice %arg3[%run_scoped3A_15, %mul3A_14, %dma_start3A_43] : memref<2x2500x128xi32, #tpu.memory_space<hbm>> -> memref<1x78x128xi32, #tpu.memory_space<hbm>>
      %dma_start3A_45 = tpu.memref_squeeze %dma_start3A_44 : memref<1x78x128xi32, #tpu.memory_space<hbm>> -> memref<78x128xi32, #tpu.memory_space<hbm>>
      %dma_start3A_46 = arith.constant 0 : i32
      %dma_start3A_47 = tpu.memref_slice %arg3[%run_scoped3A_15, %mul3A_14, %dma_start3A_46] : memref<2x2500x128xi32, #tpu.memory_space<hbm>> -> memref<1x78x128xi32, #tpu.memory_space<hbm>>
      %dma_start3A_48 = tpu.memref_squeeze %dma_start3A_47 : memref<1x78x128xi32, #tpu.memory_space<hbm>> -> memref<78x128xi32, #tpu.memory_space<hbm>>
      %dma_start3A_49 = arith.constant 0 : i32
      %dma_start3A_50 = arith.constant 0 : i32
      %dma_start3A_51 = tpu.memref_slice %arg4[%dma_start3A_49, %dma_start3A_50] : memref<79x128xi32, #tpu.memory_space<vmem>> -> memref<78x128xi32, #tpu.memory_space<vmem>>
      tpu.enqueue_dma source(%dma_start3A_51 : memref<78x128xi32, #tpu.memory_space<vmem>>) target(%dma_start3A_48 : memref<78x128xi32, #tpu.memory_space<hbm>>) target_semaphore(%run_scoped3A_40 : memref<!tpu.dma_semaphore, #tpu.memory_space<semaphore_mem>>)
      %dma_wait3A = arith.constant 0 : i32
      %dma_wait3A_52 = arith.constant 0 : i32
      %dma_wait3A_53 = tpu.memref_slice %arg4[%dma_wait3A, %dma_wait3A_52] : memref<79x128xi32, #tpu.memory_space<vmem>> -> memref<78x128xi32, #tpu.memory_space<vmem>>
      %dma_wait3A_54 = arith.constant 0 : i32
      %dma_wait3A_55 = tpu.memref_slice %arg3[%run_scoped3A_15, %mul3A_14, %dma_wait3A_54] : memref<2x2500x128xi32, #tpu.memory_space<hbm>> -> memref<1x78x128xi32, #tpu.memory_space<hbm>>
      %dma_wait3A_56 = tpu.memref_squeeze %dma_wait3A_55 : memref<1x78x128xi32, #tpu.memory_space<hbm>> -> memref<78x128xi32, #tpu.memory_space<hbm>>
      %dma_wait3A_57 = arith.constant 0 : i32
      %dma_wait3A_58 = tpu.memref_slice %arg3[%run_scoped3A_15, %mul3A_14, %dma_wait3A_57] : memref<2x2500x128xi32, #tpu.memory_space<hbm>> -> memref<1x78x128xi32, #tpu.memory_space<hbm>>
      %dma_wait3A_59 = tpu.memref_squeeze %dma_wait3A_58 : memref<1x78x128xi32, #tpu.memory_space<hbm>> -> memref<78x128xi32, #tpu.memory_space<hbm>>
      %dma_wait3A_60 = arith.constant 0 : i32
      %dma_wait3A_61 = arith.constant 0 : i32
      %dma_wait3A_62 = tpu.memref_slice %arg4[%dma_wait3A_60, %dma_wait3A_61] : memref<79x128xi32, #tpu.memory_space<vmem>> -> memref<78x128xi32, #tpu.memory_space<vmem>>
      tpu.wait_dma2 semaphore(%run_scoped3A_40 : memref<!tpu.dma_semaphore, #tpu.memory_space<semaphore_mem>>) src(%dma_wait3A_62 : memref<78x128xi32, #tpu.memory_space<vmem>>) dst(%dma_wait3A_59 : memref<78x128xi32, #tpu.memory_space<hbm>>)
      tpu.yield
    }) : () -> ()
    %convert_element_type3A_16 = arith.extui %lt3A_1 : i1 to i32
    %cond3A_17 = arith.constant 0 : i32
    %cond3A_18 = arith.cmpi ne, %convert_element_type3A_16, %cond3A_17 : i32
    scf.if %cond3A_18 {
      %add3A_40 = arith.constant 2496 : i32
      %add3A_41 = arith.addi %add3A_40, %add3A : i32
      %run_scoped3A_42 = arith.constant 0 : i32
      "tpu.region"() ({
        %run_scoped3A_43 = tpu.sem_alloc : memref<!tpu.dma_semaphore, #tpu.memory_space<semaphore_mem>>
        %dma_start3A = arith.constant 78 : i32
        %dma_start3A_44 = arith.constant 0 : i32
        %dma_start3A_45 = tpu.memref_slice %arg4[%dma_start3A, %dma_start3A_44] : memref<79x128xi32, #tpu.memory_space<vmem>> -> memref<1x128xi32, #tpu.memory_space<vmem>>
        %dma_start3A_46 = arith.constant 0 : i32
        %dma_start3A_47 = tpu.memref_slice %arg3[%run_scoped3A_42, %add3A_41, %dma_start3A_46] : memref<2x2500x128xi32, #tpu.memory_space<hbm>> -> memref<1x1x128xi32, #tpu.memory_space<hbm>>
        %dma_start3A_48 = tpu.memref_squeeze %dma_start3A_47 : memref<1x1x128xi32, #tpu.memory_space<hbm>> -> memref<1x128xi32, #tpu.memory_space<hbm>>
        %dma_start3A_49 = arith.constant 0 : i32
        %dma_start3A_50 = tpu.memref_slice %arg3[%run_scoped3A_42, %add3A_41, %dma_start3A_49] : memref<2x2500x128xi32, #tpu.memory_space<hbm>> -> memref<1x1x128xi32, #tpu.memory_space<hbm>>
        %dma_start3A_51 = tpu.memref_squeeze %dma_start3A_50 : memref<1x1x128xi32, #tpu.memory_space<hbm>> -> memref<1x128xi32, #tpu.memory_space<hbm>>
        %dma_start3A_52 = arith.constant 78 : i32
        %dma_start3A_53 = arith.constant 0 : i32
        %dma_start3A_54 = tpu.memref_slice %arg4[%dma_start3A_52, %dma_start3A_53] : memref<79x128xi32, #tpu.memory_space<vmem>> -> memref<1x128xi32, #tpu.memory_space<vmem>>
        tpu.enqueue_dma source(%dma_start3A_54 : memref<1x128xi32, #tpu.memory_space<vmem>>) target(%dma_start3A_51 : memref<1x128xi32, #tpu.memory_space<hbm>>) target_semaphore(%run_scoped3A_43 : memref<!tpu.dma_semaphore, #tpu.memory_space<semaphore_mem>>)
        %dma_wait3A = arith.constant 78 : i32
        %dma_wait3A_55 = arith.constant 0 : i32
        %dma_wait3A_56 = tpu.memref_slice %arg4[%dma_wait3A, %dma_wait3A_55] : memref<79x128xi32, #tpu.memory_space<vmem>> -> memref<1x128xi32, #tpu.memory_space<vmem>>
        %dma_wait3A_57 = arith.constant 0 : i32
        %dma_wait3A_58 = tpu.memref_slice %arg3[%run_scoped3A_42, %add3A_41, %dma_wait3A_57] : memref<2x2500x128xi32, #tpu.memory_space<hbm>> -> memref<1x1x128xi32, #tpu.memory_space<hbm>>
        %dma_wait3A_59 = tpu.memref_squeeze %dma_wait3A_58 : memref<1x1x128xi32, #tpu.memory_space<hbm>> -> memref<1x128xi32, #tpu.memory_space<hbm>>
        %dma_wait3A_60 = arith.constant 0 : i32
        %dma_wait3A_61 = tpu.memref_slice %arg3[%run_scoped3A_42, %add3A_41, %dma_wait3A_60] : memref<2x2500x128xi32, #tpu.memory_space<hbm>> -> memref<1x1x128xi32, #tpu.memory_space<hbm>>
        %dma_wait3A_62 = tpu.memref_squeeze %dma_wait3A_61 : memref<1x1x128xi32, #tpu.memory_space<hbm>> -> memref<1x128xi32, #tpu.memory_space<hbm>>
        %dma_wait3A_63 = arith.constant 78 : i32
        %dma_wait3A_64 = arith.constant 0 : i32
        %dma_wait3A_65 = tpu.memref_slice %arg4[%dma_wait3A_63, %dma_wait3A_64] : memref<79x128xi32, #tpu.memory_space<vmem>> -> memref<1x128xi32, #tpu.memory_space<vmem>>
        tpu.wait_dma2 semaphore(%run_scoped3A_43 : memref<!tpu.dma_semaphore, #tpu.memory_space<semaphore_mem>>) src(%dma_wait3A_65 : memref<1x128xi32, #tpu.memory_space<vmem>>) dst(%dma_wait3A_62 : memref<1x128xi32, #tpu.memory_space<hbm>>)
        tpu.yield
      }) : () -> ()
    } else {
    }
    %mul3A_19 = arith.constant 78 : i32
    %mul3A_20 = arith.muli %add3A, %mul3A_19 : i32
    %run_scoped3A_21 = arith.constant 1 : i32
    "tpu.region"() ({
      %run_scoped3A_40 = tpu.sem_alloc : memref<!tpu.dma_semaphore, #tpu.memory_space<semaphore_mem>>
      %dma_start3A = arith.constant 0 : i32
      %dma_start3A_41 = arith.constant 0 : i32
      %dma_start3A_42 = tpu.memref_slice %arg4[%dma_start3A, %dma_start3A_41] : memref<79x128xi32, #tpu.memory_space<vmem>> -> memref<78x128xi32, #tpu.memory_space<vmem>>
      %dma_start3A_43 = arith.constant 0 : i32
      %dma_start3A_44 = tpu.memref_slice %arg2[%mul3A_20, %run_scoped3A_21, %dma_start3A_43] : memref<2500x2x128xi32, #tpu.memory_space<hbm>> -> memref<78x1x128xi32, #tpu.memory_space<hbm>>
      %dma_start3A_45 = tpu.memref_squeeze %dma_start3A_44 : memref<78x1x128xi32, #tpu.memory_space<hbm>> -> memref<78x128xi32, #tpu.memory_space<hbm>>
      %dma_start3A_46 = arith.constant 0 : i32
      %dma_start3A_47 = arith.constant 0 : i32
      %dma_start3A_48 = tpu.memref_slice %arg4[%dma_start3A_46, %dma_start3A_47] : memref<79x128xi32, #tpu.memory_space<vmem>> -> memref<78x128xi32, #tpu.memory_space<vmem>>
      %dma_start3A_49 = arith.constant 0 : i32
      %dma_start3A_50 = tpu.memref_slice %arg2[%mul3A_20, %run_scoped3A_21, %dma_start3A_49] : memref<2500x2x128xi32, #tpu.memory_space<hbm>> -> memref<78x1x128xi32, #tpu.memory_space<hbm>>
      %dma_start3A_51 = tpu.memref_squeeze %dma_start3A_50 : memref<78x1x128xi32, #tpu.memory_space<hbm>> -> memref<78x128xi32, #tpu.memory_space<hbm>>
      tpu.enqueue_dma source(%dma_start3A_51 : memref<78x128xi32, #tpu.memory_space<hbm>>) target(%dma_start3A_48 : memref<78x128xi32, #tpu.memory_space<vmem>>) target_semaphore(%run_scoped3A_40 : memref<!tpu.dma_semaphore, #tpu.memory_space<semaphore_mem>>)
      %dma_wait3A = arith.constant 0 : i32
      %dma_wait3A_52 = arith.constant 0 : i32
      %dma_wait3A_53 = tpu.memref_slice %arg4[%dma_wait3A, %dma_wait3A_52] : memref<79x128xi32, #tpu.memory_space<vmem>> -> memref<78x128xi32, #tpu.memory_space<vmem>>
      %dma_wait3A_54 = arith.constant 0 : i32
      %dma_wait3A_55 = tpu.memref_slice %arg2[%mul3A_20, %run_scoped3A_21, %dma_wait3A_54] : memref<2500x2x128xi32, #tpu.memory_space<hbm>> -> memref<78x1x128xi32, #tpu.memory_space<hbm>>
      %dma_wait3A_56 = tpu.memref_squeeze %dma_wait3A_55 : memref<78x1x128xi32, #tpu.memory_space<hbm>> -> memref<78x128xi32, #tpu.memory_space<hbm>>
      %dma_wait3A_57 = arith.constant 0 : i32
      %dma_wait3A_58 = arith.constant 0 : i32
      %dma_wait3A_59 = tpu.memref_slice %arg4[%dma_wait3A_57, %dma_wait3A_58] : memref<79x128xi32, #tpu.memory_space<vmem>> -> memref<78x128xi32, #tpu.memory_space<vmem>>
      %dma_wait3A_60 = arith.constant 0 : i32
      %dma_wait3A_61 = tpu.memref_slice %arg2[%mul3A_20, %run_scoped3A_21, %dma_wait3A_60] : memref<2500x2x128xi32, #tpu.memory_space<hbm>> -> memref<78x1x128xi32, #tpu.memory_space<hbm>>
      %dma_wait3A_62 = tpu.memref_squeeze %dma_wait3A_61 : memref<78x1x128xi32, #tpu.memory_space<hbm>> -> memref<78x128xi32, #tpu.memory_space<hbm>>
      tpu.wait_dma2 semaphore(%run_scoped3A_40 : memref<!tpu.dma_semaphore, #tpu.memory_space<semaphore_mem>>) src(%dma_wait3A_62 : memref<78x128xi32, #tpu.memory_space<hbm>>) dst(%dma_wait3A_59 : memref<78x128xi32, #tpu.memory_space<vmem>>)
      tpu.yield
    }) : () -> ()
    %convert_element_type3A_22 = arith.extui %lt3A_1 : i1 to i32
    %cond3A_23 = arith.constant 0 : i32
    %cond3A_24 = arith.cmpi ne, %convert_element_type3A_22, %cond3A_23 : i32
    scf.if %cond3A_24 {
      %add3A_40 = arith.constant 2496 : i32
      %add3A_41 = arith.addi %add3A_40, %add3A : i32
      %run_scoped3A_42 = arith.constant 1 : i32
      "tpu.region"() ({
        %run_scoped3A_43 = tpu.sem_alloc : memref<!tpu.dma_semaphore, #tpu.memory_space<semaphore_mem>>
        %dma_start3A = arith.constant 78 : i32
        %dma_start3A_44 = arith.constant 0 : i32
        %dma_start3A_45 = tpu.memref_slice %arg4[%dma_start3A, %dma_start3A_44] : memref<79x128xi32, #tpu.memory_space<vmem>> -> memref<1x128xi32, #tpu.memory_space<vmem>>
        %dma_start3A_46 = arith.constant 0 : i32
        %dma_start3A_47 = tpu.memref_slice %arg2[%add3A_41, %run_scoped3A_42, %dma_start3A_46] : memref<2500x2x128xi32, #tpu.memory_space<hbm>> -> memref<1x1x128xi32, #tpu.memory_space<hbm>>
        %dma_start3A_48 = tpu.memref_squeeze %dma_start3A_47 : memref<1x1x128xi32, #tpu.memory_space<hbm>> -> memref<1x128xi32, #tpu.memory_space<hbm>>
        %dma_start3A_49 = arith.constant 78 : i32
        %dma_start3A_50 = arith.constant 0 : i32
        %dma_start3A_51 = tpu.memref_slice %arg4[%dma_start3A_49, %dma_start3A_50] : memref<79x128xi32, #tpu.memory_space<vmem>> -> memref<1x128xi32, #tpu.memory_space<vmem>>
        %dma_start3A_52 = arith.constant 0 : i32
        %dma_start3A_53 = tpu.memref_slice %arg2[%add3A_41, %run_scoped3A_42, %dma_start3A_52] : memref<2500x2x128xi32, #tpu.memory_space<hbm>> -> memref<1x1x128xi32, #tpu.memory_space<hbm>>
        %dma_start3A_54 = tpu.memref_squeeze %dma_start3A_53 : memref<1x1x128xi32, #tpu.memory_space<hbm>> -> memref<1x128xi32, #tpu.memory_space<hbm>>
        tpu.enqueue_dma source(%dma_start3A_54 : memref<1x128xi32, #tpu.memory_space<hbm>>) target(%dma_start3A_51 : memref<1x128xi32, #tpu.memory_space<vmem>>) target_semaphore(%run_scoped3A_43 : memref<!tpu.dma_semaphore, #tpu.memory_space<semaphore_mem>>)
        %dma_wait3A = arith.constant 78 : i32
        %dma_wait3A_55 = arith.constant 0 : i32
        %dma_wait3A_56 = tpu.memref_slice %arg4[%dma_wait3A, %dma_wait3A_55] : memref<79x128xi32, #tpu.memory_space<vmem>> -> memref<1x128xi32, #tpu.memory_space<vmem>>
        %dma_wait3A_57 = arith.constant 0 : i32
        %dma_wait3A_58 = tpu.memref_slice %arg2[%add3A_41, %run_scoped3A_42, %dma_wait3A_57] : memref<2500x2x128xi32, #tpu.memory_space<hbm>> -> memref<1x1x128xi32, #tpu.memory_space<hbm>>
        %dma_wait3A_59 = tpu.memref_squeeze %dma_wait3A_58 : memref<1x1x128xi32, #tpu.memory_space<hbm>> -> memref<1x128xi32, #tpu.memory_space<hbm>>
        %dma_wait3A_60 = arith.constant 78 : i32
        %dma_wait3A_61 = arith.constant 0 : i32
        %dma_wait3A_62 = tpu.memref_slice %arg4[%dma_wait3A_60, %dma_wait3A_61] : memref<79x128xi32, #tpu.memory_space<vmem>> -> memref<1x128xi32, #tpu.memory_space<vmem>>
        %dma_wait3A_63 = arith.constant 0 : i32
        %dma_wait3A_64 = tpu.memref_slice %arg2[%add3A_41, %run_scoped3A_42, %dma_wait3A_63] : memref<2500x2x128xi32, #tpu.memory_space<hbm>> -> memref<1x1x128xi32, #tpu.memory_space<hbm>>
        %dma_wait3A_65 = tpu.memref_squeeze %dma_wait3A_64 : memref<1x1x128xi32, #tpu.memory_space<hbm>> -> memref<1x128xi32, #tpu.memory_space<hbm>>
        tpu.wait_dma2 semaphore(%run_scoped3A_43 : memref<!tpu.dma_semaphore, #tpu.memory_space<semaphore_mem>>) src(%dma_wait3A_65 : memref<1x128xi32, #tpu.memory_space<hbm>>) dst(%dma_wait3A_62 : memref<1x128xi32, #tpu.memory_space<vmem>>)
        tpu.yield
      }) : () -> ()
    } else {
    }
    %scan3A_25 = arith.constant 0 : i32
    %scan3A_26 = arith.constant 0 : i32
    %scan3A_27 = arith.constant 78 : i32
    %scan3A_28 = arith.addi %scan3A_26, %scan3A_27 : i32
    %scan3A_29 = arith.constant 1 : i32
    scf.for %scan3A_40 = %scan3A_26 to %scan3A_28 step %scan3A_29  : i32 {
      %get3A = arith.index_cast %scan3A_40 : i32 to index
      %get3A_41 = arith.constant 0 : index
      %get3A_42 = tpu.vector_load %arg4[%get3A, %get3A_41] {strides = array<i32>} : memref<79x128xi32, #tpu.memory_space<vmem>>, vector<1x16xi32>,
      %get3A_43 = vector.shape_cast %get3A_42 : vector<1x16xi32> to vector<16xi32>
      %convert_element_type3A_44 = arith.sitofp %get3A_43 : vector<16xi32> to vector<16xf32>
      %mul3A_45 = arith.constant 8.000000e-04 : f32
      %mul3A_46 = vector.broadcast %mul3A_45 : f32 to vector<16xf32>
      %mul3A_47 = arith.mulf %convert_element_type3A_44, %mul3A_46 : vector<16xf32>
      %convert_element_type3A_48 = arith.fptosi %mul3A_47 : vector<16xf32> to vector<16xi32>
      %mul3A_49 = arith.constant 1250 : i32
      %mul3A_50 = vector.broadcast %mul3A_49 : i32 to vector<16xi32>
      %mul3A_51 = arith.muli %convert_element_type3A_48, %mul3A_50 : vector<16xi32>
      %sub3A = arith.subi %get3A_43, %mul3A_51 : vector<16xi32>
      %mul3A_52 = arith.constant 8 : i32
      %mul3A_53 = vector.broadcast %mul3A_52 : i32 to vector<16xi32>
      %mul3A_54 = arith.muli %sub3A, %mul3A_53 : vector<16xi32>
      %add3A_55 = arith.addi %mul3A_54, %convert_element_type3A_48 : vector<16xi32>
      %swap3A = arith.index_cast %scan3A_40 : i32 to index
      %swap3A_56 = arith.constant 0 : index
      %swap3A_57 = tpu.vector_load %arg4[%swap3A, %swap3A_56] {strides = array<i32>} : memref<79x128xi32, #tpu.memory_space<vmem>>, vector<1x16xi32>,
      %swap3A_58 = vector.shape_cast %swap3A_57 : vector<1x16xi32> to vector<16xi32>
      %swap3A_59 = vector.shape_cast %add3A_55 : vector<16xi32> to vector<1x16xi32>
      tpu.vector_store %arg4[%swap3A, %swap3A_56], %swap3A_59 {strides = array<i32>} : memref<79x128xi32, #tpu.memory_space<vmem>>, vector<1x16xi32>,
      %get3A_60 = arith.index_cast %scan3A_40 : i32 to index
      %get3A_61 = arith.constant 16 : index
      %get3A_62 = tpu.vector_load %arg4[%get3A_60, %get3A_61] {strides = array<i32>} : memref<79x128xi32, #tpu.memory_space<vmem>>, vector<1x16xi32>,
      %get3A_63 = vector.shape_cast %get3A_62 : vector<1x16xi32> to vector<16xi32>
      %convert_element_type3A_64 = arith.sitofp %get3A_63 : vector<16xi32> to vector<16xf32>
      %mul3A_65 = arith.constant 8.000000e-04 : f32
      %mul3A_66 = vector.broadcast %mul3A_65 : f32 to vector<16xf32>
      %mul3A_67 = arith.mulf %convert_element_type3A_64, %mul3A_66 : vector<16xf32>
      %convert_element_type3A_68 = arith.fptosi %mul3A_67 : vector<16xf32> to vector<16xi32>
      %mul3A_69 = arith.constant 1250 : i32
      %mul3A_70 = vector.broadcast %mul3A_69 : i32 to vector<16xi32>
      %mul3A_71 = arith.muli %convert_element_type3A_68, %mul3A_70 : vector<16xi32>
      %sub3A_72 = arith.subi %get3A_63, %mul3A_71 : vector<16xi32>
      %mul3A_73 = arith.constant 8 : i32
      %mul3A_74 = vector.broadcast %mul3A_73 : i32 to vector<16xi32>
      %mul3A_75 = arith.muli %sub3A_72, %mul3A_74 : vector<16xi32>
      %add3A_76 = arith.addi %mul3A_75, %convert_element_type3A_68 : vector<16xi32>
      %swap3A_77 = arith.index_cast %scan3A_40 : i32 to index
      %swap3A_78 = arith.constant 16 : index
      %swap3A_79 = tpu.vector_load %arg4[%swap3A_77, %swap3A_78] {strides = array<i32>} : memref<79x128xi32, #tpu.memory_space<vmem>>, vector<1x16xi32>,
      %swap3A_80 = vector.shape_cast %swap3A_79 : vector<1x16xi32> to vector<16xi32>
      %swap3A_81 = vector.shape_cast %add3A_76 : vector<16xi32> to vector<1x16xi32>
      tpu.vector_store %arg4[%swap3A_77, %swap3A_78], %swap3A_81 {strides = array<i32>} : memref<79x128xi32, #tpu.memory_space<vmem>>, vector<1x16xi32>,
      %get3A_82 = arith.index_cast %scan3A_40 : i32 to index
      %get3A_83 = arith.constant 32 : index
      %get3A_84 = tpu.vector_load %arg4[%get3A_82, %get3A_83] {strides = array<i32>} : memref<79x128xi32, #tpu.memory_space<vmem>>, vector<1x16xi32>,
      %get3A_85 = vector.shape_cast %get3A_84 : vector<1x16xi32> to vector<16xi32>
      %convert_element_type3A_86 = arith.sitofp %get3A_85 : vector<16xi32> to vector<16xf32>
      %mul3A_87 = arith.constant 8.000000e-04 : f32
      %mul3A_88 = vector.broadcast %mul3A_87 : f32 to vector<16xf32>
      %mul3A_89 = arith.mulf %convert_element_type3A_86, %mul3A_88 : vector<16xf32>
      %convert_element_type3A_90 = arith.fptosi %mul3A_89 : vector<16xf32> to vector<16xi32>
      %mul3A_91 = arith.constant 1250 : i32
      %mul3A_92 = vector.broadcast %mul3A_91 : i32 to vector<16xi32>
      %mul3A_93 = arith.muli %convert_element_type3A_90, %mul3A_92 : vector<16xi32>
      %sub3A_94 = arith.subi %get3A_85, %mul3A_93 : vector<16xi32>
      %mul3A_95 = arith.constant 8 : i32
      %mul3A_96 = vector.broadcast %mul3A_95 : i32 to vector<16xi32>
      %mul3A_97 = arith.muli %sub3A_94, %mul3A_96 : vector<16xi32>
      %add3A_98 = arith.addi %mul3A_97, %convert_element_type3A_90 : vector<16xi32>
      %swap3A_99 = arith.index_cast %scan3A_40 : i32 to index
      %swap3A_100 = arith.constant 32 : index
      %swap3A_101 = tpu.vector_load %arg4[%swap3A_99, %swap3A_100] {strides = array<i32>} : memref<79x128xi32, #tpu.memory_space<vmem>>, vector<1x16xi32>,
      %swap3A_102 = vector.shape_cast %swap3A_101 : vector<1x16xi32> to vector<16xi32>
      %swap3A_103 = vector.shape_cast %add3A_98 : vector<16xi32> to vector<1x16xi32>
      tpu.vector_store %arg4[%swap3A_99, %swap3A_100], %swap3A_103 {strides = array<i32>} : memref<79x128xi32, #tpu.memory_space<vmem>>, vector<1x16xi32>,
      %get3A_104 = arith.index_cast %scan3A_40 : i32 to index
      %get3A_105 = arith.constant 48 : index
      %get3A_106 = tpu.vector_load %arg4[%get3A_104, %get3A_105] {strides = array<i32>} : memref<79x128xi32, #tpu.memory_space<vmem>>, vector<1x16xi32>,
      %get3A_107 = vector.shape_cast %get3A_106 : vector<1x16xi32> to vector<16xi32>
      %convert_element_type3A_108 = arith.sitofp %get3A_107 : vector<16xi32> to vector<16xf32>
      %mul3A_109 = arith.constant 8.000000e-04 : f32
      %mul3A_110 = vector.broadcast %mul3A_109 : f32 to vector<16xf32>
      %mul3A_111 = arith.mulf %convert_element_type3A_108, %mul3A_110 : vector<16xf32>
      %convert_element_type3A_112 = arith.fptosi %mul3A_111 : vector<16xf32> to vector<16xi32>
      %mul3A_113 = arith.constant 1250 : i32
      %mul3A_114 = vector.broadcast %mul3A_113 : i32 to vector<16xi32>
      %mul3A_115 = arith.muli %convert_element_type3A_112, %mul3A_114 : vector<16xi32>
      %sub3A_116 = arith.subi %get3A_107, %mul3A_115 : vector<16xi32>
      %mul3A_117 = arith.constant 8 : i32
      %mul3A_118 = vector.broadcast %mul3A_117 : i32 to vector<16xi32>
      %mul3A_119 = arith.muli %sub3A_116, %mul3A_118 : vector<16xi32>
      %add3A_120 = arith.addi %mul3A_119, %convert_element_type3A_112 : vector<16xi32>
      %swap3A_121 = arith.index_cast %scan3A_40 : i32 to index
      %swap3A_122 = arith.constant 48 : index
      %swap3A_123 = tpu.vector_load %arg4[%swap3A_121, %swap3A_122] {strides = array<i32>} : memref<79x128xi32, #tpu.memory_space<vmem>>, vector<1x16xi32>,
      %swap3A_124 = vector.shape_cast %swap3A_123 : vector<1x16xi32> to vector<16xi32>
      %swap3A_125 = vector.shape_cast %add3A_120 : vector<16xi32> to vector<1x16xi32>
      tpu.vector_store %arg4[%swap3A_121, %swap3A_122], %swap3A_125 {strides = array<i32>} : memref<79x128xi32, #tpu.memory_space<vmem>>, vector<1x16xi32>,
      %get3A_126 = arith.index_cast %scan3A_40 : i32 to index
      %get3A_127 = arith.constant 64 : index
      %get3A_128 = tpu.vector_load %arg4[%get3A_126, %get3A_127] {strides = array<i32>} : memref<79x128xi32, #tpu.memory_space<vmem>>, vector<1x16xi32>,
      %get3A_129 = vector.shape_cast %get3A_128 : vector<1x16xi32> to vector<16xi32>
      %convert_element_type3A_130 = arith.sitofp %get3A_129 : vector<16xi32> to vector<16xf32>
      %mul3A_131 = arith.constant 8.000000e-04 : f32
      %mul3A_132 = vector.broadcast %mul3A_131 : f32 to vector<16xf32>
      %mul3A_133 = arith.mulf %convert_element_type3A_130, %mul3A_132 : vector<16xf32>
      %convert_element_type3A_134 = arith.fptosi %mul3A_133 : vector<16xf32> to vector<16xi32>
      %mul3A_135 = arith.constant 1250 : i32
      %mul3A_136 = vector.broadcast %mul3A_135 : i32 to vector<16xi32>
      %mul3A_137 = arith.muli %convert_element_type3A_134, %mul3A_136 : vector<16xi32>
      %sub3A_138 = arith.subi %get3A_129, %mul3A_137 : vector<16xi32>
      %mul3A_139 = arith.constant 8 : i32
      %mul3A_140 = vector.broadcast %mul3A_139 : i32 to vector<16xi32>
      %mul3A_141 = arith.muli %sub3A_138, %mul3A_140 : vector<16xi32>
      %add3A_142 = arith.addi %mul3A_141, %convert_element_type3A_134 : vector<16xi32>
      %swap3A_143 = arith.index_cast %scan3A_40 : i32 to index
      %swap3A_144 = arith.constant 64 : index
      %swap3A_145 = tpu.vector_load %arg4[%swap3A_143, %swap3A_144] {strides = array<i32>} : memref<79x128xi32, #tpu.memory_space<vmem>>, vector<1x16xi32>,
      %swap3A_146 = vector.shape_cast %swap3A_145 : vector<1x16xi32> to vector<16xi32>
      %swap3A_147 = vector.shape_cast %add3A_142 : vector<16xi32> to vector<1x16xi32>
      tpu.vector_store %arg4[%swap3A_143, %swap3A_144], %swap3A_147 {strides = array<i32>} : memref<79x128xi32, #tpu.memory_space<vmem>>, vector<1x16xi32>,
      %get3A_148 = arith.index_cast %scan3A_40 : i32 to index
      %get3A_149 = arith.constant 80 : index
      %get3A_150 = tpu.vector_load %arg4[%get3A_148, %get3A_149] {strides = array<i32>} : memref<79x128xi32, #tpu.memory_space<vmem>>, vector<1x16xi32>,
      %get3A_151 = vector.shape_cast %get3A_150 : vector<1x16xi32> to vector<16xi32>
      %convert_element_type3A_152 = arith.sitofp %get3A_151 : vector<16xi32> to vector<16xf32>
      %mul3A_153 = arith.constant 8.000000e-04 : f32
      %mul3A_154 = vector.broadcast %mul3A_153 : f32 to vector<16xf32>
      %mul3A_155 = arith.mulf %convert_element_type3A_152, %mul3A_154 : vector<16xf32>
      %convert_element_type3A_156 = arith.fptosi %mul3A_155 : vector<16xf32> to vector<16xi32>
      %mul3A_157 = arith.constant 1250 : i32
      %mul3A_158 = vector.broadcast %mul3A_157 : i32 to vector<16xi32>
      %mul3A_159 = arith.muli %convert_element_type3A_156, %mul3A_158 : vector<16xi32>
      %sub3A_160 = arith.subi %get3A_151, %mul3A_159 : vector<16xi32>
      %mul3A_161 = arith.constant 8 : i32
      %mul3A_162 = vector.broadcast %mul3A_161 : i32 to vector<16xi32>
      %mul3A_163 = arith.muli %sub3A_160, %mul3A_162 : vector<16xi32>
      %add3A_164 = arith.addi %mul3A_163, %convert_element_type3A_156 : vector<16xi32>
      %swap3A_165 = arith.index_cast %scan3A_40 : i32 to index
      %swap3A_166 = arith.constant 80 : index
      %swap3A_167 = tpu.vector_load %arg4[%swap3A_165, %swap3A_166] {strides = array<i32>} : memref<79x128xi32, #tpu.memory_space<vmem>>, vector<1x16xi32>,
      %swap3A_168 = vector.shape_cast %swap3A_167 : vector<1x16xi32> to vector<16xi32>
      %swap3A_169 = vector.shape_cast %add3A_164 : vector<16xi32> to vector<1x16xi32>
      tpu.vector_store %arg4[%swap3A_165, %swap3A_166], %swap3A_169 {strides = array<i32>} : memref<79x128xi32, #tpu.memory_space<vmem>>, vector<1x16xi32>,
      %get3A_170 = arith.index_cast %scan3A_40 : i32 to index
      %get3A_171 = arith.constant 96 : index
      %get3A_172 = tpu.vector_load %arg4[%get3A_170, %get3A_171] {strides = array<i32>} : memref<79x128xi32, #tpu.memory_space<vmem>>, vector<1x16xi32>,
      %get3A_173 = vector.shape_cast %get3A_172 : vector<1x16xi32> to vector<16xi32>
      %convert_element_type3A_174 = arith.sitofp %get3A_173 : vector<16xi32> to vector<16xf32>
      %mul3A_175 = arith.constant 8.000000e-04 : f32
      %mul3A_176 = vector.broadcast %mul3A_175 : f32 to vector<16xf32>
      %mul3A_177 = arith.mulf %convert_element_type3A_174, %mul3A_176 : vector<16xf32>
      %convert_element_type3A_178 = arith.fptosi %mul3A_177 : vector<16xf32> to vector<16xi32>
      %mul3A_179 = arith.constant 1250 : i32
      %mul3A_180 = vector.broadcast %mul3A_179 : i32 to vector<16xi32>
      %mul3A_181 = arith.muli %convert_element_type3A_178, %mul3A_180 : vector<16xi32>
      %sub3A_182 = arith.subi %get3A_173, %mul3A_181 : vector<16xi32>
      %mul3A_183 = arith.constant 8 : i32
      %mul3A_184 = vector.broadcast %mul3A_183 : i32 to vector<16xi32>
      %mul3A_185 = arith.muli %sub3A_182, %mul3A_184 : vector<16xi32>
      %add3A_186 = arith.addi %mul3A_185, %convert_element_type3A_178 : vector<16xi32>
      %swap3A_187 = arith.index_cast %scan3A_40 : i32 to index
      %swap3A_188 = arith.constant 96 : index
      %swap3A_189 = tpu.vector_load %arg4[%swap3A_187, %swap3A_188] {strides = array<i32>} : memref<79x128xi32, #tpu.memory_space<vmem>>, vector<1x16xi32>,
      %swap3A_190 = vector.shape_cast %swap3A_189 : vector<1x16xi32> to vector<16xi32>
      %swap3A_191 = vector.shape_cast %add3A_186 : vector<16xi32> to vector<1x16xi32>
      tpu.vector_store %arg4[%swap3A_187, %swap3A_188], %swap3A_191 {strides = array<i32>} : memref<79x128xi32, #tpu.memory_space<vmem>>, vector<1x16xi32>,
      %get3A_192 = arith.index_cast %scan3A_40 : i32 to index
      %get3A_193 = arith.constant 112 : index
      %get3A_194 = tpu.vector_load %arg4[%get3A_192, %get3A_193] {strides = array<i32>} : memref<79x128xi32, #tpu.memory_space<vmem>>, vector<1x16xi32>,
      %get3A_195 = vector.shape_cast %get3A_194 : vector<1x16xi32> to vector<16xi32>
      %convert_element_type3A_196 = arith.sitofp %get3A_195 : vector<16xi32> to vector<16xf32>
      %mul3A_197 = arith.constant 8.000000e-04 : f32
      %mul3A_198 = vector.broadcast %mul3A_197 : f32 to vector<16xf32>
      %mul3A_199 = arith.mulf %convert_element_type3A_196, %mul3A_198 : vector<16xf32>
      %convert_element_type3A_200 = arith.fptosi %mul3A_199 : vector<16xf32> to vector<16xi32>
      %mul3A_201 = arith.constant 1250 : i32
      %mul3A_202 = vector.broadcast %mul3A_201 : i32 to vector<16xi32>
      %mul3A_203 = arith.muli %convert_element_type3A_200, %mul3A_202 : vector<16xi32>
      %sub3A_204 = arith.subi %get3A_195, %mul3A_203 : vector<16xi32>
      %mul3A_205 = arith.constant 8 : i32
      %mul3A_206 = vector.broadcast %mul3A_205 : i32 to vector<16xi32>
      %mul3A_207 = arith.muli %sub3A_204, %mul3A_206 : vector<16xi32>
      %add3A_208 = arith.addi %mul3A_207, %convert_element_type3A_200 : vector<16xi32>
      %swap3A_209 = arith.index_cast %scan3A_40 : i32 to index
      %swap3A_210 = arith.constant 112 : index
      %swap3A_211 = tpu.vector_load %arg4[%swap3A_209, %swap3A_210] {strides = array<i32>} : memref<79x128xi32, #tpu.memory_space<vmem>>, vector<1x16xi32>,
      %swap3A_212 = vector.shape_cast %swap3A_211 : vector<1x16xi32> to vector<16xi32>
      %swap3A_213 = vector.shape_cast %add3A_208 : vector<16xi32> to vector<1x16xi32>
      tpu.vector_store %arg4[%swap3A_209, %swap3A_210], %swap3A_213 {strides = array<i32>} : memref<79x128xi32, #tpu.memory_space<vmem>>, vector<1x16xi32>,
    }
    %scan3A_30 = arith.constant 78 : i32
    %convert_element_type3A_31 = arith.extui %lt3A_1 : i1 to i32
    %cond3A_32 = arith.constant 0 : i32
    %cond3A_33 = arith.cmpi ne, %convert_element_type3A_31, %cond3A_32 : i32
    scf.if %cond3A_33 {
      %scan3A_40 = arith.constant 0 : i32
      %scan3A_41 = arith.constant 78 : i32
      %get3A = arith.index_cast %scan3A_41 : i32 to index
      %get3A_42 = arith.constant 0 : index
      %get3A_43 = tpu.vector_load %arg4[%get3A, %get3A_42] {strides = array<i32>} : memref<79x128xi32, #tpu.memory_space<vmem>>, vector<1x16xi32>,
      %get3A_44 = vector.shape_cast %get3A_43 : vector<1x16xi32> to vector<16xi32>
      %convert_element_type3A_45 = arith.sitofp %get3A_44 : vector<16xi32> to vector<16xf32>
      %mul3A_46 = arith.constant 8.000000e-04 : f32
      %mul3A_47 = vector.broadcast %mul3A_46 : f32 to vector<16xf32>
      %mul3A_48 = arith.mulf %convert_element_type3A_45, %mul3A_47 : vector<16xf32>
      %convert_element_type3A_49 = arith.fptosi %mul3A_48 : vector<16xf32> to vector<16xi32>
      %mul3A_50 = arith.constant 1250 : i32
      %mul3A_51 = vector.broadcast %mul3A_50 : i32 to vector<16xi32>
      %mul3A_52 = arith.muli %convert_element_type3A_49, %mul3A_51 : vector<16xi32>
      %sub3A = arith.subi %get3A_44, %mul3A_52 : vector<16xi32>
      %mul3A_53 = arith.constant 8 : i32
      %mul3A_54 = vector.broadcast %mul3A_53 : i32 to vector<16xi32>
      %mul3A_55 = arith.muli %sub3A, %mul3A_54 : vector<16xi32>
      %add3A_56 = arith.addi %mul3A_55, %convert_element_type3A_49 : vector<16xi32>
      %swap3A = arith.index_cast %scan3A_41 : i32 to index
      %swap3A_57 = arith.constant 0 : index
      %swap3A_58 = tpu.vector_load %arg4[%swap3A, %swap3A_57] {strides = array<i32>} : memref<79x128xi32, #tpu.memory_space<vmem>>, vector<1x16xi32>,
      %swap3A_59 = vector.shape_cast %swap3A_58 : vector<1x16xi32> to vector<16xi32>
      %swap3A_60 = vector.shape_cast %add3A_56 : vector<16xi32> to vector<1x16xi32>
      tpu.vector_store %arg4[%swap3A, %swap3A_57], %swap3A_60 {strides = array<i32>} : memref<79x128xi32, #tpu.memory_space<vmem>>, vector<1x16xi32>,
      %get3A_61 = arith.index_cast %scan3A_41 : i32 to index
      %get3A_62 = arith.constant 16 : index
      %get3A_63 = tpu.vector_load %arg4[%get3A_61, %get3A_62] {strides = array<i32>} : memref<79x128xi32, #tpu.memory_space<vmem>>, vector<1x16xi32>,
      %get3A_64 = vector.shape_cast %get3A_63 : vector<1x16xi32> to vector<16xi32>
      %convert_element_type3A_65 = arith.sitofp %get3A_64 : vector<16xi32> to vector<16xf32>
      %mul3A_66 = arith.constant 8.000000e-04 : f32
      %mul3A_67 = vector.broadcast %mul3A_66 : f32 to vector<16xf32>
      %mul3A_68 = arith.mulf %convert_element_type3A_65, %mul3A_67 : vector<16xf32>
      %convert_element_type3A_69 = arith.fptosi %mul3A_68 : vector<16xf32> to vector<16xi32>
      %mul3A_70 = arith.constant 1250 : i32
      %mul3A_71 = vector.broadcast %mul3A_70 : i32 to vector<16xi32>
      %mul3A_72 = arith.muli %convert_element_type3A_69, %mul3A_71 : vector<16xi32>
      %sub3A_73 = arith.subi %get3A_64, %mul3A_72 : vector<16xi32>
      %mul3A_74 = arith.constant 8 : i32
      %mul3A_75 = vector.broadcast %mul3A_74 : i32 to vector<16xi32>
      %mul3A_76 = arith.muli %sub3A_73, %mul3A_75 : vector<16xi32>
      %add3A_77 = arith.addi %mul3A_76, %convert_element_type3A_69 : vector<16xi32>
      %swap3A_78 = arith.index_cast %scan3A_41 : i32 to index
      %swap3A_79 = arith.constant 16 : index
      %swap3A_80 = tpu.vector_load %arg4[%swap3A_78, %swap3A_79] {strides = array<i32>} : memref<79x128xi32, #tpu.memory_space<vmem>>, vector<1x16xi32>,
      %swap3A_81 = vector.shape_cast %swap3A_80 : vector<1x16xi32> to vector<16xi32>
      %swap3A_82 = vector.shape_cast %add3A_77 : vector<16xi32> to vector<1x16xi32>
      tpu.vector_store %arg4[%swap3A_78, %swap3A_79], %swap3A_82 {strides = array<i32>} : memref<79x128xi32, #tpu.memory_space<vmem>>, vector<1x16xi32>,
      %get3A_83 = arith.index_cast %scan3A_41 : i32 to index
      %get3A_84 = arith.constant 32 : index
      %get3A_85 = tpu.vector_load %arg4[%get3A_83, %get3A_84] {strides = array<i32>} : memref<79x128xi32, #tpu.memory_space<vmem>>, vector<1x16xi32>,
      %get3A_86 = vector.shape_cast %get3A_85 : vector<1x16xi32> to vector<16xi32>
      %convert_element_type3A_87 = arith.sitofp %get3A_86 : vector<16xi32> to vector<16xf32>
      %mul3A_88 = arith.constant 8.000000e-04 : f32
      %mul3A_89 = vector.broadcast %mul3A_88 : f32 to vector<16xf32>
      %mul3A_90 = arith.mulf %convert_element_type3A_87, %mul3A_89 : vector<16xf32>
      %convert_element_type3A_91 = arith.fptosi %mul3A_90 : vector<16xf32> to vector<16xi32>
      %mul3A_92 = arith.constant 1250 : i32
      %mul3A_93 = vector.broadcast %mul3A_92 : i32 to vector<16xi32>
      %mul3A_94 = arith.muli %convert_element_type3A_91, %mul3A_93 : vector<16xi32>
      %sub3A_95 = arith.subi %get3A_86, %mul3A_94 : vector<16xi32>
      %mul3A_96 = arith.constant 8 : i32
      %mul3A_97 = vector.broadcast %mul3A_96 : i32 to vector<16xi32>
      %mul3A_98 = arith.muli %sub3A_95, %mul3A_97 : vector<16xi32>
      %add3A_99 = arith.addi %mul3A_98, %convert_element_type3A_91 : vector<16xi32>
      %swap3A_100 = arith.index_cast %scan3A_41 : i32 to index
      %swap3A_101 = arith.constant 32 : index
      %swap3A_102 = tpu.vector_load %arg4[%swap3A_100, %swap3A_101] {strides = array<i32>} : memref<79x128xi32, #tpu.memory_space<vmem>>, vector<1x16xi32>,
      %swap3A_103 = vector.shape_cast %swap3A_102 : vector<1x16xi32> to vector<16xi32>
      %swap3A_104 = vector.shape_cast %add3A_99 : vector<16xi32> to vector<1x16xi32>
      tpu.vector_store %arg4[%swap3A_100, %swap3A_101], %swap3A_104 {strides = array<i32>} : memref<79x128xi32, #tpu.memory_space<vmem>>, vector<1x16xi32>,
      %get3A_105 = arith.index_cast %scan3A_41 : i32 to index
      %get3A_106 = arith.constant 48 : index
      %get3A_107 = tpu.vector_load %arg4[%get3A_105, %get3A_106] {strides = array<i32>} : memref<79x128xi32, #tpu.memory_space<vmem>>, vector<1x16xi32>,
      %get3A_108 = vector.shape_cast %get3A_107 : vector<1x16xi32> to vector<16xi32>
      %convert_element_type3A_109 = arith.sitofp %get3A_108 : vector<16xi32> to vector<16xf32>
      %mul3A_110 = arith.constant 8.000000e-04 : f32
      %mul3A_111 = vector.broadcast %mul3A_110 : f32 to vector<16xf32>
      %mul3A_112 = arith.mulf %convert_element_type3A_109, %mul3A_111 : vector<16xf32>
      %convert_element_type3A_113 = arith.fptosi %mul3A_112 : vector<16xf32> to vector<16xi32>
      %mul3A_114 = arith.constant 1250 : i32
      %mul3A_115 = vector.broadcast %mul3A_114 : i32 to vector<16xi32>
      %mul3A_116 = arith.muli %convert_element_type3A_113, %mul3A_115 : vector<16xi32>
      %sub3A_117 = arith.subi %get3A_108, %mul3A_116 : vector<16xi32>
      %mul3A_118 = arith.constant 8 : i32
      %mul3A_119 = vector.broadcast %mul3A_118 : i32 to vector<16xi32>
      %mul3A_120 = arith.muli %sub3A_117, %mul3A_119 : vector<16xi32>
      %add3A_121 = arith.addi %mul3A_120, %convert_element_type3A_113 : vector<16xi32>
      %swap3A_122 = arith.index_cast %scan3A_41 : i32 to index
      %swap3A_123 = arith.constant 48 : index
      %swap3A_124 = tpu.vector_load %arg4[%swap3A_122, %swap3A_123] {strides = array<i32>} : memref<79x128xi32, #tpu.memory_space<vmem>>, vector<1x16xi32>,
      %swap3A_125 = vector.shape_cast %swap3A_124 : vector<1x16xi32> to vector<16xi32>
      %swap3A_126 = vector.shape_cast %add3A_121 : vector<16xi32> to vector<1x16xi32>
      tpu.vector_store %arg4[%swap3A_122, %swap3A_123], %swap3A_126 {strides = array<i32>} : memref<79x128xi32, #tpu.memory_space<vmem>>, vector<1x16xi32>,
      %get3A_127 = arith.index_cast %scan3A_41 : i32 to index
      %get3A_128 = arith.constant 64 : index
      %get3A_129 = tpu.vector_load %arg4[%get3A_127, %get3A_128] {strides = array<i32>} : memref<79x128xi32, #tpu.memory_space<vmem>>, vector<1x16xi32>,
      %get3A_130 = vector.shape_cast %get3A_129 : vector<1x16xi32> to vector<16xi32>
      %convert_element_type3A_131 = arith.sitofp %get3A_130 : vector<16xi32> to vector<16xf32>
      %mul3A_132 = arith.constant 8.000000e-04 : f32
      %mul3A_133 = vector.broadcast %mul3A_132 : f32 to vector<16xf32>
      %mul3A_134 = arith.mulf %convert_element_type3A_131, %mul3A_133 : vector<16xf32>
      %convert_element_type3A_135 = arith.fptosi %mul3A_134 : vector<16xf32> to vector<16xi32>
      %mul3A_136 = arith.constant 1250 : i32
      %mul3A_137 = vector.broadcast %mul3A_136 : i32 to vector<16xi32>
      %mul3A_138 = arith.muli %convert_element_type3A_135, %mul3A_137 : vector<16xi32>
      %sub3A_139 = arith.subi %get3A_130, %mul3A_138 : vector<16xi32>
      %mul3A_140 = arith.constant 8 : i32
      %mul3A_141 = vector.broadcast %mul3A_140 : i32 to vector<16xi32>
      %mul3A_142 = arith.muli %sub3A_139, %mul3A_141 : vector<16xi32>
      %add3A_143 = arith.addi %mul3A_142, %convert_element_type3A_135 : vector<16xi32>
      %swap3A_144 = arith.index_cast %scan3A_41 : i32 to index
      %swap3A_145 = arith.constant 64 : index
      %swap3A_146 = tpu.vector_load %arg4[%swap3A_144, %swap3A_145] {strides = array<i32>} : memref<79x128xi32, #tpu.memory_space<vmem>>, vector<1x16xi32>,
      %swap3A_147 = vector.shape_cast %swap3A_146 : vector<1x16xi32> to vector<16xi32>
      %swap3A_148 = vector.shape_cast %add3A_143 : vector<16xi32> to vector<1x16xi32>
      tpu.vector_store %arg4[%swap3A_144, %swap3A_145], %swap3A_148 {strides = array<i32>} : memref<79x128xi32, #tpu.memory_space<vmem>>, vector<1x16xi32>,
      %get3A_149 = arith.index_cast %scan3A_41 : i32 to index
      %get3A_150 = arith.constant 80 : index
      %get3A_151 = tpu.vector_load %arg4[%get3A_149, %get3A_150] {strides = array<i32>} : memref<79x128xi32, #tpu.memory_space<vmem>>, vector<1x16xi32>,
      %get3A_152 = vector.shape_cast %get3A_151 : vector<1x16xi32> to vector<16xi32>
      %convert_element_type3A_153 = arith.sitofp %get3A_152 : vector<16xi32> to vector<16xf32>
      %mul3A_154 = arith.constant 8.000000e-04 : f32
      %mul3A_155 = vector.broadcast %mul3A_154 : f32 to vector<16xf32>
      %mul3A_156 = arith.mulf %convert_element_type3A_153, %mul3A_155 : vector<16xf32>
      %convert_element_type3A_157 = arith.fptosi %mul3A_156 : vector<16xf32> to vector<16xi32>
      %mul3A_158 = arith.constant 1250 : i32
      %mul3A_159 = vector.broadcast %mul3A_158 : i32 to vector<16xi32>
      %mul3A_160 = arith.muli %convert_element_type3A_157, %mul3A_159 : vector<16xi32>
      %sub3A_161 = arith.subi %get3A_152, %mul3A_160 : vector<16xi32>
      %mul3A_162 = arith.constant 8 : i32
      %mul3A_163 = vector.broadcast %mul3A_162 : i32 to vector<16xi32>
      %mul3A_164 = arith.muli %sub3A_161, %mul3A_163 : vector<16xi32>
      %add3A_165 = arith.addi %mul3A_164, %convert_element_type3A_157 : vector<16xi32>
      %swap3A_166 = arith.index_cast %scan3A_41 : i32 to index
      %swap3A_167 = arith.constant 80 : index
      %swap3A_168 = tpu.vector_load %arg4[%swap3A_166, %swap3A_167] {strides = array<i32>} : memref<79x128xi32, #tpu.memory_space<vmem>>, vector<1x16xi32>,
      %swap3A_169 = vector.shape_cast %swap3A_168 : vector<1x16xi32> to vector<16xi32>
      %swap3A_170 = vector.shape_cast %add3A_165 : vector<16xi32> to vector<1x16xi32>
      tpu.vector_store %arg4[%swap3A_166, %swap3A_167], %swap3A_170 {strides = array<i32>} : memref<79x128xi32, #tpu.memory_space<vmem>>, vector<1x16xi32>,
      %get3A_171 = arith.index_cast %scan3A_41 : i32 to index
      %get3A_172 = arith.constant 96 : index
      %get3A_173 = tpu.vector_load %arg4[%get3A_171, %get3A_172] {strides = array<i32>} : memref<79x128xi32, #tpu.memory_space<vmem>>, vector<1x16xi32>,
      %get3A_174 = vector.shape_cast %get3A_173 : vector<1x16xi32> to vector<16xi32>
      %convert_element_type3A_175 = arith.sitofp %get3A_174 : vector<16xi32> to vector<16xf32>
      %mul3A_176 = arith.constant 8.000000e-04 : f32
      %mul3A_177 = vector.broadcast %mul3A_176 : f32 to vector<16xf32>
      %mul3A_178 = arith.mulf %convert_element_type3A_175, %mul3A_177 : vector<16xf32>
      %convert_element_type3A_179 = arith.fptosi %mul3A_178 : vector<16xf32> to vector<16xi32>
      %mul3A_180 = arith.constant 1250 : i32
      %mul3A_181 = vector.broadcast %mul3A_180 : i32 to vector<16xi32>
      %mul3A_182 = arith.muli %convert_element_type3A_179, %mul3A_181 : vector<16xi32>
      %sub3A_183 = arith.subi %get3A_174, %mul3A_182 : vector<16xi32>
      %mul3A_184 = arith.constant 8 : i32
      %mul3A_185 = vector.broadcast %mul3A_184 : i32 to vector<16xi32>
      %mul3A_186 = arith.muli %sub3A_183, %mul3A_185 : vector<16xi32>
      %add3A_187 = arith.addi %mul3A_186, %convert_element_type3A_179 : vector<16xi32>
      %swap3A_188 = arith.index_cast %scan3A_41 : i32 to index
      %swap3A_189 = arith.constant 96 : index
      %swap3A_190 = tpu.vector_load %arg4[%swap3A_188, %swap3A_189] {strides = array<i32>} : memref<79x128xi32, #tpu.memory_space<vmem>>, vector<1x16xi32>,
      %swap3A_191 = vector.shape_cast %swap3A_190 : vector<1x16xi32> to vector<16xi32>
      %swap3A_192 = vector.shape_cast %add3A_187 : vector<16xi32> to vector<1x16xi32>
      tpu.vector_store %arg4[%swap3A_188, %swap3A_189], %swap3A_192 {strides = array<i32>} : memref<79x128xi32, #tpu.memory_space<vmem>>, vector<1x16xi32>,
      %get3A_193 = arith.index_cast %scan3A_41 : i32 to index
      %get3A_194 = arith.constant 112 : index
      %get3A_195 = tpu.vector_load %arg4[%get3A_193, %get3A_194] {strides = array<i32>} : memref<79x128xi32, #tpu.memory_space<vmem>>, vector<1x16xi32>,
      %get3A_196 = vector.shape_cast %get3A_195 : vector<1x16xi32> to vector<16xi32>
      %convert_element_type3A_197 = arith.sitofp %get3A_196 : vector<16xi32> to vector<16xf32>
      %mul3A_198 = arith.constant 8.000000e-04 : f32
      %mul3A_199 = vector.broadcast %mul3A_198 : f32 to vector<16xf32>
      %mul3A_200 = arith.mulf %convert_element_type3A_197, %mul3A_199 : vector<16xf32>
      %convert_element_type3A_201 = arith.fptosi %mul3A_200 : vector<16xf32> to vector<16xi32>
      %mul3A_202 = arith.constant 1250 : i32
      %mul3A_203 = vector.broadcast %mul3A_202 : i32 to vector<16xi32>
      %mul3A_204 = arith.muli %convert_element_type3A_201, %mul3A_203 : vector<16xi32>
      %sub3A_205 = arith.subi %get3A_196, %mul3A_204 : vector<16xi32>
      %mul3A_206 = arith.constant 8 : i32
      %mul3A_207 = vector.broadcast %mul3A_206 : i32 to vector<16xi32>
      %mul3A_208 = arith.muli %sub3A_205, %mul3A_207 : vector<16xi32>
      %add3A_209 = arith.addi %mul3A_208, %convert_element_type3A_201 : vector<16xi32>
      %swap3A_210 = arith.index_cast %scan3A_41 : i32 to index
      %swap3A_211 = arith.constant 112 : index
      %swap3A_212 = tpu.vector_load %arg4[%swap3A_210, %swap3A_211] {strides = array<i32>} : memref<79x128xi32, #tpu.memory_space<vmem>>, vector<1x16xi32>,
      %swap3A_213 = vector.shape_cast %swap3A_212 : vector<1x16xi32> to vector<16xi32>
      %swap3A_214 = vector.shape_cast %add3A_209 : vector<16xi32> to vector<1x16xi32>
      tpu.vector_store %arg4[%swap3A_210, %swap3A_211], %swap3A_214 {strides = array<i32>} : memref<79x128xi32, #tpu.memory_space<vmem>>, vector<1x16xi32>,
      %scan3A_215 = arith.constant 1 : i32
    } else {
    }
    %mul3A_34 = arith.constant 78 : i32
    %mul3A_35 = arith.muli %add3A, %mul3A_34 : i32
    %run_scoped3A_36 = arith.constant 1 : i32
    "tpu.region"() ({
      %run_scoped3A_40 = tpu.sem_alloc : memref<!tpu.dma_semaphore, #tpu.memory_space<semaphore_mem>>
      %dma_start3A = arith.constant 0 : i32
      %dma_start3A_41 = arith.constant 0 : i32
      %dma_start3A_42 = tpu.memref_slice %arg4[%dma_start3A, %dma_start3A_41] : memref<79x128xi32, #tpu.memory_space<vmem>> -> memref<78x128xi32, #tpu.memory_space<vmem>>
      %dma_start3A_43 = arith.constant 0 : i32
      %dma_start3A_44 = tpu.memref_slice %arg3[%run_scoped3A_36, %mul3A_35, %dma_start3A_43] : memref<2x2500x128xi32, #tpu.memory_space<hbm>> -> memref<1x78x128xi32, #tpu.memory_space<hbm>>
      %dma_start3A_45 = tpu.memref_squeeze %dma_start3A_44 : memref<1x78x128xi32, #tpu.memory_space<hbm>> -> memref<78x128xi32, #tpu.memory_space<hbm>>
      %dma_start3A_46 = arith.constant 0 : i32
      %dma_start3A_47 = tpu.memref_slice %arg3[%run_scoped3A_36, %mul3A_35, %dma_start3A_46] : memref<2x2500x128xi32, #tpu.memory_space<hbm>> -> memref<1x78x128xi32, #tpu.memory_space<hbm>>
      %dma_start3A_48 = tpu.memref_squeeze %dma_start3A_47 : memref<1x78x128xi32, #tpu.memory_space<hbm>> -> memref<78x128xi32, #tpu.memory_space<hbm>>
      %dma_start3A_49 = arith.constant 0 : i32
      %dma_start3A_50 = arith.constant 0 : i32
      %dma_start3A_51 = tpu.memref_slice %arg4[%dma_start3A_49, %dma_start3A_50] : memref<79x128xi32, #tpu.memory_space<vmem>> -> memref<78x128xi32, #tpu.memory_space<vmem>>
      tpu.enqueue_dma source(%dma_start3A_51 : memref<78x128xi32, #tpu.memory_space<vmem>>) target(%dma_start3A_48 : memref<78x128xi32, #tpu.memory_space<hbm>>) target_semaphore(%run_scoped3A_40 : memref<!tpu.dma_semaphore, #tpu.memory_space<semaphore_mem>>)
      %dma_wait3A = arith.constant 0 : i32
      %dma_wait3A_52 = arith.constant 0 : i32
      %dma_wait3A_53 = tpu.memref_slice %arg4[%dma_wait3A, %dma_wait3A_52] : memref<79x128xi32, #tpu.memory_space<vmem>> -> memref<78x128xi32, #tpu.memory_space<vmem>>
      %dma_wait3A_54 = arith.constant 0 : i32
      %dma_wait3A_55 = tpu.memref_slice %arg3[%run_scoped3A_36, %mul3A_35, %dma_wait3A_54] : memref<2x2500x128xi32, #tpu.memory_space<hbm>> -> memref<1x78x128xi32, #tpu.memory_space<hbm>>
      %dma_wait3A_56 = tpu.memref_squeeze %dma_wait3A_55 : memref<1x78x128xi32, #tpu.memory_space<hbm>> -> memref<78x128xi32, #tpu.memory_space<hbm>>
      %dma_wait3A_57 = arith.constant 0 : i32
      %dma_wait3A_58 = tpu.memref_slice %arg3[%run_scoped3A_36, %mul3A_35, %dma_wait3A_57] : memref<2x2500x128xi32, #tpu.memory_space<hbm>> -> memref<1x78x128xi32, #tpu.memory_space<hbm>>
      %dma_wait3A_59 = tpu.memref_squeeze %dma_wait3A_58 : memref<1x78x128xi32, #tpu.memory_space<hbm>> -> memref<78x128xi32, #tpu.memory_space<hbm>>
      %dma_wait3A_60 = arith.constant 0 : i32
      %dma_wait3A_61 = arith.constant 0 : i32
      %dma_wait3A_62 = tpu.memref_slice %arg4[%dma_wait3A_60, %dma_wait3A_61] : memref<79x128xi32, #tpu.memory_space<vmem>> -> memref<78x128xi32, #tpu.memory_space<vmem>>
      tpu.wait_dma2 semaphore(%run_scoped3A_40 : memref<!tpu.dma_semaphore, #tpu.memory_space<semaphore_mem>>) src(%dma_wait3A_62 : memref<78x128xi32, #tpu.memory_space<vmem>>) dst(%dma_wait3A_59 : memref<78x128xi32, #tpu.memory_space<hbm>>)
      tpu.yield
    }) : () -> ()
    %convert_element_type3A_37 = arith.extui %lt3A_1 : i1 to i32
    %cond3A_38 = arith.constant 0 : i32
    %cond3A_39 = arith.cmpi ne, %convert_element_type3A_37, %cond3A_38 : i32
    scf.if %cond3A_39 {
      %add3A_40 = arith.constant 2496 : i32
      %add3A_41 = arith.addi %add3A_40, %add3A : i32
      %run_scoped3A_42 = arith.constant 1 : i32
      "tpu.region"() ({
        %run_scoped3A_43 = tpu.sem_alloc : memref<!tpu.dma_semaphore, #tpu.memory_space<semaphore_mem>>
        %dma_start3A = arith.constant 78 : i32
        %dma_start3A_44 = arith.constant 0 : i32
        %dma_start3A_45 = tpu.memref_slice %arg4[%dma_start3A, %dma_start3A_44] : memref<79x128xi32, #tpu.memory_space<vmem>> -> memref<1x128xi32, #tpu.memory_space<vmem>>
        %dma_start3A_46 = arith.constant 0 : i32
        %dma_start3A_47 = tpu.memref_slice %arg3[%run_scoped3A_42, %add3A_41, %dma_start3A_46] : memref<2x2500x128xi32, #tpu.memory_space<hbm>> -> memref<1x1x128xi32, #tpu.memory_space<hbm>>
        %dma_start3A_48 = tpu.memref_squeeze %dma_start3A_47 : memref<1x1x128xi32, #tpu.memory_space<hbm>> -> memref<1x128xi32, #tpu.memory_space<hbm>>
        %dma_start3A_49 = arith.constant 0 : i32
        %dma_start3A_50 = tpu.memref_slice %arg3[%run_scoped3A_42, %add3A_41, %dma_start3A_49] : memref<2x2500x128xi32, #tpu.memory_space<hbm>> -> memref<1x1x128xi32, #tpu.memory_space<hbm>>
        %dma_start3A_51 = tpu.memref_squeeze %dma_start3A_50 : memref<1x1x128xi32, #tpu.memory_space<hbm>> -> memref<1x128xi32, #tpu.memory_space<hbm>>
        %dma_start3A_52 = arith.constant 78 : i32
        %dma_start3A_53 = arith.constant 0 : i32
        %dma_start3A_54 = tpu.memref_slice %arg4[%dma_start3A_52, %dma_start3A_53] : memref<79x128xi32, #tpu.memory_space<vmem>> -> memref<1x128xi32, #tpu.memory_space<vmem>>
        tpu.enqueue_dma source(%dma_start3A_54 : memref<1x128xi32, #tpu.memory_space<vmem>>) target(%dma_start3A_51 : memref<1x128xi32, #tpu.memory_space<hbm>>) target_semaphore(%run_scoped3A_43 : memref<!tpu.dma_semaphore, #tpu.memory_space<semaphore_mem>>)
        %dma_wait3A = arith.constant 78 : i32
        %dma_wait3A_55 = arith.constant 0 : i32
        %dma_wait3A_56 = tpu.memref_slice %arg4[%dma_wait3A, %dma_wait3A_55] : memref<79x128xi32, #tpu.memory_space<vmem>> -> memref<1x128xi32, #tpu.memory_space<vmem>>
        %dma_wait3A_57 = arith.constant 0 : i32
        %dma_wait3A_58 = tpu.memref_slice %arg3[%run_scoped3A_42, %add3A_41, %dma_wait3A_57] : memref<2x2500x128xi32, #tpu.memory_space<hbm>> -> memref<1x1x128xi32, #tpu.memory_space<hbm>>
        %dma_wait3A_59 = tpu.memref_squeeze %dma_wait3A_58 : memref<1x1x128xi32, #tpu.memory_space<hbm>> -> memref<1x128xi32, #tpu.memory_space<hbm>>
        %dma_wait3A_60 = arith.constant 0 : i32
        %dma_wait3A_61 = tpu.memref_slice %arg3[%run_scoped3A_42, %add3A_41, %dma_wait3A_60] : memref<2x2500x128xi32, #tpu.memory_space<hbm>> -> memref<1x1x128xi32, #tpu.memory_space<hbm>>
        %dma_wait3A_62 = tpu.memref_squeeze %dma_wait3A_61 : memref<1x1x128xi32, #tpu.memory_space<hbm>> -> memref<1x128xi32, #tpu.memory_space<hbm>>
        %dma_wait3A_63 = arith.constant 78 : i32
        %dma_wait3A_64 = arith.constant 0 : i32
        %dma_wait3A_65 = tpu.memref_slice %arg4[%dma_wait3A_63, %dma_wait3A_64] : memref<79x128xi32, #tpu.memory_space<vmem>> -> memref<1x128xi32, #tpu.memory_space<vmem>>
        tpu.wait_dma2 semaphore(%run_scoped3A_43 : memref<!tpu.dma_semaphore, #tpu.memory_space<semaphore_mem>>) src(%dma_wait3A_65 : memref<1x128xi32, #tpu.memory_space<vmem>>) dst(%dma_wait3A_62 : memref<1x128xi32, #tpu.memory_space<hbm>>)
        tpu.yield
      }) : () -> ()
    } else {
    }
    return
  }
}

#map = affine_map<(d0, d1) -> (0, 0)>
#map1 = affine_map<(d0, d1) -> (0, 0, 0)>
module attributes {stable_mosaic.version = 14 : i64} {
  func.func @_seg_body(%arg0: i32, %arg1: i32, %arg2: memref<10000x16xf32, #tpu.memory_space<hbm>>, %arg3: memref<2x320000xi32, #tpu.memory_space<hbm>>, %arg4: memref<10112x16xf32, #tpu.memory_space<hbm>>, %arg5: memref<1664x16xf32, #tpu.memory_space<hbm>>, %arg6: memref<2x10112x16xf32, #tpu.memory_space<hbm>>, %arg7: memref<2x10112x16xf32, #tpu.memory_space<hbm>>, %arg8: memref<10112xi32, #tpu.memory_space<vmem>>, %arg9: memref<10112xi32, #tpu.memory_space<vmem>>, %arg10: memref<3328x16xf32, #tpu.memory_space<vmem>>, %arg11: memref<1664x16xf32, #tpu.memory_space<vmem>>, %arg12: memref<10112x16xf32, #tpu.memory_space<vmem_shared>>, %arg13: memref<10112x16xf32, #tpu.memory_space<vmem_shared>>, %arg14: memref<10000x16xf32, #tpu.memory_space<vmem_shared>>, %arg15: memref<!tpu.dma_semaphore, #tpu.memory_space<semaphore_mem>>, %arg16: memref<!tpu.dma_semaphore, #tpu.memory_space<semaphore_mem>>, %arg17: memref<!tpu.dma_semaphore, #tpu.memory_space<semaphore_mem>>) attributes {dimension_semantics = [#tpu.dimension_semantics<core_parallel>, #tpu.dimension_semantics<subcore_parallel>], iteration_bounds = array<i64: 2, 16>, scalar_prefetch = 0 : i64, scratch_operands = 10 : i64, tpu.core_type = #tpu.core_type<sc_vector_subcore>, window_params = [{transform_indices = #map}, {transform_indices = #map}, {transform_indices = #map}, {transform_indices = #map}, {transform_indices = #map1}, {transform_indices = #map1}]} {
    %mul3A = arith.constant 2 : i32
    %mul3A_0 = arith.muli %arg1, %mul3A : i32
    %add3A = arith.addi %mul3A_0, %arg0 : i32
    %mul3A_1 = arith.constant 632 : i32
    %mul3A_2 = arith.muli %arg1, %mul3A_1 : i32
    %mul3A_3 = arith.constant 632 : i32
    %mul3A_4 = arith.muli %arg1, %mul3A_3 : i32
    "tpu.region"() ({
      %run_scoped3A_288 = tpu.sem_alloc : memref<!tpu.dma_semaphore, #tpu.memory_space<semaphore_mem>>
      %dma_start3A_289 = arith.constant 0 : i32
      %dma_start3A_290 = tpu.memref_slice %arg12[%mul3A_4, %dma_start3A_289] : memref<10112x16xf32, #tpu.memory_space<vmem_shared>> -> memref<632x16xf32, #tpu.memory_space<vmem_shared>>
      %dma_start3A_291 = arith.constant 0 : i32
      %dma_start3A_292 = tpu.memref_slice %arg4[%mul3A_2, %dma_start3A_291] : memref<10112x16xf32, #tpu.memory_space<hbm>> -> memref<632x16xf32, #tpu.memory_space<hbm>>
      tpu.enqueue_dma source(%dma_start3A_292 : memref<632x16xf32, #tpu.memory_space<hbm>>) target(%dma_start3A_290 : memref<632x16xf32, #tpu.memory_space<vmem_shared>>) target_semaphore(%run_scoped3A_288 : memref<!tpu.dma_semaphore, #tpu.memory_space<semaphore_mem>>)
      %dma_wait3A_293 = arith.constant 0 : i32
      %dma_wait3A_294 = tpu.memref_slice %arg12[%mul3A_4, %dma_wait3A_293] : memref<10112x16xf32, #tpu.memory_space<vmem_shared>> -> memref<632x16xf32, #tpu.memory_space<vmem_shared>>
      %dma_wait3A_295 = arith.constant 0 : i32
      %dma_wait3A_296 = tpu.memref_slice %arg4[%mul3A_2, %dma_wait3A_295] : memref<10112x16xf32, #tpu.memory_space<hbm>> -> memref<632x16xf32, #tpu.memory_space<hbm>>
      tpu.wait_dma2 semaphore(%run_scoped3A_288 : memref<!tpu.dma_semaphore, #tpu.memory_space<semaphore_mem>>) src(%dma_wait3A_296 : memref<632x16xf32, #tpu.memory_space<hbm>>) dst(%dma_wait3A_294 : memref<632x16xf32, #tpu.memory_space<vmem_shared>>)
      tpu.yield
    }) : () -> ()
    %mul3A_5 = arith.constant 632 : i32
    %mul3A_6 = arith.muli %arg1, %mul3A_5 : i32
    %mul3A_7 = arith.constant 632 : i32
    %mul3A_8 = arith.muli %arg1, %mul3A_7 : i32
    "tpu.region"() ({
      %run_scoped3A_288 = tpu.sem_alloc : memref<!tpu.dma_semaphore, #tpu.memory_space<semaphore_mem>>
      %dma_start3A_289 = arith.constant 0 : i32
      %dma_start3A_290 = tpu.memref_slice %arg13[%mul3A_8, %dma_start3A_289] : memref<10112x16xf32, #tpu.memory_space<vmem_shared>> -> memref<632x16xf32, #tpu.memory_space<vmem_shared>>
      %dma_start3A_291 = arith.constant 0 : i32
      %dma_start3A_292 = tpu.memref_slice %arg4[%mul3A_6, %dma_start3A_291] : memref<10112x16xf32, #tpu.memory_space<hbm>> -> memref<632x16xf32, #tpu.memory_space<hbm>>
      tpu.enqueue_dma source(%dma_start3A_292 : memref<632x16xf32, #tpu.memory_space<hbm>>) target(%dma_start3A_290 : memref<632x16xf32, #tpu.memory_space<vmem_shared>>) target_semaphore(%run_scoped3A_288 : memref<!tpu.dma_semaphore, #tpu.memory_space<semaphore_mem>>)
      %dma_wait3A_293 = arith.constant 0 : i32
      %dma_wait3A_294 = tpu.memref_slice %arg13[%mul3A_8, %dma_wait3A_293] : memref<10112x16xf32, #tpu.memory_space<vmem_shared>> -> memref<632x16xf32, #tpu.memory_space<vmem_shared>>
      %dma_wait3A_295 = arith.constant 0 : i32
      %dma_wait3A_296 = tpu.memref_slice %arg4[%mul3A_6, %dma_wait3A_295] : memref<10112x16xf32, #tpu.memory_space<hbm>> -> memref<632x16xf32, #tpu.memory_space<hbm>>
      tpu.wait_dma2 semaphore(%run_scoped3A_288 : memref<!tpu.dma_semaphore, #tpu.memory_space<semaphore_mem>>) src(%dma_wait3A_296 : memref<632x16xf32, #tpu.memory_space<hbm>>) dst(%dma_wait3A_294 : memref<632x16xf32, #tpu.memory_space<vmem_shared>>)
      tpu.yield
    }) : () -> ()
    "tpu.region"() ({
      %run_scoped3A_288 = tpu.sem_alloc : memref<!tpu.dma_semaphore, #tpu.memory_space<semaphore_mem>>
      tpu.enqueue_dma source(%arg5 : memref<1664x16xf32, #tpu.memory_space<hbm>>) target(%arg11 : memref<1664x16xf32, #tpu.memory_space<vmem>>) target_semaphore(%run_scoped3A_288 : memref<!tpu.dma_semaphore, #tpu.memory_space<semaphore_mem>>)
      tpu.wait_dma2 semaphore(%run_scoped3A_288 : memref<!tpu.dma_semaphore, #tpu.memory_space<semaphore_mem>>) src(%arg5 : memref<1664x16xf32, #tpu.memory_space<hbm>>) dst(%arg11 : memref<1664x16xf32, #tpu.memory_space<vmem>>)
      tpu.yield
    }) : () -> ()
    %mul3A_9 = arith.constant 625 : i32
    %mul3A_10 = arith.muli %arg1, %mul3A_9 : i32
    %mul3A_11 = arith.constant 625 : i32
    %mul3A_12 = arith.muli %arg1, %mul3A_11 : i32
    "tpu.region"() ({
      %run_scoped3A_288 = tpu.sem_alloc : memref<!tpu.dma_semaphore, #tpu.memory_space<semaphore_mem>>
      %dma_start3A_289 = arith.constant 0 : i32
      %dma_start3A_290 = tpu.memref_slice %arg14[%mul3A_12, %dma_start3A_289] : memref<10000x16xf32, #tpu.memory_space<vmem_shared>> -> memref<625x16xf32, #tpu.memory_space<vmem_shared>>
      %dma_start3A_291 = arith.constant 0 : i32
      %dma_start3A_292 = tpu.memref_slice %arg2[%mul3A_10, %dma_start3A_291] : memref<10000x16xf32, #tpu.memory_space<hbm>> -> memref<625x16xf32, #tpu.memory_space<hbm>>
      tpu.enqueue_dma source(%dma_start3A_292 : memref<625x16xf32, #tpu.memory_space<hbm>>) target(%dma_start3A_290 : memref<625x16xf32, #tpu.memory_space<vmem_shared>>) target_semaphore(%run_scoped3A_288 : memref<!tpu.dma_semaphore, #tpu.memory_space<semaphore_mem>>)
      %dma_wait3A_293 = arith.constant 0 : i32
      %dma_wait3A_294 = tpu.memref_slice %arg14[%mul3A_12, %dma_wait3A_293] : memref<10000x16xf32, #tpu.memory_space<vmem_shared>> -> memref<625x16xf32, #tpu.memory_space<vmem_shared>>
      %dma_wait3A_295 = arith.constant 0 : i32
      %dma_wait3A_296 = tpu.memref_slice %arg2[%mul3A_10, %dma_wait3A_295] : memref<10000x16xf32, #tpu.memory_space<hbm>> -> memref<625x16xf32, #tpu.memory_space<hbm>>
      tpu.wait_dma2 semaphore(%run_scoped3A_288 : memref<!tpu.dma_semaphore, #tpu.memory_space<semaphore_mem>>) src(%dma_wait3A_296 : memref<625x16xf32, #tpu.memory_space<hbm>>) dst(%dma_wait3A_294 : memref<625x16xf32, #tpu.memory_space<vmem_shared>>)
      tpu.yield
    }) : () -> ()
    %mul3A_13 = arith.constant 78 : i32
    %mul3A_14 = arith.muli %add3A, %mul3A_13 : i32
    %mul3A_15 = arith.constant 128 : i32
    %mul3A_16 = arith.muli %mul3A_14, %mul3A_15 : i32
    %run_scoped3A = arith.constant 0 : i32
    "tpu.region"() ({
      %run_scoped3A_288 = tpu.sem_alloc : memref<!tpu.dma_semaphore, #tpu.memory_space<semaphore_mem>>
      %dma_start3A_289 = arith.constant 0 : i32
      %dma_start3A_290 = tpu.memref_slice %arg8[%dma_start3A_289] : memref<10112xi32, #tpu.memory_space<vmem>> -> memref<9984xi32, #tpu.memory_space<vmem>>
      %dma_start3A_291 = tpu.memref_slice %arg3[%run_scoped3A, %mul3A_16] : memref<2x320000xi32, #tpu.memory_space<hbm>> -> memref<1x9984xi32, #tpu.memory_space<hbm>>
      %dma_start3A_292 = tpu.memref_squeeze %dma_start3A_291 : memref<1x9984xi32, #tpu.memory_space<hbm>> -> memref<9984xi32, #tpu.memory_space<hbm>>
      %dma_start3A_293 = arith.constant 0 : i32
      %dma_start3A_294 = tpu.memref_slice %arg8[%dma_start3A_293] : memref<10112xi32, #tpu.memory_space<vmem>> -> memref<9984xi32, #tpu.memory_space<vmem>>
      %dma_start3A_295 = tpu.memref_slice %arg3[%run_scoped3A, %mul3A_16] : memref<2x320000xi32, #tpu.memory_space<hbm>> -> memref<1x9984xi32, #tpu.memory_space<hbm>>
      %dma_start3A_296 = tpu.memref_squeeze %dma_start3A_295 : memref<1x9984xi32, #tpu.memory_space<hbm>> -> memref<9984xi32, #tpu.memory_space<hbm>>
      tpu.enqueue_dma source(%dma_start3A_296 : memref<9984xi32, #tpu.memory_space<hbm>>) target(%dma_start3A_294 : memref<9984xi32, #tpu.memory_space<vmem>>) target_semaphore(%run_scoped3A_288 : memref<!tpu.dma_semaphore, #tpu.memory_space<semaphore_mem>>)
      %dma_wait3A_297 = arith.constant 0 : i32
      %dma_wait3A_298 = tpu.memref_slice %arg8[%dma_wait3A_297] : memref<10112xi32, #tpu.memory_space<vmem>> -> memref<9984xi32, #tpu.memory_space<vmem>>
      %dma_wait3A_299 = tpu.memref_slice %arg3[%run_scoped3A, %mul3A_16] : memref<2x320000xi32, #tpu.memory_space<hbm>> -> memref<1x9984xi32, #tpu.memory_space<hbm>>
      %dma_wait3A_300 = tpu.memref_squeeze %dma_wait3A_299 : memref<1x9984xi32, #tpu.memory_space<hbm>> -> memref<9984xi32, #tpu.memory_space<hbm>>
      %dma_wait3A_301 = arith.constant 0 : i32
      %dma_wait3A_302 = tpu.memref_slice %arg8[%dma_wait3A_301] : memref<10112xi32, #tpu.memory_space<vmem>> -> memref<9984xi32, #tpu.memory_space<vmem>>
      %dma_wait3A_303 = tpu.memref_slice %arg3[%run_scoped3A, %mul3A_16] : memref<2x320000xi32, #tpu.memory_space<hbm>> -> memref<1x9984xi32, #tpu.memory_space<hbm>>
      %dma_wait3A_304 = tpu.memref_squeeze %dma_wait3A_303 : memref<1x9984xi32, #tpu.memory_space<hbm>> -> memref<9984xi32, #tpu.memory_space<hbm>>
      tpu.wait_dma2 semaphore(%run_scoped3A_288 : memref<!tpu.dma_semaphore, #tpu.memory_space<semaphore_mem>>) src(%dma_wait3A_304 : memref<9984xi32, #tpu.memory_space<hbm>>) dst(%dma_wait3A_302 : memref<9984xi32, #tpu.memory_space<vmem>>)
      tpu.yield
    }) : () -> ()
    %mul3A_17 = arith.constant 78 : i32
    %mul3A_18 = arith.muli %add3A, %mul3A_17 : i32
    %mul3A_19 = arith.constant 128 : i32
    %mul3A_20 = arith.muli %mul3A_18, %mul3A_19 : i32
    %run_scoped3A_21 = arith.constant 1 : i32
    "tpu.region"() ({
      %run_scoped3A_288 = tpu.sem_alloc : memref<!tpu.dma_semaphore, #tpu.memory_space<semaphore_mem>>
      %dma_start3A_289 = arith.constant 0 : i32
      %dma_start3A_290 = tpu.memref_slice %arg9[%dma_start3A_289] : memref<10112xi32, #tpu.memory_space<vmem>> -> memref<9984xi32, #tpu.memory_space<vmem>>
      %dma_start3A_291 = tpu.memref_slice %arg3[%run_scoped3A_21, %mul3A_20] : memref<2x320000xi32, #tpu.memory_space<hbm>> -> memref<1x9984xi32, #tpu.memory_space<hbm>>
      %dma_start3A_292 = tpu.memref_squeeze %dma_start3A_291 : memref<1x9984xi32, #tpu.memory_space<hbm>> -> memref<9984xi32, #tpu.memory_space<hbm>>
      %dma_start3A_293 = arith.constant 0 : i32
      %dma_start3A_294 = tpu.memref_slice %arg9[%dma_start3A_293] : memref<10112xi32, #tpu.memory_space<vmem>> -> memref<9984xi32, #tpu.memory_space<vmem>>
      %dma_start3A_295 = tpu.memref_slice %arg3[%run_scoped3A_21, %mul3A_20] : memref<2x320000xi32, #tpu.memory_space<hbm>> -> memref<1x9984xi32, #tpu.memory_space<hbm>>
      %dma_start3A_296 = tpu.memref_squeeze %dma_start3A_295 : memref<1x9984xi32, #tpu.memory_space<hbm>> -> memref<9984xi32, #tpu.memory_space<hbm>>
      tpu.enqueue_dma source(%dma_start3A_296 : memref<9984xi32, #tpu.memory_space<hbm>>) target(%dma_start3A_294 : memref<9984xi32, #tpu.memory_space<vmem>>) target_semaphore(%run_scoped3A_288 : memref<!tpu.dma_semaphore, #tpu.memory_space<semaphore_mem>>)
      %dma_wait3A_297 = arith.constant 0 : i32
      %dma_wait3A_298 = tpu.memref_slice %arg9[%dma_wait3A_297] : memref<10112xi32, #tpu.memory_space<vmem>> -> memref<9984xi32, #tpu.memory_space<vmem>>
      %dma_wait3A_299 = tpu.memref_slice %arg3[%run_scoped3A_21, %mul3A_20] : memref<2x320000xi32, #tpu.memory_space<hbm>> -> memref<1x9984xi32, #tpu.memory_space<hbm>>
      %dma_wait3A_300 = tpu.memref_squeeze %dma_wait3A_299 : memref<1x9984xi32, #tpu.memory_space<hbm>> -> memref<9984xi32, #tpu.memory_space<hbm>>
      %dma_wait3A_301 = arith.constant 0 : i32
      %dma_wait3A_302 = tpu.memref_slice %arg9[%dma_wait3A_301] : memref<10112xi32, #tpu.memory_space<vmem>> -> memref<9984xi32, #tpu.memory_space<vmem>>
      %dma_wait3A_303 = tpu.memref_slice %arg3[%run_scoped3A_21, %mul3A_20] : memref<2x320000xi32, #tpu.memory_space<hbm>> -> memref<1x9984xi32, #tpu.memory_space<hbm>>
      %dma_wait3A_304 = tpu.memref_squeeze %dma_wait3A_303 : memref<1x9984xi32, #tpu.memory_space<hbm>> -> memref<9984xi32, #tpu.memory_space<hbm>>
      tpu.wait_dma2 semaphore(%run_scoped3A_288 : memref<!tpu.dma_semaphore, #tpu.memory_space<semaphore_mem>>) src(%dma_wait3A_304 : memref<9984xi32, #tpu.memory_space<hbm>>) dst(%dma_wait3A_302 : memref<9984xi32, #tpu.memory_space<vmem>>)
      tpu.yield
    }) : () -> ()
    %lt3A = arith.constant 4 : i32
    %lt3A_22 = arith.cmpi slt, %add3A, %lt3A : i32
    %convert_element_type3A = arith.extui %lt3A_22 : i1 to i32
    %cond3A = arith.constant 0 : i32
    %cond3A_23 = arith.cmpi ne, %convert_element_type3A, %cond3A : i32
    scf.if %cond3A_23 {
      %mul3A_288 = arith.constant 128 : i32
      %mul3A_289 = arith.muli %add3A, %mul3A_288 : i32
      %add3A_290 = arith.constant 319488 : i32
      %add3A_291 = arith.addi %add3A_290, %mul3A_289 : i32
      %run_scoped3A_292 = arith.constant 0 : i32
      "tpu.region"() ({
        %run_scoped3A_298 = tpu.sem_alloc : memref<!tpu.dma_semaphore, #tpu.memory_space<semaphore_mem>>
        %dma_start3A_299 = arith.constant 9984 : i32
        %dma_start3A_300 = tpu.memref_slice %arg8[%dma_start3A_299] : memref<10112xi32, #tpu.memory_space<vmem>> -> memref<128xi32, #tpu.memory_space<vmem>>
        %dma_start3A_301 = tpu.memref_slice %arg3[%run_scoped3A_292, %add3A_291] : memref<2x320000xi32, #tpu.memory_space<hbm>> -> memref<1x128xi32, #tpu.memory_space<hbm>>
        %dma_start3A_302 = tpu.memref_squeeze %dma_start3A_301 : memref<1x128xi32, #tpu.memory_space<hbm>> -> memref<128xi32, #tpu.memory_space<hbm>>
        %dma_start3A_303 = arith.constant 9984 : i32
        %dma_start3A_304 = tpu.memref_slice %arg8[%dma_start3A_303] : memref<10112xi32, #tpu.memory_space<vmem>> -> memref<128xi32, #tpu.memory_space<vmem>>
        %dma_start3A_305 = tpu.memref_slice %arg3[%run_scoped3A_292, %add3A_291] : memref<2x320000xi32, #tpu.memory_space<hbm>> -> memref<1x128xi32, #tpu.memory_space<hbm>>
        %dma_start3A_306 = tpu.memref_squeeze %dma_start3A_305 : memref<1x128xi32, #tpu.memory_space<hbm>> -> memref<128xi32, #tpu.memory_space<hbm>>
        tpu.enqueue_dma source(%dma_start3A_306 : memref<128xi32, #tpu.memory_space<hbm>>) target(%dma_start3A_304 : memref<128xi32, #tpu.memory_space<vmem>>) target_semaphore(%run_scoped3A_298 : memref<!tpu.dma_semaphore, #tpu.memory_space<semaphore_mem>>)
        %dma_wait3A_307 = arith.constant 9984 : i32
        %dma_wait3A_308 = tpu.memref_slice %arg8[%dma_wait3A_307] : memref<10112xi32, #tpu.memory_space<vmem>> -> memref<128xi32, #tpu.memory_space<vmem>>
        %dma_wait3A_309 = tpu.memref_slice %arg3[%run_scoped3A_292, %add3A_291] : memref<2x320000xi32, #tpu.memory_space<hbm>> -> memref<1x128xi32, #tpu.memory_space<hbm>>
        %dma_wait3A_310 = tpu.memref_squeeze %dma_wait3A_309 : memref<1x128xi32, #tpu.memory_space<hbm>> -> memref<128xi32, #tpu.memory_space<hbm>>
        %dma_wait3A_311 = arith.constant 9984 : i32
        %dma_wait3A_312 = tpu.memref_slice %arg8[%dma_wait3A_311] : memref<10112xi32, #tpu.memory_space<vmem>> -> memref<128xi32, #tpu.memory_space<vmem>>
        %dma_wait3A_313 = tpu.memref_slice %arg3[%run_scoped3A_292, %add3A_291] : memref<2x320000xi32, #tpu.memory_space<hbm>> -> memref<1x128xi32, #tpu.memory_space<hbm>>
        %dma_wait3A_314 = tpu.memref_squeeze %dma_wait3A_313 : memref<1x128xi32, #tpu.memory_space<hbm>> -> memref<128xi32, #tpu.memory_space<hbm>>
        tpu.wait_dma2 semaphore(%run_scoped3A_298 : memref<!tpu.dma_semaphore, #tpu.memory_space<semaphore_mem>>) src(%dma_wait3A_314 : memref<128xi32, #tpu.memory_space<hbm>>) dst(%dma_wait3A_312 : memref<128xi32, #tpu.memory_space<vmem>>)
        tpu.yield
      }) : () -> ()
      %mul3A_293 = arith.constant 128 : i32
      %mul3A_294 = arith.muli %add3A, %mul3A_293 : i32
      %add3A_295 = arith.constant 319488 : i32
      %add3A_296 = arith.addi %add3A_295, %mul3A_294 : i32
      %run_scoped3A_297 = arith.constant 1 : i32
      "tpu.region"() ({
        %run_scoped3A_298 = tpu.sem_alloc : memref<!tpu.dma_semaphore, #tpu.memory_space<semaphore_mem>>
        %dma_start3A_299 = arith.constant 9984 : i32
        %dma_start3A_300 = tpu.memref_slice %arg9[%dma_start3A_299] : memref<10112xi32, #tpu.memory_space<vmem>> -> memref<128xi32, #tpu.memory_space<vmem>>
        %dma_start3A_301 = tpu.memref_slice %arg3[%run_scoped3A_297, %add3A_296] : memref<2x320000xi32, #tpu.memory_space<hbm>> -> memref<1x128xi32, #tpu.memory_space<hbm>>
        %dma_start3A_302 = tpu.memref_squeeze %dma_start3A_301 : memref<1x128xi32, #tpu.memory_space<hbm>> -> memref<128xi32, #tpu.memory_space<hbm>>
        %dma_start3A_303 = arith.constant 9984 : i32
        %dma_start3A_304 = tpu.memref_slice %arg9[%dma_start3A_303] : memref<10112xi32, #tpu.memory_space<vmem>> -> memref<128xi32, #tpu.memory_space<vmem>>
        %dma_start3A_305 = tpu.memref_slice %arg3[%run_scoped3A_297, %add3A_296] : memref<2x320000xi32, #tpu.memory_space<hbm>> -> memref<1x128xi32, #tpu.memory_space<hbm>>
        %dma_start3A_306 = tpu.memref_squeeze %dma_start3A_305 : memref<1x128xi32, #tpu.memory_space<hbm>> -> memref<128xi32, #tpu.memory_space<hbm>>
        tpu.enqueue_dma source(%dma_start3A_306 : memref<128xi32, #tpu.memory_space<hbm>>) target(%dma_start3A_304 : memref<128xi32, #tpu.memory_space<vmem>>) target_semaphore(%run_scoped3A_298 : memref<!tpu.dma_semaphore, #tpu.memory_space<semaphore_mem>>)
        %dma_wait3A_307 = arith.constant 9984 : i32
        %dma_wait3A_308 = tpu.memref_slice %arg9[%dma_wait3A_307] : memref<10112xi32, #tpu.memory_space<vmem>> -> memref<128xi32, #tpu.memory_space<vmem>>
        %dma_wait3A_309 = tpu.memref_slice %arg3[%run_scoped3A_297, %add3A_296] : memref<2x320000xi32, #tpu.memory_space<hbm>> -> memref<1x128xi32, #tpu.memory_space<hbm>>
        %dma_wait3A_310 = tpu.memref_squeeze %dma_wait3A_309 : memref<1x128xi32, #tpu.memory_space<hbm>> -> memref<128xi32, #tpu.memory_space<hbm>>
        %dma_wait3A_311 = arith.constant 9984 : i32
        %dma_wait3A_312 = tpu.memref_slice %arg9[%dma_wait3A_311] : memref<10112xi32, #tpu.memory_space<vmem>> -> memref<128xi32, #tpu.memory_space<vmem>>
        %dma_wait3A_313 = tpu.memref_slice %arg3[%run_scoped3A_297, %add3A_296] : memref<2x320000xi32, #tpu.memory_space<hbm>> -> memref<1x128xi32, #tpu.memory_space<hbm>>
        %dma_wait3A_314 = tpu.memref_squeeze %dma_wait3A_313 : memref<1x128xi32, #tpu.memory_space<hbm>> -> memref<128xi32, #tpu.memory_space<hbm>>
        tpu.wait_dma2 semaphore(%run_scoped3A_298 : memref<!tpu.dma_semaphore, #tpu.memory_space<semaphore_mem>>) src(%dma_wait3A_314 : memref<128xi32, #tpu.memory_space<hbm>>) dst(%dma_wait3A_312 : memref<128xi32, #tpu.memory_space<vmem>>)
        tpu.yield
      }) : () -> ()
    } else {
    }
    %barrier3A = arith.constant 0 : index
    tpu.barrier barrier_id(%barrier3A)
    %dma_start3A = arith.constant 0 : i32
    %dma_start3A_24 = arith.constant 0 : i32
    %dma_start3A_25 = tpu.memref_slice %arg10[%dma_start3A, %dma_start3A_24] : memref<3328x16xf32, #tpu.memory_space<vmem>> -> memref<1664x16xf32, #tpu.memory_space<vmem>>
    %dma_start3A_26 = arith.constant 0 : i32
    %dma_start3A_27 = tpu.memref_slice %arg8[%dma_start3A_26] : memref<10112xi32, #tpu.memory_space<vmem>> -> memref<1664xi32, #tpu.memory_space<vmem>>
    %dma_start3A_28 = arith.constant 0 : i32
    %dma_start3A_29 = arith.constant 0 : i32
    %dma_start3A_30 = tpu.memref_slice %arg14[%dma_start3A_28, %dma_start3A_29] : memref<10000x16xf32, #tpu.memory_space<vmem_shared>> -> memref<10000x16xf32, #tpu.memory_space<vmem_shared>>
    tpu.enqueue_indirect_dma source(%dma_start3A_30 : memref<10000x16xf32, #tpu.memory_space<vmem_shared>>) target(%dma_start3A_25 : memref<1664x16xf32, #tpu.memory_space<vmem>>) offsets(%dma_start3A_27 : memref<1664xi32, #tpu.memory_space<vmem>>) semaphore(%arg15 : memref<!tpu.dma_semaphore, #tpu.memory_space<semaphore_mem>>)
    %dma_wait3A = arith.constant 0 : i32
    %dma_wait3A_31 = arith.constant 0 : i32
    %dma_wait3A_32 = tpu.memref_slice %arg10[%dma_wait3A, %dma_wait3A_31] : memref<3328x16xf32, #tpu.memory_space<vmem>> -> memref<1664x16xf32, #tpu.memory_space<vmem>>
    %dma_wait3A_33 = arith.constant 0 : i32
    %dma_wait3A_34 = tpu.memref_slice %arg8[%dma_wait3A_33] : memref<10112xi32, #tpu.memory_space<vmem>> -> memref<1664xi32, #tpu.memory_space<vmem>>
    %dma_wait3A_35 = arith.constant 0 : i32
    %dma_wait3A_36 = arith.constant 0 : i32
    %dma_wait3A_37 = tpu.memref_slice %arg14[%dma_wait3A_35, %dma_wait3A_36] : memref<10000x16xf32, #tpu.memory_space<vmem_shared>> -> memref<10000x16xf32, #tpu.memory_space<vmem_shared>>
    tpu.wait_indirect_dma semaphore(%arg15 : memref<!tpu.dma_semaphore, #tpu.memory_space<semaphore_mem>>) src(%dma_wait3A_37 : memref<10000x16xf32, #tpu.memory_space<vmem_shared>>) dst(%dma_wait3A_32 : memref<1664x16xf32, #tpu.memory_space<vmem>>)
    %dma_start3A_38 = arith.constant 1664 : i32
    %dma_start3A_39 = arith.constant 0 : i32
    %dma_start3A_40 = tpu.memref_slice %arg10[%dma_start3A_38, %dma_start3A_39] : memref<3328x16xf32, #tpu.memory_space<vmem>> -> memref<1664x16xf32, #tpu.memory_space<vmem>>
    %dma_start3A_41 = arith.constant 1664 : i32
    %dma_start3A_42 = tpu.memref_slice %arg8[%dma_start3A_41] : memref<10112xi32, #tpu.memory_space<vmem>> -> memref<1664xi32, #tpu.memory_space<vmem>>
    %dma_start3A_43 = arith.constant 0 : i32
    %dma_start3A_44 = arith.constant 0 : i32
    %dma_start3A_45 = tpu.memref_slice %arg14[%dma_start3A_43, %dma_start3A_44] : memref<10000x16xf32, #tpu.memory_space<vmem_shared>> -> memref<10000x16xf32, #tpu.memory_space<vmem_shared>>
    tpu.enqueue_indirect_dma source(%dma_start3A_45 : memref<10000x16xf32, #tpu.memory_space<vmem_shared>>) target(%dma_start3A_40 : memref<1664x16xf32, #tpu.memory_space<vmem>>) offsets(%dma_start3A_42 : memref<1664xi32, #tpu.memory_space<vmem>>) semaphore(%arg15 : memref<!tpu.dma_semaphore, #tpu.memory_space<semaphore_mem>>)
    %dma_start3A_46 = arith.constant 0 : i32
    %dma_start3A_47 = arith.constant 0 : i32
    %dma_start3A_48 = tpu.memref_slice %arg10[%dma_start3A_46, %dma_start3A_47] : memref<3328x16xf32, #tpu.memory_space<vmem>> -> memref<1664x16xf32, #tpu.memory_space<vmem>>
    %dma_start3A_49 = arith.constant 0 : i32
    %dma_start3A_50 = tpu.memref_slice %arg9[%dma_start3A_49] : memref<10112xi32, #tpu.memory_space<vmem>> -> memref<1664xi32, #tpu.memory_space<vmem>>
    %dma_start3A_51 = arith.constant 0 : i32
    %dma_start3A_52 = arith.constant 0 : i32
    %dma_start3A_53 = tpu.memref_slice %arg12[%dma_start3A_51, %dma_start3A_52] : memref<10112x16xf32, #tpu.memory_space<vmem_shared>> -> memref<10112x16xf32, #tpu.memory_space<vmem_shared>>
    tpu.enqueue_indirect_dma source(%dma_start3A_48 : memref<1664x16xf32, #tpu.memory_space<vmem>>) target(%dma_start3A_53 : memref<10112x16xf32, #tpu.memory_space<vmem_shared>>) offsets(%dma_start3A_50 : memref<1664xi32, #tpu.memory_space<vmem>>) semaphore(%arg16 : memref<!tpu.dma_semaphore, #tpu.memory_space<semaphore_mem>>) {add = true}
    %dma_start3A_54 = arith.constant 0 : i32
    %dma_start3A_55 = tpu.memref_slice %arg9[%dma_start3A_54] : memref<10112xi32, #tpu.memory_space<vmem>> -> memref<1664xi32, #tpu.memory_space<vmem>>
    %dma_start3A_56 = arith.constant 0 : i32
    %dma_start3A_57 = arith.constant 0 : i32
    %dma_start3A_58 = tpu.memref_slice %arg13[%dma_start3A_56, %dma_start3A_57] : memref<10112x16xf32, #tpu.memory_space<vmem_shared>> -> memref<10112x16xf32, #tpu.memory_space<vmem_shared>>
    tpu.enqueue_indirect_dma source(%arg11 : memref<1664x16xf32, #tpu.memory_space<vmem>>) target(%dma_start3A_58 : memref<10112x16xf32, #tpu.memory_space<vmem_shared>>) offsets(%dma_start3A_55 : memref<1664xi32, #tpu.memory_space<vmem>>) semaphore(%arg17 : memref<!tpu.dma_semaphore, #tpu.memory_space<semaphore_mem>>) {add = true}
    %dma_wait3A_59 = arith.constant 0 : i32
    %dma_wait3A_60 = arith.constant 0 : i32
    %dma_wait3A_61 = tpu.memref_slice %arg10[%dma_wait3A_59, %dma_wait3A_60] : memref<3328x16xf32, #tpu.memory_space<vmem>> -> memref<1664x16xf32, #tpu.memory_space<vmem>>
    %dma_wait3A_62 = arith.constant 0 : i32
    %dma_wait3A_63 = tpu.memref_slice %arg8[%dma_wait3A_62] : memref<10112xi32, #tpu.memory_space<vmem>> -> memref<1664xi32, #tpu.memory_space<vmem>>
    %dma_wait3A_64 = arith.constant 0 : i32
    %dma_wait3A_65 = arith.constant 0 : i32
    %dma_wait3A_66 = tpu.memref_slice %arg14[%dma_wait3A_64, %dma_wait3A_65] : memref<10000x16xf32, #tpu.memory_space<vmem_shared>> -> memref<10000x16xf32, #tpu.memory_space<vmem_shared>>
    tpu.wait_indirect_dma semaphore(%arg15 : memref<!tpu.dma_semaphore, #tpu.memory_space<semaphore_mem>>) src(%dma_wait3A_66 : memref<10000x16xf32, #tpu.memory_space<vmem_shared>>) dst(%dma_wait3A_61 : memref<1664x16xf32, #tpu.memory_space<vmem>>)
    %dma_wait3A_67 = arith.constant 0 : i32
    %dma_wait3A_68 = arith.constant 0 : i32
    %dma_wait3A_69 = tpu.memref_slice %arg10[%dma_wait3A_67, %dma_wait3A_68] : memref<3328x16xf32, #tpu.memory_space<vmem>> -> memref<1664x16xf32, #tpu.memory_space<vmem>>
    %dma_wait3A_70 = arith.constant 0 : i32
    %dma_wait3A_71 = tpu.memref_slice %arg9[%dma_wait3A_70] : memref<10112xi32, #tpu.memory_space<vmem>> -> memref<1664xi32, #tpu.memory_space<vmem>>
    %dma_wait3A_72 = arith.constant 0 : i32
    %dma_wait3A_73 = arith.constant 0 : i32
    %dma_wait3A_74 = tpu.memref_slice %arg12[%dma_wait3A_72, %dma_wait3A_73] : memref<10112x16xf32, #tpu.memory_space<vmem_shared>> -> memref<10112x16xf32, #tpu.memory_space<vmem_shared>>
    tpu.wait_indirect_dma semaphore(%arg16 : memref<!tpu.dma_semaphore, #tpu.memory_space<semaphore_mem>>) src(%dma_wait3A_69 : memref<1664x16xf32, #tpu.memory_space<vmem>>) dst(%dma_wait3A_74 : memref<10112x16xf32, #tpu.memory_space<vmem_shared>>)
    %dma_wait3A_75 = arith.constant 0 : i32
    %dma_wait3A_76 = tpu.memref_slice %arg9[%dma_wait3A_75] : memref<10112xi32, #tpu.memory_space<vmem>> -> memref<1664xi32, #tpu.memory_space<vmem>>
    %dma_wait3A_77 = arith.constant 0 : i32
    %dma_wait3A_78 = arith.constant 0 : i32
    %dma_wait3A_79 = tpu.memref_slice %arg13[%dma_wait3A_77, %dma_wait3A_78] : memref<10112x16xf32, #tpu.memory_space<vmem_shared>> -> memref<10112x16xf32, #tpu.memory_space<vmem_shared>>
    tpu.wait_indirect_dma semaphore(%arg17 : memref<!tpu.dma_semaphore, #tpu.memory_space<semaphore_mem>>) src(%arg11 : memref<1664x16xf32, #tpu.memory_space<vmem>>) dst(%dma_wait3A_79 : memref<10112x16xf32, #tpu.memory_space<vmem_shared>>)
    %dma_start3A_80 = arith.constant 0 : i32
    %dma_start3A_81 = arith.constant 0 : i32
    %dma_start3A_82 = tpu.memref_slice %arg10[%dma_start3A_80, %dma_start3A_81] : memref<3328x16xf32, #tpu.memory_space<vmem>> -> memref<1664x16xf32, #tpu.memory_space<vmem>>
    %dma_start3A_83 = arith.constant 3328 : i32
    %dma_start3A_84 = tpu.memref_slice %arg8[%dma_start3A_83] : memref<10112xi32, #tpu.memory_space<vmem>> -> memref<1664xi32, #tpu.memory_space<vmem>>
    %dma_start3A_85 = arith.constant 0 : i32
    %dma_start3A_86 = arith.constant 0 : i32
    %dma_start3A_87 = tpu.memref_slice %arg14[%dma_start3A_85, %dma_start3A_86] : memref<10000x16xf32, #tpu.memory_space<vmem_shared>> -> memref<10000x16xf32, #tpu.memory_space<vmem_shared>>
    tpu.enqueue_indirect_dma source(%dma_start3A_87 : memref<10000x16xf32, #tpu.memory_space<vmem_shared>>) target(%dma_start3A_82 : memref<1664x16xf32, #tpu.memory_space<vmem>>) offsets(%dma_start3A_84 : memref<1664xi32, #tpu.memory_space<vmem>>) semaphore(%arg15 : memref<!tpu.dma_semaphore, #tpu.memory_space<semaphore_mem>>)
    %dma_start3A_88 = arith.constant 1664 : i32
    %dma_start3A_89 = arith.constant 0 : i32
    %dma_start3A_90 = tpu.memref_slice %arg10[%dma_start3A_88, %dma_start3A_89] : memref<3328x16xf32, #tpu.memory_space<vmem>> -> memref<1664x16xf32, #tpu.memory_space<vmem>>
    %dma_start3A_91 = arith.constant 1664 : i32
    %dma_start3A_92 = tpu.memref_slice %arg9[%dma_start3A_91] : memref<10112xi32, #tpu.memory_space<vmem>> -> memref<1664xi32, #tpu.memory_space<vmem>>
    %dma_start3A_93 = arith.constant 0 : i32
    %dma_start3A_94 = arith.constant 0 : i32
    %dma_start3A_95 = tpu.memref_slice %arg12[%dma_start3A_93, %dma_start3A_94] : memref<10112x16xf32, #tpu.memory_space<vmem_shared>> -> memref<10112x16xf32, #tpu.memory_space<vmem_shared>>
    tpu.enqueue_indirect_dma source(%dma_start3A_90 : memref<1664x16xf32, #tpu.memory_space<vmem>>) target(%dma_start3A_95 : memref<10112x16xf32, #tpu.memory_space<vmem_shared>>) offsets(%dma_start3A_92 : memref<1664xi32, #tpu.memory_space<vmem>>) semaphore(%arg16 : memref<!tpu.dma_semaphore, #tpu.memory_space<semaphore_mem>>) {add = true}
    %dma_start3A_96 = arith.constant 1664 : i32
    %dma_start3A_97 = tpu.memref_slice %arg9[%dma_start3A_96] : memref<10112xi32, #tpu.memory_space<vmem>> -> memref<1664xi32, #tpu.memory_space<vmem>>
    %dma_start3A_98 = arith.constant 0 : i32
    %dma_start3A_99 = arith.constant 0 : i32
    %dma_start3A_100 = tpu.memref_slice %arg13[%dma_start3A_98, %dma_start3A_99] : memref<10112x16xf32, #tpu.memory_space<vmem_shared>> -> memref<10112x16xf32, #tpu.memory_space<vmem_shared>>
    tpu.enqueue_indirect_dma source(%arg11 : memref<1664x16xf32, #tpu.memory_space<vmem>>) target(%dma_start3A_100 : memref<10112x16xf32, #tpu.memory_space<vmem_shared>>) offsets(%dma_start3A_97 : memref<1664xi32, #tpu.memory_space<vmem>>) semaphore(%arg17 : memref<!tpu.dma_semaphore, #tpu.memory_space<semaphore_mem>>) {add = true}
    %dma_wait3A_101 = arith.constant 0 : i32
    %dma_wait3A_102 = arith.constant 0 : i32
    %dma_wait3A_103 = tpu.memref_slice %arg10[%dma_wait3A_101, %dma_wait3A_102] : memref<3328x16xf32, #tpu.memory_space<vmem>> -> memref<1664x16xf32, #tpu.memory_space<vmem>>
    %dma_wait3A_104 = arith.constant 0 : i32
    %dma_wait3A_105 = tpu.memref_slice %arg8[%dma_wait3A_104] : memref<10112xi32, #tpu.memory_space<vmem>> -> memref<1664xi32, #tpu.memory_space<vmem>>
    %dma_wait3A_106 = arith.constant 0 : i32
    %dma_wait3A_107 = arith.constant 0 : i32
    %dma_wait3A_108 = tpu.memref_slice %arg14[%dma_wait3A_106, %dma_wait3A_107] : memref<10000x16xf32, #tpu.memory_space<vmem_shared>> -> memref<10000x16xf32, #tpu.memory_space<vmem_shared>>
    tpu.wait_indirect_dma semaphore(%arg15 : memref<!tpu.dma_semaphore, #tpu.memory_space<semaphore_mem>>) src(%dma_wait3A_108 : memref<10000x16xf32, #tpu.memory_space<vmem_shared>>) dst(%dma_wait3A_103 : memref<1664x16xf32, #tpu.memory_space<vmem>>)
    %dma_wait3A_109 = arith.constant 0 : i32
    %dma_wait3A_110 = arith.constant 0 : i32
    %dma_wait3A_111 = tpu.memref_slice %arg10[%dma_wait3A_109, %dma_wait3A_110] : memref<3328x16xf32, #tpu.memory_space<vmem>> -> memref<1664x16xf32, #tpu.memory_space<vmem>>
    %dma_wait3A_112 = arith.constant 0 : i32
    %dma_wait3A_113 = tpu.memref_slice %arg9[%dma_wait3A_112] : memref<10112xi32, #tpu.memory_space<vmem>> -> memref<1664xi32, #tpu.memory_space<vmem>>
    %dma_wait3A_114 = arith.constant 0 : i32
    %dma_wait3A_115 = arith.constant 0 : i32
    %dma_wait3A_116 = tpu.memref_slice %arg12[%dma_wait3A_114, %dma_wait3A_115] : memref<10112x16xf32, #tpu.memory_space<vmem_shared>> -> memref<10112x16xf32, #tpu.memory_space<vmem_shared>>
    tpu.wait_indirect_dma semaphore(%arg16 : memref<!tpu.dma_semaphore, #tpu.memory_space<semaphore_mem>>) src(%dma_wait3A_111 : memref<1664x16xf32, #tpu.memory_space<vmem>>) dst(%dma_wait3A_116 : memref<10112x16xf32, #tpu.memory_space<vmem_shared>>)
    %dma_wait3A_117 = arith.constant 0 : i32
    %dma_wait3A_118 = tpu.memref_slice %arg9[%dma_wait3A_117] : memref<10112xi32, #tpu.memory_space<vmem>> -> memref<1664xi32, #tpu.memory_space<vmem>>
    %dma_wait3A_119 = arith.constant 0 : i32
    %dma_wait3A_120 = arith.constant 0 : i32
    %dma_wait3A_121 = tpu.memref_slice %arg13[%dma_wait3A_119, %dma_wait3A_120] : memref<10112x16xf32, #tpu.memory_space<vmem_shared>> -> memref<10112x16xf32, #tpu.memory_space<vmem_shared>>
    tpu.wait_indirect_dma semaphore(%arg17 : memref<!tpu.dma_semaphore, #tpu.memory_space<semaphore_mem>>) src(%arg11 : memref<1664x16xf32, #tpu.memory_space<vmem>>) dst(%dma_wait3A_121 : memref<10112x16xf32, #tpu.memory_space<vmem_shared>>)
    %dma_start3A_122 = arith.constant 1664 : i32
    %dma_start3A_123 = arith.constant 0 : i32
    %dma_start3A_124 = tpu.memref_slice %arg10[%dma_start3A_122, %dma_start3A_123] : memref<3328x16xf32, #tpu.memory_space<vmem>> -> memref<1664x16xf32, #tpu.memory_space<vmem>>
    %dma_start3A_125 = arith.constant 4992 : i32
    %dma_start3A_126 = tpu.memref_slice %arg8[%dma_start3A_125] : memref<10112xi32, #tpu.memory_space<vmem>> -> memref<1664xi32, #tpu.memory_space<vmem>>
    %dma_start3A_127 = arith.constant 0 : i32
    %dma_start3A_128 = arith.constant 0 : i32
    %dma_start3A_129 = tpu.memref_slice %arg14[%dma_start3A_127, %dma_start3A_128] : memref<10000x16xf32, #tpu.memory_space<vmem_shared>> -> memref<10000x16xf32, #tpu.memory_space<vmem_shared>>
    tpu.enqueue_indirect_dma source(%dma_start3A_129 : memref<10000x16xf32, #tpu.memory_space<vmem_shared>>) target(%dma_start3A_124 : memref<1664x16xf32, #tpu.memory_space<vmem>>) offsets(%dma_start3A_126 : memref<1664xi32, #tpu.memory_space<vmem>>) semaphore(%arg15 : memref<!tpu.dma_semaphore, #tpu.memory_space<semaphore_mem>>)
    %dma_start3A_130 = arith.constant 0 : i32
    %dma_start3A_131 = arith.constant 0 : i32
    %dma_start3A_132 = tpu.memref_slice %arg10[%dma_start3A_130, %dma_start3A_131] : memref<3328x16xf32, #tpu.memory_space<vmem>> -> memref<1664x16xf32, #tpu.memory_space<vmem>>
    %dma_start3A_133 = arith.constant 3328 : i32
    %dma_start3A_134 = tpu.memref_slice %arg9[%dma_start3A_133] : memref<10112xi32, #tpu.memory_space<vmem>> -> memref<1664xi32, #tpu.memory_space<vmem>>
    %dma_start3A_135 = arith.constant 0 : i32
    %dma_start3A_136 = arith.constant 0 : i32
    %dma_start3A_137 = tpu.memref_slice %arg12[%dma_start3A_135, %dma_start3A_136] : memref<10112x16xf32, #tpu.memory_space<vmem_shared>> -> memref<10112x16xf32, #tpu.memory_space<vmem_shared>>
    tpu.enqueue_indirect_dma source(%dma_start3A_132 : memref<1664x16xf32, #tpu.memory_space<vmem>>) target(%dma_start3A_137 : memref<10112x16xf32, #tpu.memory_space<vmem_shared>>) offsets(%dma_start3A_134 : memref<1664xi32, #tpu.memory_space<vmem>>) semaphore(%arg16 : memref<!tpu.dma_semaphore, #tpu.memory_space<semaphore_mem>>) {add = true}
    %dma_start3A_138 = arith.constant 3328 : i32
    %dma_start3A_139 = tpu.memref_slice %arg9[%dma_start3A_138] : memref<10112xi32, #tpu.memory_space<vmem>> -> memref<1664xi32, #tpu.memory_space<vmem>>
    %dma_start3A_140 = arith.constant 0 : i32
    %dma_start3A_141 = arith.constant 0 : i32
    %dma_start3A_142 = tpu.memref_slice %arg13[%dma_start3A_140, %dma_start3A_141] : memref<10112x16xf32, #tpu.memory_space<vmem_shared>> -> memref<10112x16xf32, #tpu.memory_space<vmem_shared>>
    tpu.enqueue_indirect_dma source(%arg11 : memref<1664x16xf32, #tpu.memory_space<vmem>>) target(%dma_start3A_142 : memref<10112x16xf32, #tpu.memory_space<vmem_shared>>) offsets(%dma_start3A_139 : memref<1664xi32, #tpu.memory_space<vmem>>) semaphore(%arg17 : memref<!tpu.dma_semaphore, #tpu.memory_space<semaphore_mem>>) {add = true}
    %dma_wait3A_143 = arith.constant 0 : i32
    %dma_wait3A_144 = arith.constant 0 : i32
    %dma_wait3A_145 = tpu.memref_slice %arg10[%dma_wait3A_143, %dma_wait3A_144] : memref<3328x16xf32, #tpu.memory_space<vmem>> -> memref<1664x16xf32, #tpu.memory_space<vmem>>
    %dma_wait3A_146 = arith.constant 0 : i32
    %dma_wait3A_147 = tpu.memref_slice %arg8[%dma_wait3A_146] : memref<10112xi32, #tpu.memory_space<vmem>> -> memref<1664xi32, #tpu.memory_space<vmem>>
    %dma_wait3A_148 = arith.constant 0 : i32
    %dma_wait3A_149 = arith.constant 0 : i32
    %dma_wait3A_150 = tpu.memref_slice %arg14[%dma_wait3A_148, %dma_wait3A_149] : memref<10000x16xf32, #tpu.memory_space<vmem_shared>> -> memref<10000x16xf32, #tpu.memory_space<vmem_shared>>
    tpu.wait_indirect_dma semaphore(%arg15 : memref<!tpu.dma_semaphore, #tpu.memory_space<semaphore_mem>>) src(%dma_wait3A_150 : memref<10000x16xf32, #tpu.memory_space<vmem_shared>>) dst(%dma_wait3A_145 : memref<1664x16xf32, #tpu.memory_space<vmem>>)
    %dma_wait3A_151 = arith.constant 0 : i32
    %dma_wait3A_152 = arith.constant 0 : i32
    %dma_wait3A_153 = tpu.memref_slice %arg10[%dma_wait3A_151, %dma_wait3A_152] : memref<3328x16xf32, #tpu.memory_space<vmem>> -> memref<1664x16xf32, #tpu.memory_space<vmem>>
    %dma_wait3A_154 = arith.constant 0 : i32
    %dma_wait3A_155 = tpu.memref_slice %arg9[%dma_wait3A_154] : memref<10112xi32, #tpu.memory_space<vmem>> -> memref<1664xi32, #tpu.memory_space<vmem>>
    %dma_wait3A_156 = arith.constant 0 : i32
    %dma_wait3A_157 = arith.constant 0 : i32
    %dma_wait3A_158 = tpu.memref_slice %arg12[%dma_wait3A_156, %dma_wait3A_157] : memref<10112x16xf32, #tpu.memory_space<vmem_shared>> -> memref<10112x16xf32, #tpu.memory_space<vmem_shared>>
    tpu.wait_indirect_dma semaphore(%arg16 : memref<!tpu.dma_semaphore, #tpu.memory_space<semaphore_mem>>) src(%dma_wait3A_153 : memref<1664x16xf32, #tpu.memory_space<vmem>>) dst(%dma_wait3A_158 : memref<10112x16xf32, #tpu.memory_space<vmem_shared>>)
    %dma_wait3A_159 = arith.constant 0 : i32
    %dma_wait3A_160 = tpu.memref_slice %arg9[%dma_wait3A_159] : memref<10112xi32, #tpu.memory_space<vmem>> -> memref<1664xi32, #tpu.memory_space<vmem>>
    %dma_wait3A_161 = arith.constant 0 : i32
    %dma_wait3A_162 = arith.constant 0 : i32
    %dma_wait3A_163 = tpu.memref_slice %arg13[%dma_wait3A_161, %dma_wait3A_162] : memref<10112x16xf32, #tpu.memory_space<vmem_shared>> -> memref<10112x16xf32, #tpu.memory_space<vmem_shared>>
    tpu.wait_indirect_dma semaphore(%arg17 : memref<!tpu.dma_semaphore, #tpu.memory_space<semaphore_mem>>) src(%arg11 : memref<1664x16xf32, #tpu.memory_space<vmem>>) dst(%dma_wait3A_163 : memref<10112x16xf32, #tpu.memory_space<vmem_shared>>)
    %dma_start3A_164 = arith.constant 0 : i32
    %dma_start3A_165 = arith.constant 0 : i32
    %dma_start3A_166 = tpu.memref_slice %arg10[%dma_start3A_164, %dma_start3A_165] : memref<3328x16xf32, #tpu.memory_space<vmem>> -> memref<1664x16xf32, #tpu.memory_space<vmem>>
    %dma_start3A_167 = arith.constant 6656 : i32
    %dma_start3A_168 = tpu.memref_slice %arg8[%dma_start3A_167] : memref<10112xi32, #tpu.memory_space<vmem>> -> memref<1664xi32, #tpu.memory_space<vmem>>
    %dma_start3A_169 = arith.constant 0 : i32
    %dma_start3A_170 = arith.constant 0 : i32
    %dma_start3A_171 = tpu.memref_slice %arg14[%dma_start3A_169, %dma_start3A_170] : memref<10000x16xf32, #tpu.memory_space<vmem_shared>> -> memref<10000x16xf32, #tpu.memory_space<vmem_shared>>
    tpu.enqueue_indirect_dma source(%dma_start3A_171 : memref<10000x16xf32, #tpu.memory_space<vmem_shared>>) target(%dma_start3A_166 : memref<1664x16xf32, #tpu.memory_space<vmem>>) offsets(%dma_start3A_168 : memref<1664xi32, #tpu.memory_space<vmem>>) semaphore(%arg15 : memref<!tpu.dma_semaphore, #tpu.memory_space<semaphore_mem>>)
    %dma_start3A_172 = arith.constant 1664 : i32
    %dma_start3A_173 = arith.constant 0 : i32
    %dma_start3A_174 = tpu.memref_slice %arg10[%dma_start3A_172, %dma_start3A_173] : memref<3328x16xf32, #tpu.memory_space<vmem>> -> memref<1664x16xf32, #tpu.memory_space<vmem>>
    %dma_start3A_175 = arith.constant 4992 : i32
    %dma_start3A_176 = tpu.memref_slice %arg9[%dma_start3A_175] : memref<10112xi32, #tpu.memory_space<vmem>> -> memref<1664xi32, #tpu.memory_space<vmem>>
    %dma_start3A_177 = arith.constant 0 : i32
    %dma_start3A_178 = arith.constant 0 : i32
    %dma_start3A_179 = tpu.memref_slice %arg12[%dma_start3A_177, %dma_start3A_178] : memref<10112x16xf32, #tpu.memory_space<vmem_shared>> -> memref<10112x16xf32, #tpu.memory_space<vmem_shared>>
    tpu.enqueue_indirect_dma source(%dma_start3A_174 : memref<1664x16xf32, #tpu.memory_space<vmem>>) target(%dma_start3A_179 : memref<10112x16xf32, #tpu.memory_space<vmem_shared>>) offsets(%dma_start3A_176 : memref<1664xi32, #tpu.memory_space<vmem>>) semaphore(%arg16 : memref<!tpu.dma_semaphore, #tpu.memory_space<semaphore_mem>>) {add = true}
    %dma_start3A_180 = arith.constant 4992 : i32
    %dma_start3A_181 = tpu.memref_slice %arg9[%dma_start3A_180] : memref<10112xi32, #tpu.memory_space<vmem>> -> memref<1664xi32, #tpu.memory_space<vmem>>
    %dma_start3A_182 = arith.constant 0 : i32
    %dma_start3A_183 = arith.constant 0 : i32
    %dma_start3A_184 = tpu.memref_slice %arg13[%dma_start3A_182, %dma_start3A_183] : memref<10112x16xf32, #tpu.memory_space<vmem_shared>> -> memref<10112x16xf32, #tpu.memory_space<vmem_shared>>
    tpu.enqueue_indirect_dma source(%arg11 : memref<1664x16xf32, #tpu.memory_space<vmem>>) target(%dma_start3A_184 : memref<10112x16xf32, #tpu.memory_space<vmem_shared>>) offsets(%dma_start3A_181 : memref<1664xi32, #tpu.memory_space<vmem>>) semaphore(%arg17 : memref<!tpu.dma_semaphore, #tpu.memory_space<semaphore_mem>>) {add = true}
    %dma_wait3A_185 = arith.constant 0 : i32
    %dma_wait3A_186 = arith.constant 0 : i32
    %dma_wait3A_187 = tpu.memref_slice %arg10[%dma_wait3A_185, %dma_wait3A_186] : memref<3328x16xf32, #tpu.memory_space<vmem>> -> memref<1664x16xf32, #tpu.memory_space<vmem>>
    %dma_wait3A_188 = arith.constant 0 : i32
    %dma_wait3A_189 = tpu.memref_slice %arg8[%dma_wait3A_188] : memref<10112xi32, #tpu.memory_space<vmem>> -> memref<1664xi32, #tpu.memory_space<vmem>>
    %dma_wait3A_190 = arith.constant 0 : i32
    %dma_wait3A_191 = arith.constant 0 : i32
    %dma_wait3A_192 = tpu.memref_slice %arg14[%dma_wait3A_190, %dma_wait3A_191] : memref<10000x16xf32, #tpu.memory_space<vmem_shared>> -> memref<10000x16xf32, #tpu.memory_space<vmem_shared>>
    tpu.wait_indirect_dma semaphore(%arg15 : memref<!tpu.dma_semaphore, #tpu.memory_space<semaphore_mem>>) src(%dma_wait3A_192 : memref<10000x16xf32, #tpu.memory_space<vmem_shared>>) dst(%dma_wait3A_187 : memref<1664x16xf32, #tpu.memory_space<vmem>>)
    %dma_wait3A_193 = arith.constant 0 : i32
    %dma_wait3A_194 = arith.constant 0 : i32
    %dma_wait3A_195 = tpu.memref_slice %arg10[%dma_wait3A_193, %dma_wait3A_194] : memref<3328x16xf32, #tpu.memory_space<vmem>> -> memref<1664x16xf32, #tpu.memory_space<vmem>>
    %dma_wait3A_196 = arith.constant 0 : i32
    %dma_wait3A_197 = tpu.memref_slice %arg9[%dma_wait3A_196] : memref<10112xi32, #tpu.memory_space<vmem>> -> memref<1664xi32, #tpu.memory_space<vmem>>
    %dma_wait3A_198 = arith.constant 0 : i32
    %dma_wait3A_199 = arith.constant 0 : i32
    %dma_wait3A_200 = tpu.memref_slice %arg12[%dma_wait3A_198, %dma_wait3A_199] : memref<10112x16xf32, #tpu.memory_space<vmem_shared>> -> memref<10112x16xf32, #tpu.memory_space<vmem_shared>>
    tpu.wait_indirect_dma semaphore(%arg16 : memref<!tpu.dma_semaphore, #tpu.memory_space<semaphore_mem>>) src(%dma_wait3A_195 : memref<1664x16xf32, #tpu.memory_space<vmem>>) dst(%dma_wait3A_200 : memref<10112x16xf32, #tpu.memory_space<vmem_shared>>)
    %dma_wait3A_201 = arith.constant 0 : i32
    %dma_wait3A_202 = tpu.memref_slice %arg9[%dma_wait3A_201] : memref<10112xi32, #tpu.memory_space<vmem>> -> memref<1664xi32, #tpu.memory_space<vmem>>
    %dma_wait3A_203 = arith.constant 0 : i32
    %dma_wait3A_204 = arith.constant 0 : i32
    %dma_wait3A_205 = tpu.memref_slice %arg13[%dma_wait3A_203, %dma_wait3A_204] : memref<10112x16xf32, #tpu.memory_space<vmem_shared>> -> memref<10112x16xf32, #tpu.memory_space<vmem_shared>>
    tpu.wait_indirect_dma semaphore(%arg17 : memref<!tpu.dma_semaphore, #tpu.memory_space<semaphore_mem>>) src(%arg11 : memref<1664x16xf32, #tpu.memory_space<vmem>>) dst(%dma_wait3A_205 : memref<10112x16xf32, #tpu.memory_space<vmem_shared>>)
    %dma_start3A_206 = arith.constant 1664 : i32
    %dma_start3A_207 = arith.constant 0 : i32
    %dma_start3A_208 = tpu.memref_slice %arg10[%dma_start3A_206, %dma_start3A_207] : memref<3328x16xf32, #tpu.memory_space<vmem>> -> memref<1664x16xf32, #tpu.memory_space<vmem>>
    %dma_start3A_209 = arith.constant 8320 : i32
    %dma_start3A_210 = tpu.memref_slice %arg8[%dma_start3A_209] : memref<10112xi32, #tpu.memory_space<vmem>> -> memref<1664xi32, #tpu.memory_space<vmem>>
    %dma_start3A_211 = arith.constant 0 : i32
    %dma_start3A_212 = arith.constant 0 : i32
    %dma_start3A_213 = tpu.memref_slice %arg14[%dma_start3A_211, %dma_start3A_212] : memref<10000x16xf32, #tpu.memory_space<vmem_shared>> -> memref<10000x16xf32, #tpu.memory_space<vmem_shared>>
    tpu.enqueue_indirect_dma source(%dma_start3A_213 : memref<10000x16xf32, #tpu.memory_space<vmem_shared>>) target(%dma_start3A_208 : memref<1664x16xf32, #tpu.memory_space<vmem>>) offsets(%dma_start3A_210 : memref<1664xi32, #tpu.memory_space<vmem>>) semaphore(%arg15 : memref<!tpu.dma_semaphore, #tpu.memory_space<semaphore_mem>>)
    %dma_start3A_214 = arith.constant 0 : i32
    %dma_start3A_215 = arith.constant 0 : i32
    %dma_start3A_216 = tpu.memref_slice %arg10[%dma_start3A_214, %dma_start3A_215] : memref<3328x16xf32, #tpu.memory_space<vmem>> -> memref<1664x16xf32, #tpu.memory_space<vmem>>
    %dma_start3A_217 = arith.constant 6656 : i32
    %dma_start3A_218 = tpu.memref_slice %arg9[%dma_start3A_217] : memref<10112xi32, #tpu.memory_space<vmem>> -> memref<1664xi32, #tpu.memory_space<vmem>>
    %dma_start3A_219 = arith.constant 0 : i32
    %dma_start3A_220 = arith.constant 0 : i32
    %dma_start3A_221 = tpu.memref_slice %arg12[%dma_start3A_219, %dma_start3A_220] : memref<10112x16xf32, #tpu.memory_space<vmem_shared>> -> memref<10112x16xf32, #tpu.memory_space<vmem_shared>>
    tpu.enqueue_indirect_dma source(%dma_start3A_216 : memref<1664x16xf32, #tpu.memory_space<vmem>>) target(%dma_start3A_221 : memref<10112x16xf32, #tpu.memory_space<vmem_shared>>) offsets(%dma_start3A_218 : memref<1664xi32, #tpu.memory_space<vmem>>) semaphore(%arg16 : memref<!tpu.dma_semaphore, #tpu.memory_space<semaphore_mem>>) {add = true}
    %dma_start3A_222 = arith.constant 6656 : i32
    %dma_start3A_223 = tpu.memref_slice %arg9[%dma_start3A_222] : memref<10112xi32, #tpu.memory_space<vmem>> -> memref<1664xi32, #tpu.memory_space<vmem>>
    %dma_start3A_224 = arith.constant 0 : i32
    %dma_start3A_225 = arith.constant 0 : i32
    %dma_start3A_226 = tpu.memref_slice %arg13[%dma_start3A_224, %dma_start3A_225] : memref<10112x16xf32, #tpu.memory_space<vmem_shared>> -> memref<10112x16xf32, #tpu.memory_space<vmem_shared>>
    tpu.enqueue_indirect_dma source(%arg11 : memref<1664x16xf32, #tpu.memory_space<vmem>>) target(%dma_start3A_226 : memref<10112x16xf32, #tpu.memory_space<vmem_shared>>) offsets(%dma_start3A_223 : memref<1664xi32, #tpu.memory_space<vmem>>) semaphore(%arg17 : memref<!tpu.dma_semaphore, #tpu.memory_space<semaphore_mem>>) {add = true}
    %dma_wait3A_227 = arith.constant 0 : i32
    %dma_wait3A_228 = arith.constant 0 : i32
    %dma_wait3A_229 = tpu.memref_slice %arg10[%dma_wait3A_227, %dma_wait3A_228] : memref<3328x16xf32, #tpu.memory_space<vmem>> -> memref<1664x16xf32, #tpu.memory_space<vmem>>
    %dma_wait3A_230 = arith.constant 0 : i32
    %dma_wait3A_231 = tpu.memref_slice %arg8[%dma_wait3A_230] : memref<10112xi32, #tpu.memory_space<vmem>> -> memref<1664xi32, #tpu.memory_space<vmem>>
    %dma_wait3A_232 = arith.constant 0 : i32
    %dma_wait3A_233 = arith.constant 0 : i32
    %dma_wait3A_234 = tpu.memref_slice %arg14[%dma_wait3A_232, %dma_wait3A_233] : memref<10000x16xf32, #tpu.memory_space<vmem_shared>> -> memref<10000x16xf32, #tpu.memory_space<vmem_shared>>
    tpu.wait_indirect_dma semaphore(%arg15 : memref<!tpu.dma_semaphore, #tpu.memory_space<semaphore_mem>>) src(%dma_wait3A_234 : memref<10000x16xf32, #tpu.memory_space<vmem_shared>>) dst(%dma_wait3A_229 : memref<1664x16xf32, #tpu.memory_space<vmem>>)
    %dma_start3A_235 = arith.constant 1664 : i32
    %dma_start3A_236 = arith.constant 0 : i32
    %dma_start3A_237 = tpu.memref_slice %arg10[%dma_start3A_235, %dma_start3A_236] : memref<3328x16xf32, #tpu.memory_space<vmem>> -> memref<1664x16xf32, #tpu.memory_space<vmem>>
    %dma_start3A_238 = arith.constant 8320 : i32
    %dma_start3A_239 = tpu.memref_slice %arg9[%dma_start3A_238] : memref<10112xi32, #tpu.memory_space<vmem>> -> memref<1664xi32, #tpu.memory_space<vmem>>
    %dma_start3A_240 = arith.constant 0 : i32
    %dma_start3A_241 = arith.constant 0 : i32
    %dma_start3A_242 = tpu.memref_slice %arg12[%dma_start3A_240, %dma_start3A_241] : memref<10112x16xf32, #tpu.memory_space<vmem_shared>> -> memref<10112x16xf32, #tpu.memory_space<vmem_shared>>
    tpu.enqueue_indirect_dma source(%dma_start3A_237 : memref<1664x16xf32, #tpu.memory_space<vmem>>) target(%dma_start3A_242 : memref<10112x16xf32, #tpu.memory_space<vmem_shared>>) offsets(%dma_start3A_239 : memref<1664xi32, #tpu.memory_space<vmem>>) semaphore(%arg16 : memref<!tpu.dma_semaphore, #tpu.memory_space<semaphore_mem>>) {add = true}
    %dma_start3A_243 = arith.constant 8320 : i32
    %dma_start3A_244 = tpu.memref_slice %arg9[%dma_start3A_243] : memref<10112xi32, #tpu.memory_space<vmem>> -> memref<1664xi32, #tpu.memory_space<vmem>>
    %dma_start3A_245 = arith.constant 0 : i32
    %dma_start3A_246 = arith.constant 0 : i32
    %dma_start3A_247 = tpu.memref_slice %arg13[%dma_start3A_245, %dma_start3A_246] : memref<10112x16xf32, #tpu.memory_space<vmem_shared>> -> memref<10112x16xf32, #tpu.memory_space<vmem_shared>>
    tpu.enqueue_indirect_dma source(%arg11 : memref<1664x16xf32, #tpu.memory_space<vmem>>) target(%dma_start3A_247 : memref<10112x16xf32, #tpu.memory_space<vmem_shared>>) offsets(%dma_start3A_244 : memref<1664xi32, #tpu.memory_space<vmem>>) semaphore(%arg17 : memref<!tpu.dma_semaphore, #tpu.memory_space<semaphore_mem>>) {add = true}
    %dma_wait3A_248 = arith.constant 0 : i32
    %dma_wait3A_249 = arith.constant 0 : i32
    %dma_wait3A_250 = tpu.memref_slice %arg10[%dma_wait3A_248, %dma_wait3A_249] : memref<3328x16xf32, #tpu.memory_space<vmem>> -> memref<1664x16xf32, #tpu.memory_space<vmem>>
    %dma_wait3A_251 = arith.constant 0 : i32
    %dma_wait3A_252 = tpu.memref_slice %arg9[%dma_wait3A_251] : memref<10112xi32, #tpu.memory_space<vmem>> -> memref<1664xi32, #tpu.memory_space<vmem>>
    %dma_wait3A_253 = arith.constant 0 : i32
    %dma_wait3A_254 = arith.constant 0 : i32
    %dma_wait3A_255 = tpu.memref_slice %arg12[%dma_wait3A_253, %dma_wait3A_254] : memref<10112x16xf32, #tpu.memory_space<vmem_shared>> -> memref<10112x16xf32, #tpu.memory_space<vmem_shared>>
    tpu.wait_indirect_dma semaphore(%arg16 : memref<!tpu.dma_semaphore, #tpu.memory_space<semaphore_mem>>) src(%dma_wait3A_250 : memref<1664x16xf32, #tpu.memory_space<vmem>>) dst(%dma_wait3A_255 : memref<10112x16xf32, #tpu.memory_space<vmem_shared>>)
    %dma_wait3A_256 = arith.constant 0 : i32
    %dma_wait3A_257 = tpu.memref_slice %arg9[%dma_wait3A_256] : memref<10112xi32, #tpu.memory_space<vmem>> -> memref<1664xi32, #tpu.memory_space<vmem>>
    %dma_wait3A_258 = arith.constant 0 : i32
    %dma_wait3A_259 = arith.constant 0 : i32
    %dma_wait3A_260 = tpu.memref_slice %arg13[%dma_wait3A_258, %dma_wait3A_259] : memref<10112x16xf32, #tpu.memory_space<vmem_shared>> -> memref<10112x16xf32, #tpu.memory_space<vmem_shared>>
    tpu.wait_indirect_dma semaphore(%arg17 : memref<!tpu.dma_semaphore, #tpu.memory_space<semaphore_mem>>) src(%arg11 : memref<1664x16xf32, #tpu.memory_space<vmem>>) dst(%dma_wait3A_260 : memref<10112x16xf32, #tpu.memory_space<vmem_shared>>)
    %dma_wait3A_261 = arith.constant 0 : i32
    %dma_wait3A_262 = arith.constant 0 : i32
    %dma_wait3A_263 = tpu.memref_slice %arg10[%dma_wait3A_261, %dma_wait3A_262] : memref<3328x16xf32, #tpu.memory_space<vmem>> -> memref<1664x16xf32, #tpu.memory_space<vmem>>
    %dma_wait3A_264 = arith.constant 0 : i32
    %dma_wait3A_265 = tpu.memref_slice %arg9[%dma_wait3A_264] : memref<10112xi32, #tpu.memory_space<vmem>> -> memref<1664xi32, #tpu.memory_space<vmem>>
    %dma_wait3A_266 = arith.constant 0 : i32
    %dma_wait3A_267 = arith.constant 0 : i32
    %dma_wait3A_268 = tpu.memref_slice %arg12[%dma_wait3A_266, %dma_wait3A_267] : memref<10112x16xf32, #tpu.memory_space<vmem_shared>> -> memref<10112x16xf32, #tpu.memory_space<vmem_shared>>
    tpu.wait_indirect_dma semaphore(%arg16 : memref<!tpu.dma_semaphore, #tpu.memory_space<semaphore_mem>>) src(%dma_wait3A_263 : memref<1664x16xf32, #tpu.memory_space<vmem>>) dst(%dma_wait3A_268 : memref<10112x16xf32, #tpu.memory_space<vmem_shared>>)
    %dma_wait3A_269 = arith.constant 0 : i32
    %dma_wait3A_270 = tpu.memref_slice %arg9[%dma_wait3A_269] : memref<10112xi32, #tpu.memory_space<vmem>> -> memref<1664xi32, #tpu.memory_space<vmem>>
    %dma_wait3A_271 = arith.constant 0 : i32
    %dma_wait3A_272 = arith.constant 0 : i32
    %dma_wait3A_273 = tpu.memref_slice %arg13[%dma_wait3A_271, %dma_wait3A_272] : memref<10112x16xf32, #tpu.memory_space<vmem_shared>> -> memref<10112x16xf32, #tpu.memory_space<vmem_shared>>
    tpu.wait_indirect_dma semaphore(%arg17 : memref<!tpu.dma_semaphore, #tpu.memory_space<semaphore_mem>>) src(%arg11 : memref<1664x16xf32, #tpu.memory_space<vmem>>) dst(%dma_wait3A_273 : memref<10112x16xf32, #tpu.memory_space<vmem_shared>>)
    %lt3A_274 = arith.constant 4 : i32
    %lt3A_275 = arith.cmpi slt, %add3A, %lt3A_274 : i32
    %convert_element_type3A_276 = arith.extui %lt3A_275 : i1 to i32
    %cond3A_277 = arith.constant 0 : i32
    %cond3A_278 = arith.cmpi ne, %convert_element_type3A_276, %cond3A_277 : i32
    scf.if %cond3A_278 {
      %dma_start3A_288 = arith.constant 0 : i32
      %dma_start3A_289 = arith.constant 0 : i32
      %dma_start3A_290 = tpu.memref_slice %arg10[%dma_start3A_288, %dma_start3A_289] : memref<3328x16xf32, #tpu.memory_space<vmem>> -> memref<128x16xf32, #tpu.memory_space<vmem>>
      %dma_start3A_291 = arith.constant 9984 : i32
      %dma_start3A_292 = tpu.memref_slice %arg8[%dma_start3A_291] : memref<10112xi32, #tpu.memory_space<vmem>> -> memref<128xi32, #tpu.memory_space<vmem>>
      %dma_start3A_293 = arith.constant 0 : i32
      %dma_start3A_294 = arith.constant 0 : i32
      %dma_start3A_295 = tpu.memref_slice %arg14[%dma_start3A_293, %dma_start3A_294] : memref<10000x16xf32, #tpu.memory_space<vmem_shared>> -> memref<10000x16xf32, #tpu.memory_space<vmem_shared>>
      tpu.enqueue_indirect_dma source(%dma_start3A_295 : memref<10000x16xf32, #tpu.memory_space<vmem_shared>>) target(%dma_start3A_290 : memref<128x16xf32, #tpu.memory_space<vmem>>) offsets(%dma_start3A_292 : memref<128xi32, #tpu.memory_space<vmem>>) semaphore(%arg15 : memref<!tpu.dma_semaphore, #tpu.memory_space<semaphore_mem>>)
      %dma_wait3A_296 = arith.constant 0 : i32
      %dma_wait3A_297 = arith.constant 0 : i32
      %dma_wait3A_298 = tpu.memref_slice %arg10[%dma_wait3A_296, %dma_wait3A_297] : memref<3328x16xf32, #tpu.memory_space<vmem>> -> memref<128x16xf32, #tpu.memory_space<vmem>>
      %dma_wait3A_299 = arith.constant 9984 : i32
      %dma_wait3A_300 = tpu.memref_slice %arg8[%dma_wait3A_299] : memref<10112xi32, #tpu.memory_space<vmem>> -> memref<128xi32, #tpu.memory_space<vmem>>
      %dma_wait3A_301 = arith.constant 0 : i32
      %dma_wait3A_302 = arith.constant 0 : i32
      %dma_wait3A_303 = tpu.memref_slice %arg14[%dma_wait3A_301, %dma_wait3A_302] : memref<10000x16xf32, #tpu.memory_space<vmem_shared>> -> memref<10000x16xf32, #tpu.memory_space<vmem_shared>>
      tpu.wait_indirect_dma semaphore(%arg15 : memref<!tpu.dma_semaphore, #tpu.memory_space<semaphore_mem>>) src(%dma_wait3A_303 : memref<10000x16xf32, #tpu.memory_space<vmem_shared>>) dst(%dma_wait3A_298 : memref<128x16xf32, #tpu.memory_space<vmem>>)
      "tpu.region"() ({
        %run_scoped3A_304 = tpu.sem_alloc : memref<!tpu.dma_semaphore, #tpu.memory_space<semaphore_mem>>
        %dma_start3A_305 = arith.constant 0 : i32
        %dma_start3A_306 = arith.constant 0 : i32
        %dma_start3A_307 = tpu.memref_slice %arg10[%dma_start3A_305, %dma_start3A_306] : memref<3328x16xf32, #tpu.memory_space<vmem>> -> memref<128x16xf32, #tpu.memory_space<vmem>>
        %dma_start3A_308 = arith.constant 9984 : i32
        %dma_start3A_309 = tpu.memref_slice %arg9[%dma_start3A_308] : memref<10112xi32, #tpu.memory_space<vmem>> -> memref<128xi32, #tpu.memory_space<vmem>>
        %dma_start3A_310 = arith.constant 0 : i32
        %dma_start3A_311 = arith.constant 0 : i32
        %dma_start3A_312 = tpu.memref_slice %arg12[%dma_start3A_310, %dma_start3A_311] : memref<10112x16xf32, #tpu.memory_space<vmem_shared>> -> memref<10112x16xf32, #tpu.memory_space<vmem_shared>>
        tpu.enqueue_indirect_dma source(%dma_start3A_307 : memref<128x16xf32, #tpu.memory_space<vmem>>) target(%dma_start3A_312 : memref<10112x16xf32, #tpu.memory_space<vmem_shared>>) offsets(%dma_start3A_309 : memref<128xi32, #tpu.memory_space<vmem>>) semaphore(%run_scoped3A_304 : memref<!tpu.dma_semaphore, #tpu.memory_space<semaphore_mem>>) {add = true}
        %dma_wait3A_313 = arith.constant 0 : i32
        %dma_wait3A_314 = arith.constant 0 : i32
        %dma_wait3A_315 = tpu.memref_slice %arg10[%dma_wait3A_313, %dma_wait3A_314] : memref<3328x16xf32, #tpu.memory_space<vmem>> -> memref<128x16xf32, #tpu.memory_space<vmem>>
        %dma_wait3A_316 = arith.constant 9984 : i32
        %dma_wait3A_317 = tpu.memref_slice %arg9[%dma_wait3A_316] : memref<10112xi32, #tpu.memory_space<vmem>> -> memref<128xi32, #tpu.memory_space<vmem>>
        %dma_wait3A_318 = arith.constant 0 : i32
        %dma_wait3A_319 = arith.constant 0 : i32
        %dma_wait3A_320 = tpu.memref_slice %arg12[%dma_wait3A_318, %dma_wait3A_319] : memref<10112x16xf32, #tpu.memory_space<vmem_shared>> -> memref<10112x16xf32, #tpu.memory_space<vmem_shared>>
        tpu.wait_indirect_dma semaphore(%run_scoped3A_304 : memref<!tpu.dma_semaphore, #tpu.memory_space<semaphore_mem>>) src(%dma_wait3A_315 : memref<128x16xf32, #tpu.memory_space<vmem>>) dst(%dma_wait3A_320 : memref<10112x16xf32, #tpu.memory_space<vmem_shared>>)
        tpu.yield
      }) : () -> ()
      "tpu.region"() ({
        %run_scoped3A_304 = tpu.sem_alloc : memref<!tpu.dma_semaphore, #tpu.memory_space<semaphore_mem>>
        %dma_start3A_305 = arith.constant 0 : i32
        %dma_start3A_306 = arith.constant 0 : i32
        %dma_start3A_307 = tpu.memref_slice %arg11[%dma_start3A_305, %dma_start3A_306] : memref<1664x16xf32, #tpu.memory_space<vmem>> -> memref<128x16xf32, #tpu.memory_space<vmem>>
        %dma_start3A_308 = arith.constant 9984 : i32
        %dma_start3A_309 = tpu.memref_slice %arg9[%dma_start3A_308] : memref<10112xi32, #tpu.memory_space<vmem>> -> memref<128xi32, #tpu.memory_space<vmem>>
        %dma_start3A_310 = arith.constant 0 : i32
        %dma_start3A_311 = arith.constant 0 : i32
        %dma_start3A_312 = tpu.memref_slice %arg13[%dma_start3A_310, %dma_start3A_311] : memref<10112x16xf32, #tpu.memory_space<vmem_shared>> -> memref<10112x16xf32, #tpu.memory_space<vmem_shared>>
        tpu.enqueue_indirect_dma source(%dma_start3A_307 : memref<128x16xf32, #tpu.memory_space<vmem>>) target(%dma_start3A_312 : memref<10112x16xf32, #tpu.memory_space<vmem_shared>>) offsets(%dma_start3A_309 : memref<128xi32, #tpu.memory_space<vmem>>) semaphore(%run_scoped3A_304 : memref<!tpu.dma_semaphore, #tpu.memory_space<semaphore_mem>>) {add = true}
        %dma_wait3A_313 = arith.constant 0 : i32
        %dma_wait3A_314 = arith.constant 0 : i32
        %dma_wait3A_315 = tpu.memref_slice %arg11[%dma_wait3A_313, %dma_wait3A_314] : memref<1664x16xf32, #tpu.memory_space<vmem>> -> memref<128x16xf32, #tpu.memory_space<vmem>>
        %dma_wait3A_316 = arith.constant 9984 : i32
        %dma_wait3A_317 = tpu.memref_slice %arg9[%dma_wait3A_316] : memref<10112xi32, #tpu.memory_space<vmem>> -> memref<128xi32, #tpu.memory_space<vmem>>
        %dma_wait3A_318 = arith.constant 0 : i32
        %dma_wait3A_319 = arith.constant 0 : i32
        %dma_wait3A_320 = tpu.memref_slice %arg13[%dma_wait3A_318, %dma_wait3A_319] : memref<10112x16xf32, #tpu.memory_space<vmem_shared>> -> memref<10112x16xf32, #tpu.memory_space<vmem_shared>>
        tpu.wait_indirect_dma semaphore(%run_scoped3A_304 : memref<!tpu.dma_semaphore, #tpu.memory_space<semaphore_mem>>) src(%dma_wait3A_315 : memref<128x16xf32, #tpu.memory_space<vmem>>) dst(%dma_wait3A_320 : memref<10112x16xf32, #tpu.memory_space<vmem_shared>>)
        tpu.yield
      }) : () -> ()
    } else {
    }
    %barrier3A_279 = arith.constant 0 : index
    tpu.barrier barrier_id(%barrier3A_279)
    %mul3A_280 = arith.constant 632 : i32
    %mul3A_281 = arith.muli %arg1, %mul3A_280 : i32
    %mul3A_282 = arith.constant 632 : i32
    %mul3A_283 = arith.muli %arg1, %mul3A_282 : i32
    "tpu.region"() ({
      %run_scoped3A_288 = tpu.sem_alloc : memref<!tpu.dma_semaphore, #tpu.memory_space<semaphore_mem>>
      %dma_start3A_289 = arith.constant 0 : i32
      %dma_start3A_290 = tpu.memref_slice %arg6[%arg0, %mul3A_283, %dma_start3A_289] : memref<2x10112x16xf32, #tpu.memory_space<hbm>> -> memref<1x632x16xf32, #tpu.memory_space<hbm>>
      %dma_start3A_291 = tpu.memref_squeeze %dma_start3A_290 : memref<1x632x16xf32, #tpu.memory_space<hbm>> -> memref<632x16xf32, #tpu.memory_space<hbm>>
      %dma_start3A_292 = arith.constant 0 : i32
      %dma_start3A_293 = tpu.memref_slice %arg12[%mul3A_281, %dma_start3A_292] : memref<10112x16xf32, #tpu.memory_space<vmem_shared>> -> memref<632x16xf32, #tpu.memory_space<vmem_shared>>
      tpu.enqueue_dma source(%dma_start3A_293 : memref<632x16xf32, #tpu.memory_space<vmem_shared>>) target(%dma_start3A_291 : memref<632x16xf32, #tpu.memory_space<hbm>>) target_semaphore(%run_scoped3A_288 : memref<!tpu.dma_semaphore, #tpu.memory_space<semaphore_mem>>)
      %dma_wait3A_294 = arith.constant 0 : i32
      %dma_wait3A_295 = tpu.memref_slice %arg6[%arg0, %mul3A_283, %dma_wait3A_294] : memref<2x10112x16xf32, #tpu.memory_space<hbm>> -> memref<1x632x16xf32, #tpu.memory_space<hbm>>
      %dma_wait3A_296 = tpu.memref_squeeze %dma_wait3A_295 : memref<1x632x16xf32, #tpu.memory_space<hbm>> -> memref<632x16xf32, #tpu.memory_space<hbm>>
      %dma_wait3A_297 = arith.constant 0 : i32
      %dma_wait3A_298 = tpu.memref_slice %arg12[%mul3A_281, %dma_wait3A_297] : memref<10112x16xf32, #tpu.memory_space<vmem_shared>> -> memref<632x16xf32, #tpu.memory_space<vmem_shared>>
      tpu.wait_dma2 semaphore(%run_scoped3A_288 : memref<!tpu.dma_semaphore, #tpu.memory_space<semaphore_mem>>) src(%dma_wait3A_298 : memref<632x16xf32, #tpu.memory_space<vmem_shared>>) dst(%dma_wait3A_296 : memref<632x16xf32, #tpu.memory_space<hbm>>)
      tpu.yield
    }) : () -> ()
    %mul3A_284 = arith.constant 632 : i32
    %mul3A_285 = arith.muli %arg1, %mul3A_284 : i32
    %mul3A_286 = arith.constant 632 : i32
    %mul3A_287 = arith.muli %arg1, %mul3A_286 : i32
    "tpu.region"() ({
      %run_scoped3A_288 = tpu.sem_alloc : memref<!tpu.dma_semaphore, #tpu.memory_space<semaphore_mem>>
      %dma_start3A_289 = arith.constant 0 : i32
      %dma_start3A_290 = tpu.memref_slice %arg7[%arg0, %mul3A_287, %dma_start3A_289] : memref<2x10112x16xf32, #tpu.memory_space<hbm>> -> memref<1x632x16xf32, #tpu.memory_space<hbm>>
      %dma_start3A_291 = tpu.memref_squeeze %dma_start3A_290 : memref<1x632x16xf32, #tpu.memory_space<hbm>> -> memref<632x16xf32, #tpu.memory_space<hbm>>
      %dma_start3A_292 = arith.constant 0 : i32
      %dma_start3A_293 = tpu.memref_slice %arg13[%mul3A_285, %dma_start3A_292] : memref<10112x16xf32, #tpu.memory_space<vmem_shared>> -> memref<632x16xf32, #tpu.memory_space<vmem_shared>>
      tpu.enqueue_dma source(%dma_start3A_293 : memref<632x16xf32, #tpu.memory_space<vmem_shared>>) target(%dma_start3A_291 : memref<632x16xf32, #tpu.memory_space<hbm>>) target_semaphore(%run_scoped3A_288 : memref<!tpu.dma_semaphore, #tpu.memory_space<semaphore_mem>>)
      %dma_wait3A_294 = arith.constant 0 : i32
      %dma_wait3A_295 = tpu.memref_slice %arg7[%arg0, %mul3A_287, %dma_wait3A_294] : memref<2x10112x16xf32, #tpu.memory_space<hbm>> -> memref<1x632x16xf32, #tpu.memory_space<hbm>>
      %dma_wait3A_296 = tpu.memref_squeeze %dma_wait3A_295 : memref<1x632x16xf32, #tpu.memory_space<hbm>> -> memref<632x16xf32, #tpu.memory_space<hbm>>
      %dma_wait3A_297 = arith.constant 0 : i32
      %dma_wait3A_298 = tpu.memref_slice %arg13[%mul3A_285, %dma_wait3A_297] : memref<10112x16xf32, #tpu.memory_space<vmem_shared>> -> memref<632x16xf32, #tpu.memory_space<vmem_shared>>
      tpu.wait_dma2 semaphore(%run_scoped3A_288 : memref<!tpu.dma_semaphore, #tpu.memory_space<semaphore_mem>>) src(%dma_wait3A_298 : memref<632x16xf32, #tpu.memory_space<vmem_shared>>) dst(%dma_wait3A_296 : memref<632x16xf32, #tpu.memory_space<hbm>>)
      tpu.yield
    }) : () -> ()
    return
  }
}

module attributes {stable_mosaic.version = 14 : i64} {
  func.func @_proj_body(%arg0: memref<8x1250x128xf32, #tpu.memory_space<vmem>>, %arg1: memref<16x128xf32, #tpu.memory_space<vmem>>, %arg2: memref<16x128xf32, #tpu.memory_space<vmem>>, %arg3: memref<1250x128xf32, #tpu.memory_space<vmem>>, %arg4: memref<1250x128xf32, #tpu.memory_space<vmem>>) attributes {dimension_semantics = [], scalar_prefetch = 0 : i64, scratch_operands = 0 : i64, tpu.core_type = #tpu.core_type<tc>} {
    %get3A = arith.constant 0 : index
    %get3A_0 = arith.constant 0 : index
    %get3A_1 = arith.constant 0 : index
    %get3A_2 = vector.load %arg0[%get3A, %get3A_0, %get3A_1] : memref<8x1250x128xf32, #tpu.memory_space<vmem>>, vector<8x1250x128xf32>
    %slice3A = vector.extract_strided_slice %get3A_2 {offsets = [0, 0, 0], sizes = [1, 1250, 128], strides = [1, 1, 1]} : vector<8x1250x128xf32> to vector<1x1250x128xf32>
    %squeeze3A = vector.shape_cast %slice3A : vector<1x1250x128xf32> to vector<1250x128xf32>
    %get3A_3 = arith.constant 0 : index
    %get3A_4 = arith.constant 0 : index
    %get3A_5 = vector.load %arg1[%get3A_3, %get3A_4] : memref<16x128xf32, #tpu.memory_space<vmem>>, vector<16x128xf32>
    %dot_general3A = arith.constant dense<0.000000e+00> : vector<1250x16xf32>
    %dot_general3A_6 = tpu.matmul %squeeze3A, %get3A_5, %dot_general3A {dimension_numbers = #tpu.dot_dimension_numbers<[1], [1], [0], [0], [0, 0, 1, 0], [], []>, transpose_lhs_hint = false} : vector<1250x128xf32>, vector<16x128xf32>, vector<1250x16xf32> -> vector<1250x16xf32>
    %get3A_7 = arith.constant 0 : index
    %get3A_8 = arith.constant 0 : index
    %get3A_9 = vector.load %arg2[%get3A_7, %get3A_8] : memref<16x128xf32, #tpu.memory_space<vmem>>, vector<16x128xf32>
    %dot_general3A_10 = arith.constant dense<0.000000e+00> : vector<1250x16xf32>
    %dot_general3A_11 = tpu.matmul %squeeze3A, %get3A_9, %dot_general3A_10 {dimension_numbers = #tpu.dot_dimension_numbers<[1], [1], [0], [0], [0, 0, 1, 0], [], []>, transpose_lhs_hint = false} : vector<1250x128xf32>, vector<16x128xf32>, vector<1250x16xf32> -> vector<1250x16xf32>
    %slice3A_12 = vector.extract_strided_slice %get3A_2 {offsets = [1, 0, 0], sizes = [1, 1250, 128], strides = [1, 1, 1]} : vector<8x1250x128xf32> to vector<1x1250x128xf32>
    %squeeze3A_13 = vector.shape_cast %slice3A_12 : vector<1x1250x128xf32> to vector<1250x128xf32>
    %get3A_14 = arith.constant 0 : index
    %get3A_15 = arith.constant 0 : index
    %get3A_16 = vector.load %arg1[%get3A_14, %get3A_15] : memref<16x128xf32, #tpu.memory_space<vmem>>, vector<16x128xf32>
    %dot_general3A_17 = arith.constant dense<0.000000e+00> : vector<1250x16xf32>
    %dot_general3A_18 = tpu.matmul %squeeze3A_13, %get3A_16, %dot_general3A_17 {dimension_numbers = #tpu.dot_dimension_numbers<[1], [1], [0], [0], [0, 0, 1, 0], [], []>, transpose_lhs_hint = false} : vector<1250x128xf32>, vector<16x128xf32>, vector<1250x16xf32> -> vector<1250x16xf32>
    %get3A_19 = arith.constant 0 : index
    %get3A_20 = arith.constant 0 : index
    %get3A_21 = vector.load %arg2[%get3A_19, %get3A_20] : memref<16x128xf32, #tpu.memory_space<vmem>>, vector<16x128xf32>
    %dot_general3A_22 = arith.constant dense<0.000000e+00> : vector<1250x16xf32>
    %dot_general3A_23 = tpu.matmul %squeeze3A_13, %get3A_21, %dot_general3A_22 {dimension_numbers = #tpu.dot_dimension_numbers<[1], [1], [0], [0], [0, 0, 1, 0], [], []>, transpose_lhs_hint = false} : vector<1250x128xf32>, vector<16x128xf32>, vector<1250x16xf32> -> vector<1250x16xf32>
    %slice3A_24 = vector.extract_strided_slice %get3A_2 {offsets = [2, 0, 0], sizes = [1, 1250, 128], strides = [1, 1, 1]} : vector<8x1250x128xf32> to vector<1x1250x128xf32>
    %squeeze3A_25 = vector.shape_cast %slice3A_24 : vector<1x1250x128xf32> to vector<1250x128xf32>
    %get3A_26 = arith.constant 0 : index
    %get3A_27 = arith.constant 0 : index
    %get3A_28 = vector.load %arg1[%get3A_26, %get3A_27] : memref<16x128xf32, #tpu.memory_space<vmem>>, vector<16x128xf32>
    %dot_general3A_29 = arith.constant dense<0.000000e+00> : vector<1250x16xf32>
    %dot_general3A_30 = tpu.matmul %squeeze3A_25, %get3A_28, %dot_general3A_29 {dimension_numbers = #tpu.dot_dimension_numbers<[1], [1], [0], [0], [0, 0, 1, 0], [], []>, transpose_lhs_hint = false} : vector<1250x128xf32>, vector<16x128xf32>, vector<1250x16xf32> -> vector<1250x16xf32>
    %get3A_31 = arith.constant 0 : index
    %get3A_32 = arith.constant 0 : index
    %get3A_33 = vector.load %arg2[%get3A_31, %get3A_32] : memref<16x128xf32, #tpu.memory_space<vmem>>, vector<16x128xf32>
    %dot_general3A_34 = arith.constant dense<0.000000e+00> : vector<1250x16xf32>
    %dot_general3A_35 = tpu.matmul %squeeze3A_25, %get3A_33, %dot_general3A_34 {dimension_numbers = #tpu.dot_dimension_numbers<[1], [1], [0], [0], [0, 0, 1, 0], [], []>, transpose_lhs_hint = false} : vector<1250x128xf32>, vector<16x128xf32>, vector<1250x16xf32> -> vector<1250x16xf32>
    %slice3A_36 = vector.extract_strided_slice %get3A_2 {offsets = [3, 0, 0], sizes = [1, 1250, 128], strides = [1, 1, 1]} : vector<8x1250x128xf32> to vector<1x1250x128xf32>
    %squeeze3A_37 = vector.shape_cast %slice3A_36 : vector<1x1250x128xf32> to vector<1250x128xf32>
    %get3A_38 = arith.constant 0 : index
    %get3A_39 = arith.constant 0 : index
    %get3A_40 = vector.load %arg1[%get3A_38, %get3A_39] : memref<16x128xf32, #tpu.memory_space<vmem>>, vector<16x128xf32>
    %dot_general3A_41 = arith.constant dense<0.000000e+00> : vector<1250x16xf32>
    %dot_general3A_42 = tpu.matmul %squeeze3A_37, %get3A_40, %dot_general3A_41 {dimension_numbers = #tpu.dot_dimension_numbers<[1], [1], [0], [0], [0, 0, 1, 0], [], []>, transpose_lhs_hint = false} : vector<1250x128xf32>, vector<16x128xf32>, vector<1250x16xf32> -> vector<1250x16xf32>
    %get3A_43 = arith.constant 0 : index
    %get3A_44 = arith.constant 0 : index
    %get3A_45 = vector.load %arg2[%get3A_43, %get3A_44] : memref<16x128xf32, #tpu.memory_space<vmem>>, vector<16x128xf32>
    %dot_general3A_46 = arith.constant dense<0.000000e+00> : vector<1250x16xf32>
    %dot_general3A_47 = tpu.matmul %squeeze3A_37, %get3A_45, %dot_general3A_46 {dimension_numbers = #tpu.dot_dimension_numbers<[1], [1], [0], [0], [0, 0, 1, 0], [], []>, transpose_lhs_hint = false} : vector<1250x128xf32>, vector<16x128xf32>, vector<1250x16xf32> -> vector<1250x16xf32>
    %slice3A_48 = vector.extract_strided_slice %get3A_2 {offsets = [4, 0, 0], sizes = [1, 1250, 128], strides = [1, 1, 1]} : vector<8x1250x128xf32> to vector<1x1250x128xf32>
    %squeeze3A_49 = vector.shape_cast %slice3A_48 : vector<1x1250x128xf32> to vector<1250x128xf32>
    %get3A_50 = arith.constant 0 : index
    %get3A_51 = arith.constant 0 : index
    %get3A_52 = vector.load %arg1[%get3A_50, %get3A_51] : memref<16x128xf32, #tpu.memory_space<vmem>>, vector<16x128xf32>
    %dot_general3A_53 = arith.constant dense<0.000000e+00> : vector<1250x16xf32>
    %dot_general3A_54 = tpu.matmul %squeeze3A_49, %get3A_52, %dot_general3A_53 {dimension_numbers = #tpu.dot_dimension_numbers<[1], [1], [0], [0], [0, 0, 1, 0], [], []>, transpose_lhs_hint = false} : vector<1250x128xf32>, vector<16x128xf32>, vector<1250x16xf32> -> vector<1250x16xf32>
    %get3A_55 = arith.constant 0 : index
    %get3A_56 = arith.constant 0 : index
    %get3A_57 = vector.load %arg2[%get3A_55, %get3A_56] : memref<16x128xf32, #tpu.memory_space<vmem>>, vector<16x128xf32>
    %dot_general3A_58 = arith.constant dense<0.000000e+00> : vector<1250x16xf32>
    %dot_general3A_59 = tpu.matmul %squeeze3A_49, %get3A_57, %dot_general3A_58 {dimension_numbers = #tpu.dot_dimension_numbers<[1], [1], [0], [0], [0, 0, 1, 0], [], []>, transpose_lhs_hint = false} : vector<1250x128xf32>, vector<16x128xf32>, vector<1250x16xf32> -> vector<1250x16xf32>
    %slice3A_60 = vector.extract_strided_slice %get3A_2 {offsets = [5, 0, 0], sizes = [1, 1250, 128], strides = [1, 1, 1]} : vector<8x1250x128xf32> to vector<1x1250x128xf32>
    %squeeze3A_61 = vector.shape_cast %slice3A_60 : vector<1x1250x128xf32> to vector<1250x128xf32>
    %get3A_62 = arith.constant 0 : index
    %get3A_63 = arith.constant 0 : index
    %get3A_64 = vector.load %arg1[%get3A_62, %get3A_63] : memref<16x128xf32, #tpu.memory_space<vmem>>, vector<16x128xf32>
    %dot_general3A_65 = arith.constant dense<0.000000e+00> : vector<1250x16xf32>
    %dot_general3A_66 = tpu.matmul %squeeze3A_61, %get3A_64, %dot_general3A_65 {dimension_numbers = #tpu.dot_dimension_numbers<[1], [1], [0], [0], [0, 0, 1, 0], [], []>, transpose_lhs_hint = false} : vector<1250x128xf32>, vector<16x128xf32>, vector<1250x16xf32> -> vector<1250x16xf32>
    %get3A_67 = arith.constant 0 : index
    %get3A_68 = arith.constant 0 : index
    %get3A_69 = vector.load %arg2[%get3A_67, %get3A_68] : memref<16x128xf32, #tpu.memory_space<vmem>>, vector<16x128xf32>
    %dot_general3A_70 = arith.constant dense<0.000000e+00> : vector<1250x16xf32>
    %dot_general3A_71 = tpu.matmul %squeeze3A_61, %get3A_69, %dot_general3A_70 {dimension_numbers = #tpu.dot_dimension_numbers<[1], [1], [0], [0], [0, 0, 1, 0], [], []>, transpose_lhs_hint = false} : vector<1250x128xf32>, vector<16x128xf32>, vector<1250x16xf32> -> vector<1250x16xf32>
    %slice3A_72 = vector.extract_strided_slice %get3A_2 {offsets = [6, 0, 0], sizes = [1, 1250, 128], strides = [1, 1, 1]} : vector<8x1250x128xf32> to vector<1x1250x128xf32>
    %squeeze3A_73 = vector.shape_cast %slice3A_72 : vector<1x1250x128xf32> to vector<1250x128xf32>
    %get3A_74 = arith.constant 0 : index
    %get3A_75 = arith.constant 0 : index
    %get3A_76 = vector.load %arg1[%get3A_74, %get3A_75] : memref<16x128xf32, #tpu.memory_space<vmem>>, vector<16x128xf32>
    %dot_general3A_77 = arith.constant dense<0.000000e+00> : vector<1250x16xf32>
    %dot_general3A_78 = tpu.matmul %squeeze3A_73, %get3A_76, %dot_general3A_77 {dimension_numbers = #tpu.dot_dimension_numbers<[1], [1], [0], [0], [0, 0, 1, 0], [], []>, transpose_lhs_hint = false} : vector<1250x128xf32>, vector<16x128xf32>, vector<1250x16xf32> -> vector<1250x16xf32>
    %get3A_79 = arith.constant 0 : index
    %get3A_80 = arith.constant 0 : index
    %get3A_81 = vector.load %arg2[%get3A_79, %get3A_80] : memref<16x128xf32, #tpu.memory_space<vmem>>, vector<16x128xf32>
    %dot_general3A_82 = arith.constant dense<0.000000e+00> : vector<1250x16xf32>
    %dot_general3A_83 = tpu.matmul %squeeze3A_73, %get3A_81, %dot_general3A_82 {dimension_numbers = #tpu.dot_dimension_numbers<[1], [1], [0], [0], [0, 0, 1, 0], [], []>, transpose_lhs_hint = false} : vector<1250x128xf32>, vector<16x128xf32>, vector<1250x16xf32> -> vector<1250x16xf32>
    %slice3A_84 = vector.extract_strided_slice %get3A_2 {offsets = [7, 0, 0], sizes = [1, 1250, 128], strides = [1, 1, 1]} : vector<8x1250x128xf32> to vector<1x1250x128xf32>
    %squeeze3A_85 = vector.shape_cast %slice3A_84 : vector<1x1250x128xf32> to vector<1250x128xf32>
    %get3A_86 = arith.constant 0 : index
    %get3A_87 = arith.constant 0 : index
    %get3A_88 = vector.load %arg1[%get3A_86, %get3A_87] : memref<16x128xf32, #tpu.memory_space<vmem>>, vector<16x128xf32>
    %dot_general3A_89 = arith.constant dense<0.000000e+00> : vector<1250x16xf32>
    %dot_general3A_90 = tpu.matmul %squeeze3A_85, %get3A_88, %dot_general3A_89 {dimension_numbers = #tpu.dot_dimension_numbers<[1], [1], [0], [0], [0, 0, 1, 0], [], []>, transpose_lhs_hint = false} : vector<1250x128xf32>, vector<16x128xf32>, vector<1250x16xf32> -> vector<1250x16xf32>
    %get3A_91 = arith.constant 0 : index
    %get3A_92 = arith.constant 0 : index
    %get3A_93 = vector.load %arg2[%get3A_91, %get3A_92] : memref<16x128xf32, #tpu.memory_space<vmem>>, vector<16x128xf32>
    %dot_general3A_94 = arith.constant dense<0.000000e+00> : vector<1250x16xf32>
    %dot_general3A_95 = tpu.matmul %squeeze3A_85, %get3A_93, %dot_general3A_94 {dimension_numbers = #tpu.dot_dimension_numbers<[1], [1], [0], [0], [0, 0, 1, 0], [], []>, transpose_lhs_hint = false} : vector<1250x128xf32>, vector<16x128xf32>, vector<1250x16xf32> -> vector<1250x16xf32>
    %concatenate3A = tpu.concatenate %dot_general3A_6, %dot_general3A_18, %dot_general3A_30, %dot_general3A_42, %dot_general3A_54, %dot_general3A_66, %dot_general3A_78, %dot_general3A_90 in 1 : vector<1250x16xf32>, vector<1250x16xf32>, vector<1250x16xf32>, vector<1250x16xf32>, vector<1250x16xf32>, vector<1250x16xf32>, vector<1250x16xf32>, vector<1250x16xf32> -> vector<1250x128xf32>
    %swap3A = arith.constant 0 : index
    %swap3A_96 = arith.constant 0 : index
    %swap3A_97 = vector.load %arg3[%swap3A, %swap3A_96] : memref<1250x128xf32, #tpu.memory_space<vmem>>, vector<1250x128xf32>
    tpu.vector_store %arg3[%swap3A, %swap3A_96], %concatenate3A {strides = array<i32>} : memref<1250x128xf32, #tpu.memory_space<vmem>>, vector<1250x128xf32>,
    %concatenate3A_98 = tpu.concatenate %dot_general3A_11, %dot_general3A_23, %dot_general3A_35, %dot_general3A_47, %dot_general3A_59, %dot_general3A_71, %dot_general3A_83, %dot_general3A_95 in 1 : vector<1250x16xf32>, vector<1250x16xf32>, vector<1250x16xf32>, vector<1250x16xf32>, vector<1250x16xf32>, vector<1250x16xf32>, vector<1250x16xf32>, vector<1250x16xf32> -> vector<1250x128xf32>
    %swap3A_99 = arith.constant 0 : index
    %swap3A_100 = arith.constant 0 : index
    %swap3A_101 = vector.load %arg4[%swap3A_99, %swap3A_100] : memref<1250x128xf32, #tpu.memory_space<vmem>>, vector<1250x128xf32>
    tpu.vector_store %arg4[%swap3A_99, %swap3A_100], %concatenate3A_98 {strides = array<i32>} : memref<1250x128xf32, #tpu.memory_space<vmem>>, vector<1250x128xf32>,
    return
  }
}

module attributes {stable_mosaic.version = 14 : i64} {
  func.func @_h_body(%arg0: memref<2x1264x128xf32, #tpu.memory_space<vmem>>, %arg1: memref<2x1264x128xf32, #tpu.memory_space<vmem>>, %arg2: memref<1250x128xf32, #tpu.memory_space<vmem>>, %arg3: memref<1x128xf32, #tpu.memory_space<vmem>>, %arg4: memref<1250x128xf32, #tpu.memory_space<vmem>>, %arg5: memref<1250x128xf32, #tpu.memory_space<vmem>>) attributes {dimension_semantics = [], scalar_prefetch = 0 : i64, scratch_operands = 0 : i64, tpu.core_type = #tpu.core_type<tc>} {
    %get3A = arith.constant 0 : index
    %get3A_0 = arith.constant 0 : index
    %get3A_1 = arith.constant 0 : index
    %get3A_2 = vector.load %arg1[%get3A, %get3A_0, %get3A_1] : memref<2x1264x128xf32, #tpu.memory_space<vmem>>, vector<1x1250x128xf32>
    %get3A_3 = vector.shape_cast %get3A_2 : vector<1x1250x128xf32> to vector<1250x128xf32>
    %get3A_4 = arith.constant 1 : index
    %get3A_5 = arith.constant 0 : index
    %get3A_6 = arith.constant 0 : index
    %get3A_7 = vector.load %arg1[%get3A_4, %get3A_5, %get3A_6] : memref<2x1264x128xf32, #tpu.memory_space<vmem>>, vector<1x1250x128xf32>
    %get3A_8 = vector.shape_cast %get3A_7 : vector<1x1250x128xf32> to vector<1250x128xf32>
    %add3A = arith.addf %get3A_3, %get3A_8 : vector<1250x128xf32>
    %max3A = arith.constant 1.000000e+00 : f32
    %max3A_9 = vector.broadcast %max3A : f32 to vector<1250x128xf32>
    %max3A_10 = arith.maximumf %add3A, %max3A_9 : vector<1250x128xf32>
    %div3A = arith.constant 1.000000e+00 : f32
    %div3A_11 = vector.broadcast %div3A : f32 to vector<1250x128xf32>
    %div3A_12 = arith.divf %div3A_11, %max3A_10 : vector<1250x128xf32>
    %get3A_13 = arith.constant 0 : index
    %get3A_14 = arith.constant 0 : index
    %get3A_15 = arith.constant 0 : index
    %get3A_16 = vector.load %arg0[%get3A_13, %get3A_14, %get3A_15] : memref<2x1264x128xf32, #tpu.memory_space<vmem>>, vector<1x1250x128xf32>
    %get3A_17 = vector.shape_cast %get3A_16 : vector<1x1250x128xf32> to vector<1250x128xf32>
    %get3A_18 = arith.constant 1 : index
    %get3A_19 = arith.constant 0 : index
    %get3A_20 = arith.constant 0 : index
    %get3A_21 = vector.load %arg0[%get3A_18, %get3A_19, %get3A_20] : memref<2x1264x128xf32, #tpu.memory_space<vmem>>, vector<1x1250x128xf32>
    %get3A_22 = vector.shape_cast %get3A_21 : vector<1x1250x128xf32> to vector<1250x128xf32>
    %add3A_23 = arith.addf %get3A_17, %get3A_22 : vector<1250x128xf32>
    %mul3A = arith.mulf %add3A_23, %div3A_12 : vector<1250x128xf32>
    %get3A_24 = arith.constant 0 : index
    %get3A_25 = arith.constant 0 : index
    %get3A_26 = vector.load %arg3[%get3A_24, %get3A_25] : memref<1x128xf32, #tpu.memory_space<vmem>>, vector<1x128xf32>
    %add3A_27 = vector.broadcast %get3A_26 : vector<1x128xf32> to vector<1250x128xf32>
    %add3A_28 = arith.addf %mul3A, %add3A_27 : vector<1250x128xf32>
    %get3A_29 = arith.constant 0 : index
    %get3A_30 = arith.constant 0 : index
    %get3A_31 = vector.load %arg2[%get3A_29, %get3A_30] : memref<1250x128xf32, #tpu.memory_space<vmem>>, vector<1250x128xf32>
    %add3A_32 = arith.addf %add3A_28, %get3A_31 : vector<1250x128xf32>
    %max3A_33 = arith.constant 0.000000e+00 : f32
    %max3A_34 = vector.broadcast %max3A_33 : f32 to vector<1250x128xf32>
    %max3A_35 = arith.maximumf %add3A_32, %max3A_34 : vector<1250x128xf32>
    %swap3A = arith.constant 0 : index
    %swap3A_36 = arith.constant 0 : index
    %swap3A_37 = vector.load %arg4[%swap3A, %swap3A_36] : memref<1250x128xf32, #tpu.memory_space<vmem>>, vector<1250x128xf32>
    tpu.vector_store %arg4[%swap3A, %swap3A_36], %max3A_35 {strides = array<i32>} : memref<1250x128xf32, #tpu.memory_space<vmem>>, vector<1250x128xf32>,
    %swap3A_38 = arith.constant 0 : index
    %swap3A_39 = arith.constant 0 : index
    %swap3A_40 = vector.load %arg5[%swap3A_38, %swap3A_39] : memref<1250x128xf32, #tpu.memory_space<vmem>>, vector<1250x128xf32>
    tpu.vector_store %arg5[%swap3A_38, %swap3A_39], %div3A_12 {strides = array<i32>} : memref<1250x128xf32, #tpu.memory_space<vmem>>, vector<1250x128xf32>,
    return
  }
}

module attributes {stable_mosaic.version = 14 : i64} {
  func.func @_out_body(%arg0: memref<2x1264x128xf32, #tpu.memory_space<vmem>>, %arg1: memref<1250x128xf32, #tpu.memory_space<vmem>>, %arg2: memref<1250x128xf32, #tpu.memory_space<vmem>>, %arg3: memref<304x16xf32, #tpu.memory_space<vmem>>, %arg4: memref<304x16xf32, #tpu.memory_space<vmem>>, %arg5: memref<304x1xf32, #tpu.memory_space<vmem>>, %arg6: memref<304x10000xf32, #tpu.memory_space<vmem>>) attributes {dimension_semantics = [], scalar_prefetch = 0 : i64, scratch_operands = 0 : i64, tpu.core_type = #tpu.core_type<tc>} {
    %get3A = arith.constant 0 : index
    %get3A_0 = arith.constant 0 : index
    %get3A_1 = arith.constant 0 : index
    %get3A_2 = vector.load %arg0[%get3A, %get3A_0, %get3A_1] : memref<2x1264x128xf32, #tpu.memory_space<vmem>>, vector<1x1250x128xf32>
    %get3A_3 = vector.shape_cast %get3A_2 : vector<1x1250x128xf32> to vector<1250x128xf32>
    %get3A_4 = arith.constant 1 : index
    %get3A_5 = arith.constant 0 : index
    %get3A_6 = arith.constant 0 : index
    %get3A_7 = vector.load %arg0[%get3A_4, %get3A_5, %get3A_6] : memref<2x1264x128xf32, #tpu.memory_space<vmem>>, vector<1x1250x128xf32>
    %get3A_8 = vector.shape_cast %get3A_7 : vector<1x1250x128xf32> to vector<1250x128xf32>
    %add3A = arith.addf %get3A_3, %get3A_8 : vector<1250x128xf32>
    %get3A_9 = arith.constant 0 : index
    %get3A_10 = arith.constant 0 : index
    %get3A_11 = vector.load %arg1[%get3A_9, %get3A_10] : memref<1250x128xf32, #tpu.memory_space<vmem>>, vector<1250x128xf32>
    %mul3A = arith.mulf %add3A, %get3A_11 : vector<1250x128xf32>
    %get3A_12 = arith.constant 0 : index
    %get3A_13 = arith.constant 0 : index
    %get3A_14 = vector.load %arg2[%get3A_12, %get3A_13] : memref<1250x128xf32, #tpu.memory_space<vmem>>, vector<1250x128xf32>
    %slice3A = vector.extract_strided_slice %mul3A {offsets = [0, 0], sizes = [1250, 16], strides = [1, 1]} : vector<1250x128xf32> to vector<1250x16xf32>
    %slice3A_15 = vector.extract_strided_slice %get3A_14 {offsets = [0, 0], sizes = [1250, 16], strides = [1, 1]} : vector<1250x128xf32> to vector<1250x16xf32>
    %get3A_16 = arith.constant 0 : index
    %get3A_17 = arith.constant 0 : index
    %get3A_18 = vector.load %arg3[%get3A_16, %get3A_17] : memref<304x16xf32, #tpu.memory_space<vmem>>, vector<304x16xf32>
    %dot_general3A = arith.constant dense<0.000000e+00> : vector<304x1250xf32>
    %dot_general3A_19 = tpu.matmul %get3A_18, %slice3A, %dot_general3A {dimension_numbers = #tpu.dot_dimension_numbers<[1], [1], [0], [0], [0, 0, 1, 0], [], []>, transpose_lhs_hint = false} : vector<304x16xf32>, vector<1250x16xf32>, vector<304x1250xf32> -> vector<304x1250xf32>
    %get3A_20 = arith.constant 0 : index
    %get3A_21 = arith.constant 0 : index
    %get3A_22 = vector.load %arg4[%get3A_20, %get3A_21] : memref<304x16xf32, #tpu.memory_space<vmem>>, vector<304x16xf32>
    %dot_general3A_23 = arith.constant dense<0.000000e+00> : vector<304x1250xf32>
    %dot_general3A_24 = tpu.matmul %get3A_22, %slice3A_15, %dot_general3A_23 {dimension_numbers = #tpu.dot_dimension_numbers<[1], [1], [0], [0], [0, 0, 1, 0], [], []>, transpose_lhs_hint = false} : vector<304x16xf32>, vector<1250x16xf32>, vector<304x1250xf32> -> vector<304x1250xf32>
    %add3A_25 = arith.addf %dot_general3A_19, %dot_general3A_24 : vector<304x1250xf32>
    %get3A_26 = arith.constant 0 : index
    %get3A_27 = arith.constant 0 : index
    %get3A_28 = vector.load %arg5[%get3A_26, %get3A_27] : memref<304x1xf32, #tpu.memory_space<vmem>>, vector<304x1xf32>
    %add3A_29 = vector.broadcast %get3A_28 : vector<304x1xf32> to vector<304x1250xf32>
    %add3A_30 = arith.addf %add3A_25, %add3A_29 : vector<304x1250xf32>
    %reduce_max3A = arith.constant dense<0xFF800000> : vector<1250xf32>
    %reduce_max3A_31 = vector.multi_reduction <maximumf>, %add3A_30, %reduce_max3A [0] : vector<304x1250xf32> to vector<1250xf32>
    %broadcast_in_dim3A = vector.shape_cast %reduce_max3A_31 : vector<1250xf32> to vector<1x1250xf32>
    %sub3A = vector.broadcast %broadcast_in_dim3A : vector<1x1250xf32> to vector<304x1250xf32>
    %sub3A_32 = arith.subf %add3A_30, %sub3A : vector<304x1250xf32>
    %exp3A = math.exp %sub3A_32 : vector<304x1250xf32>
    %reduce_sum3A = arith.constant dense<0.000000e+00> : vector<1250xf32>
    %reduce_sum3A_33 = vector.multi_reduction <add>, %exp3A, %reduce_sum3A [0] : vector<304x1250xf32> to vector<1250xf32>
    %broadcast_in_dim3A_34 = vector.shape_cast %reduce_sum3A_33 : vector<1250xf32> to vector<1x1250xf32>
    %log3A = math.log %broadcast_in_dim3A_34 : vector<1x1250xf32>
    %add3A_35 = arith.addf %log3A, %broadcast_in_dim3A : vector<1x1250xf32>
    %sub3A_36 = vector.broadcast %add3A_35 : vector<1x1250xf32> to vector<304x1250xf32>
    %sub3A_37 = arith.subf %add3A_30, %sub3A_36 : vector<304x1250xf32>
    %slice3A_38 = vector.extract_strided_slice %mul3A {offsets = [0, 16], sizes = [1250, 16], strides = [1, 1]} : vector<1250x128xf32> to vector<1250x16xf32>
    %slice3A_39 = vector.extract_strided_slice %get3A_14 {offsets = [0, 16], sizes = [1250, 16], strides = [1, 1]} : vector<1250x128xf32> to vector<1250x16xf32>
    %get3A_40 = arith.constant 0 : index
    %get3A_41 = arith.constant 0 : index
    %get3A_42 = vector.load %arg3[%get3A_40, %get3A_41] : memref<304x16xf32, #tpu.memory_space<vmem>>, vector<304x16xf32>
    %dot_general3A_43 = arith.constant dense<0.000000e+00> : vector<304x1250xf32>
    %dot_general3A_44 = tpu.matmul %get3A_42, %slice3A_38, %dot_general3A_43 {dimension_numbers = #tpu.dot_dimension_numbers<[1], [1], [0], [0], [0, 0, 1, 0], [], []>, transpose_lhs_hint = false} : vector<304x16xf32>, vector<1250x16xf32>, vector<304x1250xf32> -> vector<304x1250xf32>
    %get3A_45 = arith.constant 0 : index
    %get3A_46 = arith.constant 0 : index
    %get3A_47 = vector.load %arg4[%get3A_45, %get3A_46] : memref<304x16xf32, #tpu.memory_space<vmem>>, vector<304x16xf32>
    %dot_general3A_48 = arith.constant dense<0.000000e+00> : vector<304x1250xf32>
    %dot_general3A_49 = tpu.matmul %get3A_47, %slice3A_39, %dot_general3A_48 {dimension_numbers = #tpu.dot_dimension_numbers<[1], [1], [0], [0], [0, 0, 1, 0], [], []>, transpose_lhs_hint = false} : vector<304x16xf32>, vector<1250x16xf32>, vector<304x1250xf32> -> vector<304x1250xf32>
    %add3A_50 = arith.addf %dot_general3A_44, %dot_general3A_49 : vector<304x1250xf32>
    %get3A_51 = arith.constant 0 : index
    %get3A_52 = arith.constant 0 : index
    %get3A_53 = vector.load %arg5[%get3A_51, %get3A_52] : memref<304x1xf32, #tpu.memory_space<vmem>>, vector<304x1xf32>
    %add3A_54 = vector.broadcast %get3A_53 : vector<304x1xf32> to vector<304x1250xf32>
    %add3A_55 = arith.addf %add3A_50, %add3A_54 : vector<304x1250xf32>
    %reduce_max3A_56 = arith.constant dense<0xFF800000> : vector<1250xf32>
    %reduce_max3A_57 = vector.multi_reduction <maximumf>, %add3A_55, %reduce_max3A_56 [0] : vector<304x1250xf32> to vector<1250xf32>
    %broadcast_in_dim3A_58 = vector.shape_cast %reduce_max3A_57 : vector<1250xf32> to vector<1x1250xf32>
    %sub3A_59 = vector.broadcast %broadcast_in_dim3A_58 : vector<1x1250xf32> to vector<304x1250xf32>
    %sub3A_60 = arith.subf %add3A_55, %sub3A_59 : vector<304x1250xf32>
    %exp3A_61 = math.exp %sub3A_60 : vector<304x1250xf32>
    %reduce_sum3A_62 = arith.constant dense<0.000000e+00> : vector<1250xf32>
    %reduce_sum3A_63 = vector.multi_reduction <add>, %exp3A_61, %reduce_sum3A_62 [0] : vector<304x1250xf32> to vector<1250xf32>
    %broadcast_in_dim3A_64 = vector.shape_cast %reduce_sum3A_63 : vector<1250xf32> to vector<1x1250xf32>
    %log3A_65 = math.log %broadcast_in_dim3A_64 : vector<1x1250xf32>
    %add3A_66 = arith.addf %log3A_65, %broadcast_in_dim3A_58 : vector<1x1250xf32>
    %sub3A_67 = vector.broadcast %add3A_66 : vector<1x1250xf32> to vector<304x1250xf32>
    %sub3A_68 = arith.subf %add3A_55, %sub3A_67 : vector<304x1250xf32>
    %slice3A_69 = vector.extract_strided_slice %mul3A {offsets = [0, 32], sizes = [1250, 16], strides = [1, 1]} : vector<1250x128xf32> to vector<1250x16xf32>
    %slice3A_70 = vector.extract_strided_slice %get3A_14 {offsets = [0, 32], sizes = [1250, 16], strides = [1, 1]} : vector<1250x128xf32> to vector<1250x16xf32>
    %get3A_71 = arith.constant 0 : index
    %get3A_72 = arith.constant 0 : index
    %get3A_73 = vector.load %arg3[%get3A_71, %get3A_72] : memref<304x16xf32, #tpu.memory_space<vmem>>, vector<304x16xf32>
    %dot_general3A_74 = arith.constant dense<0.000000e+00> : vector<304x1250xf32>
    %dot_general3A_75 = tpu.matmul %get3A_73, %slice3A_69, %dot_general3A_74 {dimension_numbers = #tpu.dot_dimension_numbers<[1], [1], [0], [0], [0, 0, 1, 0], [], []>, transpose_lhs_hint = false} : vector<304x16xf32>, vector<1250x16xf32>, vector<304x1250xf32> -> vector<304x1250xf32>
    %get3A_76 = arith.constant 0 : index
    %get3A_77 = arith.constant 0 : index
    %get3A_78 = vector.load %arg4[%get3A_76, %get3A_77] : memref<304x16xf32, #tpu.memory_space<vmem>>, vector<304x16xf32>
    %dot_general3A_79 = arith.constant dense<0.000000e+00> : vector<304x1250xf32>
    %dot_general3A_80 = tpu.matmul %get3A_78, %slice3A_70, %dot_general3A_79 {dimension_numbers = #tpu.dot_dimension_numbers<[1], [1], [0], [0], [0, 0, 1, 0], [], []>, transpose_lhs_hint = false} : vector<304x16xf32>, vector<1250x16xf32>, vector<304x1250xf32> -> vector<304x1250xf32>
    %add3A_81 = arith.addf %dot_general3A_75, %dot_general3A_80 : vector<304x1250xf32>
    %get3A_82 = arith.constant 0 : index
    %get3A_83 = arith.constant 0 : index
    %get3A_84 = vector.load %arg5[%get3A_82, %get3A_83] : memref<304x1xf32, #tpu.memory_space<vmem>>, vector<304x1xf32>
    %add3A_85 = vector.broadcast %get3A_84 : vector<304x1xf32> to vector<304x1250xf32>
    %add3A_86 = arith.addf %add3A_81, %add3A_85 : vector<304x1250xf32>
    %reduce_max3A_87 = arith.constant dense<0xFF800000> : vector<1250xf32>
    %reduce_max3A_88 = vector.multi_reduction <maximumf>, %add3A_86, %reduce_max3A_87 [0] : vector<304x1250xf32> to vector<1250xf32>
    %broadcast_in_dim3A_89 = vector.shape_cast %reduce_max3A_88 : vector<1250xf32> to vector<1x1250xf32>
    %sub3A_90 = vector.broadcast %broadcast_in_dim3A_89 : vector<1x1250xf32> to vector<304x1250xf32>
    %sub3A_91 = arith.subf %add3A_86, %sub3A_90 : vector<304x1250xf32>
    %exp3A_92 = math.exp %sub3A_91 : vector<304x1250xf32>
    %reduce_sum3A_93 = arith.constant dense<0.000000e+00> : vector<1250xf32>
    %reduce_sum3A_94 = vector.multi_reduction <add>, %exp3A_92, %reduce_sum3A_93 [0] : vector<304x1250xf32> to vector<1250xf32>
    %broadcast_in_dim3A_95 = vector.shape_cast %reduce_sum3A_94 : vector<1250xf32> to vector<1x1250xf32>
    %log3A_96 = math.log %broadcast_in_dim3A_95 : vector<1x1250xf32>
    %add3A_97 = arith.addf %log3A_96, %broadcast_in_dim3A_89 : vector<1x1250xf32>
    %sub3A_98 = vector.broadcast %add3A_97 : vector<1x1250xf32> to vector<304x1250xf32>
    %sub3A_99 = arith.subf %add3A_86, %sub3A_98 : vector<304x1250xf32>
    %slice3A_100 = vector.extract_strided_slice %mul3A {offsets = [0, 48], sizes = [1250, 16], strides = [1, 1]} : vector<1250x128xf32> to vector<1250x16xf32>
    %slice3A_101 = vector.extract_strided_slice %get3A_14 {offsets = [0, 48], sizes = [1250, 16], strides = [1, 1]} : vector<1250x128xf32> to vector<1250x16xf32>
    %get3A_102 = arith.constant 0 : index
    %get3A_103 = arith.constant 0 : index
    %get3A_104 = vector.load %arg3[%get3A_102, %get3A_103] : memref<304x16xf32, #tpu.memory_space<vmem>>, vector<304x16xf32>
    %dot_general3A_105 = arith.constant dense<0.000000e+00> : vector<304x1250xf32>
    %dot_general3A_106 = tpu.matmul %get3A_104, %slice3A_100, %dot_general3A_105 {dimension_numbers = #tpu.dot_dimension_numbers<[1], [1], [0], [0], [0, 0, 1, 0], [], []>, transpose_lhs_hint = false} : vector<304x16xf32>, vector<1250x16xf32>, vector<304x1250xf32> -> vector<304x1250xf32>
    %get3A_107 = arith.constant 0 : index
    %get3A_108 = arith.constant 0 : index
    %get3A_109 = vector.load %arg4[%get3A_107, %get3A_108] : memref<304x16xf32, #tpu.memory_space<vmem>>, vector<304x16xf32>
    %dot_general3A_110 = arith.constant dense<0.000000e+00> : vector<304x1250xf32>
    %dot_general3A_111 = tpu.matmul %get3A_109, %slice3A_101, %dot_general3A_110 {dimension_numbers = #tpu.dot_dimension_numbers<[1], [1], [0], [0], [0, 0, 1, 0], [], []>, transpose_lhs_hint = false} : vector<304x16xf32>, vector<1250x16xf32>, vector<304x1250xf32> -> vector<304x1250xf32>
    %add3A_112 = arith.addf %dot_general3A_106, %dot_general3A_111 : vector<304x1250xf32>
    %get3A_113 = arith.constant 0 : index
    %get3A_114 = arith.constant 0 : index
    %get3A_115 = vector.load %arg5[%get3A_113, %get3A_114] : memref<304x1xf32, #tpu.memory_space<vmem>>, vector<304x1xf32>
    %add3A_116 = vector.broadcast %get3A_115 : vector<304x1xf32> to vector<304x1250xf32>
    %add3A_117 = arith.addf %add3A_112, %add3A_116 : vector<304x1250xf32>
    %reduce_max3A_118 = arith.constant dense<0xFF800000> : vector<1250xf32>
    %reduce_max3A_119 = vector.multi_reduction <maximumf>, %add3A_117, %reduce_max3A_118 [0] : vector<304x1250xf32> to vector<1250xf32>
    %broadcast_in_dim3A_120 = vector.shape_cast %reduce_max3A_119 : vector<1250xf32> to vector<1x1250xf32>
    %sub3A_121 = vector.broadcast %broadcast_in_dim3A_120 : vector<1x1250xf32> to vector<304x1250xf32>
    %sub3A_122 = arith.subf %add3A_117, %sub3A_121 : vector<304x1250xf32>
    %exp3A_123 = math.exp %sub3A_122 : vector<304x1250xf32>
    %reduce_sum3A_124 = arith.constant dense<0.000000e+00> : vector<1250xf32>
    %reduce_sum3A_125 = vector.multi_reduction <add>, %exp3A_123, %reduce_sum3A_124 [0] : vector<304x1250xf32> to vector<1250xf32>
    %broadcast_in_dim3A_126 = vector.shape_cast %reduce_sum3A_125 : vector<1250xf32> to vector<1x1250xf32>
    %log3A_127 = math.log %broadcast_in_dim3A_126 : vector<1x1250xf32>
    %add3A_128 = arith.addf %log3A_127, %broadcast_in_dim3A_120 : vector<1x1250xf32>
    %sub3A_129 = vector.broadcast %add3A_128 : vector<1x1250xf32> to vector<304x1250xf32>
    %sub3A_130 = arith.subf %add3A_117, %sub3A_129 : vector<304x1250xf32>
    %slice3A_131 = vector.extract_strided_slice %mul3A {offsets = [0, 64], sizes = [1250, 16], strides = [1, 1]} : vector<1250x128xf32> to vector<1250x16xf32>
    %slice3A_132 = vector.extract_strided_slice %get3A_14 {offsets = [0, 64], sizes = [1250, 16], strides = [1, 1]} : vector<1250x128xf32> to vector<1250x16xf32>
    %get3A_133 = arith.constant 0 : index
    %get3A_134 = arith.constant 0 : index
    %get3A_135 = vector.load %arg3[%get3A_133, %get3A_134] : memref<304x16xf32, #tpu.memory_space<vmem>>, vector<304x16xf32>
    %dot_general3A_136 = arith.constant dense<0.000000e+00> : vector<304x1250xf32>
    %dot_general3A_137 = tpu.matmul %get3A_135, %slice3A_131, %dot_general3A_136 {dimension_numbers = #tpu.dot_dimension_numbers<[1], [1], [0], [0], [0, 0, 1, 0], [], []>, transpose_lhs_hint = false} : vector<304x16xf32>, vector<1250x16xf32>, vector<304x1250xf32> -> vector<304x1250xf32>
    %get3A_138 = arith.constant 0 : index
    %get3A_139 = arith.constant 0 : index
    %get3A_140 = vector.load %arg4[%get3A_138, %get3A_139] : memref<304x16xf32, #tpu.memory_space<vmem>>, vector<304x16xf32>
    %dot_general3A_141 = arith.constant dense<0.000000e+00> : vector<304x1250xf32>
    %dot_general3A_142 = tpu.matmul %get3A_140, %slice3A_132, %dot_general3A_141 {dimension_numbers = #tpu.dot_dimension_numbers<[1], [1], [0], [0], [0, 0, 1, 0], [], []>, transpose_lhs_hint = false} : vector<304x16xf32>, vector<1250x16xf32>, vector<304x1250xf32> -> vector<304x1250xf32>
    %add3A_143 = arith.addf %dot_general3A_137, %dot_general3A_142 : vector<304x1250xf32>
    %get3A_144 = arith.constant 0 : index
    %get3A_145 = arith.constant 0 : index
    %get3A_146 = vector.load %arg5[%get3A_144, %get3A_145] : memref<304x1xf32, #tpu.memory_space<vmem>>, vector<304x1xf32>
    %add3A_147 = vector.broadcast %get3A_146 : vector<304x1xf32> to vector<304x1250xf32>
    %add3A_148 = arith.addf %add3A_143, %add3A_147 : vector<304x1250xf32>
    %reduce_max3A_149 = arith.constant dense<0xFF800000> : vector<1250xf32>
    %reduce_max3A_150 = vector.multi_reduction <maximumf>, %add3A_148, %reduce_max3A_149 [0] : vector<304x1250xf32> to vector<1250xf32>
    %broadcast_in_dim3A_151 = vector.shape_cast %reduce_max3A_150 : vector<1250xf32> to vector<1x1250xf32>
    %sub3A_152 = vector.broadcast %broadcast_in_dim3A_151 : vector<1x1250xf32> to vector<304x1250xf32>
    %sub3A_153 = arith.subf %add3A_148, %sub3A_152 : vector<304x1250xf32>
    %exp3A_154 = math.exp %sub3A_153 : vector<304x1250xf32>
    %reduce_sum3A_155 = arith.constant dense<0.000000e+00> : vector<1250xf32>
    %reduce_sum3A_156 = vector.multi_reduction <add>, %exp3A_154, %reduce_sum3A_155 [0] : vector<304x1250xf32> to vector<1250xf32>
    %broadcast_in_dim3A_157 = vector.shape_cast %reduce_sum3A_156 : vector<1250xf32> to vector<1x1250xf32>
    %log3A_158 = math.log %broadcast_in_dim3A_157 : vector<1x1250xf32>
    %add3A_159 = arith.addf %log3A_158, %broadcast_in_dim3A_151 : vector<1x1250xf32>
    %sub3A_160 = vector.broadcast %add3A_159 : vector<1x1250xf32> to vector<304x1250xf32>
    %sub3A_161 = arith.subf %add3A_148, %sub3A_160 : vector<304x1250xf32>
    %slice3A_162 = vector.extract_strided_slice %mul3A {offsets = [0, 80], sizes = [1250, 16], strides = [1, 1]} : vector<1250x128xf32> to vector<1250x16xf32>
    %slice3A_163 = vector.extract_strided_slice %get3A_14 {offsets = [0, 80], sizes = [1250, 16], strides = [1, 1]} : vector<1250x128xf32> to vector<1250x16xf32>
    %get3A_164 = arith.constant 0 : index
    %get3A_165 = arith.constant 0 : index
    %get3A_166 = vector.load %arg3[%get3A_164, %get3A_165] : memref<304x16xf32, #tpu.memory_space<vmem>>, vector<304x16xf32>
    %dot_general3A_167 = arith.constant dense<0.000000e+00> : vector<304x1250xf32>
    %dot_general3A_168 = tpu.matmul %get3A_166, %slice3A_162, %dot_general3A_167 {dimension_numbers = #tpu.dot_dimension_numbers<[1], [1], [0], [0], [0, 0, 1, 0], [], []>, transpose_lhs_hint = false} : vector<304x16xf32>, vector<1250x16xf32>, vector<304x1250xf32> -> vector<304x1250xf32>
    %get3A_169 = arith.constant 0 : index
    %get3A_170 = arith.constant 0 : index
    %get3A_171 = vector.load %arg4[%get3A_169, %get3A_170] : memref<304x16xf32, #tpu.memory_space<vmem>>, vector<304x16xf32>
    %dot_general3A_172 = arith.constant dense<0.000000e+00> : vector<304x1250xf32>
    %dot_general3A_173 = tpu.matmul %get3A_171, %slice3A_163, %dot_general3A_172 {dimension_numbers = #tpu.dot_dimension_numbers<[1], [1], [0], [0], [0, 0, 1, 0], [], []>, transpose_lhs_hint = false} : vector<304x16xf32>, vector<1250x16xf32>, vector<304x1250xf32> -> vector<304x1250xf32>
    %add3A_174 = arith.addf %dot_general3A_168, %dot_general3A_173 : vector<304x1250xf32>
    %get3A_175 = arith.constant 0 : index
    %get3A_176 = arith.constant 0 : index
    %get3A_177 = vector.load %arg5[%get3A_175, %get3A_176] : memref<304x1xf32, #tpu.memory_space<vmem>>, vector<304x1xf32>
    %add3A_178 = vector.broadcast %get3A_177 : vector<304x1xf32> to vector<304x1250xf32>
    %add3A_179 = arith.addf %add3A_174, %add3A_178 : vector<304x1250xf32>
    %reduce_max3A_180 = arith.constant dense<0xFF800000> : vector<1250xf32>
    %reduce_max3A_181 = vector.multi_reduction <maximumf>, %add3A_179, %reduce_max3A_180 [0] : vector<304x1250xf32> to vector<1250xf32>
    %broadcast_in_dim3A_182 = vector.shape_cast %reduce_max3A_181 : vector<1250xf32> to vector<1x1250xf32>
    %sub3A_183 = vector.broadcast %broadcast_in_dim3A_182 : vector<1x1250xf32> to vector<304x1250xf32>
    %sub3A_184 = arith.subf %add3A_179, %sub3A_183 : vector<304x1250xf32>
    %exp3A_185 = math.exp %sub3A_184 : vector<304x1250xf32>
    %reduce_sum3A_186 = arith.constant dense<0.000000e+00> : vector<1250xf32>
    %reduce_sum3A_187 = vector.multi_reduction <add>, %exp3A_185, %reduce_sum3A_186 [0] : vector<304x1250xf32> to vector<1250xf32>
    %broadcast_in_dim3A_188 = vector.shape_cast %reduce_sum3A_187 : vector<1250xf32> to vector<1x1250xf32>
    %log3A_189 = math.log %broadcast_in_dim3A_188 : vector<1x1250xf32>
    %add3A_190 = arith.addf %log3A_189, %broadcast_in_dim3A_182 : vector<1x1250xf32>
    %sub3A_191 = vector.broadcast %add3A_190 : vector<1x1250xf32> to vector<304x1250xf32>
    %sub3A_192 = arith.subf %add3A_179, %sub3A_191 : vector<304x1250xf32>
    %slice3A_193 = vector.extract_strided_slice %mul3A {offsets = [0, 96], sizes = [1250, 16], strides = [1, 1]} : vector<1250x128xf32> to vector<1250x16xf32>
    %slice3A_194 = vector.extract_strided_slice %get3A_14 {offsets = [0, 96], sizes = [1250, 16], strides = [1, 1]} : vector<1250x128xf32> to vector<1250x16xf32>
    %get3A_195 = arith.constant 0 : index
    %get3A_196 = arith.constant 0 : index
    %get3A_197 = vector.load %arg3[%get3A_195, %get3A_196] : memref<304x16xf32, #tpu.memory_space<vmem>>, vector<304x16xf32>
    %dot_general3A_198 = arith.constant dense<0.000000e+00> : vector<304x1250xf32>
    %dot_general3A_199 = tpu.matmul %get3A_197, %slice3A_193, %dot_general3A_198 {dimension_numbers = #tpu.dot_dimension_numbers<[1], [1], [0], [0], [0, 0, 1, 0], [], []>, transpose_lhs_hint = false} : vector<304x16xf32>, vector<1250x16xf32>, vector<304x1250xf32> -> vector<304x1250xf32>
    %get3A_200 = arith.constant 0 : index
    %get3A_201 = arith.constant 0 : index
    %get3A_202 = vector.load %arg4[%get3A_200, %get3A_201] : memref<304x16xf32, #tpu.memory_space<vmem>>, vector<304x16xf32>
    %dot_general3A_203 = arith.constant dense<0.000000e+00> : vector<304x1250xf32>
    %dot_general3A_204 = tpu.matmul %get3A_202, %slice3A_194, %dot_general3A_203 {dimension_numbers = #tpu.dot_dimension_numbers<[1], [1], [0], [0], [0, 0, 1, 0], [], []>, transpose_lhs_hint = false} : vector<304x16xf32>, vector<1250x16xf32>, vector<304x1250xf32> -> vector<304x1250xf32>
    %add3A_205 = arith.addf %dot_general3A_199, %dot_general3A_204 : vector<304x1250xf32>
    %get3A_206 = arith.constant 0 : index
    %get3A_207 = arith.constant 0 : index
    %get3A_208 = vector.load %arg5[%get3A_206, %get3A_207] : memref<304x1xf32, #tpu.memory_space<vmem>>, vector<304x1xf32>
    %add3A_209 = vector.broadcast %get3A_208 : vector<304x1xf32> to vector<304x1250xf32>
    %add3A_210 = arith.addf %add3A_205, %add3A_209 : vector<304x1250xf32>
    %reduce_max3A_211 = arith.constant dense<0xFF800000> : vector<1250xf32>
    %reduce_max3A_212 = vector.multi_reduction <maximumf>, %add3A_210, %reduce_max3A_211 [0] : vector<304x1250xf32> to vector<1250xf32>
    %broadcast_in_dim3A_213 = vector.shape_cast %reduce_max3A_212 : vector<1250xf32> to vector<1x1250xf32>
    %sub3A_214 = vector.broadcast %broadcast_in_dim3A_213 : vector<1x1250xf32> to vector<304x1250xf32>
    %sub3A_215 = arith.subf %add3A_210, %sub3A_214 : vector<304x1250xf32>
    %exp3A_216 = math.exp %sub3A_215 : vector<304x1250xf32>
    %reduce_sum3A_217 = arith.constant dense<0.000000e+00> : vector<1250xf32>
    %reduce_sum3A_218 = vector.multi_reduction <add>, %exp3A_216, %reduce_sum3A_217 [0] : vector<304x1250xf32> to vector<1250xf32>
    %broadcast_in_dim3A_219 = vector.shape_cast %reduce_sum3A_218 : vector<1250xf32> to vector<1x1250xf32>
    %log3A_220 = math.log %broadcast_in_dim3A_219 : vector<1x1250xf32>
    %add3A_221 = arith.addf %log3A_220, %broadcast_in_dim3A_213 : vector<1x1250xf32>
    %sub3A_222 = vector.broadcast %add3A_221 : vector<1x1250xf32> to vector<304x1250xf32>
    %sub3A_223 = arith.subf %add3A_210, %sub3A_222 : vector<304x1250xf32>
    %slice3A_224 = vector.extract_strided_slice %mul3A {offsets = [0, 112], sizes = [1250, 16], strides = [1, 1]} : vector<1250x128xf32> to vector<1250x16xf32>
    %slice3A_225 = vector.extract_strided_slice %get3A_14 {offsets = [0, 112], sizes = [1250, 16], strides = [1, 1]} : vector<1250x128xf32> to vector<1250x16xf32>
    %get3A_226 = arith.constant 0 : index
    %get3A_227 = arith.constant 0 : index
    %get3A_228 = vector.load %arg3[%get3A_226, %get3A_227] : memref<304x16xf32, #tpu.memory_space<vmem>>, vector<304x16xf32>
    %dot_general3A_229 = arith.constant dense<0.000000e+00> : vector<304x1250xf32>
    %dot_general3A_230 = tpu.matmul %get3A_228, %slice3A_224, %dot_general3A_229 {dimension_numbers = #tpu.dot_dimension_numbers<[1], [1], [0], [0], [0, 0, 1, 0], [], []>, transpose_lhs_hint = false} : vector<304x16xf32>, vector<1250x16xf32>, vector<304x1250xf32> -> vector<304x1250xf32>
    %get3A_231 = arith.constant 0 : index
    %get3A_232 = arith.constant 0 : index
    %get3A_233 = vector.load %arg4[%get3A_231, %get3A_232] : memref<304x16xf32, #tpu.memory_space<vmem>>, vector<304x16xf32>
    %dot_general3A_234 = arith.constant dense<0.000000e+00> : vector<304x1250xf32>
    %dot_general3A_235 = tpu.matmul %get3A_233, %slice3A_225, %dot_general3A_234 {dimension_numbers = #tpu.dot_dimension_numbers<[1], [1], [0], [0], [0, 0, 1, 0], [], []>, transpose_lhs_hint = false} : vector<304x16xf32>, vector<1250x16xf32>, vector<304x1250xf32> -> vector<304x1250xf32>
    %add3A_236 = arith.addf %dot_general3A_230, %dot_general3A_235 : vector<304x1250xf32>
    %get3A_237 = arith.constant 0 : index
    %get3A_238 = arith.constant 0 : index
    %get3A_239 = vector.load %arg5[%get3A_237, %get3A_238] : memref<304x1xf32, #tpu.memory_space<vmem>>, vector<304x1xf32>
    %add3A_240 = vector.broadcast %get3A_239 : vector<304x1xf32> to vector<304x1250xf32>
    %add3A_241 = arith.addf %add3A_236, %add3A_240 : vector<304x1250xf32>
    %reduce_max3A_242 = arith.constant dense<0xFF800000> : vector<1250xf32>
    %reduce_max3A_243 = vector.multi_reduction <maximumf>, %add3A_241, %reduce_max3A_242 [0] : vector<304x1250xf32> to vector<1250xf32>
    %broadcast_in_dim3A_244 = vector.shape_cast %reduce_max3A_243 : vector<1250xf32> to vector<1x1250xf32>
    %sub3A_245 = vector.broadcast %broadcast_in_dim3A_244 : vector<1x1250xf32> to vector<304x1250xf32>
    %sub3A_246 = arith.subf %add3A_241, %sub3A_245 : vector<304x1250xf32>
    %exp3A_247 = math.exp %sub3A_246 : vector<304x1250xf32>
    %reduce_sum3A_248 = arith.constant dense<0.000000e+00> : vector<1250xf32>
    %reduce_sum3A_249 = vector.multi_reduction <add>, %exp3A_247, %reduce_sum3A_248 [0] : vector<304x1250xf32> to vector<1250xf32>
    %broadcast_in_dim3A_250 = vector.shape_cast %reduce_sum3A_249 : vector<1250xf32> to vector<1x1250xf32>
    %log3A_251 = math.log %broadcast_in_dim3A_250 : vector<1x1250xf32>
    %add3A_252 = arith.addf %log3A_251, %broadcast_in_dim3A_244 : vector<1x1250xf32>
    %sub3A_253 = vector.broadcast %add3A_252 : vector<1x1250xf32> to vector<304x1250xf32>
    %sub3A_254 = arith.subf %add3A_241, %sub3A_253 : vector<304x1250xf32>
    %concatenate3A = tpu.concatenate %sub3A_37, %sub3A_68, %sub3A_99, %sub3A_130, %sub3A_161, %sub3A_192, %sub3A_223, %sub3A_254 in 1 : vector<304x1250xf32>, vector<304x1250xf32>, vector<304x1250xf32>, vector<304x1250xf32>, vector<304x1250xf32>, vector<304x1250xf32>, vector<304x1250xf32>, vector<304x1250xf32> -> vector<304x10000xf32>
    %swap3A = arith.constant 0 : index
    %swap3A_255 = arith.constant 0 : index
    %swap3A_256 = vector.load %arg6[%swap3A, %swap3A_255] : memref<304x10000xf32, #tpu.memory_space<vmem>>, vector<304x10000xf32>
    tpu.vector_store %arg6[%swap3A, %swap3A_255], %concatenate3A {strides = array<i32>} : memref<304x10000xf32, #tpu.memory_space<vmem>>, vector<304x10000xf32>,
    return
  }
}

</mosaic_0001>

<sc_bundles>
// kernel: kernel.11.cloned.1.call-start
scs
__scs_entry_jumppad:
0x0: {  	(pc) =	sbr.rel $0x88, $3  }
0x1: {  	(tag) =	ssettag $0x0;
	lr =	simm.s32 $0x1  }
0x2: {  	[smem:$0x3F99] =	sst lr;
	_ =	strace $0xD0000000  }
0x3: {  	_ = 	snop  }
0x4: {  	_ = 	snop  }
0x5: {  	_ = 	snop  }
0x6: {  	_ = 	snop  }
0x7: {  	_ = 	snop  }
__scs_overlays_trampoline_lowered:
0x8: {  	[smem:$0x3FA8] =	sst s0  }
0x9: {  	[smem:$0x3FA9] =	sst s1  }
0xa: {  	[smem:$0x3FAA] =	sst s2  }
0xb: {  	[smem:$0x3FAB] =	sst s3  }
0xc: {  	[smem:$0x3FAC] =	sst s4  }
0xd: {  	[smem:$0x3FAD] =	sst s5  }
0xe: {  	[smem:$0x3FAE] =	sst s6  }
0xf: {  	[smem:$0x3FAF] =	sst s7  }
0x10: {  	[smem:$0x3FB0] =	sst s8  }
0x11: {  	[smem:$0x3FB1] =	sst s9;
	s0 =	simm.s32 @!p0 $0x0  }
0x12: {  	s1 =	sld [smem:$0x3F97];
	s0 =	simm.s32 @p0 $0x1  }
0x13: {  	[smem:$0x3FB2] =	sst s0;
	s0 =	simm.s32 @!p1 $0x0  }
0x14: {  	s2 =	sld [smem:$0x3F96];
	s0 =	simm.s32 @p1 $0x1  }
0x15: {  	[smem:$0x3FB3] =	sst s0;
	s0 =	simm.s32 @!p2 $0x0  }
0x16: {  	s3 =	sld [smem:$0x3FDB];
	s0 =	simm.s32 @p2 $0x1  }
0x17: {  	s4 =	simm.s32 $0x1BF5;
	[smem:$0x3FB5] =	sst s0  }
0x18: {  	s0 =	sld [smem:$0x3F98];
	_ =	swait.ge [sflag:s4], $0x0  }
0x19: {  	s7 =	sld [smem:$0x3F99]  }
0x1a: {  	s8 =	sadd.s32 $0xFFFFE003, lr  }
0x1b: {  	s9 =	sadd.s32 $0xFFFFFEF7, lr;
	s5 =	simm.s32 $0xFFFFFFFF;
	p2 =	slt.u32 s8, $0xFFFFF086  }
0x1c: {  	p1 =	slt.u32 s9, $0xF7A;
	s5 =	simm.s32 @!p2 $0x0  }
0x1d: {  	s5 =	simm.s32 @p1 $0x1;
	p0 =	seq.s32 s7, s2  }
0x1e: {  	s7 =	smul.u32 @!p0 $0xF7A, s2;
	p2 =	seq.s32 @!p0 s5, $0x0  }
0x1f: {  	s9 =	smul.u32 $0xF7A, s1;
	s8 =	simm.s32 @!p0 $0x1BF5;
	p2 =	por !p2, p0  }
0x20: {  	[sflag:s8] =	ssyncset.s32 @!p0 $0xFFFFF086;
	s6 =	sadd.s32 @!p0 s3, s7;
	s7 =	simm.s32 @!p0 $0x108  }
0x21: {  	s3 =	sadd.s32 s3, s9;
	s6 =	sadd.s32 @!p0 $0x88, s6;
	s7 =	simm.s32 @p2 $0x1082  }
0x22: {  	[simem:s7], [sflag:s8] =	dma.local @!p0 [hbm:s6], $0xF7A  }
0x23: {  	s9 =	sor.u32 $0xD0000000, s2;
	s6 =	simm.s32 $0x108;
	_ =	swait.ge @!p0 [sflag:s8], $0x0  }
0x24: {  	s3 =	sadd.s32 $0x88, s3;
	s6 =	simm.s32 @!p1 $0x1082;
	[sflag:s4] =	ssyncset.s32 $0xFFFFF086  }
0x25: {  	[simem:s6], [sflag:s4] =	dma.local [hbm:s3], $0xF7A  }
0x26: {  	[smem:$0x3F99] =	sst s1;
	(tag) =	ssettag s2;
	_ =	strace s9  }
0x27: {  	s1 =	sld [smem:$0x3FA9]  }
0x28: {  	s2 =	sld [smem:$0x3FAA]  }
0x29: {  	s4 =	sld [smem:$0x3FAC]  }
0x2a: {  	p0 =	seq.s32 s5, $0x0;
	s5 =	sld [smem:$0x3FAD]  }
0x2b: {  	s6 =	sld [smem:$0x3FAE]  }
0x2c: {  	s7 =	sld [smem:$0x3FAF]  }
0x2d: {  	s3 =	simm.s32 $0x108;
	s8 =	sld [smem:$0x3FB0]  }
0x2e: {  	s3 =	simm.s32 @!p0 $0x1082;
	s9 =	sld [smem:$0x3FB1]  }
0x2f: {  	lr =	sadd.s32 s0, s3;
	s0 =	sld [smem:$0x3FA8]  }
0x30: {  	s3 =	sld [smem:$0x3FAB]  }
0x31: {  	[smem:$0x3FB4] =	sst s10  }
0x32: {  	s10 =	sld [smem:$0x3FB2];
	_ =	sdelay $0x3  }
0x33: {  	p0 =	seq.s32 s10, $0x1;
	s10 =	sld [smem:$0x3FB4];
	_ =	sdelay $0x3  }
0x34: {  	[smem:$0x3FB4] =	sst s10  }
0x35: {  	s10 =	sld [smem:$0x3FB3];
	_ =	sdelay $0x3  }
0x36: {  	p1 =	seq.s32 s10, $0x1;
	s10 =	sld [smem:$0x3FB4];
	_ =	sdelay $0x3  }
0x37: {  	[smem:$0x3FB4] =	sst s10  }
0x38: {  	s10 =	sld [smem:$0x3FB5]  }
0x39: {  	_ = 	snop;
	(pc) =	sbr.ind lr, $3  }
0x3a: {  	_ = 	snop  }
0x3b: {  	_ = 	snop  }
0x3c: {  	p2 =	seq.s32 s10, $0x1;
	s10 =	sld [smem:$0x3FB4]  }
0x3d: {  	_ =	shalt  }
0x3e: {  	_ =	shalt  }
0x3f: {  	_ =	shalt  }
0x40: {  	_ =	shalt  }
0x41: {  	_ =	shalt  }
0x42: {  	_ =	shalt  }
0x43: {  	_ =	shalt  }
0x44: {  	_ =	shalt  }
0x45: {  	_ =	shalt  }
0x46: {  	_ =	shalt  }
0x47: {  	_ =	shalt  }
0x48: {  	_ =	shalt  }
0x49: {  	_ =	shalt  }
0x4a: {  	_ =	shalt  }
0x4b: {  	_ =	shalt  }
0x4c: {  	_ =	shalt  }
0x4d: {  	_ =	shalt  }
0x4e: {  	_ =	shalt  }
0x4f: {  	_ =	shalt  }
0x50: {  	_ =	shalt  }
0x51: {  	_ =	shalt  }
0x52: {  	_ =	shalt  }
0x53: {  	_ =	shalt  }
0x54: {  	_ =	shalt  }
0x55: {  	_ =	shalt  }
0x56: {  	_ =	shalt  }
0x57: {  	_ =	shalt  }
0x58: {  	_ =	shalt  }
0x59: {  	_ =	shalt  }
0x5a: {  	_ =	shalt  }
0x5b: {  	_ =	shalt  }
0x5c: {  	_ =	shalt  }
0x5d: {  	_ =	shalt  }
0x5e: {  	_ =	shalt  }
0x5f: {  	_ =	shalt  }
0x60: {  	_ =	shalt  }
0x61: {  	_ =	shalt  }
0x62: {  	_ =	shalt  }
0x63: {  	_ =	shalt  }
0x64: {  	_ =	shalt  }
0x65: {  	_ =	shalt  }
0x66: {  	_ =	shalt  }
0x67: {  	_ =	shalt  }
0x68: {  	_ =	shalt  }
0x69: {  	_ =	shalt  }
0x6a: {  	_ =	shalt  }
0x6b: {  	_ =	shalt  }
0x6c: {  	_ =	shalt  }
0x6d: {  	_ =	shalt  }
0x6e: {  	_ =	shalt  }
0x6f: {  	_ =	shalt  }
0x70: {  	_ =	shalt  }
0x71: {  	_ =	shalt  }
0x72: {  	_ =	shalt  }
0x73: {  	_ =	shalt  }
0x74: {  	_ =	shalt  }
0x75: {  	_ =	shalt  }
0x76: {  	_ =	shalt  }
0x77: {  	_ =	shalt  }
0x78: {  	_ =	shalt  }
0x79: {  	_ =	shalt  }
0x7a: {  	_ =	shalt  }
0x7b: {  	_ =	shalt  }
0x7c: {  	_ =	shalt  }
0x7d: {  	_ =	shalt  }
0x7e: {  	_ =	shalt  }
0x7f: {  	_ =	shalt  }
0x80: {  	_ =	shalt  }
0x81: {  	_ =	shalt  }
0x82: {  	_ =	shalt  }
0x83: {  	_ =	shalt  }
0x84: {  	_ =	shalt  }
0x85: {  	_ =	shalt  }
0x86: {  	_ =	shalt  }
0x87: {  	_ =	shalt  }
.Lfunc_end0:
.L_simem_size_0:
called_computation.1_lowered:
.L_overlay_start_0:
0x88: {  	s2 =	sld [smem:$0x3FD9]  }
0x89: {  	s3 =	sld [smem:$0x3FFE];
	_ =	sdelay $0x1  }
0x8a: {  	s1 =	srdreg.scid  }
0x8b: {  	s0 =	sand.u32 $0x1, s1  }
0x8c: {  	s17 =	sshll.u32 s0, $0xA;
	s2 =	sadd.s32 s3, s2  }
0x8d: {  	s2 =	sadd.s32 s2, s17  }
0x8e: {  	[smem:$0x3FC0] =	sst s2  }
0x8f: {  	_ = 	snop  }
0x90: {  	s2 =	sld [smem:$0x3FD0];
	(tm) =	ssettm $0x1  }
0x91: {  	s18 =	sld [smem:$0x3FFB];
	_ =	sdelay $0x3  }
0x92: {  	_ =	strace s18  }
0x93: {  	s3 =	sld [smem:$0x3FFC];
	_ =	sdelay $0x3  }
0x94: {  	_ =	strace s3  }
0x95: {  	s3 =	sld [smem:$0x3FFD];
	_ =	sdelay $0x3  }
0x96: {  	_ =	strace s3  }
0x97: {  	_ =	strace $0x8FFFFFFF  }
0x98: {  	s19 =	sld [smem:$0x3FDB];
	_ =	sdelay $0x1  }
0x99: {  	s4 =	simm.s32 $_scs_section_size  }
0x9a: {  	s5 =	simm.s32 $_size__tile_overlayer_lowered;
	s6 =	simm.s32 $_tile_overlayer_lowered  }
0x9b: {  	s22 =	simm.s32 $0x1BFF;
	s21 =	sshll.u32 s6, $0x1;
	s3 =	sadd.s32 s4, s19  }
0x9c: {  	s7 =	simm.s32 $0x0;
	s20 =	sshll.u32 s5, $0x1;
	s5 =	sadd.s32 s21, s3  }
0x9d: {  	[timem:s7], [sflag:s22] =	dma.local [hbm:s5], s20  }
0x9e: {  	_ =	swait.ge [sflag:s22], s20  }
0x9f: {  	s4 =	ssub.s32 $0x0, s20;
	[sflag:s22] =	ssyncset.done $0x0  }
0xa0: {  	[sflag:s22] =	ssyncadd.s32 s4;
	_ =	sdelay $0x1  }
0xa1: {  	s23 =	simm.s32 $0x1B8B  }
0xa2: {  	_ =	swait.ge [sflag:s23], $0x1  }
0xa3: {  	[sflag:s23] =	ssyncset.done $0x0  }
0xa4: {  	s25 =	simm.s32 $0x1B8E;
	s24 =	sld [smem:$0x3FFE];
	[sflag:s23] =	ssyncadd.s32 $0xFFFFFFFF  }
0xa5: {  	s26 =	simm.s32 $execute0_lowered;
	[smem:$0x3FD2] =	sst s25  }
0xa6: {  	s5 =	sshll.u32 s26, $0x1;
	_ =	strace $0x80000049;
	[dreg:$0x1] =	wrdreg $0xFFFFFFFF  }
0xa7: {  	s28 =	simm.s32 $_size_execute0_lowered;
	s3 =	sadd.s32 s3, s5;
	[dreg:$0x0] =	wrdreg $0x0  }
0xa8: {  	s5 =	sshll.u32 s28, $0x1;
	[dreg:$0x2] =	wrdreg s3  }
0xa9: {  	[dreg:$0x3] =	wrdreg s5  }
0xaa: {  	[dreg:$0x4] =	wrdreg $0xC0  }
0xab: {  	_ =	task [dreg:s7], $0x5FFFF  }
0xac: {  	[dreg:$0x1] =	wrdreg $0xFFFFFFFF  }
0xad: {  	[dreg:$0x0] =	wrdreg $0x60  }
0xae: {  	[dreg:$0x2] =	wrdreg s24  }
0xaf: {  	[dreg:$0x3] =	wrdreg s2  }
0xb0: {  	[dreg:$0x4] =	wrdreg $0x187000  }
0xb1: {  	[dreg:$0x5] =	wrdreg $0x1AE800  }
0xb2: {  	[dreg:$0x6] =	wrdreg $0x1D6000  }
0xb3: {  	[dreg:$0x7] =	wrdreg $0x9  }
0xb4: {  	_ =	task.clear_ibuf [dreg:s7], $0x8FFFF;
	_ =	strace $0x90000049  }
0xb5: {  	s29 =	simm.s32 $0x9;
	_ =	strace $0x8000004B  }
0xb6: {  	_ =	swait.ge [sflag:s29], $0x1  }
0xb7: {  	[sflag:s29] =	ssyncadd.s32 $0xFFFFFFFF  }
0xb8: {  	_ =	strace $0x9000004B  }
0xb9: {  	_ =	sfence  }
0xba: {  	s30 =	sld [smem:$0x0];
	_ =	sdelay $0x2  }
0xbb: {  	s31 =	sshll.u32 s1, $0xD;
	s1 =	sshrl.u32 s1, $0x2  }
0xbc: {  	s3 =	sand.u32 $0x4000, s31;
	s1 =	sadd.s32 s1, s30  }
0xbd: {  	s0 =	sor.u32 s3, s0;
	s1 =	sshll.u32 s1, $0x11  }
0xbe: {  	s0 =	sor.u32 s1, s0  }
0xbf: {  	s0 =	sadd.s32 $0x8F2B, s0  }
0xc0: {  	[sflag:s0] =	ssyncadd.remote.s32 $0x1  }
0xc1: {  	_ =	sfence.sel $0xFFFF  }
0xc2: {  	[dreg:$0x0] =	wrdreg $0xFFFFFFFF;
	(pc) =	sbr.abs _section_cstart, $3  }
0xc3: {  	[dreg:$0x1] =	wrdreg $0xFFFFFFFF  }
0xc4: {  	_ =	task.clear_ibuf [dreg:s7], $0x2FFFF;
	_ =	strace $0x9FFFFFFF  }
0xc5: {  	(tm) =	ssettm $0x7FFFFFFF  }
tec
execute0_lowered:
.L_overlay_start_1:
0x0: {  	(tag) =	ssettag $0x1  }
0x1: {  	s0 =	rddreg [dreg:$0x0]  }
0x2: {  	s7 =	rddreg [dreg:$0x1]  }
0x3: {  	s2 =	rddreg [dreg:$0x2]  }
0x4: {  	s3 =	rddreg [dreg:$0x3]  }
0x5: {  	s4 =	rddreg [dreg:$0x4];
	s14 =	stileid.u32  }
0x6: {  	s1 =	srdreg.scid;
	s5 =	simm.s32 $0x0;
	s15 =	simm.s32 $0x1380  }
0x7: {  	s17 =	simm.s32 $0x1A00;
	s18 =	simm.s32 $0x2080;
	s8 =	smul.u32 $0x2710, s14  }
0x8: {  	s11 =	smul.u32 $0x2780, s14;
	s1 =	sand.u32 $0x1, s1;
	[smem:$0x7FF] =	sst s5  }
0x9: {  	s6 =	sshll.u32 s14, $0x1;
	s13 =	sadd.s32 $0x7E00, s0;
	[dreg:$0x13] =	wrdreg s1  }
0xa: {  	s16 =	sshll.u32 s14, $0x6;
	_ =	strace $0x8000004A;
	[dreg:$0x6] =	wrdreg s13  }
0xb: {  	s9 =	smul.u32 $0x27800, s1;
	s10 =	sor.u32 s1, s6;
	[dreg:$0xf] =	wrdreg s15  }
0xc: {  	s23 =	sshrl.u32 s8, $0x3;
	s12 =	smul.u32 $0x2700, s10;
	[dreg:$0x10] =	wrdreg s17  }
0xd: {  	s10 =	sshll.u32 s10, $0x4;
	s13 =	simm.s32 $0xD00;
	[dreg:$0x11] =	wrdreg s18  }
0xe: {  	s6 =	sadd.s32 s23, s0;
	s9 =	sadd.s32 s11, s9;
	s12 =	sshrl.u32 s12, $0x3  }
0xf: {  	[dreg:$0xe] =	wrdreg s13;
	s24 =	sadd.s32 $0x2E00, s6;
	s25 =	sadd.s32 s7, s12  }
0x10: {  	[dreg:$0x7] =	wrdreg s24;
	s7 =	sadd.s32 s10, s7;
	s12 =	sadd.s32 $0x9C40, s25  }
0x11: {  	s9 =	sshrl.u32 s9, $0x3;
	s10 =	sadd.s32 $0x9C00, s7;
	[dreg:$0x8] =	wrdreg s12  }
0x12: {  	s9 =	sadd.s32 s9, s0;
	s7 =	sadd.s32 $0x13840, s7;
	[dreg:$0x9] =	wrdreg s10  }
0x13: {  	s26 =	sshrl.u32 s11, $0x3;
	s6 =	sadd.s32 $0xDC00, s9;
	[dreg:$0xa] =	wrdreg s7  }
0x14: {  	s8 =	sadd.s32 s8, s4;
	s9 =	sadd.s32 $0x17A00, s9;
	[dreg:$0xb] =	wrdreg s6  }
0x15: {  	s0 =	sadd.s32 s26, s0;
	[dreg:$0xc] =	wrdreg s9;
	s10 =	sshrl.u32 s8, $0x3  }
0x16: {  	s12 =	sadd.s32 s11, s2;
	s7 =	sadd.s32 $0x8C00, s0;
	s8 =	sor.u32 $0x1C04, s16  }
0x17: {  	s9 =	simm.s32 $0x4;
	[dreg:$0xd] =	wrdreg s10;
	s10 =	sshrl.u32 s12, $0x3  }
0x18: {  	[spmem:s10], [sflag:s8] =	dma.local [hbm:s7], $0x4F0  }
0x19: {  	_ =	swait.ge [sflag:s9], $0x4F0  }
0x1a: {  	s19 =	sadd.s32 s11, s3;
	[sflag:s9] =	ssyncset.done $0x0  }
0x1b: {  	s11 =	sshrl.u32 s19, $0x3;
	[sflag:s9] =	ssyncadd.s32 $0xFFFFFB10  }
0x1c: {  	[spmem:s11], [sflag:s8] =	dma.local [hbm:s7], $0x4F0  }
0x1d: {  	_ =	swait.ge [sflag:s9], $0x4F0  }
0x1e: {  	[sflag:s9] =	ssyncset.done $0x0  }
0x1f: {  	s12 =	simm.s32 $0x11F00;
	s20 =	rddreg [dreg:$0x6];
	[sflag:s9] =	ssyncadd.s32 $0xFFFFFB10  }
0x20: {  	[tilespmem:s12], [sflag:$0x4] =	stream.linear.gather [hbm4b:s20+s5], $0x6800, $0x38;
	[tilespmem:$0x1FD10] =	vst v63  }
0x21: {  	_ =	swait.ge [sflag:s9], $0x6800  }
0x22: {  	s21 =	rddreg [dreg:$0x7];
	[sflag:s9] =	ssyncset.done $0x0  }
0x23: {  	s22 =	rddreg [dreg:$0xd];
	[sflag:s9] =	ssyncadd.s32 $0xFFFF9800  }
0x24: {  	[spmem:s22], [sflag:s8] =	dma.local [hbm:s21], $0x4E2  }
0x25: {  	_ =	swait.ge [sflag:s9], $0x4E2  }
0x26: {  	[sflag:s9] =	ssyncset.done $0x0  }
0x27: {  	[dreg:$0x12] =	wrdreg s25;
	[sflag:s9] =	ssyncadd.s32 $0xFFFFFB1E  }
0x28: {  	[tilespmem:s5], [sflag:$0x4] =	stream.linear.gather [hbm4b:s25+s5], $0x2700, $0x38;
	[tilespmem:$0x1FD10] =	vst v63  }
0x29: {  	_ =	swait.ge [sflag:s9], $0x2700  }
0x2a: {  	[sflag:s9] =	ssyncset.done $0x0  }
0x2b: {  	s13 =	simm.s32 $0x2780;
	s23 =	rddreg [dreg:$0x8];
	[sflag:s9] =	ssyncadd.s32 $0xFFFFD900  }
0x2c: {  	[tilespmem:s13], [sflag:$0x4] =	stream.linear.gather [hbm4b:s23+s5], $0x2700, $0x38;
	[tilespmem:$0x1FD10] =	vst v63  }
0x2d: {  	p0 =	sgt.u32 s14, $0x1;
	_ =	swait.ge [sflag:s9], $0x2700  }
0x2e: {  	s1 =	simm.s32 @!p0 $0x0;
	s15 =	simm.s32 @!p0 $0x2700;
	[sflag:s9] =	ssyncset.done $0x0  }
0x2f: {  	s16 =	simm.s32 @!p0 $0x4;
	s0 =	rddreg [dreg:$0x9];
	[sflag:s9] =	ssyncadd.s32 $0xFFFFD900  }
0x30: {  	[tilespmem:s15], [sflag:$0x4] =	stream.linear.gather @!p0 [hbm4b:s0+s1], $0x80, $0x38;
	[tilespmem:$0x1FD10] =	vst v63  }
0x31: {  	_ =	swait.ge @!p0 [sflag:s16], $0x80  }
0x32: {  	[sflag:s16] =	ssyncset.done @!p0 $0x0  }
0x33: {  	s17 =	simm.s32 @!p0 $0x4E80;
	s0 =	rddreg [dreg:$0xa];
	[sflag:s16] =	ssyncadd.s32 @!p0 $0xFFFFFF80  }
0x34: {  	[tilespmem:s17], [sflag:$0x4] =	stream.linear.gather @!p0 [hbm4b:s0+s1], $0x80, $0x38;
	[tilespmem:$0x1FD10] =	vst v63  }
0x35: {  	_ =	swait.ge @!p0 [sflag:s16], $0x80  }
0x36: {  	[sflag:s16] =	ssyncset.done @!p0 $0x0  }
0x37: {  	s18 =	simm.s32 $0x680;
	[sflag:s16] =	ssyncadd.s32 @!p0 $0xFFFFFF80  }
0x38: {  	s19 =	simm.s32 $0x4F00;
	s20 =	simm.s32 $0x1;
	[bflag:$0x0] =	sbarrier.arrive $0xFFFF  }
0x39: {  	[tilespmem:s19], [sflag:$0x1] =	stream.indirect.gather [spmem:s4], $0x10, s5, s18, $0xb8;
	[tilespmem:$0x1FD10] =	vst v63  }
0x3a: {  	_ =	swait.ge [sflag:s20], $0x6800  }
0x3b: {  	[sflag:s20] =	ssyncset.done $0x0  }
0x3c: {  	s21 =	simm.s32 $0xB700;
	[sflag:s20] =	ssyncadd.s32 $0xFFFF9800  }
0x3d: {  	[tilespmem:s21], [sflag:$0x1] =	stream.indirect.gather [spmem:s4], $0x10, s18, s18, $0xb8;
	[tilespmem:$0x1FD10] =	vst v63  }
0x3e: {  	_ = 	snop  }
0x3f: {  	[spmem:s2] =	stream.indirect.scatter.add.f32 [tilespmem:s19], [sflag:$0x2], $0x10, s13, s18, $0xb8;
	[tilespmem:$0x1FD10] =	vst v63  }
0x40: {  	_ = 	snop  }
0x41: {  	[spmem:s3] =	stream.indirect.scatter.add.f32 [tilespmem:s12], [sflag:$0x3], $0x10, s13, s18, $0xb8;
	[tilespmem:$0x1FD10] =	vst v63  }
0x42: {  	_ =	swait.ge [sflag:s20], $0x6800  }
0x43: {  	[sflag:s20] =	ssyncset.done $0x0  }
0x44: {  	s22 =	simm.s32 $0x2;
	[sflag:s20] =	ssyncadd.s32 $0xFFFF9800  }
0x45: {  	_ =	swait.ge [sflag:s22], $0x6800  }
0x46: {  	[sflag:s22] =	ssyncset.done $0x0  }
0x47: {  	s23 =	simm.s32 $0x3;
	[sflag:s22] =	ssyncadd.s32 $0xFFFF9800  }
0x48: {  	_ =	swait.ge [sflag:s23], $0x6800  }
0x49: {  	[sflag:s23] =	ssyncset.done $0x0  }
0x4a: {  	s24 =	rddreg [dreg:$0xe];
	[sflag:s23] =	ssyncadd.s32 $0xFFFF9800  }
0x4b: {  	[tilespmem:s19], [sflag:$0x1] =	stream.indirect.gather [spmem:s4], $0x10, s24, s18, $0xb8;
	[tilespmem:$0x1FD10] =	vst v63  }
0x4c: {  	s24 =	simm.s32 $0x2E00  }
0x4d: {  	[spmem:s2] =	stream.indirect.scatter.add.f32 [tilespmem:s21], [sflag:$0x2], $0x10, s24, s18, $0xb8;
	[tilespmem:$0x1FD10] =	vst v63  }
0x4e: {  	_ = 	snop  }
0x4f: {  	[spmem:s3] =	stream.indirect.scatter.add.f32 [tilespmem:s12], [sflag:$0x3], $0x10, s24, s18, $0xb8;
	[tilespmem:$0x1FD10] =	vst v63  }
0x50: {  	_ =	swait.ge [sflag:s20], $0x6800  }
0x51: {  	[sflag:s20] =	ssyncset.done $0x0  }
0x52: {  	[sflag:s20] =	ssyncadd.s32 $0xFFFF9800  }
0x53: {  	_ =	swait.ge [sflag:s22], $0x6800  }
0x54: {  	[sflag:s22] =	ssyncset.done $0x0  }
0x55: {  	[sflag:s22] =	ssyncadd.s32 $0xFFFF9800  }
0x56: {  	_ =	swait.ge [sflag:s23], $0x6800  }
0x57: {  	[sflag:s23] =	ssyncset.done $0x0  }
0x58: {  	s25 =	rddreg [dreg:$0xf];
	[sflag:s23] =	ssyncadd.s32 $0xFFFF9800  }
0x59: {  	[tilespmem:s21], [sflag:$0x1] =	stream.indirect.gather [spmem:s4], $0x10, s25, s18, $0xb8;
	[tilespmem:$0x1FD10] =	vst v63  }
0x5a: {  	s25 =	simm.s32 $0x3480  }
0x5b: {  	[spmem:s2] =	stream.indirect.scatter.add.f32 [tilespmem:s19], [sflag:$0x2], $0x10, s25, s18, $0xb8;
	[tilespmem:$0x1FD10] =	vst v63  }
0x5c: {  	_ = 	snop  }
0x5d: {  	[spmem:s3] =	stream.indirect.scatter.add.f32 [tilespmem:s12], [sflag:$0x3], $0x10, s25, s18, $0xb8;
	[tilespmem:$0x1FD10] =	vst v63  }
0x5e: {  	_ =	swait.ge [sflag:s20], $0x6800  }
0x5f: {  	[sflag:s20] =	ssyncset.done $0x0  }
0x60: {  	[sflag:s20] =	ssyncadd.s32 $0xFFFF9800  }
0x61: {  	_ =	swait.ge [sflag:s22], $0x6800  }
0x62: {  	[sflag:s22] =	ssyncset.done $0x0  }
0x63: {  	[sflag:s22] =	ssyncadd.s32 $0xFFFF9800  }
0x64: {  	_ =	swait.ge [sflag:s23], $0x6800  }
0x65: {  	[sflag:s23] =	ssyncset.done $0x0  }
0x66: {  	s26 =	rddreg [dreg:$0x10];
	[sflag:s23] =	ssyncadd.s32 $0xFFFF9800  }
0x67: {  	[tilespmem:s19], [sflag:$0x1] =	stream.indirect.gather [spmem:s4], $0x10, s26, s18, $0xb8;
	[tilespmem:$0x1FD10] =	vst v63  }
0x68: {  	s26 =	simm.s32 $0x3B00  }
0x69: {  	[spmem:s2] =	stream.indirect.scatter.add.f32 [tilespmem:s21], [sflag:$0x2], $0x10, s26, s18, $0xb8;
	[tilespmem:$0x1FD10] =	vst v63  }
0x6a: {  	_ = 	snop  }
0x6b: {  	[spmem:s3] =	stream.indirect.scatter.add.f32 [tilespmem:s12], [sflag:$0x3], $0x10, s26, s18, $0xb8;
	[tilespmem:$0x1FD10] =	vst v63  }
0x6c: {  	_ =	swait.ge [sflag:s20], $0x6800  }
0x6d: {  	[sflag:s20] =	ssyncset.done $0x0  }
0x6e: {  	[sflag:s20] =	ssyncadd.s32 $0xFFFF9800  }
0x6f: {  	_ =	swait.ge [sflag:s22], $0x6800  }
0x70: {  	[sflag:s22] =	ssyncset.done $0x0  }
0x71: {  	[sflag:s22] =	ssyncadd.s32 $0xFFFF9800  }
0x72: {  	_ =	swait.ge [sflag:s23], $0x6800  }
0x73: {  	[sflag:s23] =	ssyncset.done $0x0  }
0x74: {  	s1 =	rddreg [dreg:$0x11];
	[sflag:s23] =	ssyncadd.s32 $0xFFFF9800  }
0x75: {  	[tilespmem:s21], [sflag:$0x1] =	stream.indirect.gather [spmem:s4], $0x10, s1, s18, $0xb8;
	[tilespmem:$0x1FD10] =	vst v63  }
0x76: {  	s28 =	simm.s32 $0x4180  }
0x77: {  	[spmem:s2] =	stream.indirect.scatter.add.f32 [tilespmem:s19], [sflag:$0x2], $0x10, s28, s18, $0xb8;
	[tilespmem:$0x1FD10] =	vst v63  }
0x78: {  	_ = 	snop  }
0x79: {  	[spmem:s3] =	stream.indirect.scatter.add.f32 [tilespmem:s12], [sflag:$0x3], $0x10, s28, s18, $0xb8;
	[tilespmem:$0x1FD10] =	vst v63  }
0x7a: {  	_ =	swait.ge [sflag:s20], $0x6800  }
0x7b: {  	[sflag:s20] =	ssyncset.done $0x0  }
0x7c: {  	s29 =	simm.s32 $0x4800;
	[sflag:s20] =	ssyncadd.s32 $0xFFFF9800  }
0x7d: {  	[spmem:s2] =	stream.indirect.scatter.add.f32 [tilespmem:s21], [sflag:$0x2], $0x10, s29, s18, $0xb8;
	[tilespmem:$0x1FD10] =	vst v63  }
0x7e: {  	_ = 	snop  }
0x7f: {  	[spmem:s3] =	stream.indirect.scatter.add.f32 [tilespmem:s12], [sflag:$0x3], $0x10, s29, s18, $0xb8;
	[tilespmem:$0x1FD10] =	vst v63  }
0x80: {  	_ =	swait.ge [sflag:s22], $0x6800  }
0x81: {  	[sflag:s22] =	ssyncset.done $0x0  }
0x82: {  	[sflag:s22] =	ssyncadd.s32 $0xFFFF9800  }
0x83: {  	_ =	swait.ge [sflag:s23], $0x6800  }
0x84: {  	[sflag:s23] =	ssyncset.done $0x0  }
0x85: {  	[sflag:s23] =	ssyncadd.s32 $0xFFFF9800  }
0x86: {  	_ =	swait.ge [sflag:s22], $0x6800  }
0x87: {  	[sflag:s22] =	ssyncset.done $0x0  }
0x88: {  	[sflag:s22] =	ssyncadd.s32 $0xFFFF9800  }
0x89: {  	_ =	swait.ge [sflag:s23], $0x6800  }
0x8a: {  	s30 =	simm.s32 @!p0 $0x80;
	[sflag:s23] =	ssyncset.done $0x0  }
0x8b: {  	s31 =	simm.s32 @!p0 $0x4F00;
	s0 =	simm.s32 @!p0 $0x1;
	[sflag:s23] =	ssyncadd.s32 $0xFFFF9800  }
0x8c: {  	[tilespmem:s31], [sflag:$0x1] =	stream.indirect.gather @!p0 [spmem:s4], $0x10, s15, s30, $0xb8;
	[tilespmem:$0x1FD10] =	vst v63  }
0x8d: {  	_ =	swait.ge @!p0 [sflag:s0], $0x800  }
0x8e: {  	[sflag:s0] =	ssyncset.done @!p0 $0x0  }
0x8f: {  	[sflag:s0] =	ssyncadd.s32 @!p0 $0xFFFFF800  }
0x90: {  	[spmem:s2] =	stream.indirect.scatter.add.f32 @!p0 [tilespmem:s31], [sflag:$0x4], $0x10, s17, s30, $0xb8;
	[tilespmem:$0x1FD10] =	vst v63  }
0x91: {  	_ =	swait.ge @!p0 [sflag:s16], $0x800  }
0x92: {  	[sflag:s16] =	ssyncset.done @!p0 $0x0  }
0x93: {  	s1 =	simm.s32 @!p0 $0x11F00;
	[sflag:s16] =	ssyncadd.s32 @!p0 $0xFFFFF800  }
0x94: {  	[spmem:s3] =	stream.indirect.scatter.add.f32 @!p0 [tilespmem:s1], [sflag:$0x4], $0x10, s17, s30, $0xb8;
	[tilespmem:$0x1FD10] =	vst v63  }
0x95: {  	_ =	swait.ge @!p0 [sflag:s16], $0x800  }
0x96: {  	[sflag:s16] =	ssyncset.done @!p0 $0x0  }
0x97: {  	[sflag:s16] =	ssyncadd.s32 @!p0 $0xFFFFF800  }
0x98: {  	[bflag:$0x0] =	sbarrier.arrive $0xFFFF  }
0x99: {  	s6 =	rddreg [dreg:$0xb]  }
0x9a: {  	[hbm:s6], [sflag:s8] =	dma.local [spmem:s10], $0x4F0  }
0x9b: {  	_ =	swait.ge [sflag:s9], $0x4F0  }
0x9c: {  	s14 =	rddreg [dreg:$0x13]  }
0x9d: {  	s14 =	ssub.s32 $0x2, s14  }
0x9e: {  	s1 =	sshrl.u32 s14, $0x1  }
0x9f: {  	s1 =	ssub.s32 s14, s1  }
0xa0: {  	s1 =	smax.u32 s1, $0x1  }
0xa1: {  	s1 =	sadd.s32 $0xFFFFFFFF, s1  }
0xa2: {  	p1 =	sne.s32 s1, $0x0  }
.Ltmp0:
0xa3: {  	_ = 	snop;
	(pc) =	sbr.rel @!p1 .LBB2_2-.Ltmp0, $4  }
0xa4: {  	[sflag:s9] =	ssyncset.done $0x0  }
0xa5: {  	s6 =	rddreg [dreg:$0xc];
	[sflag:s9] =	ssyncadd.s32 $0xFFFFFB10  }
0xa6: {  	[hbm:s6], [sflag:s8] =	dma.local [spmem:s11], $0x4F0  }
0xa7: {  	_ =	swait.ge [sflag:s9], $0x4F0  }
.LBB2_1:
0xa8: {  	[sflag:s9] =	ssyncset.done $0x0  }
0xa9: {  	[sflag:s9] =	ssyncadd.s32 $0xFFFFFB10  }
0xaa: {  	[spmem:s10], [sflag:s8] =	dma.local [hbm:s7], $0x4F0  }
0xab: {  	_ =	swait.ge [sflag:s9], $0x4F0  }
0xac: {  	[sflag:s9] =	ssyncset.done $0x0  }
0xad: {  	[sflag:s9] =	ssyncadd.s32 $0xFFFFFB10  }
0xae: {  	[spmem:s11], [sflag:s8] =	dma.local [hbm:s7], $0x4F0  }
0xaf: {  	_ =	swait.ge [sflag:s9], $0x4F0  }
0xb0: {  	[sflag:s9] =	ssyncset.done $0x0  }
0xb1: {  	s6 =	rddreg [dreg:$0x6];
	[sflag:s9] =	ssyncadd.s32 $0xFFFFFB10  }
0xb2: {  	[tilespmem:s12], [sflag:$0x4] =	stream.linear.gather [hbm4b:s6+s5], $0x6800, $0x38;
	[tilespmem:$0x1FD10] =	vst v63  }
0xb3: {  	_ =	swait.ge [sflag:s9], $0x6800  }
0xb4: {  	[sflag:s9] =	ssyncset.done $0x0;
	s6 =	rddreg [dreg:$0x7]  }
0xb5: {  	s14 =	rddreg [dreg:$0xd];
	[sflag:s9] =	ssyncadd.s32 $0xFFFF9800  }
0xb6: {  	[spmem:s14], [sflag:s8] =	dma.local [hbm:s6], $0x4E2  }
0xb7: {  	_ =	swait.ge [sflag:s9], $0x4E2  }
0xb8: {  	[sflag:s9] =	ssyncset.done $0x0  }
0xb9: {  	s14 =	rddreg [dreg:$0x12];
	[sflag:s9] =	ssyncadd.s32 $0xFFFFFB1E  }
0xba: {  	[tilespmem:s5], [sflag:$0x4] =	stream.linear.gather [hbm4b:s14+s5], $0x2700, $0x38;
	[tilespmem:$0x1FD10] =	vst v63  }
0xbb: {  	_ =	swait.ge [sflag:s9], $0x2700  }
0xbc: {  	[sflag:s9] =	ssyncset.done $0x0  }
0xbd: {  	s14 =	rddreg [dreg:$0x8];
	[sflag:s9] =	ssyncadd.s32 $0xFFFFD900  }
0xbe: {  	[tilespmem:s13], [sflag:$0x4] =	stream.linear.gather [hbm4b:s14+s5], $0x2700, $0x38;
	[tilespmem:$0x1FD10] =	vst v63  }
0xbf: {  	_ =	swait.ge [sflag:s9], $0x2700  }
0xc0: {  	[sflag:s9] =	ssyncset.done $0x0  }
0xc1: {  	s14 =	simm.s32 @!p0 $0x0;
	s6 =	rddreg [dreg:$0x9];
	[sflag:s9] =	ssyncadd.s32 $0xFFFFD900  }
0xc2: {  	[tilespmem:s15], [sflag:$0x4] =	stream.linear.gather @!p0 [hbm4b:s6+s14], $0x80, $0x38;
	[tilespmem:$0x1FD10] =	vst v63  }
0xc3: {  	_ =	swait.ge @!p0 [sflag:s16], $0x80  }
0xc4: {  	[sflag:s16] =	ssyncset.done @!p0 $0x0  }
0xc5: {  	s6 =	rddreg [dreg:$0xa];
	[sflag:s16] =	ssyncadd.s32 @!p0 $0xFFFFFF80  }
0xc6: {  	[tilespmem:s17], [sflag:$0x4] =	stream.linear.gather @!p0 [hbm4b:s6+s14], $0x80, $0x38;
	[tilespmem:$0x1FD10] =	vst v63  }
0xc7: {  	_ =	swait.ge @!p0 [sflag:s16], $0x80  }
0xc8: {  	[sflag:s16] =	ssyncset.done @!p0 $0x0  }
0xc9: {  	[sflag:s16] =	ssyncadd.s32 @!p0 $0xFFFFFF80  }
0xca: {  	[bflag:$0x0] =	sbarrier.arrive $0xFFFF  }
0xcb: {  	[tilespmem:s19], [sflag:$0x1] =	stream.indirect.gather [spmem:s4], $0x10, s5, s18, $0xb8;
	[tilespmem:$0x1FD10] =	vst v63  }
0xcc: {  	_ =	swait.ge [sflag:s20], $0x6800  }
0xcd: {  	[sflag:s20] =	ssyncset.done $0x0  }
0xce: {  	[sflag:s20] =	ssyncadd.s32 $0xFFFF9800  }
0xcf: {  	[tilespmem:s21], [sflag:$0x1] =	stream.indirect.gather [spmem:s4], $0x10, s18, s18, $0xb8;
	[tilespmem:$0x1FD10] =	vst v63  }
0xd0: {  	_ = 	snop  }
0xd1: {  	[spmem:s2] =	stream.indirect.scatter.add.f32 [tilespmem:s19], [sflag:$0x2], $0x10, s13, s18, $0xb8;
	[tilespmem:$0x1FD10] =	vst v63  }
0xd2: {  	_ = 	snop  }
0xd3: {  	[spmem:s3] =	stream.indirect.scatter.add.f32 [tilespmem:s12], [sflag:$0x3], $0x10, s13, s18, $0xb8;
	[tilespmem:$0x1FD10] =	vst v63  }
0xd4: {  	_ =	swait.ge [sflag:s20], $0x6800  }
0xd5: {  	[sflag:s20] =	ssyncset.done $0x0  }
0xd6: {  	[sflag:s20] =	ssyncadd.s32 $0xFFFF9800  }
0xd7: {  	_ =	swait.ge [sflag:s22], $0x6800  }
0xd8: {  	[sflag:s22] =	ssyncset.done $0x0  }
0xd9: {  	[sflag:s22] =	ssyncadd.s32 $0xFFFF9800  }
0xda: {  	_ =	swait.ge [sflag:s23], $0x6800  }
0xdb: {  	[sflag:s23] =	ssyncset.done $0x0  }
0xdc: {  	s14 =	rddreg [dreg:$0xe];
	[sflag:s23] =	ssyncadd.s32 $0xFFFF9800  }
0xdd: {  	[tilespmem:s19], [sflag:$0x1] =	stream.indirect.gather [spmem:s4], $0x10, s14, s18, $0xb8;
	[tilespmem:$0x1FD10] =	vst v63  }
0xde: {  	_ = 	snop  }
0xdf: {  	[spmem:s2] =	stream.indirect.scatter.add.f32 [tilespmem:s21], [sflag:$0x2], $0x10, s24, s18, $0xb8;
	[tilespmem:$0x1FD10] =	vst v63  }
0xe0: {  	_ = 	snop  }
0xe1: {  	[spmem:s3] =	stream.indirect.scatter.add.f32 [tilespmem:s12], [sflag:$0x3], $0x10, s24, s18, $0xb8;
	[tilespmem:$0x1FD10] =	vst v63  }
0xe2: {  	_ =	swait.ge [sflag:s20], $0x6800  }
0xe3: {  	[sflag:s20] =	ssyncset.done $0x0  }
0xe4: {  	[sflag:s20] =	ssyncadd.s32 $0xFFFF9800  }
0xe5: {  	_ =	swait.ge [sflag:s22], $0x6800  }
0xe6: {  	[sflag:s22] =	ssyncset.done $0x0  }
0xe7: {  	[sflag:s22] =	ssyncadd.s32 $0xFFFF9800  }
0xe8: {  	_ =	swait.ge [sflag:s23], $0x6800  }
0xe9: {  	[sflag:s23] =	ssyncset.done $0x0  }
0xea: {  	s14 =	rddreg [dreg:$0xf];
	[sflag:s23] =	ssyncadd.s32 $0xFFFF9800  }
0xeb: {  	[tilespmem:s21], [sflag:$0x1] =	stream.indirect.gather [spmem:s4], $0x10, s14, s18, $0xb8;
	[tilespmem:$0x1FD10] =	vst v63  }
0xec: {  	_ = 	snop  }
0xed: {  	[spmem:s2] =	stream.indirect.scatter.add.f32 [tilespmem:s19], [sflag:$0x2], $0x10, s25, s18, $0xb8;
	[tilespmem:$0x1FD10] =	vst v63  }
0xee: {  	_ = 	snop  }
0xef: {  	[spmem:s3] =	stream.indirect.scatter.add.f32 [tilespmem:s12], [sflag:$0x3], $0x10, s25, s18, $0xb8;
	[tilespmem:$0x1FD10] =	vst v63  }
0xf0: {  	_ =	swait.ge [sflag:s20], $0x6800  }
0xf1: {  	[sflag:s20] =	ssyncset.done $0x0  }
0xf2: {  	[sflag:s20] =	ssyncadd.s32 $0xFFFF9800  }
0xf3: {  	_ =	swait.ge [sflag:s22], $0x6800  }
0xf4: {  	[sflag:s22] =	ssyncset.done $0x0  }
0xf5: {  	[sflag:s22] =	ssyncadd.s32 $0xFFFF9800  }
0xf6: {  	_ =	swait.ge [sflag:s23], $0x6800  }
0xf7: {  	[sflag:s23] =	ssyncset.done $0x0  }
0xf8: {  	s14 =	rddreg [dreg:$0x10];
	[sflag:s23] =	ssyncadd.s32 $0xFFFF9800  }
0xf9: {  	[tilespmem:s19], [sflag:$0x1] =	stream.indirect.gather [spmem:s4], $0x10, s14, s18, $0xb8;
	[tilespmem:$0x1FD10] =	vst v63  }
0xfa: {  	_ = 	snop  }
0xfb: {  	[spmem:s2] =	stream.indirect.scatter.add.f32 [tilespmem:s21], [sflag:$0x2], $0x10, s26, s18, $0xb8;
	[tilespmem:$0x1FD10] =	vst v63  }
0xfc: {  	_ = 	snop  }
0xfd: {  	[spmem:s3] =	stream.indirect.scatter.add.f32 [tilespmem:s12], [sflag:$0x3], $0x10, s26, s18, $0xb8;
	[tilespmem:$0x1FD10] =	vst v63  }
0xfe: {  	_ =	swait.ge [sflag:s20], $0x6800  }
0xff: {  	[sflag:s20] =	ssyncset.done $0x0  }
0x100: {  	[sflag:s20] =	ssyncadd.s32 $0xFFFF9800  }
0x101: {  	_ =	swait.ge [sflag:s22], $0x6800  }
0x102: {  	[sflag:s22] =	ssyncset.done $0x0  }
0x103: {  	[sflag:s22] =	ssyncadd.s32 $0xFFFF9800  }
0x104: {  	_ =	swait.ge [sflag:s23], $0x6800  }
0x105: {  	[sflag:s23] =	ssyncset.done $0x0  }
0x106: {  	s14 =	rddreg [dreg:$0x11];
	[sflag:s23] =	ssyncadd.s32 $0xFFFF9800  }
0x107: {  	[tilespmem:s21], [sflag:$0x1] =	stream.indirect.gather [spmem:s4], $0x10, s14, s18, $0xb8;
	[tilespmem:$0x1FD10] =	vst v63  }
0x108: {  	_ = 	snop  }
0x109: {  	[spmem:s2] =	stream.indirect.scatter.add.f32 [tilespmem:s19], [sflag:$0x2], $0x10, s28, s18, $0xb8;
	[tilespmem:$0x1FD10] =	vst v63  }
0x10a: {  	_ = 	snop  }
0x10b: {  	[spmem:s3] =	stream.indirect.scatter.add.f32 [tilespmem:s12], [sflag:$0x3], $0x10, s28, s18, $0xb8;
	[tilespmem:$0x1FD10] =	vst v63  }
0x10c: {  	_ =	swait.ge [sflag:s20], $0x6800  }
0x10d: {  	[sflag:s20] =	ssyncset.done $0x0  }
0x10e: {  	[sflag:s20] =	ssyncadd.s32 $0xFFFF9800  }
0x10f: {  	[spmem:s2] =	stream.indirect.scatter.add.f32 [tilespmem:s21], [sflag:$0x2], $0x10, s29, s18, $0xb8;
	[tilespmem:$0x1FD10] =	vst v63  }
0x110: {  	_ = 	snop  }
0x111: {  	[spmem:s3] =	stream.indirect.scatter.add.f32 [tilespmem:s12], [sflag:$0x3], $0x10, s29, s18, $0xb8;
	[tilespmem:$0x1FD10] =	vst v63  }
0x112: {  	_ =	swait.ge [sflag:s22], $0x6800  }
0x113: {  	[sflag:s22] =	ssyncset.done $0x0  }
0x114: {  	[sflag:s22] =	ssyncadd.s32 $0xFFFF9800  }
0x115: {  	_ =	swait.ge [sflag:s23], $0x6800  }
0x116: {  	[sflag:s23] =	ssyncset.done $0x0  }
0x117: {  	[sflag:s23] =	ssyncadd.s32 $0xFFFF9800  }
0x118: {  	_ =	swait.ge [sflag:s22], $0x6800  }
0x119: {  	[sflag:s22] =	ssyncset.done $0x0  }
0x11a: {  	[sflag:s22] =	ssyncadd.s32 $0xFFFF9800  }
0x11b: {  	_ =	swait.ge [sflag:s23], $0x6800  }
0x11c: {  	[sflag:s23] =	ssyncset.done $0x0  }
0x11d: {  	[sflag:s23] =	ssyncadd.s32 $0xFFFF9800  }
0x11e: {  	[tilespmem:s31], [sflag:$0x1] =	stream.indirect.gather @!p0 [spmem:s4], $0x10, s15, s30, $0xb8;
	[tilespmem:$0x1FD10] =	vst v63  }
0x11f: {  	_ =	swait.ge @!p0 [sflag:s0], $0x800  }
0x120: {  	[sflag:s0] =	ssyncset.done @!p0 $0x0  }
0x121: {  	[sflag:s0] =	ssyncadd.s32 @!p0 $0xFFFFF800  }
0x122: {  	[spmem:s2] =	stream.indirect.scatter.add.f32 @!p0 [tilespmem:s31], [sflag:$0x4], $0x10, s17, s30, $0xb8;
	[tilespmem:$0x1FD10] =	vst v63  }
0x123: {  	_ =	swait.ge @!p0 [sflag:s16], $0x800  }
0x124: {  	[sflag:s16] =	ssyncset.done @!p0 $0x0  }
0x125: {  	s6 =	simm.s32 @!p0 $0x11F00;
	[sflag:s16] =	ssyncadd.s32 @!p0 $0xFFFFF800  }
0x126: {  	[spmem:s3] =	stream.indirect.scatter.add.f32 @!p0 [tilespmem:s6], [sflag:$0x4], $0x10, s17, s30, $0xb8;
	[tilespmem:$0x1FD10] =	vst v63  }
0x127: {  	_ =	swait.ge @!p0 [sflag:s16], $0x800  }
0x128: {  	[sflag:s16] =	ssyncset.done @!p0 $0x0  }
0x129: {  	[sflag:s16] =	ssyncadd.s32 @!p0 $0xFFFFF800  }
0x12a: {  	s1 =	sadd.s32 $0xFFFFFFFF, s1;
	[bflag:$0x0] =	sbarrier.arrive $0xFFFF  }
0x12b: {  	p1 =	sne.s32 s1, $0x0;
	s14 =	rddreg [dreg:$0xb]  }
0x12c: {  	[hbm:s14], [sflag:s8] =	dma.local [spmem:s10], $0x4F0  }
.Ltmp1:
0x12d: {  	_ =	swait.ge [sflag:s9], $0x4F0;
	(pc) =	sbr.rel @p1 .LBB2_1-.Ltmp1, $4  }
0x12e: {  	[sflag:s9] =	ssyncset.done $0x0  }
0x12f: {  	s14 =	rddreg [dreg:$0xc];
	[sflag:s9] =	ssyncadd.s32 $0xFFFFFB10  }
0x130: {  	[hbm:s14], [sflag:s8] =	dma.local [spmem:s11], $0x4F0  }
0x131: {  	_ =	swait.ge [sflag:s9], $0x4F0  }
.LBB2_2:
0x132: {  	[sflag:s9] =	ssyncset.done $0x0  }
0x133: {  	[sflag:s9] =	ssyncadd.s32 $0xFFFFFB10  }
0x134: {  	_ =	sfence.sel $0x180000  }
0x135: {  	[bflag:$0x0] =	sbarrier.arrive $0xFFFF  }
0x136: {  	_ =	strace $0x9000004A  }
0x137: {  	s0 =	stileid.u32;
	[bflag:$0x2] =	sbarrier.arrive $0xFFFF  }
0x138: {  	p0 =	sne.s32 s0, $0x0;
	s0 =	rddreg [dreg:$0x5]  }
0x139: {  	s0 =	sadd.s32 @!p0 $0x100000, s0  }
0x13a: {  	[sflag:s0] =	ssyncadd.tile.s32 @!p0 $0x1;
	_ =	shalt  }
.Lfunc_end2:
_tile_overlayer_lowered:
.L_overlay_start_2:
0x13b: {  	(tag) =	ssettag $0x2  }
0x13c: {  	s0 =	rddreg [dreg:$0x0];
	s2 =	stileid.u32  }
0x13d: {  	s1 =	rddreg [dreg:$0x1];
	p0 =	sne.s32 s2, $0x0  }
0x13e: {  	s3 =	rddreg [dreg:$0x2];
	[bflag:$0x3] =	sbarrier.arrive $0xFFFF;
	s2 =	simm.s32 @!p0 $0x1C04  }
0x13f: {  	[timem:s3], [sflag:s2] =	dma.local @!p0 [hbm:s0], s1  }
0x140: {  	s0 =	simm.s32 @!p0 $0x4  }
0x141: {  	_ =	swait.ge @!p0 [sflag:s0], s1  }
0x142: {  	s1 =	ssub.s32 @!p0 $0x0, s1;
	[sflag:s0] =	ssyncset.done @!p0 $0x0  }
0x143: {  	[sflag:s0] =	ssyncadd.s32 @!p0 s1  }
0x144: {  	[bflag:$0x3] =	sbarrier.arrive $0xFFFF  }
0x145: {  	_ =	shalt  }

// kernel: kernel.14.cloned.1.call-start
scs
__scs_entry_jumppad:
0x0: {  	(pc) =	sbr.rel $0x88, $3  }
0x1: {  	(tag) =	ssettag $0x0;
	lr =	simm.s32 $0x1  }
0x2: {  	[smem:$0x3F99] =	sst lr;
	_ =	strace $0xD0000000  }
0x3: {  	_ = 	snop  }
0x4: {  	_ = 	snop  }
0x5: {  	_ = 	snop  }
0x6: {  	_ = 	snop  }
0x7: {  	_ = 	snop  }
__scs_overlays_trampoline_lowered:
0x8: {  	[smem:$0x3FA8] =	sst s0  }
0x9: {  	[smem:$0x3FA9] =	sst s1  }
0xa: {  	[smem:$0x3FAA] =	sst s2  }
0xb: {  	[smem:$0x3FAB] =	sst s3  }
0xc: {  	[smem:$0x3FAC] =	sst s4  }
0xd: {  	[smem:$0x3FAD] =	sst s5  }
0xe: {  	[smem:$0x3FAE] =	sst s6  }
0xf: {  	[smem:$0x3FAF] =	sst s7  }
0x10: {  	[smem:$0x3FB0] =	sst s8  }
0x11: {  	[smem:$0x3FB1] =	sst s9;
	s0 =	simm.s32 @!p0 $0x0  }
0x12: {  	s1 =	sld [smem:$0x3F97];
	s0 =	simm.s32 @p0 $0x1  }
0x13: {  	[smem:$0x3FB2] =	sst s0;
	s0 =	simm.s32 @!p1 $0x0  }
0x14: {  	s2 =	sld [smem:$0x3F96];
	s0 =	simm.s32 @p1 $0x1  }
0x15: {  	[smem:$0x3FB3] =	sst s0;
	s0 =	simm.s32 @!p2 $0x0  }
0x16: {  	s3 =	sld [smem:$0x3FDB];
	s0 =	simm.s32 @p2 $0x1  }
0x17: {  	s4 =	simm.s32 $0x1BF5;
	[smem:$0x3FB5] =	sst s0  }
0x18: {  	s0 =	sld [smem:$0x3F98];
	_ =	swait.ge [sflag:s4], $0x0  }
0x19: {  	s7 =	sld [smem:$0x3F99]  }
0x1a: {  	s8 =	sadd.s32 $0xFFFFE003, lr  }
0x1b: {  	s9 =	sadd.s32 $0xFFFFFEF7, lr;
	s5 =	simm.s32 $0xFFFFFFFF;
	p2 =	slt.u32 s8, $0xFFFFF086  }
0x1c: {  	p1 =	slt.u32 s9, $0xF7A;
	s5 =	simm.s32 @!p2 $0x0  }
0x1d: {  	s5 =	simm.s32 @p1 $0x1;
	p0 =	seq.s32 s7, s2  }
0x1e: {  	s7 =	smul.u32 @!p0 $0xF7A, s2;
	p2 =	seq.s32 @!p0 s5, $0x0  }
0x1f: {  	s9 =	smul.u32 $0xF7A, s1;
	s8 =	simm.s32 @!p0 $0x1BF5;
	p2 =	por !p2, p0  }
0x20: {  	[sflag:s8] =	ssyncset.s32 @!p0 $0xFFFFF086;
	s6 =	sadd.s32 @!p0 s3, s7;
	s7 =	simm.s32 @!p0 $0x108  }
0x21: {  	s3 =	sadd.s32 s3, s9;
	s6 =	sadd.s32 @!p0 $0x88, s6;
	s7 =	simm.s32 @p2 $0x1082  }
0x22: {  	[simem:s7], [sflag:s8] =	dma.local @!p0 [hbm:s6], $0xF7A  }
0x23: {  	s9 =	sor.u32 $0xD0000000, s2;
	s6 =	simm.s32 $0x108;
	_ =	swait.ge @!p0 [sflag:s8], $0x0  }
0x24: {  	s3 =	sadd.s32 $0x88, s3;
	s6 =	simm.s32 @!p1 $0x1082;
	[sflag:s4] =	ssyncset.s32 $0xFFFFF086  }
0x25: {  	[simem:s6], [sflag:s4] =	dma.local [hbm:s3], $0xF7A  }
0x26: {  	[smem:$0x3F99] =	sst s1;
	(tag) =	ssettag s2;
	_ =	strace s9  }
0x27: {  	s1 =	sld [smem:$0x3FA9]  }
0x28: {  	s2 =	sld [smem:$0x3FAA]  }
0x29: {  	s4 =	sld [smem:$0x3FAC]  }
0x2a: {  	p0 =	seq.s32 s5, $0x0;
	s5 =	sld [smem:$0x3FAD]  }
0x2b: {  	s6 =	sld [smem:$0x3FAE]  }
0x2c: {  	s7 =	sld [smem:$0x3FAF]  }
0x2d: {  	s3 =	simm.s32 $0x108;
	s8 =	sld [smem:$0x3FB0]  }
0x2e: {  	s3 =	simm.s32 @!p0 $0x1082;
	s9 =	sld [smem:$0x3FB1]  }
0x2f: {  	lr =	sadd.s32 s0, s3;
	s0 =	sld [smem:$0x3FA8]  }
0x30: {  	s3 =	sld [smem:$0x3FAB]  }
0x31: {  	[smem:$0x3FB4] =	sst s10  }
0x32: {  	s10 =	sld [smem:$0x3FB2];
	_ =	sdelay $0x3  }
0x33: {  	p0 =	seq.s32 s10, $0x1;
	s10 =	sld [smem:$0x3FB4];
	_ =	sdelay $0x3  }
0x34: {  	[smem:$0x3FB4] =	sst s10  }
0x35: {  	s10 =	sld [smem:$0x3FB3];
	_ =	sdelay $0x3  }
0x36: {  	p1 =	seq.s32 s10, $0x1;
	s10 =	sld [smem:$0x3FB4];
	_ =	sdelay $0x3  }
0x37: {  	[smem:$0x3FB4] =	sst s10  }
0x38: {  	s10 =	sld [smem:$0x3FB5]  }
0x39: {  	_ = 	snop;
	(pc) =	sbr.ind lr, $3  }
0x3a: {  	_ = 	snop  }
0x3b: {  	_ = 	snop  }
0x3c: {  	p2 =	seq.s32 s10, $0x1;
	s10 =	sld [smem:$0x3FB4]  }
0x3d: {  	_ =	shalt  }
0x3e: {  	_ =	shalt  }
0x3f: {  	_ =	shalt  }
0x40: {  	_ =	shalt  }
0x41: {  	_ =	shalt  }
0x42: {  	_ =	shalt  }
0x43: {  	_ =	shalt  }
0x44: {  	_ =	shalt  }
0x45: {  	_ =	shalt  }
0x46: {  	_ =	shalt  }
0x47: {  	_ =	shalt  }
0x48: {  	_ =	shalt  }
0x49: {  	_ =	shalt  }
0x4a: {  	_ =	shalt  }
0x4b: {  	_ =	shalt  }
0x4c: {  	_ =	shalt  }
0x4d: {  	_ =	shalt  }
0x4e: {  	_ =	shalt  }
0x4f: {  	_ =	shalt  }
0x50: {  	_ =	shalt  }
0x51: {  	_ =	shalt  }
0x52: {  	_ =	shalt  }
0x53: {  	_ =	shalt  }
0x54: {  	_ =	shalt  }
0x55: {  	_ =	shalt  }
0x56: {  	_ =	shalt  }
0x57: {  	_ =	shalt  }
0x58: {  	_ =	shalt  }
0x59: {  	_ =	shalt  }
0x5a: {  	_ =	shalt  }
0x5b: {  	_ =	shalt  }
0x5c: {  	_ =	shalt  }
0x5d: {  	_ =	shalt  }
0x5e: {  	_ =	shalt  }
0x5f: {  	_ =	shalt  }
0x60: {  	_ =	shalt  }
0x61: {  	_ =	shalt  }
0x62: {  	_ =	shalt  }
0x63: {  	_ =	shalt  }
0x64: {  	_ =	shalt  }
0x65: {  	_ =	shalt  }
0x66: {  	_ =	shalt  }
0x67: {  	_ =	shalt  }
0x68: {  	_ =	shalt  }
0x69: {  	_ =	shalt  }
0x6a: {  	_ =	shalt  }
0x6b: {  	_ =	shalt  }
0x6c: {  	_ =	shalt  }
0x6d: {  	_ =	shalt  }
0x6e: {  	_ =	shalt  }
0x6f: {  	_ =	shalt  }
0x70: {  	_ =	shalt  }
0x71: {  	_ =	shalt  }
0x72: {  	_ =	shalt  }
0x73: {  	_ =	shalt  }
0x74: {  	_ =	shalt  }
0x75: {  	_ =	shalt  }
0x76: {  	_ =	shalt  }
0x77: {  	_ =	shalt  }
0x78: {  	_ =	shalt  }
0x79: {  	_ =	shalt  }
0x7a: {  	_ =	shalt  }
0x7b: {  	_ =	shalt  }
0x7c: {  	_ =	shalt  }
0x7d: {  	_ =	shalt  }
0x7e: {  	_ =	shalt  }
0x7f: {  	_ =	shalt  }
0x80: {  	_ =	shalt  }
0x81: {  	_ =	shalt  }
0x82: {  	_ =	shalt  }
0x83: {  	_ =	shalt  }
0x84: {  	_ =	shalt  }
0x85: {  	_ =	shalt  }
0x86: {  	_ =	shalt  }
0x87: {  	_ =	shalt  }
.Lfunc_end0:
.L_simem_size_0:
called_computation.2_lowered:
.L_overlay_start_0:
0x88: {  	s2 =	sld [smem:$0x3FD9]  }
0x89: {  	s3 =	sld [smem:$0x3FFE];
	_ =	sdelay $0x1  }
0x8a: {  	s1 =	srdreg.scid  }
0x8b: {  	s0 =	sand.u32 $0x1, s1  }
0x8c: {  	s17 =	sshll.u32 s0, $0xA;
	s2 =	sadd.s32 s3, s2  }
0x8d: {  	s2 =	sadd.s32 s2, s17  }
0x8e: {  	[smem:$0x3FC0] =	sst s2  }
0x8f: {  	_ = 	snop  }
0x90: {  	s2 =	sld [smem:$0x3FD0];
	(tm) =	ssettm $0x1  }
0x91: {  	s18 =	sld [smem:$0x3FFB];
	_ =	sdelay $0x3  }
0x92: {  	_ =	strace s18  }
0x93: {  	s3 =	sld [smem:$0x3FFC];
	_ =	sdelay $0x3  }
0x94: {  	_ =	strace s3  }
0x95: {  	s3 =	sld [smem:$0x3FFD];
	_ =	sdelay $0x3  }
0x96: {  	_ =	strace s3  }
0x97: {  	_ =	strace $0x8FFFFFFF  }
0x98: {  	s19 =	sld [smem:$0x3FDB];
	_ =	sdelay $0x1  }
0x99: {  	s4 =	simm.s32 $_scs_section_size  }
0x9a: {  	s5 =	simm.s32 $_size__tile_overlayer_lowered;
	s6 =	simm.s32 $_tile_overlayer_lowered  }
0x9b: {  	s22 =	simm.s32 $0x1BFF;
	s21 =	sshll.u32 s6, $0x1;
	s3 =	sadd.s32 s4, s19  }
0x9c: {  	s7 =	simm.s32 $0x0;
	s20 =	sshll.u32 s5, $0x1;
	s5 =	sadd.s32 s21, s3  }
0x9d: {  	[timem:s7], [sflag:s22] =	dma.local [hbm:s5], s20  }
0x9e: {  	_ =	swait.ge [sflag:s22], s20  }
0x9f: {  	s4 =	ssub.s32 $0x0, s20;
	[sflag:s22] =	ssyncset.done $0x0  }
0xa0: {  	[sflag:s22] =	ssyncadd.s32 s4;
	_ =	sdelay $0x1  }
0xa1: {  	s23 =	simm.s32 $0x1B8B  }
0xa2: {  	_ =	swait.ge [sflag:s23], $0x1  }
0xa3: {  	[sflag:s23] =	ssyncset.done $0x0  }
0xa4: {  	s25 =	simm.s32 $0x1B8E;
	s24 =	sld [smem:$0x3FFE];
	[sflag:s23] =	ssyncadd.s32 $0xFFFFFFFF  }
0xa5: {  	s26 =	simm.s32 $execute0_lowered;
	[smem:$0x3FD2] =	sst s25  }
0xa6: {  	s5 =	sshll.u32 s26, $0x1;
	_ =	strace $0x8000004C;
	[dreg:$0x1] =	wrdreg $0xFFFFFFFF  }
0xa7: {  	s28 =	simm.s32 $_size_execute0_lowered;
	s3 =	sadd.s32 s3, s5;
	[dreg:$0x0] =	wrdreg $0x0  }
0xa8: {  	s5 =	sshll.u32 s28, $0x1;
	[dreg:$0x2] =	wrdreg s3  }
0xa9: {  	[dreg:$0x3] =	wrdreg s5  }
0xaa: {  	[dreg:$0x4] =	wrdreg $0xC0  }
0xab: {  	_ =	task [dreg:s7], $0x5FFFF  }
0xac: {  	[dreg:$0x1] =	wrdreg $0xFFFFFFFF  }
0xad: {  	[dreg:$0x0] =	wrdreg $0x60  }
0xae: {  	[dreg:$0x2] =	wrdreg s24  }
0xaf: {  	[dreg:$0x3] =	wrdreg s2  }
0xb0: {  	[dreg:$0x4] =	wrdreg $0x11F000  }
0xb1: {  	[dreg:$0x5] =	wrdreg $0x146800  }
0xb2: {  	[dreg:$0x6] =	wrdreg $0x9  }
0xb3: {  	_ =	task.clear_ibuf [dreg:s7], $0x7FFFF;
	_ =	strace $0x9000004C  }
0xb4: {  	s29 =	simm.s32 $0x9;
	_ =	strace $0x8000004E  }
0xb5: {  	_ =	swait.ge [sflag:s29], $0x1  }
0xb6: {  	[sflag:s29] =	ssyncadd.s32 $0xFFFFFFFF  }
0xb7: {  	_ =	strace $0x9000004E  }
0xb8: {  	_ =	sfence  }
0xb9: {  	s30 =	sld [smem:$0x0];
	_ =	sdelay $0x2  }
0xba: {  	s31 =	sshll.u32 s1, $0xD;
	s1 =	sshrl.u32 s1, $0x2  }
0xbb: {  	s3 =	sand.u32 $0x4000, s31;
	s1 =	sadd.s32 s1, s30  }
0xbc: {  	s0 =	sor.u32 s3, s0;
	s1 =	sshll.u32 s1, $0x11  }
0xbd: {  	s0 =	sor.u32 s1, s0  }
0xbe: {  	s0 =	sadd.s32 $0x8F2B, s0  }
0xbf: {  	[sflag:s0] =	ssyncadd.remote.s32 $0x1  }
0xc0: {  	_ =	sfence.sel $0xFFFF  }
0xc1: {  	[dreg:$0x0] =	wrdreg $0xFFFFFFFF;
	(pc) =	sbr.abs _section_cstart, $3  }
0xc2: {  	[dreg:$0x1] =	wrdreg $0xFFFFFFFF  }
0xc3: {  	_ =	task.clear_ibuf [dreg:s7], $0x2FFFF;
	_ =	strace $0x9FFFFFFF  }
0xc4: {  	(tm) =	ssettm $0x7FFFFFFF  }
0xc5: {  	_ =	shalt  }
tec
execute0_lowered:
.L_overlay_start_1:
0x0: {  	(tag) =	ssettag $0x1  }
0x1: {  	s0 =	rddreg [dreg:$0x0]  }
0x2: {  	s1 =	rddreg [dreg:$0x1]  }
0x3: {  	s2 =	rddreg [dreg:$0x2]  }
0x4: {  	s3 =	rddreg [dreg:$0x3]  }
0x5: {  	s25 =	rddreg [dreg:$0x4];
	s26 =	stileid.u32  }
0x6: {  	s4 =	srdreg.scid;
	s7 =	simm.s32 $0x0;
	s30 =	simm.s32 $0x2E00  }
0x7: {  	s15 =	simm.s32 $0x2080;
	s16 =	simm.s32 $0x4180;
	s5 =	smul.u32 $0x2710, s26  }
0x8: {  	s14 =	simm.s32 $0x4800;
	p1 =	por $0x0, $0x0;
	s6 =	smul.u32 $0x2780, s26  }
0x9: {  	s4 =	sand.u32 $0x1, s4;
	[smem:$0x7FF] =	sst s7;
	s10 =	sshll.u32 s26, $0x1  }
0xa: {  	s28 =	sshll.u32 s26, $0x6;
	p0 =	sgt.u32 s26, $0x1;
	s9 =	smul.u32 $0x27800, s4  }
0xb: {  	_ =	strace $0x8000004D;
	s10 =	sor.u32 s4, s10;
	s4 =	ssub.s32 $0x2, s4  }
0xc: {  	s8 =	sshrl.u32 s5, $0x3;
	s11 =	sshrl.u32 s6, $0x3;
	s12 =	smul.u32 $0x2700, s10  }
0xd: {  	s18 =	sshrl.u32 s4, $0x1;
	s20 =	sshll.u32 s10, $0x4;
	s29 =	sadd.s32 s5, s3  }
0xe: {  	s5 =	simm.s32 $0x3;
	s10 =	simm.s32 $0x1;
	s8 =	sadd.s32 s8, s0  }
0xf: {  	s9 =	sadd.s32 s6, s9;
	s11 =	sadd.s32 s11, s0;
	s22 =	ssub.s32 s4, s18  }
0x10: {  	s6 =	sadd.s32 s6, s2;
	s4 =	sor.u32 $0x1C03, s28;
	s18 =	simm.s32 $0x3B00  }
0x11: {  	s9 =	sshrl.u32 s9, $0x3;
	s17 =	sadd.s32 $0x8C00, s11;
	s19 =	sshrl.u32 s12, $0x3  }
0x12: {  	s8 =	sadd.s32 $0x2E00, s8;
	s31 =	smax.u32 s22, $0x1;
	s6 =	sshrl.u32 s6, $0x3  }
0x13: {  	s22 =	simm.s32 $0x2780;
	s23 =	sadd.s32 s1, s19;
	s1 =	sadd.s32 s20, s1  }
0x14: {  	s12 =	simm.s32 $0x4F00;
	s24 =	sadd.s32 $0x9C00, s1;
	s1 =	sadd.s32 $0x13840, s1  }
0x15: {  	s11 =	simm.s32 $0xB700;
	[dreg:$0x9] =	wrdreg s1;
	s1 =	sadd.s32 $0xFFFFFFFF, s31  }
0x16: {  	s0 =	sadd.s32 s9, s0;
	[dreg:$0x5] =	wrdreg s17;
	p2 =	sne.s32 s1, $0x0  }
.Ltmp0:
0x17: {  	[dreg:$0x6] =	wrdreg s8;
	s9 =	simm.s32 $0x680;
	(pc) =	sbr.rel @!p2 .LBB2_5-.Ltmp0, $4  }
0x18: {  	s8 =	simm.s32 $0x2;
	s21 =	sadd.s32 $0x9C40, s23;
	s13 =	rddreg [dreg:$0x5]  }
0x19: {  	s19 =	simm.s32 $0x1380;
	s20 =	simm.s32 $0x3480;
	[dreg:$0x7] =	wrdreg s21  }
0x1a: {  	s17 =	simm.s32 $0x1A00;
	s0 =	sadd.s32 $0xDC00, s0;
	[dreg:$0x8] =	wrdreg s24  }
0x1b: {  	[dreg:$0xa] =	wrdreg s0;
	s24 =	sshrl.u32 s29, $0x3;
	s21 =	simm.s32 $0xD00  }
0x1c: {  	[spmem:s6], [sflag:s4] =	dma.local [hbm:s13], $0x4F0  }
0x1d: {  	_ =	swait.ge [sflag:s5], $0x4F0  }
0x1e: {  	[sflag:s5] =	ssyncset.done $0x0  }
0x1f: {  	s0 =	rddreg [dreg:$0x6];
	[sflag:s5] =	ssyncadd.s32 $0xFFFFFB10  }
0x20: {  	[spmem:s24], [sflag:s4] =	dma.local [hbm:s0], $0x4E2  }
0x21: {  	_ =	swait.ge [sflag:s5], $0x4E2  }
0x22: {  	[sflag:s5] =	ssyncset.done $0x0  }
0x23: {  	[sflag:s5] =	ssyncadd.s32 $0xFFFFFB1E  }
0x24: {  	[tilespmem:s7], [sflag:$0x3] =	stream.linear.gather [hbm4b:s23+s7], $0x2700, $0x38;
	[tilespmem:$0x16D90] =	vst v63  }
0x25: {  	_ =	swait.ge [sflag:s5], $0x2700  }
0x26: {  	[sflag:s5] =	ssyncset.done $0x0  }
0x27: {  	s26 =	rddreg [dreg:$0x7];
	[sflag:s5] =	ssyncadd.s32 $0xFFFFD900  }
0x28: {  	[tilespmem:s22], [sflag:$0x3] =	stream.linear.gather [hbm4b:s26+s7], $0x2700, $0x38;
	[tilespmem:$0x16D90] =	vst v63  }
0x29: {  	_ =	swait.ge [sflag:s5], $0x2700  }
0x2a: {  	s25 =	simm.s32 @!p0 $0x3;
	s28 =	simm.s32 @!p0 $0x2700;
	[sflag:s5] =	ssyncset.done $0x0  }
0x2b: {  	s26 =	simm.s32 @!p0 $0x0;
	s0 =	rddreg [dreg:$0x8];
	[sflag:s5] =	ssyncadd.s32 $0xFFFFD900  }
0x2c: {  	[tilespmem:s28], [sflag:$0x3] =	stream.linear.gather @!p0 [hbm4b:s0+s26], $0x80, $0x38;
	[tilespmem:$0x16D90] =	vst v63  }
0x2d: {  	_ =	swait.ge @!p0 [sflag:s25], $0x80  }
0x2e: {  	[sflag:s25] =	ssyncset.done @!p0 $0x0  }
0x2f: {  	s29 =	simm.s32 @!p0 $0x4E80;
	s0 =	rddreg [dreg:$0x9];
	[sflag:s25] =	ssyncadd.s32 @!p0 $0xFFFFFF80  }
0x30: {  	[tilespmem:s29], [sflag:$0x3] =	stream.linear.gather @!p0 [hbm4b:s0+s26], $0x80, $0x38;
	[tilespmem:$0x16D90] =	vst v63  }
0x31: {  	_ =	swait.ge @!p0 [sflag:s25], $0x80  }
0x32: {  	[sflag:s25] =	ssyncset.done @!p0 $0x0  }
0x33: {  	[sflag:s25] =	ssyncadd.s32 @!p0 $0xFFFFFF80  }
0x34: {  	[bflag:$0x0] =	sbarrier.arrive $0xFFFF  }
0x35: {  	[tilespmem:s12], [sflag:$0x1] =	stream.indirect.gather [spmem:s3], $0x10, s7, s9, $0xb8;
	[tilespmem:$0x16D90] =	vst v63  }
0x36: {  	_ =	swait.ge [sflag:s10], $0x6800  }
0x37: {  	[sflag:s10] =	ssyncset.done $0x0  }
0x38: {  	[sflag:s10] =	ssyncadd.s32 $0xFFFF9800  }
0x39: {  	[tilespmem:s11], [sflag:$0x1] =	stream.indirect.gather [spmem:s3], $0x10, s9, s9, $0xb8;
	[tilespmem:$0x16D90] =	vst v63  }
0x3a: {  	_ = 	snop  }
0x3b: {  	[spmem:s2] =	stream.indirect.scatter.add.f32 [tilespmem:s12], [sflag:$0x2], $0x10, s22, s9, $0xb8;
	[tilespmem:$0x16D90] =	vst v63  }
0x3c: {  	_ =	swait.ge [sflag:s10], $0x6800  }
0x3d: {  	[sflag:s10] =	ssyncset.done $0x0  }
0x3e: {  	[sflag:s10] =	ssyncadd.s32 $0xFFFF9800  }
0x3f: {  	_ =	swait.ge [sflag:s8], $0x6800  }
0x40: {  	[sflag:s8] =	ssyncset.done $0x0  }
0x41: {  	[sflag:s8] =	ssyncadd.s32 $0xFFFF9800  }
0x42: {  	[tilespmem:s12], [sflag:$0x1] =	stream.indirect.gather [spmem:s3], $0x10, s21, s9, $0xb8;
	[tilespmem:$0x16D90] =	vst v63  }
0x43: {  	_ = 	snop  }
0x44: {  	[spmem:s2] =	stream.indirect.scatter.add.f32 [tilespmem:s11], [sflag:$0x2], $0x10, s30, s9, $0xb8;
	[tilespmem:$0x16D90] =	vst v63  }
0x45: {  	_ =	swait.ge [sflag:s10], $0x6800  }
0x46: {  	[sflag:s10] =	ssyncset.done $0x0  }
0x47: {  	[sflag:s10] =	ssyncadd.s32 $0xFFFF9800  }
0x48: {  	_ =	swait.ge [sflag:s8], $0x6800  }
0x49: {  	[sflag:s8] =	ssyncset.done $0x0  }
0x4a: {  	[sflag:s8] =	ssyncadd.s32 $0xFFFF9800  }
0x4b: {  	[tilespmem:s11], [sflag:$0x1] =	stream.indirect.gather [spmem:s3], $0x10, s19, s9, $0xb8;
	[tilespmem:$0x16D90] =	vst v63  }
0x4c: {  	_ = 	snop  }
0x4d: {  	[spmem:s2] =	stream.indirect.scatter.add.f32 [tilespmem:s12], [sflag:$0x2], $0x10, s20, s9, $0xb8;
	[tilespmem:$0x16D90] =	vst v63  }
0x4e: {  	_ =	swait.ge [sflag:s10], $0x6800  }
0x4f: {  	[sflag:s10] =	ssyncset.done $0x0  }
0x50: {  	[sflag:s10] =	ssyncadd.s32 $0xFFFF9800  }
0x51: {  	_ =	swait.ge [sflag:s8], $0x6800  }
0x52: {  	[sflag:s8] =	ssyncset.done $0x0  }
0x53: {  	[sflag:s8] =	ssyncadd.s32 $0xFFFF9800  }
0x54: {  	[tilespmem:s12], [sflag:$0x1] =	stream.indirect.gather [spmem:s3], $0x10, s17, s9, $0xb8;
	[tilespmem:$0x16D90] =	vst v63  }
0x55: {  	_ = 	snop  }
0x56: {  	[spmem:s2] =	stream.indirect.scatter.add.f32 [tilespmem:s11], [sflag:$0x2], $0x10, s18, s9, $0xb8;
	[tilespmem:$0x16D90] =	vst v63  }
0x57: {  	_ =	swait.ge [sflag:s10], $0x6800  }
0x58: {  	[sflag:s10] =	ssyncset.done $0x0  }
0x59: {  	[sflag:s10] =	ssyncadd.s32 $0xFFFF9800  }
0x5a: {  	_ =	swait.ge [sflag:s8], $0x6800  }
0x5b: {  	[sflag:s8] =	ssyncset.done $0x0  }
0x5c: {  	[sflag:s8] =	ssyncadd.s32 $0xFFFF9800  }
0x5d: {  	[tilespmem:s11], [sflag:$0x1] =	stream.indirect.gather [spmem:s3], $0x10, s15, s9, $0xb8;
	[tilespmem:$0x16D90] =	vst v63  }
0x5e: {  	_ = 	snop  }
0x5f: {  	[spmem:s2] =	stream.indirect.scatter.add.f32 [tilespmem:s12], [sflag:$0x2], $0x10, s16, s9, $0xb8;
	[tilespmem:$0x16D90] =	vst v63  }
0x60: {  	_ =	swait.ge [sflag:s10], $0x6800  }
0x61: {  	[sflag:s10] =	ssyncset.done $0x0  }
0x62: {  	[sflag:s10] =	ssyncadd.s32 $0xFFFF9800  }
0x63: {  	[spmem:s2] =	stream.indirect.scatter.add.f32 [tilespmem:s11], [sflag:$0x2], $0x10, s14, s9, $0xb8;
	[tilespmem:$0x16D90] =	vst v63  }
0x64: {  	_ =	swait.ge [sflag:s8], $0x6800  }
0x65: {  	[sflag:s8] =	ssyncset.done $0x0  }
0x66: {  	[sflag:s8] =	ssyncadd.s32 $0xFFFF9800  }
0x67: {  	_ =	swait.ge [sflag:s8], $0x6800  }
0x68: {  	s31 =	simm.s32 @!p0 $0x80;
	[sflag:s8] =	ssyncset.done $0x0  }
0x69: {  	s0 =	simm.s32 @!p0 $0x4F00;
	s30 =	simm.s32 @!p0 $0x1;
	[sflag:s8] =	ssyncadd.s32 $0xFFFF9800  }
0x6a: {  	[tilespmem:s0], [sflag:$0x1] =	stream.indirect.gather @!p0 [spmem:s3], $0x10, s28, s31, $0xb8;
	[tilespmem:$0x16D90] =	vst v63  }
0x6b: {  	_ =	swait.ge @!p0 [sflag:s30], $0x800  }
0x6c: {  	[sflag:s30] =	ssyncset.done @!p0 $0x0  }
0x6d: {  	[sflag:s30] =	ssyncadd.s32 @!p0 $0xFFFFF800  }
0x6e: {  	[spmem:s2] =	stream.indirect.scatter.add.f32 @!p0 [tilespmem:s0], [sflag:$0x3], $0x10, s29, s31, $0xb8;
	[tilespmem:$0x16D90] =	vst v63  }
0x6f: {  	s1 =	sadd.s32 $0xFFFFFFFF, s1;
	_ =	swait.ge @!p0 [sflag:s25], $0x800  }
0x70: {  	p1 =	por $0x1, $0x1;
	p2 =	sne.s32 s1, $0x0;
	[sflag:s25] =	ssyncset.done @!p0 $0x0  }
0x71: {  	s21 =	simm.s32 $0xD00;
	s19 =	simm.s32 $0x1380;
	[sflag:s25] =	ssyncadd.s32 @!p0 $0xFFFFF800  }
.Ltmp1:
0x72: {  	s20 =	simm.s32 $0x3480;
	[bflag:$0x0] =	sbarrier.arrive $0xFFFF;
	(pc) =	sbr.rel @!p2 .LBB2_2-.Ltmp1, $4  }
0x73: {  	s17 =	simm.s32 $0x1A00;
	s18 =	simm.s32 $0x3B00;
	s13 =	rddreg [dreg:$0xa]  }
0x74: {  	[hbm:s13], [sflag:s4] =	dma.local [spmem:s6], $0x4F0  }
0x75: {  	s15 =	simm.s32 $0x2080;
	s16 =	simm.s32 $0x4180;
	_ =	swait.ge [sflag:s5], $0x4F0  }
0x76: {  	s14 =	simm.s32 $0x2E00;
	s13 =	rddreg [dreg:$0x5];
	[sflag:s5] =	ssyncset.done $0x0  }
.LBB2_3:
0x77: {  	[sflag:s5] =	ssyncadd.s32 $0xFFFFFB10  }
0x78: {  	[spmem:s6], [sflag:s4] =	dma.local [hbm:s13], $0x4F0  }
0x79: {  	_ =	swait.ge [sflag:s5], $0x4F0  }
0x7a: {  	[sflag:s5] =	ssyncset.done $0x0  }
0x7b: {  	s13 =	rddreg [dreg:$0x6];
	[sflag:s5] =	ssyncadd.s32 $0xFFFFFB10  }
0x7c: {  	[spmem:s24], [sflag:s4] =	dma.local [hbm:s13], $0x4E2  }
0x7d: {  	_ =	swait.ge [sflag:s5], $0x4E2  }
0x7e: {  	[sflag:s5] =	ssyncset.done $0x0  }
0x7f: {  	[sflag:s5] =	ssyncadd.s32 $0xFFFFFB1E  }
0x80: {  	[tilespmem:s7], [sflag:$0x3] =	stream.linear.gather [hbm4b:s23+s7], $0x2700, $0x38;
	[tilespmem:$0x16D90] =	vst v63  }
0x81: {  	_ =	swait.ge [sflag:s5], $0x2700  }
0x82: {  	[sflag:s5] =	ssyncset.done $0x0  }
0x83: {  	s13 =	rddreg [dreg:$0x7];
	[sflag:s5] =	ssyncadd.s32 $0xFFFFD900  }
0x84: {  	[tilespmem:s22], [sflag:$0x3] =	stream.linear.gather [hbm4b:s13+s7], $0x2700, $0x38;
	[tilespmem:$0x16D90] =	vst v63  }
0x85: {  	_ =	swait.ge [sflag:s5], $0x2700  }
0x86: {  	[sflag:s5] =	ssyncset.done $0x0  }
0x87: {  	s13 =	rddreg [dreg:$0x8];
	[sflag:s5] =	ssyncadd.s32 $0xFFFFD900  }
0x88: {  	[tilespmem:s28], [sflag:$0x3] =	stream.linear.gather @!p0 [hbm4b:s13+s26], $0x80, $0x38;
	[tilespmem:$0x16D90] =	vst v63  }
0x89: {  	_ =	swait.ge @!p0 [sflag:s25], $0x80  }
0x8a: {  	[sflag:s25] =	ssyncset.done @!p0 $0x0  }
0x8b: {  	s13 =	rddreg [dreg:$0x9];
	[sflag:s25] =	ssyncadd.s32 @!p0 $0xFFFFFF80  }
0x8c: {  	[tilespmem:s29], [sflag:$0x3] =	stream.linear.gather @!p0 [hbm4b:s13+s26], $0x80, $0x38;
	[tilespmem:$0x16D90] =	vst v63  }
0x8d: {  	_ =	swait.ge @!p0 [sflag:s25], $0x80  }
0x8e: {  	[sflag:s25] =	ssyncset.done @!p0 $0x0  }
0x8f: {  	[sflag:s25] =	ssyncadd.s32 @!p0 $0xFFFFFF80  }
0x90: {  	[bflag:$0x0] =	sbarrier.arrive $0xFFFF  }
0x91: {  	[tilespmem:s12], [sflag:$0x1] =	stream.indirect.gather [spmem:s3], $0x10, s7, s9, $0xb8;
	[tilespmem:$0x16D90] =	vst v63  }
0x92: {  	_ =	swait.ge [sflag:s10], $0x6800  }
0x93: {  	[sflag:s10] =	ssyncset.done $0x0  }
0x94: {  	[sflag:s10] =	ssyncadd.s32 $0xFFFF9800  }
0x95: {  	[tilespmem:s11], [sflag:$0x1] =	stream.indirect.gather [spmem:s3], $0x10, s9, s9, $0xb8;
	[tilespmem:$0x16D90] =	vst v63  }
0x96: {  	_ = 	snop  }
0x97: {  	[spmem:s2] =	stream.indirect.scatter.add.f32 [tilespmem:s12], [sflag:$0x2], $0x10, s22, s9, $0xb8;
	[tilespmem:$0x16D90] =	vst v63  }
0x98: {  	_ =	swait.ge [sflag:s10], $0x6800  }
0x99: {  	[sflag:s10] =	ssyncset.done $0x0  }
0x9a: {  	[sflag:s10] =	ssyncadd.s32 $0xFFFF9800  }
0x9b: {  	_ =	swait.ge [sflag:s8], $0x6800  }
0x9c: {  	[sflag:s8] =	ssyncset.done $0x0  }
0x9d: {  	[sflag:s8] =	ssyncadd.s32 $0xFFFF9800  }
0x9e: {  	[tilespmem:s12], [sflag:$0x1] =	stream.indirect.gather [spmem:s3], $0x10, s21, s9, $0xb8;
	[tilespmem:$0x16D90] =	vst v63  }
0x9f: {  	_ = 	snop  }
0xa0: {  	[spmem:s2] =	stream.indirect.scatter.add.f32 [tilespmem:s11], [sflag:$0x2], $0x10, s14, s9, $0xb8;
	[tilespmem:$0x16D90] =	vst v63  }
0xa1: {  	_ =	swait.ge [sflag:s10], $0x6800  }
0xa2: {  	[sflag:s10] =	ssyncset.done $0x0  }
0xa3: {  	[sflag:s10] =	ssyncadd.s32 $0xFFFF9800  }
0xa4: {  	_ =	swait.ge [sflag:s8], $0x6800  }
0xa5: {  	[sflag:s8] =	ssyncset.done $0x0  }
0xa6: {  	[sflag:s8] =	ssyncadd.s32 $0xFFFF9800  }
0xa7: {  	[tilespmem:s11], [sflag:$0x1] =	stream.indirect.gather [spmem:s3], $0x10, s19, s9, $0xb8;
	[tilespmem:$0x16D90] =	vst v63  }
0xa8: {  	_ = 	snop  }
0xa9: {  	[spmem:s2] =	stream.indirect.scatter.add.f32 [tilespmem:s12], [sflag:$0x2], $0x10, s20, s9, $0xb8;
	[tilespmem:$0x16D90] =	vst v63  }
0xaa: {  	_ =	swait.ge [sflag:s10], $0x6800  }
0xab: {  	[sflag:s10] =	ssyncset.done $0x0  }
0xac: {  	[sflag:s10] =	ssyncadd.s32 $0xFFFF9800  }
0xad: {  	_ =	swait.ge [sflag:s8], $0x6800  }
0xae: {  	[sflag:s8] =	ssyncset.done $0x0  }
0xaf: {  	[sflag:s8] =	ssyncadd.s32 $0xFFFF9800  }
0xb0: {  	[tilespmem:s12], [sflag:$0x1] =	stream.indirect.gather [spmem:s3], $0x10, s17, s9, $0xb8;
	[tilespmem:$0x16D90] =	vst v63  }
0xb1: {  	_ = 	snop  }
0xb2: {  	[spmem:s2] =	stream.indirect.scatter.add.f32 [tilespmem:s11], [sflag:$0x2], $0x10, s18, s9, $0xb8;
	[tilespmem:$0x16D90] =	vst v63  }
0xb3: {  	_ =	swait.ge [sflag:s10], $0x6800  }
0xb4: {  	[sflag:s10] =	ssyncset.done $0x0  }
0xb5: {  	[sflag:s10] =	ssyncadd.s32 $0xFFFF9800  }
0xb6: {  	_ =	swait.ge [sflag:s8], $0x6800  }
0xb7: {  	[sflag:s8] =	ssyncset.done $0x0  }
0xb8: {  	[sflag:s8] =	ssyncadd.s32 $0xFFFF9800  }
0xb9: {  	[tilespmem:s11], [sflag:$0x1] =	stream.indirect.gather [spmem:s3], $0x10, s15, s9, $0xb8;
	[tilespmem:$0x16D90] =	vst v63  }
0xba: {  	_ = 	snop  }
0xbb: {  	[spmem:s2] =	stream.indirect.scatter.add.f32 [tilespmem:s12], [sflag:$0x2], $0x10, s16, s9, $0xb8;
	[tilespmem:$0x16D90] =	vst v63  }
0xbc: {  	_ =	swait.ge [sflag:s10], $0x6800  }
0xbd: {  	[sflag:s10] =	ssyncset.done $0x0  }
0xbe: {  	s13 =	simm.s32 $0x4800;
	[sflag:s10] =	ssyncadd.s32 $0xFFFF9800  }
0xbf: {  	[spmem:s2] =	stream.indirect.scatter.add.f32 [tilespmem:s11], [sflag:$0x2], $0x10, s13, s9, $0xb8;
	[tilespmem:$0x16D90] =	vst v63  }
0xc0: {  	_ =	swait.ge [sflag:s8], $0x6800  }
0xc1: {  	[sflag:s8] =	ssyncset.done $0x0  }
0xc2: {  	[sflag:s8] =	ssyncadd.s32 $0xFFFF9800  }
0xc3: {  	_ =	swait.ge [sflag:s8], $0x6800  }
0xc4: {  	[sflag:s8] =	ssyncset.done $0x0  }
0xc5: {  	[sflag:s8] =	ssyncadd.s32 $0xFFFF9800  }
0xc6: {  	[tilespmem:s0], [sflag:$0x1] =	stream.indirect.gather @!p0 [spmem:s3], $0x10, s28, s31, $0xb8;
	[tilespmem:$0x16D90] =	vst v63  }
0xc7: {  	_ =	swait.ge @!p0 [sflag:s30], $0x800  }
0xc8: {  	[sflag:s30] =	ssyncset.done @!p0 $0x0  }
0xc9: {  	[sflag:s30] =	ssyncadd.s32 @!p0 $0xFFFFF800  }
0xca: {  	[spmem:s2] =	stream.indirect.scatter.add.f32 @!p0 [tilespmem:s0], [sflag:$0x3], $0x10, s29, s31, $0xb8;
	[tilespmem:$0x16D90] =	vst v63  }
0xcb: {  	_ =	swait.ge @!p0 [sflag:s25], $0x800  }
0xcc: {  	s1 =	sadd.s32 $0xFFFFFFFF, s1;
	[sflag:s25] =	ssyncset.done @!p0 $0x0  }
0xcd: {  	p2 =	sne.s32 s1, $0x0;
	[sflag:s25] =	ssyncadd.s32 @!p0 $0xFFFFF800  }
.Ltmp2:
0xce: {  	[bflag:$0x0] =	sbarrier.arrive $0xFFFF;
	(pc) =	sbr.rel @p2 .LBB2_3-.Ltmp2, $4  }
0xcf: {  	s13 =	rddreg [dreg:$0xa]  }
0xd0: {  	[hbm:s13], [sflag:s4] =	dma.local [spmem:s6], $0x4F0  }
0xd1: {  	_ =	swait.ge [sflag:s5], $0x4F0  }
0xd2: {  	s13 =	rddreg [dreg:$0x5];
	[sflag:s5] =	ssyncset.done $0x0  }
0xd3: {  	s25 =	rddreg [dreg:$0x4];
	s26 =	stileid.u32  }
0xd4: {  	s14 =	simm.s32 $0x4800;
	s15 =	simm.s32 $0x2080;
	s16 =	simm.s32 $0x4180  }
0xd5: {  	s17 =	simm.s32 $0x1A00;
	s18 =	simm.s32 $0x3B00;
	s19 =	simm.s32 $0x1380  }
0xd6: {  	s20 =	simm.s32 $0x3480;
	s21 =	simm.s32 $0xD00;
	s30 =	simm.s32 $0x2E00  }
.LBB2_5:
0xd7: {  	[sflag:s5] =	ssyncadd.s32 @p1 $0xFFFFFB10  }
0xd8: {  	[spmem:s6], [sflag:s4] =	dma.local [hbm:s13], $0x4F0  }
0xd9: {  	_ =	swait.ge [sflag:s5], $0x4F0  }
0xda: {  	[sflag:s5] =	ssyncset.done $0x0  }
0xdb: {  	s0 =	rddreg [dreg:$0x6];
	[sflag:s5] =	ssyncadd.s32 $0xFFFFFB10  }
0xdc: {  	[spmem:s24], [sflag:s4] =	dma.local [hbm:s0], $0x4E2  }
0xdd: {  	_ =	swait.ge [sflag:s5], $0x4E2  }
0xde: {  	[sflag:s5] =	ssyncset.done $0x0  }
0xdf: {  	[sflag:s5] =	ssyncadd.s32 $0xFFFFFB1E  }
0xe0: {  	[tilespmem:s7], [sflag:$0x3] =	stream.linear.gather [hbm4b:s23+s7], $0x2700, $0x38;
	[tilespmem:$0x16D90] =	vst v63  }
0xe1: {  	_ =	swait.ge [sflag:s5], $0x2700  }
0xe2: {  	[sflag:s5] =	ssyncset.done $0x0  }
0xe3: {  	s29 =	rddreg [dreg:$0x7];
	[sflag:s5] =	ssyncadd.s32 $0xFFFFD900  }
0xe4: {  	[tilespmem:s22], [sflag:$0x3] =	stream.linear.gather [hbm4b:s29+s7], $0x2700, $0x38;
	[tilespmem:$0x16D90] =	vst v63  }
0xe5: {  	_ =	swait.ge [sflag:s5], $0x2700  }
0xe6: {  	s1 =	simm.s32 @!p0 $0x2700;
	[sflag:s5] =	ssyncset.done $0x0  }
0xe7: {  	s13 =	simm.s32 @!p0 $0x0;
	s0 =	rddreg [dreg:$0x8];
	[sflag:s5] =	ssyncadd.s32 $0xFFFFD900  }
0xe8: {  	[tilespmem:s1], [sflag:$0x3] =	stream.linear.gather @!p0 [hbm4b:s0+s13], $0x80, $0x38;
	[tilespmem:$0x16D90] =	vst v63  }
0xe9: {  	s0 =	simm.s32 @!p0 $0x3  }
0xea: {  	_ =	swait.ge @!p0 [sflag:s0], $0x80  }
0xeb: {  	[sflag:s0] =	ssyncset.done @!p0 $0x0  }
0xec: {  	s24 =	simm.s32 @!p0 $0x4E80;
	s23 =	rddreg [dreg:$0x9];
	[sflag:s0] =	ssyncadd.s32 @!p0 $0xFFFFFF80  }
0xed: {  	[tilespmem:s24], [sflag:$0x3] =	stream.linear.gather @!p0 [hbm4b:s23+s13], $0x80, $0x38;
	[tilespmem:$0x16D90] =	vst v63  }
0xee: {  	_ =	swait.ge @!p0 [sflag:s0], $0x80  }
0xef: {  	[sflag:s0] =	ssyncset.done @!p0 $0x0  }
0xf0: {  	[sflag:s0] =	ssyncadd.s32 @!p0 $0xFFFFFF80  }
0xf1: {  	[bflag:$0x0] =	sbarrier.arrive $0xFFFF  }
0xf2: {  	[tilespmem:s12], [sflag:$0x1] =	stream.indirect.gather [spmem:s3], $0x10, s7, s9, $0xb8;
	[tilespmem:$0x16D90] =	vst v63  }
0xf3: {  	_ =	swait.ge [sflag:s10], $0x6800  }
0xf4: {  	[sflag:s10] =	ssyncset.done $0x0  }
0xf5: {  	[sflag:s10] =	ssyncadd.s32 $0xFFFF9800  }
0xf6: {  	[tilespmem:s11], [sflag:$0x1] =	stream.indirect.gather [spmem:s3], $0x10, s9, s9, $0xb8;
	[tilespmem:$0x16D90] =	vst v63  }
0xf7: {  	_ = 	snop  }
0xf8: {  	[spmem:s2] =	stream.indirect.scatter.add.f32 [tilespmem:s12], [sflag:$0x2], $0x10, s22, s9, $0xb8;
	[tilespmem:$0x16D90] =	vst v63  }
0xf9: {  	_ =	swait.ge [sflag:s10], $0x6800  }
0xfa: {  	[sflag:s10] =	ssyncset.done $0x0  }
0xfb: {  	[sflag:s10] =	ssyncadd.s32 $0xFFFF9800  }
0xfc: {  	_ =	swait.ge [sflag:s8], $0x6800  }
0xfd: {  	[sflag:s8] =	ssyncset.done $0x0  }
0xfe: {  	[sflag:s8] =	ssyncadd.s32 $0xFFFF9800  }
0xff: {  	[tilespmem:s12], [sflag:$0x1] =	stream.indirect.gather [spmem:s3], $0x10, s21, s9, $0xb8;
	[tilespmem:$0x16D90] =	vst v63  }
0x100: {  	_ = 	snop  }
0x101: {  	[spmem:s2] =	stream.indirect.scatter.add.f32 [tilespmem:s11], [sflag:$0x2], $0x10, s30, s9, $0xb8;
	[tilespmem:$0x16D90] =	vst v63  }
0x102: {  	_ =	swait.ge [sflag:s10], $0x6800  }
0x103: {  	[sflag:s10] =	ssyncset.done $0x0  }
0x104: {  	[sflag:s10] =	ssyncadd.s32 $0xFFFF9800  }
0x105: {  	_ =	swait.ge [sflag:s8], $0x6800  }
0x106: {  	[sflag:s8] =	ssyncset.done $0x0  }
0x107: {  	[sflag:s8] =	ssyncadd.s32 $0xFFFF9800  }
0x108: {  	[tilespmem:s11], [sflag:$0x1] =	stream.indirect.gather [spmem:s3], $0x10, s19, s9, $0xb8;
	[tilespmem:$0x16D90] =	vst v63  }
0x109: {  	_ = 	snop  }
0x10a: {  	[spmem:s2] =	stream.indirect.scatter.add.f32 [tilespmem:s12], [sflag:$0x2], $0x10, s20, s9, $0xb8;
	[tilespmem:$0x16D90] =	vst v63  }
0x10b: {  	_ =	swait.ge [sflag:s10], $0x6800  }
0x10c: {  	[sflag:s10] =	ssyncset.done $0x0  }
0x10d: {  	[sflag:s10] =	ssyncadd.s32 $0xFFFF9800  }
0x10e: {  	_ =	swait.ge [sflag:s8], $0x6800  }
0x10f: {  	[sflag:s8] =	ssyncset.done $0x0  }
0x110: {  	[sflag:s8] =	ssyncadd.s32 $0xFFFF9800  }
0x111: {  	[tilespmem:s12], [sflag:$0x1] =	stream.indirect.gather [spmem:s3], $0x10, s17, s9, $0xb8;
	[tilespmem:$0x16D90] =	vst v63  }
0x112: {  	_ = 	snop  }
0x113: {  	[spmem:s2] =	stream.indirect.scatter.add.f32 [tilespmem:s11], [sflag:$0x2], $0x10, s18, s9, $0xb8;
	[tilespmem:$0x16D90] =	vst v63  }
0x114: {  	_ =	swait.ge [sflag:s10], $0x6800  }
0x115: {  	[sflag:s10] =	ssyncset.done $0x0  }
0x116: {  	[sflag:s10] =	ssyncadd.s32 $0xFFFF9800  }
0x117: {  	_ =	swait.ge [sflag:s8], $0x6800  }
0x118: {  	[sflag:s8] =	ssyncset.done $0x0  }
0x119: {  	[sflag:s8] =	ssyncadd.s32 $0xFFFF9800  }
0x11a: {  	[tilespmem:s11], [sflag:$0x1] =	stream.indirect.gather [spmem:s3], $0x10, s15, s9, $0xb8;
	[tilespmem:$0x16D90] =	vst v63  }
0x11b: {  	_ = 	snop  }
0x11c: {  	[spmem:s2] =	stream.indirect.scatter.add.f32 [tilespmem:s12], [sflag:$0x2], $0x10, s16, s9, $0xb8;
	[tilespmem:$0x16D90] =	vst v63  }
0x11d: {  	_ =	swait.ge [sflag:s10], $0x6800  }
0x11e: {  	[sflag:s10] =	ssyncset.done $0x0  }
0x11f: {  	[sflag:s10] =	ssyncadd.s32 $0xFFFF9800  }
0x120: {  	[spmem:s2] =	stream.indirect.scatter.add.f32 [tilespmem:s11], [sflag:$0x2], $0x10, s14, s9, $0xb8;
	[tilespmem:$0x16D90] =	vst v63  }
0x121: {  	_ =	swait.ge [sflag:s8], $0x6800  }
0x122: {  	[sflag:s8] =	ssyncset.done $0x0  }
0x123: {  	[sflag:s8] =	ssyncadd.s32 $0xFFFF9800  }
0x124: {  	_ =	swait.ge [sflag:s8], $0x6800  }
0x125: {  	[sflag:s8] =	ssyncset.done $0x0  }
0x126: {  	s7 =	simm.s32 @!p0 $0x80;
	[sflag:s8] =	ssyncadd.s32 $0xFFFF9800;
	s8 =	simm.s32 @!p0 $0x4F00  }
0x127: {  	[tilespmem:s8], [sflag:$0x1] =	stream.indirect.gather @!p0 [spmem:s3], $0x10, s1, s7, $0xb8;
	[tilespmem:$0x16D90] =	vst v63  }
0x128: {  	s1 =	simm.s32 @!p0 $0x1  }
0x129: {  	_ =	swait.ge @!p0 [sflag:s1], $0x800  }
0x12a: {  	[sflag:s1] =	ssyncset.done @!p0 $0x0  }
0x12b: {  	[sflag:s1] =	ssyncadd.s32 @!p0 $0xFFFFF800  }
0x12c: {  	[spmem:s2] =	stream.indirect.scatter.add.f32 @!p0 [tilespmem:s8], [sflag:$0x3], $0x10, s24, s7, $0xb8;
	[tilespmem:$0x16D90] =	vst v63  }
0x12d: {  	_ =	swait.ge @!p0 [sflag:s0], $0x800  }
0x12e: {  	[sflag:s0] =	ssyncset.done @!p0 $0x0  }
0x12f: {  	[sflag:s0] =	ssyncadd.s32 @!p0 $0xFFFFF800  }
0x130: {  	[bflag:$0x0] =	sbarrier.arrive $0xFFFF  }
0x131: {  	s31 =	rddreg [dreg:$0xa]  }
0x132: {  	[hbm:s31], [sflag:s4] =	dma.local [spmem:s6], $0x4F0  }
0x133: {  	_ =	swait.ge [sflag:s5], $0x4F0  }
0x134: {  	[sflag:s5] =	ssyncset.done $0x0  }
0x135: {  	[sflag:s5] =	ssyncadd.s32 $0xFFFFFB10  }
0x136: {  	_ =	sfence.sel $0x180000  }
0x137: {  	[bflag:$0x0] =	sbarrier.arrive $0xFFFF  }
0x138: {  	p0 =	sne.s32 s26, $0x0;
	_ =	strace $0x9000004D  }
0x139: {  	s0 =	sadd.s32 @!p0 $0x100000, s25;
	[bflag:$0x2] =	sbarrier.arrive $0xFFFF  }
0x13a: {  	[sflag:s0] =	ssyncadd.tile.s32 @!p0 $0x1;
	_ =	shalt  }
.LBB2_2:
.Ltmp3:
0x13b: {  	(pc) =	sbr.rel .LBB2_5-.Ltmp3, $4  }
0x13c: {  	s25 =	rddreg [dreg:$0x4];
	s26 =	stileid.u32  }
0x13d: {  	s14 =	simm.s32 $0x4800;
	s15 =	simm.s32 $0x2080;
	s16 =	simm.s32 $0x4180  }
0x13e: {  	s17 =	simm.s32 $0x1A00;
	s18 =	simm.s32 $0x3B00;
	s19 =	simm.s32 $0x1380  }
0x13f: {  	s20 =	simm.s32 $0x3480;
	s21 =	simm.s32 $0xD00;
	s30 =	simm.s32 $0x2E00  }
.Lfunc_end2:
_tile_overlayer_lowered:
.L_overlay_start_2:
0x140: {  	(tag) =	ssettag $0x2  }
0x141: {  	s0 =	rddreg [dreg:$0x0];
	s2 =	stileid.u32  }
0x142: {  	s1 =	rddreg [dreg:$0x1];
	p0 =	sne.s32 s2, $0x0  }
0x143: {  	s3 =	rddreg [dreg:$0x2];
	[bflag:$0x3] =	sbarrier.arrive $0xFFFF;
	s2 =	simm.s32 @!p0 $0x1C03  }
0x144: {  	[timem:s3], [sflag:s2] =	dma.local @!p0 [hbm:s0], s1  }
0x145: {  	s0 =	simm.s32 @!p0 $0x3  }
0x146: {  	_ =	swait.ge @!p0 [sflag:s0], s1  }
0x147: {  	s1 =	ssub.s32 @!p0 $0x0, s1;
	[sflag:s0] =	ssyncset.done @!p0 $0x0  }
0x148: {  	[sflag:s0] =	ssyncadd.s32 @!p0 s1  }
0x149: {  	[bflag:$0x3] =	sbarrier.arrive $0xFFFF  }
0x14a: {  	_ =	shalt  }

// kernel: kernel.8.cloned.1.call-start
scs
__scs_entry_jumppad:
0x0: {  	(pc) =	sbr.rel $0x88, $3  }
0x1: {  	(tag) =	ssettag $0x0;
	lr =	simm.s32 $0x1  }
0x2: {  	[smem:$0x3F99] =	sst lr;
	_ =	strace $0xD0000000  }
0x3: {  	_ = 	snop  }
0x4: {  	_ = 	snop  }
0x5: {  	_ = 	snop  }
0x6: {  	_ = 	snop  }
0x7: {  	_ = 	snop  }
__scs_overlays_trampoline_lowered:
0x8: {  	[smem:$0x3FA8] =	sst s0  }
0x9: {  	[smem:$0x3FA9] =	sst s1  }
0xa: {  	[smem:$0x3FAA] =	sst s2  }
0xb: {  	[smem:$0x3FAB] =	sst s3  }
0xc: {  	[smem:$0x3FAC] =	sst s4  }
0xd: {  	[smem:$0x3FAD] =	sst s5  }
0xe: {  	[smem:$0x3FAE] =	sst s6  }
0xf: {  	[smem:$0x3FAF] =	sst s7  }
0x10: {  	[smem:$0x3FB0] =	sst s8  }
0x11: {  	[smem:$0x3FB1] =	sst s9;
	s0 =	simm.s32 @!p0 $0x0  }
0x12: {  	s1 =	sld [smem:$0x3F97];
	s0 =	simm.s32 @p0 $0x1  }
0x13: {  	[smem:$0x3FB2] =	sst s0;
	s0 =	simm.s32 @!p1 $0x0  }
0x14: {  	s2 =	sld [smem:$0x3F96];
	s0 =	simm.s32 @p1 $0x1  }
0x15: {  	[smem:$0x3FB3] =	sst s0;
	s0 =	simm.s32 @!p2 $0x0  }
0x16: {  	s3 =	sld [smem:$0x3FDB];
	s0 =	simm.s32 @p2 $0x1  }
0x17: {  	s4 =	simm.s32 $0x1BF5;
	[smem:$0x3FB5] =	sst s0  }
0x18: {  	s0 =	sld [smem:$0x3F98];
	_ =	swait.ge [sflag:s4], $0x0  }
0x19: {  	s7 =	sld [smem:$0x3F99]  }
0x1a: {  	s8 =	sadd.s32 $0xFFFFE003, lr  }
0x1b: {  	s9 =	sadd.s32 $0xFFFFFEF7, lr;
	s5 =	simm.s32 $0xFFFFFFFF;
	p2 =	slt.u32 s8, $0xFFFFF086  }
0x1c: {  	p1 =	slt.u32 s9, $0xF7A;
	s5 =	simm.s32 @!p2 $0x0  }
0x1d: {  	s5 =	simm.s32 @p1 $0x1;
	p0 =	seq.s32 s7, s2  }
0x1e: {  	s7 =	smul.u32 @!p0 $0xF7A, s2;
	p2 =	seq.s32 @!p0 s5, $0x0  }
0x1f: {  	s9 =	smul.u32 $0xF7A, s1;
	s8 =	simm.s32 @!p0 $0x1BF5;
	p2 =	por !p2, p0  }
0x20: {  	[sflag:s8] =	ssyncset.s32 @!p0 $0xFFFFF086;
	s6 =	sadd.s32 @!p0 s3, s7;
	s7 =	simm.s32 @!p0 $0x108  }
0x21: {  	s3 =	sadd.s32 s3, s9;
	s6 =	sadd.s32 @!p0 $0x88, s6;
	s7 =	simm.s32 @p2 $0x1082  }
0x22: {  	[simem:s7], [sflag:s8] =	dma.local @!p0 [hbm:s6], $0xF7A  }
0x23: {  	s9 =	sor.u32 $0xD0000000, s2;
	s6 =	simm.s32 $0x108;
	_ =	swait.ge @!p0 [sflag:s8], $0x0  }
0x24: {  	s3 =	sadd.s32 $0x88, s3;
	s6 =	simm.s32 @!p1 $0x1082;
	[sflag:s4] =	ssyncset.s32 $0xFFFFF086  }
0x25: {  	[simem:s6], [sflag:s4] =	dma.local [hbm:s3], $0xF7A  }
0x26: {  	[smem:$0x3F99] =	sst s1;
	(tag) =	ssettag s2;
	_ =	strace s9  }
0x27: {  	s1 =	sld [smem:$0x3FA9]  }
0x28: {  	s2 =	sld [smem:$0x3FAA]  }
0x29: {  	s4 =	sld [smem:$0x3FAC]  }
0x2a: {  	p0 =	seq.s32 s5, $0x0;
	s5 =	sld [smem:$0x3FAD]  }
0x2b: {  	s6 =	sld [smem:$0x3FAE]  }
0x2c: {  	s7 =	sld [smem:$0x3FAF]  }
0x2d: {  	s3 =	simm.s32 $0x108;
	s8 =	sld [smem:$0x3FB0]  }
0x2e: {  	s3 =	simm.s32 @!p0 $0x1082;
	s9 =	sld [smem:$0x3FB1]  }
0x2f: {  	lr =	sadd.s32 s0, s3;
	s0 =	sld [smem:$0x3FA8]  }
0x30: {  	s3 =	sld [smem:$0x3FAB]  }
0x31: {  	[smem:$0x3FB4] =	sst s10  }
0x32: {  	s10 =	sld [smem:$0x3FB2];
	_ =	sdelay $0x3  }
0x33: {  	p0 =	seq.s32 s10, $0x1;
	s10 =	sld [smem:$0x3FB4];
	_ =	sdelay $0x3  }
0x34: {  	[smem:$0x3FB4] =	sst s10  }
0x35: {  	s10 =	sld [smem:$0x3FB3];
	_ =	sdelay $0x3  }
0x36: {  	p1 =	seq.s32 s10, $0x1;
	s10 =	sld [smem:$0x3FB4];
	_ =	sdelay $0x3  }
0x37: {  	[smem:$0x3FB4] =	sst s10  }
0x38: {  	s10 =	sld [smem:$0x3FB5]  }
0x39: {  	_ = 	snop;
	(pc) =	sbr.ind lr, $3  }
0x3a: {  	_ = 	snop  }
0x3b: {  	_ = 	snop  }
0x3c: {  	p2 =	seq.s32 s10, $0x1;
	s10 =	sld [smem:$0x3FB4]  }
0x3d: {  	_ =	shalt  }
0x3e: {  	_ =	shalt  }
0x3f: {  	_ =	shalt  }
0x40: {  	_ =	shalt  }
0x41: {  	_ =	shalt  }
0x42: {  	_ =	shalt  }
0x43: {  	_ =	shalt  }
0x44: {  	_ =	shalt  }
0x45: {  	_ =	shalt  }
0x46: {  	_ =	shalt  }
0x47: {  	_ =	shalt  }
0x48: {  	_ =	shalt  }
0x49: {  	_ =	shalt  }
0x4a: {  	_ =	shalt  }
0x4b: {  	_ =	shalt  }
0x4c: {  	_ =	shalt  }
0x4d: {  	_ =	shalt  }
0x4e: {  	_ =	shalt  }
0x4f: {  	_ =	shalt  }
0x50: {  	_ =	shalt  }
0x51: {  	_ =	shalt  }
0x52: {  	_ =	shalt  }
0x53: {  	_ =	shalt  }
0x54: {  	_ =	shalt  }
0x55: {  	_ =	shalt  }
0x56: {  	_ =	shalt  }
0x57: {  	_ =	shalt  }
0x58: {  	_ =	shalt  }
0x59: {  	_ =	shalt  }
0x5a: {  	_ =	shalt  }
0x5b: {  	_ =	shalt  }
0x5c: {  	_ =	shalt  }
0x5d: {  	_ =	shalt  }
0x5e: {  	_ =	shalt  }
0x5f: {  	_ =	shalt  }
0x60: {  	_ =	shalt  }
0x61: {  	_ =	shalt  }
0x62: {  	_ =	shalt  }
0x63: {  	_ =	shalt  }
0x64: {  	_ =	shalt  }
0x65: {  	_ =	shalt  }
0x66: {  	_ =	shalt  }
0x67: {  	_ =	shalt  }
0x68: {  	_ =	shalt  }
0x69: {  	_ =	shalt  }
0x6a: {  	_ =	shalt  }
0x6b: {  	_ =	shalt  }
0x6c: {  	_ =	shalt  }
0x6d: {  	_ =	shalt  }
0x6e: {  	_ =	shalt  }
0x6f: {  	_ =	shalt  }
0x70: {  	_ =	shalt  }
0x71: {  	_ =	shalt  }
0x72: {  	_ =	shalt  }
0x73: {  	_ =	shalt  }
0x74: {  	_ =	shalt  }
0x75: {  	_ =	shalt  }
0x76: {  	_ =	shalt  }
0x77: {  	_ =	shalt  }
0x78: {  	_ =	shalt  }
0x79: {  	_ =	shalt  }
0x7a: {  	_ =	shalt  }
0x7b: {  	_ =	shalt  }
0x7c: {  	_ =	shalt  }
0x7d: {  	_ =	shalt  }
0x7e: {  	_ =	shalt  }
0x7f: {  	_ =	shalt  }
0x80: {  	_ =	shalt  }
0x81: {  	_ =	shalt  }
0x82: {  	_ =	shalt  }
0x83: {  	_ =	shalt  }
0x84: {  	_ =	shalt  }
0x85: {  	_ =	shalt  }
0x86: {  	_ =	shalt  }
0x87: {  	_ =	shalt  }
.Lfunc_end0:
.L_simem_size_0:
called_computation_lowered:
.L_overlay_start_0:
0x88: {  	s2 =	sld [smem:$0x3FD9]  }
0x89: {  	s3 =	sld [smem:$0x3FFE];
	_ =	sdelay $0x1  }
0x8a: {  	s1 =	srdreg.scid  }
0x8b: {  	s0 =	sand.u32 $0x1, s1  }
0x8c: {  	s18 =	sshll.u32 s0, $0xA;
	s2 =	sadd.s32 s3, s2  }
0x8d: {  	s2 =	sadd.s32 s2, s18  }
0x8e: {  	[smem:$0x3FC0] =	sst s2  }
0x8f: {  	_ = 	snop  }
0x90: {  	s2 =	sld [smem:$0x3FC8]  }
0x91: {  	s19 =	sld [smem:$0x3FD0];
	(tm) =	ssettm $0x1  }
0x92: {  	s4 =	sld [smem:$0x3FFB];
	_ =	sdelay $0x3  }
0x93: {  	_ =	strace s4  }
0x94: {  	s4 =	sld [smem:$0x3FFC];
	_ =	sdelay $0x3  }
0x95: {  	_ =	strace s4  }
0x96: {  	s4 =	sld [smem:$0x3FFD];
	_ =	sdelay $0x3  }
0x97: {  	_ =	strace s4  }
0x98: {  	_ =	strace $0x8FFFFFFF  }
0x99: {  	s20 =	sld [smem:$0x3FDB];
	_ =	sdelay $0x1  }
0x9a: {  	s5 =	simm.s32 $_scs_section_size  }
0x9b: {  	s6 =	simm.s32 $_size__tile_overlayer_lowered;
	s7 =	simm.s32 $_tile_overlayer_lowered  }
0x9c: {  	s23 =	simm.s32 $0x1BFF;
	s22 =	sshll.u32 s7, $0x1;
	s4 =	sadd.s32 s5, s20  }
0x9d: {  	s8 =	simm.s32 $0x0;
	s21 =	sshll.u32 s6, $0x1;
	s6 =	sadd.s32 s22, s4  }
0x9e: {  	[timem:s8], [sflag:s23] =	dma.local [hbm:s6], s21  }
0x9f: {  	_ =	swait.ge [sflag:s23], s21  }
0xa0: {  	s5 =	ssub.s32 $0x0, s21;
	[sflag:s23] =	ssyncset.done $0x0  }
0xa1: {  	[sflag:s23] =	ssyncadd.s32 s5;
	_ =	sdelay $0x1  }
0xa2: {  	s24 =	simm.s32 $0x1B8B  }
0xa3: {  	_ =	swait.ge [sflag:s24], $0x1  }
0xa4: {  	[sflag:s24] =	ssyncset.done $0x0  }
0xa5: {  	s25 =	simm.s32 $0x1B8E;
	[sflag:s24] =	ssyncadd.s32 $0xFFFFFFFF  }
0xa6: {  	s26 =	simm.s32 $execute0_lowered;
	[smem:$0x3FD2] =	sst s25  }
0xa7: {  	s5 =	sshll.u32 s26, $0x1;
	_ =	strace $0x80000046;
	[dreg:$0x1] =	wrdreg $0xFFFFFFFF  }
0xa8: {  	s28 =	simm.s32 $_size_execute0_lowered;
	s4 =	sadd.s32 s4, s5;
	[dreg:$0x0] =	wrdreg $0x0  }
0xa9: {  	s5 =	sshll.u32 s28, $0x1;
	[dreg:$0x2] =	wrdreg s4  }
0xaa: {  	[dreg:$0x3] =	wrdreg s5  }
0xab: {  	[dreg:$0x4] =	wrdreg $0xC0  }
0xac: {  	_ =	task [dreg:s8], $0x5FFFF  }
0xad: {  	[dreg:$0x1] =	wrdreg $0xFFFFFFFF  }
0xae: {  	[dreg:$0x0] =	wrdreg $0x60  }
0xaf: {  	[dreg:$0x2] =	wrdreg s2  }
0xb0: {  	[dreg:$0x3] =	wrdreg s19  }
0xb1: {  	[dreg:$0x4] =	wrdreg $0x9  }
0xb2: {  	_ =	task.clear_ibuf [dreg:s8], $0x5FFFF;
	_ =	strace $0x90000046  }
0xb3: {  	s29 =	simm.s32 $0x9;
	_ =	strace $0x80000048  }
0xb4: {  	_ =	swait.ge [sflag:s29], $0x1  }
0xb5: {  	[sflag:s29] =	ssyncadd.s32 $0xFFFFFFFF  }
0xb6: {  	_ =	strace $0x90000048  }
0xb7: {  	_ =	sfence  }
0xb8: {  	s30 =	sld [smem:$0x0];
	_ =	sdelay $0x2  }
0xb9: {  	s31 =	sshll.u32 s1, $0xD;
	s1 =	sshrl.u32 s1, $0x2  }
0xba: {  	s3 =	sand.u32 $0x4000, s31;
	s1 =	sadd.s32 s1, s30  }
0xbb: {  	s0 =	sor.u32 s3, s0;
	s1 =	sshll.u32 s1, $0x11  }
0xbc: {  	s0 =	sor.u32 s1, s0  }
0xbd: {  	s0 =	sadd.s32 $0x8F2B, s0  }
0xbe: {  	[sflag:s0] =	ssyncadd.remote.s32 $0x1  }
0xbf: {  	_ =	sfence.sel $0xFFFF  }
0xc0: {  	[dreg:$0x0] =	wrdreg $0xFFFFFFFF;
	(pc) =	sbr.abs _section_cstart, $3  }
0xc1: {  	[dreg:$0x1] =	wrdreg $0xFFFFFFFF  }
0xc2: {  	_ =	task.clear_ibuf [dreg:s8], $0x2FFFF;
	_ =	strace $0x9FFFFFFF  }
0xc3: {  	(tm) =	ssettm $0x7FFFFFFF  }
tec
execute0_lowered:
.L_overlay_start_1:
0x0: {  	(tag) =	ssettag $0x1  }
0x1: {  	s4 =	rddreg [dreg:$0x0];
	s1 =	srdreg.scid  }
0x2: {  	s0 =	stileid.u32;
	s6 =	rddreg [dreg:$0x1]  }
0x3: {  	s2 =	simm.s32 $0x0;
	s12 =	simm.s32 $0x80;
	s13 =	simm.s32 $0x100  }
0x4: {  	s14 =	simm.s32 $0x1;
	s15 =	simm.s32 $0x2700;
	s16 =	simm.s32 $0x0  }
0x5: {  	s3 =	sand.u32 $0x1, s1;
	s5 =	sshll.u32 s0, $0x1;
	s1 =	rddreg [dreg:$0x2]  }
0x6: {  	[smem:$0x7FF] =	sst s2;
	p0 =	sgt.u32 s0, $0x1;
	s5 =	sor.u32 s3, s5  }
0x7: {  	s3 =	ssub.s32 $0x2, s3;
	_ =	strace $0x80000047;
	s7 =	smul.u32 $0x9C0, s5  }
0x8: {  	s8 =	sshrl.u32 s3, $0x1;
	s9 =	smul.u32 $0x2700, s5;
	s28 =	sshll.u32 s5, $0x5  }
.Ltmp0:
0x9: {  	s31 =	sshll.u32 s5, $0x4;
	s11 =	ssub.s32 s3, s8;
	(pc) =	sbr.rel .LBB2_1-.Ltmp0, $4  }
0xa: {  	s29 =	sadd.s32 s28, s4;
	s10 =	sadd.s32 s31, s6;
	s3 =	sadd.s32 s4, s7  }
0xb: {  	s30 =	sshrl.u32 s9, $0x3;
	s4 =	sadd.s32 $0x13800, s29;
	s7 =	sadd.s32 $0x9C00, s10  }
0xc: {  	s8 =	sadd.s32 $0x13810, s29;
	s10 =	sadd.s32 $0x13840, s10;
	s5 =	sadd.s32 s6, s30  }
0xd: {  	s11 =	smax.u32 s11, $0x1;
	s6 =	sadd.s32 $0x10, s3;
	s9 =	sadd.s32 $0x9C40, s5  }
.LBB2_10:
0xe: {  	[hbm4b:s9+s2] =	stream.linear.scatter [tilespmem:s2], [sflag:$0x1], $0x2700, $0x38;
	[tilespmem:$0x2780] =	vst v63  }
0xf: {  	_ =	swait.ge [sflag:s14], $0x2700  }
0x10: {  	[sflag:s14] =	ssyncset.done $0x0  }
0x11: {  	[sflag:s14] =	ssyncadd.s32 $0xFFFFD900  }
.LBB2_11:
0x12: {  	s16 =	sadd.s32 $0x1, s16  }
0x13: {  	p1 =	sne.s32 s16, s11  }
.Ltmp1:
0x14: {  	_ = 	snop;
	(pc) =	sbr.rel @!p1 .LBB2_12-.Ltmp1, $1  }
0x15: {  	_ =	sdelay $0x3  }
.LBB2_1:
0x16: {  	[tilespmem:s2], [sflag:$0x1] =	stream.strided.gather [hbm4b:s3+s12], $0x2700, s13, s12, $0x38;
	[tilespmem:$0x2780] =	vst v63  }
0x17: {  	_ =	swait.ge [sflag:s14], $0x2700  }
0x18: {  	[sflag:s14] =	ssyncset.done $0x0  }
0x19: {  	s17 =	simm.s32 @!p0 $0x0;
	s18 =	simm.s32 @!p0 $0x2700;
	[sflag:s14] =	ssyncadd.s32 $0xFFFFD900  }
0x1a: {  	[tilespmem:s18], [sflag:$0x1] =	stream.linear.gather @!p0 [hbm4b:s4+s17], $0x80, $0x38;
	[tilespmem:$0x2780] =	vst v63  }
0x1b: {  	s17 =	simm.s32 @!p0 $0x1  }
0x1c: {  	_ =	swait.ge @!p0 [sflag:s17], $0x80  }
0x1d: {  	[sflag:s17] =	ssyncset.done @!p0 $0x0  }
0x1e: {  	s19 =	simm.s32 $0x0;
	[sflag:s17] =	ssyncadd.s32 @!p0 $0xFFFFFF80  }
0x1f: {  	v0 =	vld [tilespmem:s19+$0x50]  }
0x20: {  	v1 =	vld [tilespmem:s19+$0x70];
	_ =	sdelay $0x3  }
0x21: {  	v2 =	vcvt.s32.f32 v0  }
0x22: {  	v3 =	vcvt.s32.f32 v1  }
0x23: {  	v2 =	vmul.f32 $7.999999800e-04, v2  }
0x24: {  	v3 =	vmul.f32 $7.999999800e-04, v3  }
0x25: {  	v4 =	vld [tilespmem:s19+$0x10];
	v2 =	vtrunc.f32 v2  }
0x26: {  	v3 =	vtrunc.f32 v3;
	v2 =	vcvt.f32.s32 v2  }
0x27: {  	v3 =	vcvt.f32.s32 v3  }
0x28: {  	v5 =	vmul.u32 $0x1FFFFB1E, v2  }
0x29: {  	v6 =	vld [tilespmem:s19+$0x20];
	v7 =	vmul.u32 $0x1FFFFB1E, v3  }
0x2a: {  	v8 =	vcvt.s32.f32 v4;
	v0 =	vadd.s32 v0, v5  }
0x2b: {  	v1 =	vadd.s32 v1, v7;
	v0 =	vshll.u32 v0, $0x3  }
0x2c: {  	v5 =	vmul.f32 $7.999999800e-04, v8;
	v1 =	vshll.u32 v1, $0x3;
	v0 =	vadd.s32 v2, v0  }
0x2d: {  	[tilespmem:s19+$0x50] =	vst v0;
	v0 =	vadd.s32 v3, v1  }
0x2e: {  	s17 =	simm.s32 $0x80;
	v2 =	vcvt.s32.f32 v6;
	v1 =	vtrunc.f32 v5;
	[tilespmem:s19+$0x70] =	vst v0  }
0x2f: {  	v0 =	vcvt.f32.s32 v1;
	v1 =	vld [tilespmem:s17+$0x50]  }
0x30: {  	v2 =	vmul.f32 $7.999999800e-04, v2;
	v3 =	vld [tilespmem:s17+$0x70]  }
0x31: {  	v5 =	vmul.u32 $0x1FFFFB1E, v0  }
0x32: {  	v2 =	vtrunc.f32 v2  }
0x33: {  	v2 =	vcvt.f32.s32 v2;
	v4 =	vadd.s32 v4, v5  }
0x34: {  	v4 =	vshll.u32 v4, $0x3;
	v5 =	vcvt.s32.f32 v1  }
0x35: {  	v0 =	vadd.s32 v0, v4;
	v4 =	vmul.u32 $0x1FFFFB1E, v2;
	v7 =	vcvt.s32.f32 v3  }
0x36: {  	[tilespmem:s19+$0x10] =	vst v0;
	v0 =	vmul.f32 $7.999999800e-04, v5  }
0x37: {  	v5 =	vld [tilespmem:s17+$0x10];
	v4 =	vadd.s32 v6, v4;
	v6 =	vmul.f32 $7.999999800e-04, v7  }
0x38: {  	v4 =	vshll.u32 v4, $0x3;
	v0 =	vtrunc.f32 v0  }
0x39: {  	v6 =	vtrunc.f32 v6;
	v2 =	vadd.s32 v2, v4;
	v0 =	vcvt.f32.s32 v0  }
0x3a: {  	v7 =	vld [tilespmem:s19+$0x0];
	[tilespmem:s19+$0x20] =	vst v2;
	v2 =	vcvt.f32.s32 v6  }
0x3b: {  	v6 =	vld [tilespmem:s19+$0x40];
	v4 =	vmul.u32 $0x1FFFFB1E, v0  }
0x3c: {  	v10 =	vld [tilespmem:s17+$0x20];
	v8 =	vcvt.s32.f32 v5;
	v9 =	vmul.u32 $0x1FFFFB1E, v2  }
0x3d: {  	v1 =	vadd.s32 v1, v4  }
0x3e: {  	v4 =	vmul.f32 $7.999999800e-04, v8;
	v8 =	vld [tilespmem:s19+$0x30];
	v3 =	vadd.s32 v3, v9;
	v1 =	vshll.u32 v1, $0x3  }
0x3f: {  	v3 =	vshll.u32 v3, $0x3;
	v0 =	vadd.s32 v0, v1;
	v1 =	vcvt.s32.f32 v7  }
0x40: {  	v4 =	vtrunc.f32 v4;
	v2 =	vadd.s32 v2, v3;
	[tilespmem:s17+$0x50] =	vst v0;
	v0 =	vcvt.s32.f32 v6  }
0x41: {  	v3 =	vcvt.f32.s32 v4;
	[tilespmem:s17+$0x70] =	vst v2;
	v2 =	vcvt.s32.f32 v10  }
0x42: {  	s18 =	simm.s32 $0x100;
	v1 =	vmul.f32 $7.999999800e-04, v1;
	v0 =	vmul.f32 $7.999999800e-04, v0  }
0x43: {  	v9 =	vld [tilespmem:s18+$0x50];
	v4 =	vmul.u32 $0x1FFFFB1E, v3;
	v11 =	vcvt.s32.f32 v8;
	v2 =	vmul.f32 $7.999999800e-04, v2  }
0x44: {  	v12 =	vld [tilespmem:s18+$0x70];
	v1 =	vtrunc.f32 v1;
	v0 =	vtrunc.f32 v0  }
0x45: {  	v4 =	vadd.s32 v5, v4;
	v1 =	vcvt.f32.s32 v1;
	v5 =	vmul.f32 $7.999999800e-04, v11  }
0x46: {  	v2 =	vtrunc.f32 v2;
	v0 =	vcvt.f32.s32 v0  }
0x47: {  	v4 =	vshll.u32 v4, $0x3;
	v2 =	vcvt.f32.s32 v2;
	v11 =	vmul.u32 $0x1FFFFB1E, v1  }
0x48: {  	v14 =	vcvt.s32.f32 v9;
	v3 =	vadd.s32 v3, v4;
	v13 =	vmul.u32 $0x1FFFFB1E, v0  }
0x49: {  	v4 =	vtrunc.f32 v5;
	v60 =	vcvt.s32.f32 v12;
	[tilespmem:s17+$0x10] =	vst v3;
	v3 =	vadd.s32 v7, v11  }
0x4a: {  	v7 =	vmul.u32 $0x1FFFFB1E, v2;
	v11 =	vcvt.f32.s32 v4;
	v5 =	vadd.s32 v6, v13  }
0x4b: {  	v4 =	vld [tilespmem:s18+$0x10];
	v6 =	vmul.f32 $7.999999800e-04, v14;
	v59 =	vshll.u32 v3, $0x3;
	v5 =	vshll.u32 v5, $0x3  }
0x4c: {  	v3 =	vld [tilespmem:s19+$0x60];
	v1 =	vadd.s32 v1, v59;
	v7 =	vadd.s32 v10, v7;
	v10 =	vmul.u32 $0x1FFFFB1E, v11  }
0x4d: {  	v61 =	vmul.f32 $7.999999800e-04, v60;
	v6 =	vtrunc.f32 v6;
	[tilespmem:s19+$0x0] =	vst v1;
	v0 =	vadd.s32 v0, v5  }
0x4e: {  	v7 =	vshll.u32 v7, $0x3;
	v1 =	vld [tilespmem:s17+$0x0];
	v62 =	vcvt.f32.s32 v6;
	[tilespmem:s19+$0x40] =	vst v0;
	v0 =	vadd.s32 v8, v10  }
0x4f: {  	v2 =	vadd.s32 v2, v7;
	v6 =	vtrunc.f32 v61;
	v0 =	vshll.u32 v0, $0x3  }
0x50: {  	[tilespmem:s17+$0x20] =	vst v2;
	v2 =	vcvt.s32.f32 v4;
	v5 =	vld [tilespmem:s17+$0x40];
	v7 =	vmul.u32 $0x1FFFFB1E, v62;
	v0 =	vadd.s32 v11, v0  }
0x51: {  	v6 =	vcvt.f32.s32 v6;
	v8 =	vcvt.s32.f32 v3;
	[tilespmem:s19+$0x30] =	vst v0  }
0x52: {  	v10 =	vmul.f32 $7.999999800e-04, v2;
	v2 =	vadd.s32 v9, v7;
	v0 =	vld [tilespmem:s17+$0x30]  }
0x53: {  	v11 =	vmul.u32 $0x1FFFFB1E, v6;
	v63 =	vmul.f32 $7.999999800e-04, v8;
	v7 =	vshll.u32 v2, $0x3;
	v2 =	vld [tilespmem:s18+$0x20]  }
0x54: {  	v9 =	vtrunc.f32 v10;
	v8 =	vadd.s32 v62, v7;
	v7 =	vcvt.s32.f32 v1  }
0x55: {  	s20 =	simm.s32 $0x600;
	v10 =	vadd.s32 v12, v11;
	v11 =	vtrunc.f32 v63;
	[tilespmem:s18+$0x50] =	vst v8;
	v8 =	vcvt.s32.f32 v5  }
.LBB2_2:
0x56: {  	s21 =	sshra.s32 s20, $0x2;
	p1 =	sne.s32 s20, $0x9A00;
	s20 =	sadd.s32 $0x200, s20;
	v9 =	vcvt.f32.s32 v9;
	v10 =	vshll.u32 v10, $0x3;
	v11 =	vcvt.f32.s32 v11  }
0x57: {  	v7 =	vmul.f32 $7.999999800e-04, v7;
	v6 =	vadd.s32 v6, v10;
	v8 =	vmul.f32 $7.999999800e-04, v8  }
0x58: {  	v10 =	vmul.u32 $0x1FFFFB1E, v9;
	v12 =	vcvt.s32.f32 v2;
	[tilespmem:s18+$0x70] =	vst v6;
	v6 =	vcvt.s32.f32 v0  }
0x59: {  	v7 =	vtrunc.f32 v7;
	v14 =	vmul.u32 $0x1FFFFB1E, v11;
	v13 =	vld [tilespmem:s21+$0x50];
	v8 =	vtrunc.f32 v8  }
0x5a: {  	v7 =	vcvt.f32.s32 v7;
	v4 =	vadd.s32 v4, v10;
	v10 =	vmul.f32 $7.999999800e-04, v12  }
0x5b: {  	v6 =	vmul.f32 $7.999999800e-04, v6;
	v8 =	vcvt.f32.s32 v8;
	v12 =	vld [tilespmem:s21+$0x70];
	v4 =	vshll.u32 v4, $0x3  }
0x5c: {  	v3 =	vadd.s32 v3, v14;
	v4 =	vadd.s32 v9, v4;
	v9 =	vtrunc.f32 v10  }
0x5d: {  	v10 =	vmul.u32 $0x1FFFFB1E, v8;
	[tilespmem:s18+$0x10] =	vst v4;
	v9 =	vcvt.f32.s32 v9;
	v4 =	vmul.u32 $0x1FFFFB1E, v7  }
0x5e: {  	v3 =	vshll.u32 v3, $0x3;
	v6 =	vtrunc.f32 v6;
	v14 =	vcvt.s32.f32 v13  }
0x5f: {  	v3 =	vadd.s32 v11, v3;
	v5 =	vadd.s32 v5, v10;
	v1 =	vadd.s32 v1, v4  }
0x60: {  	v6 =	vcvt.f32.s32 v6;
	v11 =	vmul.u32 $0x1FFFFB1E, v9;
	v10 =	vmul.f32 $7.999999800e-04, v14;
	[tilespmem:s19+$0x60] =	vst v3;
	s19 =	smov.u32 s17;
	s17 =	smov.u32 s18;
	s18 =	smov.u32 s21  }
0x61: {  	v5 =	vshll.u32 v5, $0x3;
	v14 =	vcvt.s32.f32 v12;
	v1 =	vshll.u32 v1, $0x3;
	v4 =	vld [tilespmem:s18+$0x10]  }
0x62: {  	v2 =	vadd.s32 v2, v11;
	v11 =	vmul.u32 $0x1FFFFB1E, v6;
	v10 =	vtrunc.f32 v10;
	v3 =	vld [tilespmem:s19+$0x60]  }
0x63: {  	v1 =	vadd.s32 v7, v1;
	v14 =	vmul.f32 $7.999999800e-04, v14;
	v2 =	vshll.u32 v2, $0x3  }
0x64: {  	v5 =	vadd.s32 v8, v5;
	v7 =	vcvt.f32.s32 v10;
	v0 =	vadd.s32 v0, v11;
	[tilespmem:s19+$0x0] =	vst v1  }
0x65: {  	v2 =	vadd.s32 v9, v2;
	v8 =	vtrunc.f32 v14;
	v0 =	vshll.u32 v0, $0x3;
	v1 =	vld [tilespmem:s17+$0x0];
	[tilespmem:s19+$0x40] =	vst v5  }
0x66: {  	v10 =	vmul.u32 $0x1FFFFB1E, v7;
	v0 =	vadd.s32 v6, v0;
	v9 =	vcvt.s32.f32 v4;
	[tilespmem:s17+$0x20] =	vst v2;
	v5 =	vld [tilespmem:s17+$0x40]  }
.Ltmp2:
0x67: {  	v6 =	vcvt.f32.s32 v8;
	[tilespmem:s19+$0x30] =	vst v0;
	v8 =	vcvt.s32.f32 v3;
	(pc) =	sbr.rel @p1 .LBB2_2-.Ltmp2, $4  }
0x68: {  	v10 =	vadd.s32 v13, v10;
	v9 =	vmul.f32 $7.999999800e-04, v9;
	v0 =	vld [tilespmem:s17+$0x30]  }
0x69: {  	v11 =	vmul.u32 $0x1FFFFB1E, v6;
	v10 =	vshll.u32 v10, $0x3;
	v2 =	vld [tilespmem:s18+$0x20];
	v13 =	vmul.f32 $7.999999800e-04, v8  }
0x6a: {  	v8 =	vadd.s32 v7, v10;
	v9 =	vtrunc.f32 v9;
	v7 =	vcvt.s32.f32 v1  }
0x6b: {  	v10 =	vadd.s32 v12, v11;
	[tilespmem:s18+$0x50] =	vst v8;
	v8 =	vcvt.s32.f32 v5;
	v11 =	vtrunc.f32 v13  }
0x6c: {  	v9 =	vcvt.f32.s32 v9  }
0x6d: {  	v11 =	vcvt.f32.s32 v11  }
0x6e: {  	v12 =	vmul.u32 $0x1FFFFB1E, v9  }
0x6f: {  	v13 =	vmul.u32 $0x1FFFFB1E, v11  }
0x70: {  	v10 =	vshll.u32 v10, $0x3;
	v4 =	vadd.s32 v4, v12  }
0x71: {  	v6 =	vadd.s32 v6, v10;
	v3 =	vadd.s32 v3, v13;
	v4 =	vshll.u32 v4, $0x3  }
0x72: {  	[tilespmem:s18+$0x70] =	vst v6;
	v3 =	vshll.u32 v3, $0x3;
	v4 =	vadd.s32 v9, v4  }
0x73: {  	v3 =	vadd.s32 v11, v3;
	[tilespmem:s18+$0x10] =	vst v4  }
0x74: {  	v37 =	vcvt.s32.f32 v0;
	[tilespmem:s19+$0x60] =	vst v3  }
0x75: {  	v35 =	vcvt.s32.f32 v2;
	v36 =	vld [tilespmem:s17+$0x60]  }
0x76: {  	v34 =	vmul.f32 $7.999999800e-04, v8;
	v8 =	vmul.f32 $7.999999800e-04, v37  }
0x77: {  	v33 =	vmul.f32 $7.999999800e-04, v7;
	v6 =	vmul.f32 $7.999999800e-04, v35  }
0x78: {  	v8 =	vtrunc.f32 v8  }
0x79: {  	v6 =	vtrunc.f32 v6;
	v4 =	vtrunc.f32 v33  }
0x7a: {  	v6 =	vcvt.f32.s32 v6;
	v40 =	vcvt.s32.f32 v36  }
0x7b: {  	v3 =	vtrunc.f32 v34;
	v4 =	vcvt.f32.s32 v4  }
0x7c: {  	v3 =	vcvt.f32.s32 v3;
	v41 =	vmul.f32 $7.999999800e-04, v40  }
0x7d: {  	v8 =	vcvt.f32.s32 v8;
	v38 =	vmul.u32 $0x1FFFFB1E, v4  }
0x7e: {  	v42 =	vmul.u32 $0x1FFFFB1E, v6;
	v39 =	vmul.u32 $0x1FFFFB1E, v3;
	v43 =	vtrunc.f32 v41  }
0x7f: {  	v45 =	vmul.u32 $0x1FFFFB1E, v8;
	v1 =	vadd.s32 v1, v38;
	v46 =	vcvt.f32.s32 v43  }
0x80: {  	v44 =	vadd.s32 v2, v42;
	v5 =	vadd.s32 v5, v39;
	v1 =	vshll.u32 v1, $0x3  }
0x81: {  	v5 =	vshll.u32 v5, $0x3;
	v1 =	vadd.s32 v4, v1;
	v49 =	vmul.u32 $0x1FFFFB1E, v46  }
0x82: {  	v48 =	vadd.s32 v0, v45;
	v2 =	vshll.u32 v44, $0x3;
	[tilespmem:s17+$0x0] =	vst v1;
	v3 =	vadd.s32 v3, v5  }
0x83: {  	v0 =	vshll.u32 v48, $0x3;
	v2 =	vadd.s32 v6, v2;
	v47 =	vld [tilespmem:s18+$0x0];
	[tilespmem:s17+$0x40] =	vst v3;
	v3 =	vadd.s32 v36, v49  }
0x84: {  	v0 =	vadd.s32 v8, v0;
	[tilespmem:s18+$0x20] =	vst v2;
	v50 =	vld [tilespmem:s18+$0x40];
	v51 =	vshll.u32 v3, $0x3  }
0x85: {  	[tilespmem:s17+$0x30] =	vst v0;
	v0 =	vadd.s32 v46, v51  }
0x86: {  	v52 =	vld [tilespmem:s18+$0x30];
	[tilespmem:s17+$0x60] =	vst v0  }
0x87: {  	v0 =	vld [tilespmem:s18+$0x60]  }
0x88: {  	v53 =	vcvt.s32.f32 v47  }
0x89: {  	v54 =	vcvt.s32.f32 v50  }
0x8a: {  	v1 =	vmul.f32 $7.999999800e-04, v53  }
0x8b: {  	v5 =	vmul.f32 $7.999999800e-04, v54;
	v55 =	vcvt.s32.f32 v52  }
0x8c: {  	v1 =	vtrunc.f32 v1;
	v56 =	vcvt.s32.f32 v0  }
0x8d: {  	v5 =	vtrunc.f32 v5;
	v6 =	vmul.f32 $7.999999800e-04, v55  }
0x8e: {  	v1 =	vcvt.f32.s32 v1;
	v7 =	vmul.f32 $7.999999800e-04, v56  }
0x8f: {  	v5 =	vcvt.f32.s32 v5;
	v6 =	vtrunc.f32 v6  }
0x90: {  	v57 =	vmul.u32 $0x1FFFFB1E, v1;
	v6 =	vcvt.f32.s32 v6;
	v7 =	vtrunc.f32 v7  }
0x91: {  	v58 =	vmul.u32 $0x1FFFFB1E, v5;
	v7 =	vcvt.f32.s32 v7  }
0x92: {  	v4 =	vadd.s32 v47, v57;
	v59 =	vmul.u32 $0x1FFFFB1E, v6  }
0x93: {  	v2 =	vadd.s32 v50, v58;
	v4 =	vshll.u32 v4, $0x3;
	v60 =	vmul.u32 $0x1FFFFB1E, v7  }
.Ltmp3:
0x94: {  	v2 =	vshll.u32 v2, $0x3;
	v1 =	vadd.s32 v1, v4;
	v3 =	vadd.s32 v52, v59;
	(pc) =	sbr.rel @p0 .LBB2_5-.Ltmp3, $4  }
0x95: {  	[tilespmem:s18+$0x0] =	vst v1;
	v61 =	vadd.s32 v5, v2;
	v62 =	vshll.u32 v3, $0x3;
	v0 =	vadd.s32 v0, v60  }
0x96: {  	[tilespmem:s18+$0x40] =	vst v61;
	v63 =	vadd.s32 v6, v62;
	v0 =	vshll.u32 v0, $0x3  }
0x97: {  	[tilespmem:s18+$0x30] =	vst v63;
	v0 =	vadd.s32 v7, v0  }
0x98: {  	[tilespmem:s18+$0x60] =	vst v0  }
0x99: {  	v0 =	vld [tilespmem:$0x2700]  }
0x9a: {  	v1 =	vld [tilespmem:$0x2710]  }
0x9b: {  	v3 =	vld [tilespmem:$0x2720]  }
0x9c: {  	v5 =	vld [tilespmem:$0x2730]  }
0x9d: {  	v8 =	vld [tilespmem:$0x2740]  }
0x9e: {  	v11 =	vld [tilespmem:$0x2760]  }
0x9f: {  	v12 =	vld [tilespmem:$0x2770];
	_ =	sdelay $0x1  }
0xa0: {  	v2 =	vcvt.s32.f32 v0  }
0xa1: {  	v4 =	vcvt.s32.f32 v1;
	v6 =	vcvt.s32.f32 v3  }
0xa2: {  	v9 =	vcvt.s32.f32 v5;
	v42 =	vcvt.s32.f32 v8  }
0xa3: {  	v47 =	vcvt.s32.f32 v11;
	v13 =	vcvt.s32.f32 v12  }
0xa4: {  	v2 =	vmul.f32 $7.999999800e-04, v2;
	v4 =	vmul.f32 $7.999999800e-04, v4  }
0xa5: {  	v41 =	vmul.f32 $7.999999800e-04, v9;
	v9 =	vmul.f32 $7.999999800e-04, v42  }
0xa6: {  	v10 =	vld [tilespmem:$0x2750];
	v6 =	vmul.f32 $7.999999800e-04, v6;
	v2 =	vtrunc.f32 v2  }
0xa7: {  	v4 =	vtrunc.f32 v4;
	v46 =	vtrunc.f32 v9  }
0xa8: {  	v9 =	vmul.f32 $7.999999800e-04, v47;
	v2 =	vcvt.f32.s32 v2  }
0xa9: {  	v6 =	vtrunc.f32 v6;
	v4 =	vcvt.f32.s32 v4  }
0xaa: {  	v6 =	vcvt.f32.s32 v6;
	v9 =	vtrunc.f32 v9;
	v7 =	vmul.u32 $0x1FFFFB1E, v2  }
0xab: {  	v45 =	vcvt.s32.f32 v10;
	v40 =	vmul.u32 $0x1FFFFB1E, v4;
	v9 =	vcvt.f32.s32 v9  }
0xac: {  	v49 =	vmul.f32 $7.999999800e-04, v13;
	v43 =	vmul.u32 $0x1FFFFB1E, v6;
	v0 =	vadd.s32 v0, v7  }
0xad: {  	v1 =	vadd.s32 v1, v40;
	v7 =	vtrunc.f32 v41;
	v54 =	vmul.u32 $0x1FFFFB1E, v9  }
0xae: {  	v0 =	vshll.u32 v0, $0x3;
	v1 =	vshll.u32 v1, $0x3;
	v44 =	vcvt.f32.s32 v7  }
0xaf: {  	v7 =	vmul.f32 $7.999999800e-04, v45;
	v0 =	vadd.s32 v2, v0;
	v2 =	vadd.s32 v3, v43  }
0xb0: {  	v1 =	vadd.s32 v4, v1;
	v3 =	vcvt.f32.s32 v46;
	v2 =	vshll.u32 v2, $0x3  }
0xb1: {  	v14 =	vmul.u32 $0x1FFFFB1E, v44;
	v48 =	vtrunc.f32 v7;
	v7 =	vtrunc.f32 v49  }
0xb2: {  	v2 =	vadd.s32 v6, v2;
	v6 =	vcvt.f32.s32 v48;
	v50 =	vmul.u32 $0x1FFFFB1E, v3  }
0xb3: {  	v58 =	vadd.s32 v11, v54;
	[tilespmem:$0x2700] =	vst v0;
	v7 =	vcvt.f32.s32 v7;
	v5 =	vadd.s32 v5, v14  }
0xb4: {  	[tilespmem:$0x2710] =	vst v1;
	v51 =	vshll.u32 v5, $0x3;
	v52 =	vmul.u32 $0x1FFFFB1E, v6;
	v53 =	vadd.s32 v8, v50  }
0xb5: {  	[tilespmem:$0x2720] =	vst v2;
	v56 =	vmul.u32 $0x1FFFFB1E, v7;
	v0 =	vadd.s32 v44, v51;
	v1 =	vshll.u32 v53, $0x3  }
0xb6: {  	v55 =	vadd.s32 v10, v52;
	[tilespmem:$0x2730] =	vst v0;
	v57 =	vadd.s32 v3, v1;
	v1 =	vshll.u32 v58, $0x3  }
0xb7: {  	v60 =	vadd.s32 v12, v56;
	v2 =	vshll.u32 v55, $0x3;
	[tilespmem:$0x2740] =	vst v57;
	v61 =	vadd.s32 v9, v1  }
0xb8: {  	v62 =	vshll.u32 v60, $0x3;
	v59 =	vadd.s32 v6, v2;
	[tilespmem:$0x2760] =	vst v61  }
0xb9: {  	v63 =	vadd.s32 v7, v62;
	[tilespmem:$0x2750] =	vst v59  }
0xba: {  	[tilespmem:$0x2770] =	vst v63  }
0xbb: {  	[hbm4b:s5+s2] =	stream.linear.scatter [tilespmem:s2], [sflag:$0x1], $0x2700, $0x38;
	[tilespmem:$0x2780] =	vst v63  }
0xbc: {  	_ =	swait.ge [sflag:s14], $0x2700  }
0xbd: {  	[sflag:s14] =	ssyncset.done $0x0  }
0xbe: {  	[sflag:s14] =	ssyncadd.s32 $0xFFFFD900  }
0xbf: {  	[hbm4b:s7+s2] =	stream.linear.scatter [tilespmem:s15], [sflag:$0x1], $0x80, $0x38;
	[tilespmem:$0x2780] =	vst v63  }
0xc0: {  	_ =	swait.ge [sflag:s14], $0x80  }
0xc1: {  	[sflag:s14] =	ssyncset.done $0x0  }
0xc2: {  	[sflag:s14] =	ssyncadd.s32 $0xFFFFFF80  }
0xc3: {  	[tilespmem:s2], [sflag:$0x1] =	stream.strided.gather [hbm4b:s6+s12], $0x2700, s13, s12, $0x38;
	[tilespmem:$0x2780] =	vst v63  }
0xc4: {  	_ =	swait.ge [sflag:s14], $0x2700  }
0xc5: {  	[sflag:s14] =	ssyncset.done $0x0  }
.Ltmp4:
0xc6: {  	[sflag:s14] =	ssyncadd.s32 $0xFFFFD900;
	(pc) =	sbr.rel .LBB2_6-.Ltmp4, $4  }
0xc7: {  	[tilespmem:s15], [sflag:$0x1] =	stream.linear.gather [hbm4b:s8+s2], $0x80, $0x38;
	[tilespmem:$0x2780] =	vst v63  }
0xc8: {  	_ =	swait.ge [sflag:s14], $0x80  }
0xc9: {  	[sflag:s14] =	ssyncset.done $0x0  }
0xca: {  	[sflag:s14] =	ssyncadd.s32 $0xFFFFFF80  }
.LBB2_5:
0xcb: {  	[hbm4b:s5+s2] =	stream.linear.scatter [tilespmem:s2], [sflag:$0x1], $0x2700, $0x38;
	[tilespmem:$0x2780] =	vst v63  }
0xcc: {  	_ =	swait.ge [sflag:s14], $0x2700  }
0xcd: {  	[sflag:s14] =	ssyncset.done $0x0  }
0xce: {  	[sflag:s14] =	ssyncadd.s32 $0xFFFFD900  }
0xcf: {  	[tilespmem:s2], [sflag:$0x1] =	stream.strided.gather [hbm4b:s6+s12], $0x2700, s13, s12, $0x38;
	[tilespmem:$0x2780] =	vst v63  }
0xd0: {  	_ =	swait.ge [sflag:s14], $0x2700  }
0xd1: {  	[sflag:s14] =	ssyncset.done $0x0  }
0xd2: {  	[sflag:s14] =	ssyncadd.s32 $0xFFFFD900  }
.LBB2_6:
0xd3: {  	s19 =	simm.s32 $0x0  }
0xd4: {  	v0 =	vld [tilespmem:s19+$0x50]  }
0xd5: {  	v1 =	vld [tilespmem:s19+$0x70];
	_ =	sdelay $0x3  }
0xd6: {  	v2 =	vcvt.s32.f32 v0  }
0xd7: {  	v3 =	vcvt.s32.f32 v1  }
0xd8: {  	v2 =	vmul.f32 $7.999999800e-04, v2  }
0xd9: {  	v3 =	vmul.f32 $7.999999800e-04, v3  }
0xda: {  	v4 =	vld [tilespmem:s19+$0x10];
	v2 =	vtrunc.f32 v2  }
0xdb: {  	v3 =	vtrunc.f32 v3;
	v2 =	vcvt.f32.s32 v2  }
0xdc: {  	v3 =	vcvt.f32.s32 v3  }
0xdd: {  	v5 =	vmul.u32 $0x1FFFFB1E, v2  }
0xde: {  	v6 =	vld [tilespmem:s19+$0x20];
	v7 =	vmul.u32 $0x1FFFFB1E, v3  }
0xdf: {  	v8 =	vcvt.s32.f32 v4;
	v0 =	vadd.s32 v0, v5  }
0xe0: {  	v1 =	vadd.s32 v1, v7;
	v0 =	vshll.u32 v0, $0x3  }
0xe1: {  	v5 =	vmul.f32 $7.999999800e-04, v8;
	v1 =	vshll.u32 v1, $0x3;
	v0 =	vadd.s32 v2, v0  }
0xe2: {  	[tilespmem:s19+$0x50] =	vst v0;
	v0 =	vadd.s32 v3, v1  }
0xe3: {  	s17 =	simm.s32 $0x80;
	v2 =	vcvt.s32.f32 v6;
	v1 =	vtrunc.f32 v5;
	[tilespmem:s19+$0x70] =	vst v0  }
0xe4: {  	v0 =	vcvt.f32.s32 v1;
	v1 =	vld [tilespmem:s17+$0x50]  }
0xe5: {  	v2 =	vmul.f32 $7.999999800e-04, v2;
	v3 =	vld [tilespmem:s17+$0x70]  }
0xe6: {  	v5 =	vmul.u32 $0x1FFFFB1E, v0  }
0xe7: {  	v2 =	vtrunc.f32 v2  }
0xe8: {  	v2 =	vcvt.f32.s32 v2;
	v4 =	vadd.s32 v4, v5  }
0xe9: {  	v4 =	vshll.u32 v4, $0x3;
	v5 =	vcvt.s32.f32 v1  }
0xea: {  	v0 =	vadd.s32 v0, v4;
	v4 =	vmul.u32 $0x1FFFFB1E, v2;
	v7 =	vcvt.s32.f32 v3  }
0xeb: {  	[tilespmem:s19+$0x10] =	vst v0;
	v0 =	vmul.f32 $7.999999800e-04, v5  }
0xec: {  	v5 =	vld [tilespmem:s17+$0x10];
	v4 =	vadd.s32 v6, v4;
	v6 =	vmul.f32 $7.999999800e-04, v7  }
0xed: {  	v4 =	vshll.u32 v4, $0x3;
	v0 =	vtrunc.f32 v0  }
0xee: {  	v6 =	vtrunc.f32 v6;
	v2 =	vadd.s32 v2, v4;
	v0 =	vcvt.f32.s32 v0  }
0xef: {  	v7 =	vld [tilespmem:s19+$0x0];
	[tilespmem:s19+$0x20] =	vst v2;
	v2 =	vcvt.f32.s32 v6  }
0xf0: {  	v6 =	vld [tilespmem:s19+$0x40];
	v4 =	vmul.u32 $0x1FFFFB1E, v0  }
0xf1: {  	v10 =	vld [tilespmem:s17+$0x20];
	v8 =	vcvt.s32.f32 v5;
	v9 =	vmul.u32 $0x1FFFFB1E, v2  }
0xf2: {  	v1 =	vadd.s32 v1, v4  }
0xf3: {  	v4 =	vmul.f32 $7.999999800e-04, v8;
	v8 =	vld [tilespmem:s19+$0x30];
	v3 =	vadd.s32 v3, v9;
	v1 =	vshll.u32 v1, $0x3  }
0xf4: {  	v3 =	vshll.u32 v3, $0x3;
	v0 =	vadd.s32 v0, v1;
	v1 =	vcvt.s32.f32 v7  }
0xf5: {  	v4 =	vtrunc.f32 v4;
	v2 =	vadd.s32 v2, v3;
	[tilespmem:s17+$0x50] =	vst v0;
	v0 =	vcvt.s32.f32 v6  }
0xf6: {  	v3 =	vcvt.f32.s32 v4;
	[tilespmem:s17+$0x70] =	vst v2;
	v2 =	vcvt.s32.f32 v10  }
0xf7: {  	s18 =	simm.s32 $0x100;
	v1 =	vmul.f32 $7.999999800e-04, v1;
	v0 =	vmul.f32 $7.999999800e-04, v0  }
0xf8: {  	v9 =	vld [tilespmem:s18+$0x50];
	v4 =	vmul.u32 $0x1FFFFB1E, v3;
	v11 =	vcvt.s32.f32 v8;
	v2 =	vmul.f32 $7.999999800e-04, v2  }
0xf9: {  	v12 =	vld [tilespmem:s18+$0x70];
	v1 =	vtrunc.f32 v1;
	v0 =	vtrunc.f32 v0  }
0xfa: {  	v4 =	vadd.s32 v5, v4;
	v1 =	vcvt.f32.s32 v1;
	v5 =	vmul.f32 $7.999999800e-04, v11  }
0xfb: {  	v2 =	vtrunc.f32 v2;
	v0 =	vcvt.f32.s32 v0  }
0xfc: {  	v4 =	vshll.u32 v4, $0x3;
	v2 =	vcvt.f32.s32 v2;
	v11 =	vmul.u32 $0x1FFFFB1E, v1  }
0xfd: {  	v14 =	vcvt.s32.f32 v9;
	v3 =	vadd.s32 v3, v4;
	v13 =	vmul.u32 $0x1FFFFB1E, v0  }
0xfe: {  	v4 =	vtrunc.f32 v5;
	v60 =	vcvt.s32.f32 v12;
	[tilespmem:s17+$0x10] =	vst v3;
	v3 =	vadd.s32 v7, v11  }
0xff: {  	v7 =	vmul.u32 $0x1FFFFB1E, v2;
	v11 =	vcvt.f32.s32 v4;
	v5 =	vadd.s32 v6, v13  }
0x100: {  	v4 =	vld [tilespmem:s18+$0x10];
	v6 =	vmul.f32 $7.999999800e-04, v14;
	v59 =	vshll.u32 v3, $0x3;
	v5 =	vshll.u32 v5, $0x3  }
0x101: {  	v3 =	vld [tilespmem:s19+$0x60];
	v1 =	vadd.s32 v1, v59;
	v7 =	vadd.s32 v10, v7;
	v10 =	vmul.u32 $0x1FFFFB1E, v11  }
0x102: {  	v61 =	vmul.f32 $7.999999800e-04, v60;
	v6 =	vtrunc.f32 v6;
	[tilespmem:s19+$0x0] =	vst v1;
	v0 =	vadd.s32 v0, v5  }
0x103: {  	v7 =	vshll.u32 v7, $0x3;
	v1 =	vld [tilespmem:s17+$0x0];
	v62 =	vcvt.f32.s32 v6;
	[tilespmem:s19+$0x40] =	vst v0;
	v0 =	vadd.s32 v8, v10  }
0x104: {  	v2 =	vadd.s32 v2, v7;
	v6 =	vtrunc.f32 v61;
	v0 =	vshll.u32 v0, $0x3  }
0x105: {  	[tilespmem:s17+$0x20] =	vst v2;
	v2 =	vcvt.s32.f32 v4;
	v5 =	vld [tilespmem:s17+$0x40];
	v7 =	vmul.u32 $0x1FFFFB1E, v62;
	v0 =	vadd.s32 v11, v0  }
0x106: {  	v6 =	vcvt.f32.s32 v6;
	v8 =	vcvt.s32.f32 v3;
	[tilespmem:s19+$0x30] =	vst v0  }
0x107: {  	v10 =	vmul.f32 $7.999999800e-04, v2;
	v2 =	vadd.s32 v9, v7;
	v0 =	vld [tilespmem:s17+$0x30]  }
0x108: {  	v11 =	vmul.u32 $0x1FFFFB1E, v6;
	v63 =	vmul.f32 $7.999999800e-04, v8;
	v7 =	vshll.u32 v2, $0x3;
	v2 =	vld [tilespmem:s18+$0x20]  }
0x109: {  	v9 =	vtrunc.f32 v10;
	v8 =	vadd.s32 v62, v7;
	v7 =	vcvt.s32.f32 v1  }
0x10a: {  	s20 =	simm.s32 $0x600;
	v10 =	vadd.s32 v12, v11;
	v11 =	vtrunc.f32 v63;
	[tilespmem:s18+$0x50] =	vst v8;
	v8 =	vcvt.s32.f32 v5  }
.LBB2_7:
0x10b: {  	s21 =	sshra.s32 s20, $0x2;
	p1 =	sne.s32 s20, $0x9A00;
	s20 =	sadd.s32 $0x200, s20;
	v9 =	vcvt.f32.s32 v9;
	v10 =	vshll.u32 v10, $0x3;
	v11 =	vcvt.f32.s32 v11  }
0x10c: {  	v7 =	vmul.f32 $7.999999800e-04, v7;
	v6 =	vadd.s32 v6, v10;
	v8 =	vmul.f32 $7.999999800e-04, v8  }
0x10d: {  	v10 =	vmul.u32 $0x1FFFFB1E, v9;
	v12 =	vcvt.s32.f32 v2;
	[tilespmem:s18+$0x70] =	vst v6;
	v6 =	vcvt.s32.f32 v0  }
0x10e: {  	v7 =	vtrunc.f32 v7;
	v14 =	vmul.u32 $0x1FFFFB1E, v11;
	v13 =	vld [tilespmem:s21+$0x50];
	v8 =	vtrunc.f32 v8  }
0x10f: {  	v7 =	vcvt.f32.s32 v7;
	v4 =	vadd.s32 v4, v10;
	v10 =	vmul.f32 $7.999999800e-04, v12  }
0x110: {  	v6 =	vmul.f32 $7.999999800e-04, v6;
	v8 =	vcvt.f32.s32 v8;
	v12 =	vld [tilespmem:s21+$0x70];
	v4 =	vshll.u32 v4, $0x3  }
0x111: {  	v3 =	vadd.s32 v3, v14;
	v4 =	vadd.s32 v9, v4;
	v9 =	vtrunc.f32 v10  }
0x112: {  	v10 =	vmul.u32 $0x1FFFFB1E, v8;
	[tilespmem:s18+$0x10] =	vst v4;
	v9 =	vcvt.f32.s32 v9;
	v4 =	vmul.u32 $0x1FFFFB1E, v7  }
0x113: {  	v3 =	vshll.u32 v3, $0x3;
	v6 =	vtrunc.f32 v6;
	v14 =	vcvt.s32.f32 v13  }
0x114: {  	v3 =	vadd.s32 v11, v3;
	v5 =	vadd.s32 v5, v10;
	v1 =	vadd.s32 v1, v4  }
0x115: {  	v6 =	vcvt.f32.s32 v6;
	v11 =	vmul.u32 $0x1FFFFB1E, v9;
	v10 =	vmul.f32 $7.999999800e-04, v14;
	[tilespmem:s19+$0x60] =	vst v3;
	s19 =	smov.u32 s17;
	s17 =	smov.u32 s18;
	s18 =	smov.u32 s21  }
0x116: {  	v5 =	vshll.u32 v5, $0x3;
	v14 =	vcvt.s32.f32 v12;
	v1 =	vshll.u32 v1, $0x3;
	v4 =	vld [tilespmem:s18+$0x10]  }
0x117: {  	v2 =	vadd.s32 v2, v11;
	v11 =	vmul.u32 $0x1FFFFB1E, v6;
	v10 =	vtrunc.f32 v10;
	v3 =	vld [tilespmem:s19+$0x60]  }
0x118: {  	v1 =	vadd.s32 v7, v1;
	v14 =	vmul.f32 $7.999999800e-04, v14;
	v2 =	vshll.u32 v2, $0x3  }
0x119: {  	v5 =	vadd.s32 v8, v5;
	v7 =	vcvt.f32.s32 v10;
	v0 =	vadd.s32 v0, v11;
	[tilespmem:s19+$0x0] =	vst v1  }
0x11a: {  	v2 =	vadd.s32 v9, v2;
	v8 =	vtrunc.f32 v14;
	v0 =	vshll.u32 v0, $0x3;
	v1 =	vld [tilespmem:s17+$0x0];
	[tilespmem:s19+$0x40] =	vst v5  }
0x11b: {  	v10 =	vmul.u32 $0x1FFFFB1E, v7;
	v0 =	vadd.s32 v6, v0;
	v9 =	vcvt.s32.f32 v4;
	[tilespmem:s17+$0x20] =	vst v2;
	v5 =	vld [tilespmem:s17+$0x40]  }
.Ltmp5:
0x11c: {  	v6 =	vcvt.f32.s32 v8;
	[tilespmem:s19+$0x30] =	vst v0;
	v8 =	vcvt.s32.f32 v3;
	(pc) =	sbr.rel @p1 .LBB2_7-.Ltmp5, $4  }
0x11d: {  	v10 =	vadd.s32 v13, v10;
	v9 =	vmul.f32 $7.999999800e-04, v9;
	v0 =	vld [tilespmem:s17+$0x30]  }
0x11e: {  	v11 =	vmul.u32 $0x1FFFFB1E, v6;
	v10 =	vshll.u32 v10, $0x3;
	v2 =	vld [tilespmem:s18+$0x20];
	v13 =	vmul.f32 $7.999999800e-04, v8  }
0x11f: {  	v8 =	vadd.s32 v7, v10;
	v9 =	vtrunc.f32 v9;
	v7 =	vcvt.s32.f32 v1  }
0x120: {  	v10 =	vadd.s32 v12, v11;
	[tilespmem:s18+$0x50] =	vst v8;
	v8 =	vcvt.s32.f32 v5;
	v11 =	vtrunc.f32 v13  }
0x121: {  	v9 =	vcvt.f32.s32 v9  }
0x122: {  	v11 =	vcvt.f32.s32 v11  }
0x123: {  	v12 =	vmul.u32 $0x1FFFFB1E, v9  }
0x124: {  	v13 =	vmul.u32 $0x1FFFFB1E, v11  }
0x125: {  	v10 =	vshll.u32 v10, $0x3;
	v4 =	vadd.s32 v4, v12  }
0x126: {  	v6 =	vadd.s32 v6, v10;
	v3 =	vadd.s32 v3, v13;
	v4 =	vshll.u32 v4, $0x3  }
0x127: {  	[tilespmem:s18+$0x70] =	vst v6;
	v3 =	vshll.u32 v3, $0x3;
	v4 =	vadd.s32 v9, v4  }
0x128: {  	v3 =	vadd.s32 v11, v3;
	[tilespmem:s18+$0x10] =	vst v4  }
0x129: {  	v37 =	vcvt.s32.f32 v0;
	[tilespmem:s19+$0x60] =	vst v3  }
0x12a: {  	v35 =	vcvt.s32.f32 v2;
	v36 =	vld [tilespmem:s17+$0x60]  }
0x12b: {  	v34 =	vmul.f32 $7.999999800e-04, v8;
	v8 =	vmul.f32 $7.999999800e-04, v37  }
0x12c: {  	v33 =	vmul.f32 $7.999999800e-04, v7;
	v6 =	vmul.f32 $7.999999800e-04, v35  }
0x12d: {  	v8 =	vtrunc.f32 v8  }
0x12e: {  	v6 =	vtrunc.f32 v6;
	v4 =	vtrunc.f32 v33  }
0x12f: {  	v6 =	vcvt.f32.s32 v6;
	v40 =	vcvt.s32.f32 v36  }
0x130: {  	v3 =	vtrunc.f32 v34;
	v4 =	vcvt.f32.s32 v4  }
0x131: {  	v3 =	vcvt.f32.s32 v3;
	v41 =	vmul.f32 $7.999999800e-04, v40  }
0x132: {  	v8 =	vcvt.f32.s32 v8;
	v38 =	vmul.u32 $0x1FFFFB1E, v4  }
0x133: {  	v42 =	vmul.u32 $0x1FFFFB1E, v6;
	v39 =	vmul.u32 $0x1FFFFB1E, v3;
	v43 =	vtrunc.f32 v41  }
0x134: {  	v45 =	vmul.u32 $0x1FFFFB1E, v8;
	v1 =	vadd.s32 v1, v38;
	v46 =	vcvt.f32.s32 v43  }
0x135: {  	v44 =	vadd.s32 v2, v42;
	v5 =	vadd.s32 v5, v39;
	v1 =	vshll.u32 v1, $0x3  }
0x136: {  	v5 =	vshll.u32 v5, $0x3;
	v1 =	vadd.s32 v4, v1;
	v49 =	vmul.u32 $0x1FFFFB1E, v46  }
0x137: {  	v48 =	vadd.s32 v0, v45;
	v2 =	vshll.u32 v44, $0x3;
	[tilespmem:s17+$0x0] =	vst v1;
	v3 =	vadd.s32 v3, v5  }
0x138: {  	v0 =	vshll.u32 v48, $0x3;
	v2 =	vadd.s32 v6, v2;
	v47 =	vld [tilespmem:s18+$0x0];
	[tilespmem:s17+$0x40] =	vst v3;
	v3 =	vadd.s32 v36, v49  }
0x139: {  	v0 =	vadd.s32 v8, v0;
	[tilespmem:s18+$0x20] =	vst v2;
	v50 =	vld [tilespmem:s18+$0x40];
	v51 =	vshll.u32 v3, $0x3  }
0x13a: {  	[tilespmem:s17+$0x30] =	vst v0;
	v0 =	vadd.s32 v46, v51  }
0x13b: {  	v52 =	vld [tilespmem:s18+$0x30];
	[tilespmem:s17+$0x60] =	vst v0  }
0x13c: {  	v0 =	vld [tilespmem:s18+$0x60]  }
0x13d: {  	v53 =	vcvt.s32.f32 v47  }
0x13e: {  	v54 =	vcvt.s32.f32 v50  }
0x13f: {  	v1 =	vmul.f32 $7.999999800e-04, v53  }
0x140: {  	v5 =	vmul.f32 $7.999999800e-04, v54;
	v55 =	vcvt.s32.f32 v52  }
0x141: {  	v1 =	vtrunc.f32 v1;
	v56 =	vcvt.s32.f32 v0  }
0x142: {  	v5 =	vtrunc.f32 v5;
	v6 =	vmul.f32 $7.999999800e-04, v55  }
0x143: {  	v1 =	vcvt.f32.s32 v1;
	v7 =	vmul.f32 $7.999999800e-04, v56  }
0x144: {  	v5 =	vcvt.f32.s32 v5;
	v6 =	vtrunc.f32 v6  }
0x145: {  	v57 =	vmul.u32 $0x1FFFFB1E, v1;
	v6 =	vcvt.f32.s32 v6;
	v7 =	vtrunc.f32 v7  }
0x146: {  	v58 =	vmul.u32 $0x1FFFFB1E, v5;
	v7 =	vcvt.f32.s32 v7  }
0x147: {  	v4 =	vadd.s32 v47, v57;
	v59 =	vmul.u32 $0x1FFFFB1E, v6  }
0x148: {  	v2 =	vadd.s32 v50, v58;
	v4 =	vshll.u32 v4, $0x3;
	v60 =	vmul.u32 $0x1FFFFB1E, v7  }
.Ltmp6:
0x149: {  	v2 =	vshll.u32 v2, $0x3;
	v1 =	vadd.s32 v1, v4;
	v3 =	vadd.s32 v52, v59;
	(pc) =	sbr.rel @p0 .LBB2_10-.Ltmp6, $4  }
0x14a: {  	[tilespmem:s18+$0x0] =	vst v1;
	v61 =	vadd.s32 v5, v2;
	v62 =	vshll.u32 v3, $0x3;
	v0 =	vadd.s32 v0, v60  }
0x14b: {  	[tilespmem:s18+$0x40] =	vst v61;
	v63 =	vadd.s32 v6, v62;
	v0 =	vshll.u32 v0, $0x3  }
0x14c: {  	[tilespmem:s18+$0x30] =	vst v63;
	v0 =	vadd.s32 v7, v0  }
0x14d: {  	[tilespmem:s18+$0x60] =	vst v0  }
0x14e: {  	v0 =	vld [tilespmem:$0x2700]  }
0x14f: {  	v1 =	vld [tilespmem:$0x2710]  }
0x150: {  	v3 =	vld [tilespmem:$0x2720]  }
0x151: {  	v5 =	vld [tilespmem:$0x2730]  }
0x152: {  	v8 =	vld [tilespmem:$0x2740]  }
0x153: {  	v11 =	vld [tilespmem:$0x2760]  }
0x154: {  	v12 =	vld [tilespmem:$0x2770];
	_ =	sdelay $0x1  }
0x155: {  	v2 =	vcvt.s32.f32 v0  }
0x156: {  	v4 =	vcvt.s32.f32 v1;
	v6 =	vcvt.s32.f32 v3  }
0x157: {  	v9 =	vcvt.s32.f32 v5;
	v42 =	vcvt.s32.f32 v8  }
0x158: {  	v47 =	vcvt.s32.f32 v11;
	v13 =	vcvt.s32.f32 v12  }
0x159: {  	v2 =	vmul.f32 $7.999999800e-04, v2;
	v4 =	vmul.f32 $7.999999800e-04, v4  }
0x15a: {  	v41 =	vmul.f32 $7.999999800e-04, v9;
	v9 =	vmul.f32 $7.999999800e-04, v42  }
0x15b: {  	v10 =	vld [tilespmem:$0x2750];
	v6 =	vmul.f32 $7.999999800e-04, v6;
	v2 =	vtrunc.f32 v2  }
0x15c: {  	v4 =	vtrunc.f32 v4;
	v46 =	vtrunc.f32 v9  }
0x15d: {  	v9 =	vmul.f32 $7.999999800e-04, v47;
	v2 =	vcvt.f32.s32 v2  }
0x15e: {  	v6 =	vtrunc.f32 v6;
	v4 =	vcvt.f32.s32 v4  }
0x15f: {  	v6 =	vcvt.f32.s32 v6;
	v9 =	vtrunc.f32 v9;
	v7 =	vmul.u32 $0x1FFFFB1E, v2  }
0x160: {  	v45 =	vcvt.s32.f32 v10;
	v40 =	vmul.u32 $0x1FFFFB1E, v4;
	v9 =	vcvt.f32.s32 v9  }
0x161: {  	v49 =	vmul.f32 $7.999999800e-04, v13;
	v43 =	vmul.u32 $0x1FFFFB1E, v6;
	v0 =	vadd.s32 v0, v7  }
0x162: {  	v1 =	vadd.s32 v1, v40;
	v7 =	vtrunc.f32 v41;
	v54 =	vmul.u32 $0x1FFFFB1E, v9  }
0x163: {  	v0 =	vshll.u32 v0, $0x3;
	v1 =	vshll.u32 v1, $0x3;
	v44 =	vcvt.f32.s32 v7  }
0x164: {  	v7 =	vmul.f32 $7.999999800e-04, v45;
	v0 =	vadd.s32 v2, v0;
	v2 =	vadd.s32 v3, v43  }
0x165: {  	v1 =	vadd.s32 v4, v1;
	v3 =	vcvt.f32.s32 v46;
	v2 =	vshll.u32 v2, $0x3  }
0x166: {  	v14 =	vmul.u32 $0x1FFFFB1E, v44;
	v48 =	vtrunc.f32 v7;
	v7 =	vtrunc.f32 v49  }
0x167: {  	v2 =	vadd.s32 v6, v2;
	v6 =	vcvt.f32.s32 v48;
	v50 =	vmul.u32 $0x1FFFFB1E, v3  }
0x168: {  	v58 =	vadd.s32 v11, v54;
	[tilespmem:$0x2700] =	vst v0;
	v7 =	vcvt.f32.s32 v7;
	v5 =	vadd.s32 v5, v14  }
0x169: {  	[tilespmem:$0x2710] =	vst v1;
	v51 =	vshll.u32 v5, $0x3;
	v52 =	vmul.u32 $0x1FFFFB1E, v6;
	v53 =	vadd.s32 v8, v50  }
0x16a: {  	[tilespmem:$0x2720] =	vst v2;
	v56 =	vmul.u32 $0x1FFFFB1E, v7;
	v0 =	vadd.s32 v44, v51;
	v1 =	vshll.u32 v53, $0x3  }
0x16b: {  	v55 =	vadd.s32 v10, v52;
	[tilespmem:$0x2730] =	vst v0;
	v57 =	vadd.s32 v3, v1;
	v1 =	vshll.u32 v58, $0x3  }
0x16c: {  	v60 =	vadd.s32 v12, v56;
	v2 =	vshll.u32 v55, $0x3;
	[tilespmem:$0x2740] =	vst v57;
	v61 =	vadd.s32 v9, v1  }
0x16d: {  	v62 =	vshll.u32 v60, $0x3;
	v59 =	vadd.s32 v6, v2;
	[tilespmem:$0x2760] =	vst v61  }
0x16e: {  	v63 =	vadd.s32 v7, v62;
	[tilespmem:$0x2750] =	vst v59  }
0x16f: {  	[tilespmem:$0x2770] =	vst v63  }
0x170: {  	[hbm4b:s9+s2] =	stream.linear.scatter [tilespmem:s2], [sflag:$0x1], $0x2700, $0x38;
	[tilespmem:$0x2780] =	vst v63  }
0x171: {  	_ =	swait.ge [sflag:s14], $0x2700  }
0x172: {  	[sflag:s14] =	ssyncset.done $0x0  }
.Ltmp7:
0x173: {  	[sflag:s14] =	ssyncadd.s32 $0xFFFFD900;
	(pc) =	sbr.rel .LBB2_11-.Ltmp7, $4  }
0x174: {  	[hbm4b:s10+s2] =	stream.linear.scatter [tilespmem:s15], [sflag:$0x1], $0x80, $0x38;
	[tilespmem:$0x2780] =	vst v63  }
0x175: {  	_ =	swait.ge [sflag:s14], $0x80  }
0x176: {  	[sflag:s14] =	ssyncset.done $0x0  }
0x177: {  	[sflag:s14] =	ssyncadd.s32 $0xFFFFFF80  }
.LBB2_12:
0x178: {  	_ =	sfence.sel $0x180000  }
0x179: {  	[bflag:$0x0] =	sbarrier.arrive $0xFFFF  }
0x17a: {  	p0 =	sne.s32 s0, $0x0;
	_ =	strace $0x90000047  }
0x17b: {  	s0 =	sadd.s32 @!p0 $0x100000, s1;
	[bflag:$0x2] =	sbarrier.arrive $0xFFFF  }
0x17c: {  	[sflag:s0] =	ssyncadd.tile.s32 @!p0 $0x1;
	_ =	shalt  }
.Lfunc_end2:
_tile_overlayer_lowered:
.L_overlay_start_2:
0x17d: {  	(tag) =	ssettag $0x2  }
0x17e: {  	s0 =	rddreg [dreg:$0x0];
	s2 =	stileid.u32  }
0x17f: {  	s1 =	rddreg [dreg:$0x1];
	p0 =	sne.s32 s2, $0x0  }
0x180: {  	s3 =	rddreg [dreg:$0x2];
	[bflag:$0x3] =	sbarrier.arrive $0xFFFF;
	s2 =	simm.s32 @!p0 $0x1C01  }
0x181: {  	[timem:s3], [sflag:s2] =	dma.local @!p0 [hbm:s0], s1  }
0x182: {  	s0 =	simm.s32 @!p0 $0x1  }
0x183: {  	_ =	swait.ge @!p0 [sflag:s0], s1  }
0x184: {  	s1 =	ssub.s32 @!p0 $0x0, s1;
	[sflag:s0] =	ssyncset.done @!p0 $0x0  }
0x185: {  	[sflag:s0] =	ssyncadd.s32 @!p0 s1  }
0x186: {  	[bflag:$0x3] =	sbarrier.arrive $0xFFFF  }
0x187: {  	_ =	shalt  }

</sc_bundles>
